<compile_context>
chip_gen: v7x
topology: tpu7x:2x2x1
jax: 0.10.2.dev20260603
libtpu: 0.0.44.dev20260713+nightly
codegen_flags: <defaults>
</compile_context>

<pallas_src>
import functools

import jax
import jax.numpy as jnp
from jax import lax
from jax.experimental import pallas as pl
from jax.experimental.pallas import tpu as pltpu
from jax.experimental.pallas import tpu_sc as plsc

N = 10000
E = 320000
H = 8
HD = 16
ADW = 16
NC = 2
NS = 16
EPS = E // NS
C = 80
NCHUNK = EPS // C
BLK = 1000
NBLK = N // BLK
RPS = N // NS


def _head_selector(off):
    j = lax.broadcasted_iota(jnp.int32, (16, 128), 0)
    l = lax.broadcasted_iota(jnp.int32, (16, 128), 1)
    return jnp.where(l // HD == j - off, 1.0, 0.0).astype(jnp.float32)


def _head_selector_t(off):
    l = lax.broadcasted_iota(jnp.int32, (128, 16), 0)
    j = lax.broadcasted_iota(jnp.int32, (128, 16), 1)
    return jnp.where(j == l // HD + off, 1.0, 0.0).astype(jnp.float32)



def _k1_body(x_ref, p0w_ref, p1w_ref, pb_ref,
             as0_ref, ad0_ref, as1_ref, ad1_ref, kW_ref, kb_ref,
             h_ref, asad_ref, tsc_ref, acc_ref):
    t = pl.program_id(0)
    i = pl.program_id(1)
    xb = x_ref[...]
    xs = jnp.where(t == 0, xb[:, 0:64], xb[:, 64:128])
    Ws = jnp.where(t == 0, p0w_ref[...], p1w_ref[...])
    pb = jnp.where(t == 0, pb_ref[0:1, :], pb_ref[1:2, :])
    h = jnp.dot(xs, Ws, preferred_element_type=jnp.float32) + pb
    a_s = jnp.where(t == 0, as0_ref[...], as1_ref[...])
    a_d = jnp.where(t == 0, ad0_ref[...], ad1_ref[...])
    Es = _head_selector_t(0)
    Ed = _head_selector_t(H)
    asad = (jnp.dot(h * a_s, Es, preferred_element_type=jnp.float32)
            + jnp.dot(h * a_d, Ed, preferred_element_type=jnp.float32))
    h_ref[...] = h
    asad_ref[...] = asad

    fid = jnp.maximum(h, 0.0)
    part = jnp.sum(
        jnp.tanh(jnp.dot(fid, kW_ref[...],
                         preferred_element_type=jnp.float32) + kb_ref[...]),
        axis=0, keepdims=True)

    @pl.when(jnp.logical_and(t == 0, i == 0))
    def _init():
        acc_ref[...] = jnp.zeros_like(acc_ref)

    @pl.when(t == 0)
    def _a0():
        acc_ref[1:2, :] += part

    @pl.when(t == 1)
    def _a1():
        acc_ref[0:1, :] += part

    @pl.when(jnp.logical_and(t == 1, i == NBLK - 1))
    def _fin():
        tsc_ref[...] = acc_ref[...]


_k1_call = pl.pallas_call(
    _k1_body,
    grid=(2, NBLK),
    in_specs=[
        pl.BlockSpec((BLK, 128), lambda t, i: (i, 0)),
        pl.BlockSpec((64, 128), lambda t, i: (0, 0)),
        pl.BlockSpec((64, 128), lambda t, i: (0, 0)),
        pl.BlockSpec((2, 128), lambda t, i: (0, 0)),
        pl.BlockSpec((1, 128), lambda t, i: (0, 0)),
        pl.BlockSpec((1, 128), lambda t, i: (0, 0)),
        pl.BlockSpec((1, 128), lambda t, i: (0, 0)),
        pl.BlockSpec((1, 128), lambda t, i: (0, 0)),
        pl.BlockSpec((128, 128), lambda t, i: (0, 0)),
        pl.BlockSpec((1, 128), lambda t, i: (0, 0)),
    ],
    out_specs=[
        pl.BlockSpec((BLK, 128), lambda t, i: (t * NBLK + i, 0)),
        pl.BlockSpec((BLK, ADW), lambda t, i: (t * NBLK + i, 0)),
        pl.BlockSpec((2, 128), lambda t, i: (0, 0)),
    ],
    out_shape=[
        jax.ShapeDtypeStruct((2 * N, 128), jnp.float32),
        jax.ShapeDtypeStruct((2 * N, ADW), jnp.float32),
        jax.ShapeDtypeStruct((2, 128), jnp.float32),
    ],
    scratch_shapes=[pltpu.VMEM((2, 128), jnp.float32)],
)



_sc_mesh = plsc.VectorSubcoreMesh(core_axis_name="c", subcore_axis_name="s")

NBUF = 3
_BUF_SCRATCH = []
for _ in range(NBUF):
    _BUF_SCRATCH += [
        pltpu.VMEM((C,), jnp.int32),
        pltpu.VMEM((C,), jnp.int32),
        pltpu.VMEM((C,), jnp.int32),
        pltpu.VMEM((C,), jnp.int32),
        pltpu.VMEM((C,), jnp.int32),
        pltpu.VMEM((C, 128), jnp.float32),
        pltpu.VMEM((C, ADW), jnp.float32),
        pltpu.VMEM((C, ADW), jnp.float32),
        pltpu.SemaphoreType.DMA,
        pltpu.SemaphoreType.DMA,
        pltpu.SemaphoreType.DMA,
        pltpu.SemaphoreType.DMA,
        pltpu.SemaphoreType.DMA,
        pltpu.SemaphoreType.DMA,
    ]
_NB = 14


@functools.partial(
    pl.kernel,
    out_type=[
        jax.ShapeDtypeStruct((2 * N, 128), jnp.float32),
        jax.ShapeDtypeStruct((2 * N, ADW), jnp.float32),
    ],
    mesh=_sc_mesh,
    scratch_types=[
        pltpu.VMEM_SHARED((N, 128), jnp.float32),
        pltpu.VMEM_SHARED((N, ADW), jnp.float32),
    ] + _BUF_SCRATCH,
    compiler_params=pltpu.CompilerParams(use_tc_tiling_on_sc=False,
                                         needs_layout_passes=False),
)
def _sc_edges(ei_hbm, h_hbm, asad_hbm, msg_hbm, den_hbm,
              accm_sh, accd_sh, *bufs):
    c = lax.axis_index("c")
    s = lax.axis_index("s")
    cn = c * N
    row0 = s * RPS
    B = [bufs[i * _NB:(i + 1) * _NB] for i in range(NBUF)]

    def issue_idx(t, b):
        base = ebase + t * C
        pltpu.async_copy(ei_hbm.at[0, pl.ds(base, C)], B[b][0], B[b][8])
        pltpu.async_copy(ei_hbm.at[1, pl.ds(base, C)], B[b][1], B[b][8])

    def wait_idx(b):
        pltpu.make_async_copy(ei_hbm.at[0, pl.ds(0, C)], B[b][0],
                              B[b][8]).wait()
        pltpu.make_async_copy(ei_hbm.at[1, pl.ds(0, C)], B[b][1],
                              B[b][8]).wait()

    def adjust(b):
        src_v, dst_v, soff, doff, draw = B[b][:5]

        def adj(g, cr):
            sl = pl.ds(g * 16, 16)
            sv = src_v[sl]
            dv = dst_v[sl]
            soff[sl] = sv + cn
            doff[sl] = dv + cn
            draw[sl] = dv
            return cr

        lax.fori_loop(0, C // 16, adj, 0)

    def issue_gather(b):
        pltpu.async_copy(h_hbm.at[B[b][2]], B[b][5], B[b][9])
        pltpu.async_copy(asad_hbm.at[B[b][2]], B[b][6], B[b][10])
        pltpu.async_copy(asad_hbm.at[B[b][3]], B[b][7], B[b][11])

    def wait_gather(b):
        pltpu.make_async_copy(h_hbm.at[B[b][2]], B[b][5], B[b][9]).wait()
        pltpu.make_async_copy(asad_hbm.at[B[b][2]], B[b][6],
                              B[b][10]).wait()
        pltpu.make_async_copy(asad_hbm.at[B[b][3]], B[b][7],
                              B[b][11]).wait()

    def issue_scatter(b):
        pltpu.async_copy(B[b][5], accm_sh.at[B[b][4]], B[b][12], add=True)
        pltpu.async_copy(B[b][7], accd_sh.at[B[b][4]], B[b][13], add=True)

    def wait_scatter(b):
        pltpu.make_async_copy(B[b][5], accm_sh.at[B[b][4]], B[b][12]).wait()
        pltpu.make_async_copy(B[b][7], accd_sh.at[B[b][4]], B[b][13]).wait()

    def compute(b):
        rows, asv, adv = B[b][5], B[b][6], B[b][7]

        def exp_poly(z):
            y = z * 1.4426950408889634
            ni = y.astype(jnp.int32)
            nf = ni.astype(jnp.float32)
            n = ni - jnp.where(y < nf, 1, 0)
            fr = y - n.astype(jnp.float32)
            p = jnp.float32(0.0018943794234292928)
            for ck in (0.008940582529284601, 0.05587655686901505,
                       0.24013169187194985, 0.6931567766988557,
                       0.9999997696337073):
                p = p * fr + jnp.float32(ck)
            bits = (n + 127) << 23
            return p * lax.bitcast_convert_type(bits, jnp.float32)

        def wgroup(g, cr):
            eg = g * 16 + lax.iota(jnp.int32, 16)
            zs = []
            for k in range(H):
                as_k = plsc.load_gather(
                    asv, [eg, jnp.full((16,), k, jnp.int32)])
                ad_k = plsc.load_gather(
                    adv, [eg, jnp.full((16,), H + k, jnp.int32)])
                zs.append(as_k + ad_k)
            ws = [exp_poly(jnp.maximum(z, 0.2 * z)) for z in zs]
            for k in range(H):
                plsc.store_scatter(
                    adv, [eg, jnp.full((16,), k, jnp.int32)], ws[k])
            return cr

        lax.fori_loop(0, C // 16, wgroup, 0)

        def edge_body(e, cr):
            wv = adv[e, pl.ds(0, 16)]
            for k in range(H):
                sl = pl.ds(k * HD, HD)
                rows[e, sl] = rows[e, sl] * wv[k]
            return cr

        lax.fori_loop(0, C, edge_body, 0, unroll=2)

    rows0_v = B[0][5]

    def zero_row(e, cr):
        for k in range(128 // 16):
            rows0_v[e, pl.ds(k * 16, 16)] = jnp.zeros((16,), jnp.float32)
        return cr

    lax.fori_loop(0, C, zero_row, 0)

    nfull = RPS // C
    nrem = RPS - nfull * C

    def zcp(j, cr):
        pltpu.sync_copy(rows0_v, accm_sh.at[pl.ds(row0 + j * C, C)])
        return cr

    lax.fori_loop(0, nfull, zcp, 0)
    pltpu.sync_copy(rows0_v.at[pl.ds(0, nrem)],
                    accm_sh.at[pl.ds(row0 + nfull * C, nrem)])

    def zcpd(j, cr):
        pltpu.sync_copy(rows0_v.at[pl.ds(0, C), pl.ds(0, ADW)],
                        accd_sh.at[pl.ds(row0 + j * C, C)])
        return cr

    lax.fori_loop(0, nfull, zcpd, 0)
    pltpu.sync_copy(rows0_v.at[pl.ds(0, nrem), pl.ds(0, ADW)],
                    accd_sh.at[pl.ds(row0 + nfull * C, nrem)])
    plsc.subcore_barrier()

    ebase = s * EPS
    issue_idx(0, 0)
    wait_idx(0)
    adjust(0)
    issue_gather(0)
    issue_idx(1, 1)
    issue_idx(2, 2)

    NJ = NCHUNK // NBUF

    def loop_j(j, carry):
        t0 = j * NBUF
        for u in range(NBUF):
            t = t0 + u
            b = u
            bb = (u + 1) % NBUF
            wait_idx(bb)

            @pl.when(t >= 2)
            def _ws():
                wait_scatter(bb)

            adjust(bb)
            issue_gather(bb)

            @pl.when(t + 2 < NCHUNK)
            def _ii():
                issue_idx(t + 2, (u + 2) % NBUF)

            wait_gather(b)
            compute(b)
            issue_scatter(b)
        return carry

    lax.fori_loop(0, NJ, loop_j, 0)
    wait_gather(0)
    compute(0)
    issue_scatter(0)

    wait_scatter(1)
    wait_scatter(2)
    wait_scatter(0)
    plsc.subcore_barrier()

    pltpu.sync_copy(accm_sh.at[pl.ds(row0, RPS)],
                    msg_hbm.at[pl.ds(cn + row0, RPS)])
    pltpu.sync_copy(accd_sh.at[pl.ds(row0, RPS)],
                    den_hbm.at[pl.ds(cn + row0, RPS)])



def _k2_body(m0_ref, m1_ref, d0_ref, d1_ref, h0_ref, h1_ref, tsc_ref,
             kW_ref, kb_ref, q_ref, lW_ref, lb_ref, fW_ref, fb_ref,
             out_ref, score_ref):
    p = pl.program_id(0)
    i = pl.program_id(1)
    Eb = _head_selector(0)

    def norm(m_ref, d_ref):
        den128 = jnp.dot(d_ref[...], Eb, preferred_element_type=jnp.float32)
        return jnp.maximum(m_ref[...] / (den128 + 1e-16), 0.0)

    f00 = norm(m0_ref, d0_ref)
    f11 = norm(m1_ref, d1_ref)
    kW = kW_ref[...]
    kb = kb_ref[...]

    @pl.when(p == 0)
    def _phase0():
        @pl.when(i == 0)
        def _init():
            score_ref[...] = jnp.zeros_like(score_ref)

        p00 = jnp.sum(
            jnp.tanh(jnp.dot(f00, kW, preferred_element_type=jnp.float32)
                     + kb), axis=0, keepdims=True)
        p11 = jnp.sum(
            jnp.tanh(jnp.dot(f11, kW, preferred_element_type=jnp.float32)
                     + kb), axis=0, keepdims=True)
        score_ref[0:1, :] += p00
        score_ref[1:2, :] += p11

    @pl.when(p == 1)
    def _phase1():
        f01 = jnp.maximum(h0_ref[...], 0.0)
        f10 = jnp.maximum(h1_ref[...], 0.0)
        qv = q_ref[...] * (1.0 / N)
        s00 = jnp.sum(qv * score_ref[0:1, :])
        s11 = jnp.sum(qv * score_ref[1:2, :])
        s10 = jnp.sum(qv * tsc_ref[0:1, :])
        s01 = jnp.sum(qv * tsc_ref[1:2, :])
        e00 = jnp.exp(s00)
        e10 = jnp.exp(s10)
        e11 = jnp.exp(s11)
        e01 = jnp.exp(s01)
        w00 = e00 / (e00 + e10)
        w10 = 1.0 - w00
        w11 = e11 / (e11 + e01)
        w01 = 1.0 - w11
        lW = lW_ref[...]
        lb = lb_ref[...]
        agg0 = w00 * f00 + w10 * f10
        agg1 = w11 * f11 + w01 * f01
        o0 = jnp.dot(agg0, lW, preferred_element_type=jnp.float32) + lb
        o1 = jnp.dot(agg1, lW, preferred_element_type=jnp.float32) + lb
        ob = jnp.concatenate([o0, o1], axis=1)
        out_ref[...] = (jnp.dot(ob, fW_ref[...],
                                preferred_element_type=jnp.float32)
                        + fb_ref[...])


_k2_call = pl.pallas_call(
    _k2_body,
    grid=(2, NBLK),
    in_specs=[
        pl.BlockSpec((BLK, 128), lambda p, i: (i, 0)),
        pl.BlockSpec((BLK, 128), lambda p, i: (NBLK + i, 0)),
        pl.BlockSpec((BLK, ADW), lambda p, i: (i, 0)),
        pl.BlockSpec((BLK, ADW), lambda p, i: (NBLK + i, 0)),
        pl.BlockSpec((BLK, 128), lambda p, i: (i, 0)),
        pl.BlockSpec((BLK, 128), lambda p, i: (NBLK + i, 0)),
        pl.BlockSpec((2, 128), lambda p, i: (0, 0)),
        pl.BlockSpec((128, 128), lambda p, i: (0, 0)),
        pl.BlockSpec((1, 128), lambda p, i: (0, 0)),
        pl.BlockSpec((1, 128), lambda p, i: (0, 0)),
        pl.BlockSpec((128, 128), lambda p, i: (0, 0)),
        pl.BlockSpec((1, 128), lambda p, i: (0, 0)),
        pl.BlockSpec((256, 64), lambda p, i: (0, 0)),
        pl.BlockSpec((1, 64), lambda p, i: (0, 0)),
    ],
    out_specs=pl.BlockSpec((BLK, 64), lambda p, i: (i, 0)),
    out_shape=jax.ShapeDtypeStruct((N, 64), jnp.float32),
    scratch_shapes=[pltpu.VMEM((2, 128), jnp.float32)],
)


def kernel(x, edge_index, proj0_W, proj0_b, proj1_W, proj1_b,
           att_src_00, att_dst_00, att_src_11, att_dst_11,
           att_src_01, att_dst_01, att_src_10, att_dst_10,
           k_lin_W, k_lin_b, q, lin_W, lin_b, fc_W, fc_b):
    p1w = jnp.concatenate([proj1_W, jnp.zeros((1, 128), jnp.float32)], 0)
    pb = jnp.stack([proj0_b, proj1_b])
    h, asad, tsc = _k1_call(
        x, proj0_W, p1w, pb,
        att_src_00.reshape(1, 128), att_dst_00.reshape(1, 128),
        att_src_11.reshape(1, 128), att_dst_11.reshape(1, 128),
        k_lin_W, k_lin_b.reshape(1, 128))
    msg, den = _sc_edges(edge_index, h, asad)
    out = _k2_call(msg, msg, den, den, h, h, tsc,
                   k_lin_W, k_lin_b.reshape(1, 128), q.reshape(1, 128),
                   lin_W, lin_b.reshape(1, 128), fc_W, fc_b.reshape(1, 64))
    return out

# --- scband reference (transcript-rebuilt; emitter-appended) ---
"""Pipeline reference for scband-nsg-20323785244858 (READ-ONLY COPY).

The authoritative reference and input builder live on the scoring server;
editing this copy changes nothing except your own understanding.
"""

import jax, jax.numpy as jnp
import numpy as np

N_NODES = 10000
N_EDGES = 320000
D_FEAT = 128
HIDDEN = 128
HEADS = 8
HEAD_DIM = HIDDEN // HEADS
OUT_CH = 64


def _p(k, shape):
    return jax.random.normal(k, shape, dtype=jnp.float32) * 0.05


def setup_inputs(seed: int = 0) -> dict:
    key = jax.random.key(seed)
    ks = jax.random.split(key, 24)
    inp = {}
    inp["x"] = jax.random.normal(ks[0], (N_NODES, D_FEAT), dtype=jnp.float32)
    inp["edge_index"] = jax.random.randint(ks[1], (2, N_EDGES), 0, N_NODES, dtype=jnp.int32)
    # node-type projections: type0 gets x[:, 0:64] (64 dims), type1 gets x[:, 64:-1] (63 dims, faithful to torch slicing quirk)
    inp["proj0_W"] = _p(ks[2], (64, HIDDEN)); inp["proj0_b"] = jnp.zeros((HIDDEN,), jnp.float32)
    inp["proj1_W"] = _p(ks[3], (63, HIDDEN)); inp["proj1_b"] = jnp.zeros((HIDDEN,), jnp.float32)
    # per-edge-type GAT-style attention vectors (HANConv)
    inp["att_src_00"] = _p(ks[4], (1, HEADS, HEAD_DIM)); inp["att_dst_00"] = _p(ks[5], (1, HEADS, HEAD_DIM))
    inp["att_src_11"] = _p(ks[6], (1, HEADS, HEAD_DIM)); inp["att_dst_11"] = _p(ks[7], (1, HEADS, HEAD_DIM))
    inp["att_src_01"] = _p(ks[8], (1, HEADS, HEAD_DIM)); inp["att_dst_01"] = _p(ks[9], (1, HEADS, HEAD_DIM))
    inp["att_src_10"] = _p(ks[10], (1, HEADS, HEAD_DIM)); inp["att_dst_10"] = _p(ks[11], (1, HEADS, HEAD_DIM))
    # semantic attention (group) params
    inp["k_lin_W"] = _p(ks[12], (HIDDEN, HIDDEN)); inp["k_lin_b"] = jnp.zeros((HIDDEN,), jnp.float32)
    inp["q"] = _p(ks[13], (HIDDEN,))
    # HAN output linear (hidden -> hidden)
    inp["lin_W"] = _p(ks[14], (HIDDEN, HIDDEN)); inp["lin_b"] = jnp.zeros((HIDDEN,), jnp.float32)
    # NSG fc: LazyLinear on concat of 2 node types -> 2*HIDDEN in
    inp["fc_W"] = _p(ks[15], (2 * HIDDEN, OUT_CH)); inp["fc_b"] = jnp.zeros((OUT_CH,), jnp.float32)
    return inp


def _segment_softmax(a, idx, num_segments):
    a_max = jax.ops.segment_max(a, idx, num_segments=num_segments)
    a_max = jnp.where(jnp.isfinite(a_max), a_max, 0.0)
    e = jnp.exp(a - a_max[idx])
    denom = jax.ops.segment_sum(e, idx, num_segments=num_segments)
    return e / (denom[idx] + 1e-16)


def reference(x, edge_index, proj0_W, proj0_b, proj1_W, proj1_b,
              att_src_00, att_dst_00, att_src_11, att_dst_11,
              att_src_01, att_dst_01, att_src_10, att_dst_10,
              k_lin_W, k_lin_b, q, lin_W, lin_b, fc_W, fc_b):
    n = x.shape[0]
    # NSG feature split per node type (last type drops final column, faithful to torch code)
    x0 = x[:, 0:64]
    x1 = x[:, 64:-1]
    h = {
        "0": (x0 @ proj0_W + proj0_b).reshape(n, HEADS, HEAD_DIM),
        "1": (x1 @ proj1_W + proj1_b).reshape(n, HEADS, HEAD_DIM),
    }
    ar = jnp.arange(n, dtype=edge_index.dtype)
    id_ei = jnp.stack([ar, ar])
    edge_types = [
        ("0", "0", edge_index, att_src_00, att_dst_00),
        ("1", "1", edge_index, att_src_11, att_dst_11),
        ("0", "1", id_ei, att_src_01, att_dst_01),
        ("1", "0", id_ei, att_src_10, att_dst_10),
    ]
    out_lists = {"0": [], "1": []}
    for src, dst, ei, a_s, a_d in edge_types:
        xs, xd = h[src], h[dst]
        alpha_src = (xs * a_s).sum(-1)  # [n, H]
        alpha_dst = (xd * a_d).sum(-1)  # [n, H]
        e_alpha = alpha_src[ei[0]] + alpha_dst[ei[1]]  # gather [E, H]
        e_alpha = jax.nn.leaky_relu(e_alpha, 0.2)
        e_alpha = _segment_softmax(e_alpha, ei[1], n)
        msg = xs[ei[0]] * e_alpha[:, :, None]  # [E, H, D]
        agg = jax.ops.segment_sum(msg, ei[1], num_segments=n)  # scatter-add
        out_lists[dst].append(jax.nn.relu(agg.reshape(n, HEADS * HEAD_DIM)))
    outs = {}
    for nt in ("0", "1"):
        stk = jnp.stack(out_lists[nt])  # [K, n, C]
        score = (q * jnp.tanh(stk @ k_lin_W + k_lin_b).mean(axis=1)).sum(-1)  # [K]
        attn = jax.nn.softmax(score, axis=0)
        agg = (attn[:, None, None] * stk).sum(0)  # semantic-attention combine
        outs[nt] = agg @ lin_W + lin_b
    out = jnp.concatenate([outs["0"], outs["1"]], axis=1) @ fc_W + fc_b
    return out

if __name__ == "__main__":
    import jax
    _d = setup_inputs()
    print(jax.jit(kernel)(*tuple(_d.values())))

</pallas_src>

<mosaic_0001>
#map = affine_map<(d0, d1) -> (0, 0)>
module attributes {stable_mosaic.version = 14 : i64} {
  func.func @_sc_edges(%arg0: i32, %arg1: i32, %arg2: memref<2x320000xi32, #tpu.memory_space<hbm>>, %arg3: memref<20000x128xf32, #tpu.memory_space<hbm>>, %arg4: memref<20000x16xf32, #tpu.memory_space<hbm>>, %arg5: memref<20000x128xf32, #tpu.memory_space<hbm>>, %arg6: memref<20000x16xf32, #tpu.memory_space<hbm>>, %arg7: memref<10000x128xf32, #tpu.memory_space<vmem_shared>>, %arg8: memref<10000x16xf32, #tpu.memory_space<vmem_shared>>, %arg9: memref<80xi32, #tpu.memory_space<vmem>>, %arg10: memref<80xi32, #tpu.memory_space<vmem>>, %arg11: memref<80xi32, #tpu.memory_space<vmem>>, %arg12: memref<80xi32, #tpu.memory_space<vmem>>, %arg13: memref<80xi32, #tpu.memory_space<vmem>>, %arg14: memref<80x128xf32, #tpu.memory_space<vmem>>, %arg15: memref<80x16xf32, #tpu.memory_space<vmem>>, %arg16: memref<80x16xf32, #tpu.memory_space<vmem>>, %arg17: memref<!tpu.dma_semaphore, #tpu.memory_space<semaphore_mem>>, %arg18: memref<!tpu.dma_semaphore, #tpu.memory_space<semaphore_mem>>, %arg19: memref<!tpu.dma_semaphore, #tpu.memory_space<semaphore_mem>>, %arg20: memref<!tpu.dma_semaphore, #tpu.memory_space<semaphore_mem>>, %arg21: memref<!tpu.dma_semaphore, #tpu.memory_space<semaphore_mem>>, %arg22: memref<!tpu.dma_semaphore, #tpu.memory_space<semaphore_mem>>, %arg23: memref<80xi32, #tpu.memory_space<vmem>>, %arg24: memref<80xi32, #tpu.memory_space<vmem>>, %arg25: memref<80xi32, #tpu.memory_space<vmem>>, %arg26: memref<80xi32, #tpu.memory_space<vmem>>, %arg27: memref<80xi32, #tpu.memory_space<vmem>>, %arg28: memref<80x128xf32, #tpu.memory_space<vmem>>, %arg29: memref<80x16xf32, #tpu.memory_space<vmem>>, %arg30: memref<80x16xf32, #tpu.memory_space<vmem>>, %arg31: memref<!tpu.dma_semaphore, #tpu.memory_space<semaphore_mem>>, %arg32: memref<!tpu.dma_semaphore, #tpu.memory_space<semaphore_mem>>, %arg33: memref<!tpu.dma_semaphore, #tpu.memory_space<semaphore_mem>>, %arg34: memref<!tpu.dma_semaphore, #tpu.memory_space<semaphore_mem>>, %arg35: memref<!tpu.dma_semaphore, #tpu.memory_space<semaphore_mem>>, %arg36: memref<!tpu.dma_semaphore, #tpu.memory_space<semaphore_mem>>, %arg37: memref<80xi32, #tpu.memory_space<vmem>>, %arg38: memref<80xi32, #tpu.memory_space<vmem>>, %arg39: memref<80xi32, #tpu.memory_space<vmem>>, %arg40: memref<80xi32, #tpu.memory_space<vmem>>, %arg41: memref<80xi32, #tpu.memory_space<vmem>>, %arg42: memref<80x128xf32, #tpu.memory_space<vmem>>, %arg43: memref<80x16xf32, #tpu.memory_space<vmem>>, %arg44: memref<80x16xf32, #tpu.memory_space<vmem>>, %arg45: memref<!tpu.dma_semaphore, #tpu.memory_space<semaphore_mem>>, %arg46: memref<!tpu.dma_semaphore, #tpu.memory_space<semaphore_mem>>, %arg47: memref<!tpu.dma_semaphore, #tpu.memory_space<semaphore_mem>>, %arg48: memref<!tpu.dma_semaphore, #tpu.memory_space<semaphore_mem>>, %arg49: memref<!tpu.dma_semaphore, #tpu.memory_space<semaphore_mem>>, %arg50: memref<!tpu.dma_semaphore, #tpu.memory_space<semaphore_mem>>) attributes {dimension_semantics = [#tpu.dimension_semantics<core_parallel>, #tpu.dimension_semantics<subcore_parallel>], iteration_bounds = array<i64: 2, 16>, scalar_prefetch = 0 : i64, scratch_operands = 44 : i64, tpu.core_type = #tpu.core_type<sc_vector_subcore>, window_params = [{transform_indices = #map}, {transform_indices = #map}, {transform_indices = #map}, {transform_indices = #map}, {transform_indices = #map}]} {
    %mul3A = arith.constant 10000 : i32
    %mul3A_0 = arith.muli %arg0, %mul3A : i32
    %mul3A_1 = arith.constant 625 : i32
    %mul3A_2 = arith.muli %arg1, %mul3A_1 : i32
    %scan3A = arith.constant 0 : i32
    %scan3A_3 = arith.constant 0 : i32
    %scan3A_4 = arith.constant 80 : i32
    %scan3A_5 = arith.addi %scan3A_3, %scan3A_4 : i32
    %scan3A_6 = arith.constant 1 : i32
    scf.for %scan3A_142 = %scan3A_3 to %scan3A_5 step %scan3A_6  : i32 {
      %broadcast_in_dim3A = arith.constant 0.000000e+00 : f32
      %broadcast_in_dim3A_143 = vector.broadcast %broadcast_in_dim3A : f32 to vector<16xf32>
      %swap3A = arith.index_cast %scan3A_142 : i32 to index
      %swap3A_144 = arith.constant 0 : index
      %swap3A_145 = tpu.vector_load %arg14[%swap3A, %swap3A_144] {strides = array<i32>} : memref<80x128xf32, #tpu.memory_space<vmem>>, vector<16xf32>,
      tpu.vector_store %arg14[%swap3A, %swap3A_144], %broadcast_in_dim3A_143 {strides = array<i32>} : memref<80x128xf32, #tpu.memory_space<vmem>>, vector<16xf32>,
      %broadcast_in_dim3A_146 = arith.constant 0.000000e+00 : f32
      %broadcast_in_dim3A_147 = vector.broadcast %broadcast_in_dim3A_146 : f32 to vector<16xf32>
      %swap3A_148 = arith.index_cast %scan3A_142 : i32 to index
      %swap3A_149 = arith.constant 16 : index
      %swap3A_150 = tpu.vector_load %arg14[%swap3A_148, %swap3A_149] {strides = array<i32>} : memref<80x128xf32, #tpu.memory_space<vmem>>, vector<16xf32>,
      tpu.vector_store %arg14[%swap3A_148, %swap3A_149], %broadcast_in_dim3A_147 {strides = array<i32>} : memref<80x128xf32, #tpu.memory_space<vmem>>, vector<16xf32>,
      %broadcast_in_dim3A_151 = arith.constant 0.000000e+00 : f32
      %broadcast_in_dim3A_152 = vector.broadcast %broadcast_in_dim3A_151 : f32 to vector<16xf32>
      %swap3A_153 = arith.index_cast %scan3A_142 : i32 to index
      %swap3A_154 = arith.constant 32 : index
      %swap3A_155 = tpu.vector_load %arg14[%swap3A_153, %swap3A_154] {strides = array<i32>} : memref<80x128xf32, #tpu.memory_space<vmem>>, vector<16xf32>,
      tpu.vector_store %arg14[%swap3A_153, %swap3A_154], %broadcast_in_dim3A_152 {strides = array<i32>} : memref<80x128xf32, #tpu.memory_space<vmem>>, vector<16xf32>,
      %broadcast_in_dim3A_156 = arith.constant 0.000000e+00 : f32
      %broadcast_in_dim3A_157 = vector.broadcast %broadcast_in_dim3A_156 : f32 to vector<16xf32>
      %swap3A_158 = arith.index_cast %scan3A_142 : i32 to index
      %swap3A_159 = arith.constant 48 : index
      %swap3A_160 = tpu.vector_load %arg14[%swap3A_158, %swap3A_159] {strides = array<i32>} : memref<80x128xf32, #tpu.memory_space<vmem>>, vector<16xf32>,
      tpu.vector_store %arg14[%swap3A_158, %swap3A_159], %broadcast_in_dim3A_157 {strides = array<i32>} : memref<80x128xf32, #tpu.memory_space<vmem>>, vector<16xf32>,
      %broadcast_in_dim3A_161 = arith.constant 0.000000e+00 : f32
      %broadcast_in_dim3A_162 = vector.broadcast %broadcast_in_dim3A_161 : f32 to vector<16xf32>
      %swap3A_163 = arith.index_cast %scan3A_142 : i32 to index
      %swap3A_164 = arith.constant 64 : index
      %swap3A_165 = tpu.vector_load %arg14[%swap3A_163, %swap3A_164] {strides = array<i32>} : memref<80x128xf32, #tpu.memory_space<vmem>>, vector<16xf32>,
      tpu.vector_store %arg14[%swap3A_163, %swap3A_164], %broadcast_in_dim3A_162 {strides = array<i32>} : memref<80x128xf32, #tpu.memory_space<vmem>>, vector<16xf32>,
      %broadcast_in_dim3A_166 = arith.constant 0.000000e+00 : f32
      %broadcast_in_dim3A_167 = vector.broadcast %broadcast_in_dim3A_166 : f32 to vector<16xf32>
      %swap3A_168 = arith.index_cast %scan3A_142 : i32 to index
      %swap3A_169 = arith.constant 80 : index
      %swap3A_170 = tpu.vector_load %arg14[%swap3A_168, %swap3A_169] {strides = array<i32>} : memref<80x128xf32, #tpu.memory_space<vmem>>, vector<16xf32>,
      tpu.vector_store %arg14[%swap3A_168, %swap3A_169], %broadcast_in_dim3A_167 {strides = array<i32>} : memref<80x128xf32, #tpu.memory_space<vmem>>, vector<16xf32>,
      %broadcast_in_dim3A_171 = arith.constant 0.000000e+00 : f32
      %broadcast_in_dim3A_172 = vector.broadcast %broadcast_in_dim3A_171 : f32 to vector<16xf32>
      %swap3A_173 = arith.index_cast %scan3A_142 : i32 to index
      %swap3A_174 = arith.constant 96 : index
      %swap3A_175 = tpu.vector_load %arg14[%swap3A_173, %swap3A_174] {strides = array<i32>} : memref<80x128xf32, #tpu.memory_space<vmem>>, vector<16xf32>,
      tpu.vector_store %arg14[%swap3A_173, %swap3A_174], %broadcast_in_dim3A_172 {strides = array<i32>} : memref<80x128xf32, #tpu.memory_space<vmem>>, vector<16xf32>,
      %broadcast_in_dim3A_176 = arith.constant 0.000000e+00 : f32
      %broadcast_in_dim3A_177 = vector.broadcast %broadcast_in_dim3A_176 : f32 to vector<16xf32>
      %swap3A_178 = arith.index_cast %scan3A_142 : i32 to index
      %swap3A_179 = arith.constant 112 : index
      %swap3A_180 = tpu.vector_load %arg14[%swap3A_178, %swap3A_179] {strides = array<i32>} : memref<80x128xf32, #tpu.memory_space<vmem>>, vector<16xf32>,
      tpu.vector_store %arg14[%swap3A_178, %swap3A_179], %broadcast_in_dim3A_177 {strides = array<i32>} : memref<80x128xf32, #tpu.memory_space<vmem>>, vector<16xf32>,
    }
    %scan3A_7 = arith.constant 80 : i32
    %scan3A_8 = arith.constant 0 : i32
    %scan3A_9 = arith.constant 0 : i32
    %scan3A_10 = arith.constant 7 : i32
    %scan3A_11 = arith.addi %scan3A_9, %scan3A_10 : i32
    %scan3A_12 = arith.constant 1 : i32
    scf.for %scan3A_142 = %scan3A_9 to %scan3A_11 step %scan3A_12  : i32 {
      %mul3A_143 = arith.constant 80 : i32
      %mul3A_144 = arith.muli %scan3A_142, %mul3A_143 : i32
      %add3A_145 = arith.addi %mul3A_2, %mul3A_144 : i32
      "tpu.region"() ({
        %run_scoped3A = tpu.sem_alloc : memref<!tpu.dma_semaphore, #tpu.memory_space<semaphore_mem>>
        %dma_start3A_146 = arith.constant 0 : i32
        %dma_start3A_147 = tpu.memref_slice %arg7[%add3A_145, %dma_start3A_146] : memref<10000x128xf32, #tpu.memory_space<vmem_shared>> -> memref<80x128xf32, #tpu.memory_space<vmem_shared>>
        %dma_start3A_148 = arith.constant 0 : i32
        %dma_start3A_149 = tpu.memref_slice %arg7[%add3A_145, %dma_start3A_148] : memref<10000x128xf32, #tpu.memory_space<vmem_shared>> -> memref<80x128xf32, #tpu.memory_space<vmem_shared>>
        tpu.enqueue_dma source(%arg14 : memref<80x128xf32, #tpu.memory_space<vmem>>) target(%dma_start3A_149 : memref<80x128xf32, #tpu.memory_space<vmem_shared>>) target_semaphore(%run_scoped3A : memref<!tpu.dma_semaphore, #tpu.memory_space<semaphore_mem>>)
        %dma_wait3A_150 = arith.constant 0 : i32
        %dma_wait3A_151 = tpu.memref_slice %arg7[%add3A_145, %dma_wait3A_150] : memref<10000x128xf32, #tpu.memory_space<vmem_shared>> -> memref<80x128xf32, #tpu.memory_space<vmem_shared>>
        %dma_wait3A_152 = arith.constant 0 : i32
        %dma_wait3A_153 = tpu.memref_slice %arg7[%add3A_145, %dma_wait3A_152] : memref<10000x128xf32, #tpu.memory_space<vmem_shared>> -> memref<80x128xf32, #tpu.memory_space<vmem_shared>>
        tpu.wait_dma2 semaphore(%run_scoped3A : memref<!tpu.dma_semaphore, #tpu.memory_space<semaphore_mem>>) src(%arg14 : memref<80x128xf32, #tpu.memory_space<vmem>>) dst(%dma_wait3A_153 : memref<80x128xf32, #tpu.memory_space<vmem_shared>>)
        tpu.yield
      }) : () -> ()
    }
    %scan3A_13 = arith.constant 7 : i32
    %add3A = arith.constant 560 : i32
    %add3A_14 = arith.addi %mul3A_2, %add3A : i32
    "tpu.region"() ({
      %run_scoped3A = tpu.sem_alloc : memref<!tpu.dma_semaphore, #tpu.memory_space<semaphore_mem>>
      %dma_start3A_142 = arith.constant 0 : i32
      %dma_start3A_143 = arith.constant 0 : i32
      %dma_start3A_144 = tpu.memref_slice %arg14[%dma_start3A_142, %dma_start3A_143] : memref<80x128xf32, #tpu.memory_space<vmem>> -> memref<65x128xf32, #tpu.memory_space<vmem>>
      %dma_start3A_145 = arith.constant 0 : i32
      %dma_start3A_146 = tpu.memref_slice %arg7[%add3A_14, %dma_start3A_145] : memref<10000x128xf32, #tpu.memory_space<vmem_shared>> -> memref<65x128xf32, #tpu.memory_space<vmem_shared>>
      %dma_start3A_147 = arith.constant 0 : i32
      %dma_start3A_148 = tpu.memref_slice %arg7[%add3A_14, %dma_start3A_147] : memref<10000x128xf32, #tpu.memory_space<vmem_shared>> -> memref<65x128xf32, #tpu.memory_space<vmem_shared>>
      %dma_start3A_149 = arith.constant 0 : i32
      %dma_start3A_150 = arith.constant 0 : i32
      %dma_start3A_151 = tpu.memref_slice %arg14[%dma_start3A_149, %dma_start3A_150] : memref<80x128xf32, #tpu.memory_space<vmem>> -> memref<65x128xf32, #tpu.memory_space<vmem>>
      tpu.enqueue_dma source(%dma_start3A_151 : memref<65x128xf32, #tpu.memory_space<vmem>>) target(%dma_start3A_148 : memref<65x128xf32, #tpu.memory_space<vmem_shared>>) target_semaphore(%run_scoped3A : memref<!tpu.dma_semaphore, #tpu.memory_space<semaphore_mem>>)
      %dma_wait3A_152 = arith.constant 0 : i32
      %dma_wait3A_153 = arith.constant 0 : i32
      %dma_wait3A_154 = tpu.memref_slice %arg14[%dma_wait3A_152, %dma_wait3A_153] : memref<80x128xf32, #tpu.memory_space<vmem>> -> memref<65x128xf32, #tpu.memory_space<vmem>>
      %dma_wait3A_155 = arith.constant 0 : i32
      %dma_wait3A_156 = tpu.memref_slice %arg7[%add3A_14, %dma_wait3A_155] : memref<10000x128xf32, #tpu.memory_space<vmem_shared>> -> memref<65x128xf32, #tpu.memory_space<vmem_shared>>
      %dma_wait3A_157 = arith.constant 0 : i32
      %dma_wait3A_158 = tpu.memref_slice %arg7[%add3A_14, %dma_wait3A_157] : memref<10000x128xf32, #tpu.memory_space<vmem_shared>> -> memref<65x128xf32, #tpu.memory_space<vmem_shared>>
      %dma_wait3A_159 = arith.constant 0 : i32
      %dma_wait3A_160 = arith.constant 0 : i32
      %dma_wait3A_161 = tpu.memref_slice %arg14[%dma_wait3A_159, %dma_wait3A_160] : memref<80x128xf32, #tpu.memory_space<vmem>> -> memref<65x128xf32, #tpu.memory_space<vmem>>
      tpu.wait_dma2 semaphore(%run_scoped3A : memref<!tpu.dma_semaphore, #tpu.memory_space<semaphore_mem>>) src(%dma_wait3A_161 : memref<65x128xf32, #tpu.memory_space<vmem>>) dst(%dma_wait3A_158 : memref<65x128xf32, #tpu.memory_space<vmem_shared>>)
      tpu.yield
    }) : () -> ()
    %scan3A_15 = arith.constant 0 : i32
    %scan3A_16 = arith.constant 0 : i32
    %scan3A_17 = arith.constant 7 : i32
    %scan3A_18 = arith.addi %scan3A_16, %scan3A_17 : i32
    %scan3A_19 = arith.constant 1 : i32
    scf.for %scan3A_142 = %scan3A_16 to %scan3A_18 step %scan3A_19  : i32 {
      %mul3A_143 = arith.constant 80 : i32
      %mul3A_144 = arith.muli %scan3A_142, %mul3A_143 : i32
      %add3A_145 = arith.addi %mul3A_2, %mul3A_144 : i32
      "tpu.region"() ({
        %run_scoped3A = tpu.sem_alloc : memref<!tpu.dma_semaphore, #tpu.memory_space<semaphore_mem>>
        %dma_start3A_146 = arith.constant 0 : i32
        %dma_start3A_147 = arith.constant 0 : i32
        %dma_start3A_148 = tpu.memref_slice %arg14[%dma_start3A_146, %dma_start3A_147] : memref<80x128xf32, #tpu.memory_space<vmem>> -> memref<80x16xf32, #tpu.memory_space<vmem>>
        %dma_start3A_149 = arith.constant 0 : i32
        %dma_start3A_150 = tpu.memref_slice %arg8[%add3A_145, %dma_start3A_149] : memref<10000x16xf32, #tpu.memory_space<vmem_shared>> -> memref<80x16xf32, #tpu.memory_space<vmem_shared>>
        %dma_start3A_151 = arith.constant 0 : i32
        %dma_start3A_152 = tpu.memref_slice %arg8[%add3A_145, %dma_start3A_151] : memref<10000x16xf32, #tpu.memory_space<vmem_shared>> -> memref<80x16xf32, #tpu.memory_space<vmem_shared>>
        %dma_start3A_153 = arith.constant 0 : i32
        %dma_start3A_154 = arith.constant 0 : i32
        %dma_start3A_155 = tpu.memref_slice %arg14[%dma_start3A_153, %dma_start3A_154] : memref<80x128xf32, #tpu.memory_space<vmem>> -> memref<80x16xf32, #tpu.memory_space<vmem>>
        tpu.enqueue_dma source(%dma_start3A_155 : memref<80x16xf32, #tpu.memory_space<vmem>>) target(%dma_start3A_152 : memref<80x16xf32, #tpu.memory_space<vmem_shared>>) target_semaphore(%run_scoped3A : memref<!tpu.dma_semaphore, #tpu.memory_space<semaphore_mem>>)
        %dma_wait3A_156 = arith.constant 0 : i32
        %dma_wait3A_157 = arith.constant 0 : i32
        %dma_wait3A_158 = tpu.memref_slice %arg14[%dma_wait3A_156, %dma_wait3A_157] : memref<80x128xf32, #tpu.memory_space<vmem>> -> memref<80x16xf32, #tpu.memory_space<vmem>>
        %dma_wait3A_159 = arith.constant 0 : i32
        %dma_wait3A_160 = tpu.memref_slice %arg8[%add3A_145, %dma_wait3A_159] : memref<10000x16xf32, #tpu.memory_space<vmem_shared>> -> memref<80x16xf32, #tpu.memory_space<vmem_shared>>
        %dma_wait3A_161 = arith.constant 0 : i32
        %dma_wait3A_162 = tpu.memref_slice %arg8[%add3A_145, %dma_wait3A_161] : memref<10000x16xf32, #tpu.memory_space<vmem_shared>> -> memref<80x16xf32, #tpu.memory_space<vmem_shared>>
        %dma_wait3A_163 = arith.constant 0 : i32
        %dma_wait3A_164 = arith.constant 0 : i32
        %dma_wait3A_165 = tpu.memref_slice %arg14[%dma_wait3A_163, %dma_wait3A_164] : memref<80x128xf32, #tpu.memory_space<vmem>> -> memref<80x16xf32, #tpu.memory_space<vmem>>
        tpu.wait_dma2 semaphore(%run_scoped3A : memref<!tpu.dma_semaphore, #tpu.memory_space<semaphore_mem>>) src(%dma_wait3A_165 : memref<80x16xf32, #tpu.memory_space<vmem>>) dst(%dma_wait3A_162 : memref<80x16xf32, #tpu.memory_space<vmem_shared>>)
        tpu.yield
      }) : () -> ()
    }
    %scan3A_20 = arith.constant 7 : i32
    %add3A_21 = arith.constant 560 : i32
    %add3A_22 = arith.addi %mul3A_2, %add3A_21 : i32
    "tpu.region"() ({
      %run_scoped3A = tpu.sem_alloc : memref<!tpu.dma_semaphore, #tpu.memory_space<semaphore_mem>>
      %dma_start3A_142 = arith.constant 0 : i32
      %dma_start3A_143 = arith.constant 0 : i32
      %dma_start3A_144 = tpu.memref_slice %arg14[%dma_start3A_142, %dma_start3A_143] : memref<80x128xf32, #tpu.memory_space<vmem>> -> memref<65x16xf32, #tpu.memory_space<vmem>>
      %dma_start3A_145 = arith.constant 0 : i32
      %dma_start3A_146 = tpu.memref_slice %arg8[%add3A_22, %dma_start3A_145] : memref<10000x16xf32, #tpu.memory_space<vmem_shared>> -> memref<65x16xf32, #tpu.memory_space<vmem_shared>>
      %dma_start3A_147 = arith.constant 0 : i32
      %dma_start3A_148 = tpu.memref_slice %arg8[%add3A_22, %dma_start3A_147] : memref<10000x16xf32, #tpu.memory_space<vmem_shared>> -> memref<65x16xf32, #tpu.memory_space<vmem_shared>>
      %dma_start3A_149 = arith.constant 0 : i32
      %dma_start3A_150 = arith.constant 0 : i32
      %dma_start3A_151 = tpu.memref_slice %arg14[%dma_start3A_149, %dma_start3A_150] : memref<80x128xf32, #tpu.memory_space<vmem>> -> memref<65x16xf32, #tpu.memory_space<vmem>>
      tpu.enqueue_dma source(%dma_start3A_151 : memref<65x16xf32, #tpu.memory_space<vmem>>) target(%dma_start3A_148 : memref<65x16xf32, #tpu.memory_space<vmem_shared>>) target_semaphore(%run_scoped3A : memref<!tpu.dma_semaphore, #tpu.memory_space<semaphore_mem>>)
      %dma_wait3A_152 = arith.constant 0 : i32
      %dma_wait3A_153 = arith.constant 0 : i32
      %dma_wait3A_154 = tpu.memref_slice %arg14[%dma_wait3A_152, %dma_wait3A_153] : memref<80x128xf32, #tpu.memory_space<vmem>> -> memref<65x16xf32, #tpu.memory_space<vmem>>
      %dma_wait3A_155 = arith.constant 0 : i32
      %dma_wait3A_156 = tpu.memref_slice %arg8[%add3A_22, %dma_wait3A_155] : memref<10000x16xf32, #tpu.memory_space<vmem_shared>> -> memref<65x16xf32, #tpu.memory_space<vmem_shared>>
      %dma_wait3A_157 = arith.constant 0 : i32
      %dma_wait3A_158 = tpu.memref_slice %arg8[%add3A_22, %dma_wait3A_157] : memref<10000x16xf32, #tpu.memory_space<vmem_shared>> -> memref<65x16xf32, #tpu.memory_space<vmem_shared>>
      %dma_wait3A_159 = arith.constant 0 : i32
      %dma_wait3A_160 = arith.constant 0 : i32
      %dma_wait3A_161 = tpu.memref_slice %arg14[%dma_wait3A_159, %dma_wait3A_160] : memref<80x128xf32, #tpu.memory_space<vmem>> -> memref<65x16xf32, #tpu.memory_space<vmem>>
      tpu.wait_dma2 semaphore(%run_scoped3A : memref<!tpu.dma_semaphore, #tpu.memory_space<semaphore_mem>>) src(%dma_wait3A_161 : memref<65x16xf32, #tpu.memory_space<vmem>>) dst(%dma_wait3A_158 : memref<65x16xf32, #tpu.memory_space<vmem_shared>>)
      tpu.yield
    }) : () -> ()
    %barrier3A = arith.constant 0 : index
    tpu.barrier barrier_id(%barrier3A)
    %mul3A_23 = arith.constant 20000 : i32
    %mul3A_24 = arith.muli %arg1, %mul3A_23 : i32
    %add3A_25 = arith.constant 0 : i32
    %add3A_26 = arith.addi %mul3A_24, %add3A_25 : i32
    %dma_start3A = arith.constant 0 : i32
    %dma_start3A_27 = tpu.memref_slice %arg2[%dma_start3A, %add3A_26] : memref<2x320000xi32, #tpu.memory_space<hbm>> -> memref<1x80xi32, #tpu.memory_space<hbm>>
    %dma_start3A_28 = tpu.memref_squeeze %dma_start3A_27 : memref<1x80xi32, #tpu.memory_space<hbm>> -> memref<80xi32, #tpu.memory_space<hbm>>
    %dma_start3A_29 = tpu.memref_slice %arg2[%dma_start3A, %add3A_26] : memref<2x320000xi32, #tpu.memory_space<hbm>> -> memref<1x80xi32, #tpu.memory_space<hbm>>
    %dma_start3A_30 = tpu.memref_squeeze %dma_start3A_29 : memref<1x80xi32, #tpu.memory_space<hbm>> -> memref<80xi32, #tpu.memory_space<hbm>>
    tpu.enqueue_dma source(%dma_start3A_30 : memref<80xi32, #tpu.memory_space<hbm>>) target(%arg9 : memref<80xi32, #tpu.memory_space<vmem>>) target_semaphore(%arg17 : memref<!tpu.dma_semaphore, #tpu.memory_space<semaphore_mem>>)
    %dma_start3A_31 = arith.constant 1 : i32
    %dma_start3A_32 = tpu.memref_slice %arg2[%dma_start3A_31, %add3A_26] : memref<2x320000xi32, #tpu.memory_space<hbm>> -> memref<1x80xi32, #tpu.memory_space<hbm>>
    %dma_start3A_33 = tpu.memref_squeeze %dma_start3A_32 : memref<1x80xi32, #tpu.memory_space<hbm>> -> memref<80xi32, #tpu.memory_space<hbm>>
    %dma_start3A_34 = tpu.memref_slice %arg2[%dma_start3A_31, %add3A_26] : memref<2x320000xi32, #tpu.memory_space<hbm>> -> memref<1x80xi32, #tpu.memory_space<hbm>>
    %dma_start3A_35 = tpu.memref_squeeze %dma_start3A_34 : memref<1x80xi32, #tpu.memory_space<hbm>> -> memref<80xi32, #tpu.memory_space<hbm>>
    tpu.enqueue_dma source(%dma_start3A_35 : memref<80xi32, #tpu.memory_space<hbm>>) target(%arg10 : memref<80xi32, #tpu.memory_space<vmem>>) target_semaphore(%arg17 : memref<!tpu.dma_semaphore, #tpu.memory_space<semaphore_mem>>)
    %dma_wait3A = arith.constant 0 : i32
    %dma_wait3A_36 = arith.constant 0 : i32
    %dma_wait3A_37 = tpu.memref_slice %arg2[%dma_wait3A, %dma_wait3A_36] : memref<2x320000xi32, #tpu.memory_space<hbm>> -> memref<1x80xi32, #tpu.memory_space<hbm>>
    %dma_wait3A_38 = tpu.memref_squeeze %dma_wait3A_37 : memref<1x80xi32, #tpu.memory_space<hbm>> -> memref<80xi32, #tpu.memory_space<hbm>>
    %dma_wait3A_39 = arith.constant 0 : i32
    %dma_wait3A_40 = tpu.memref_slice %arg2[%dma_wait3A, %dma_wait3A_39] : memref<2x320000xi32, #tpu.memory_space<hbm>> -> memref<1x80xi32, #tpu.memory_space<hbm>>
    %dma_wait3A_41 = tpu.memref_squeeze %dma_wait3A_40 : memref<1x80xi32, #tpu.memory_space<hbm>> -> memref<80xi32, #tpu.memory_space<hbm>>
    tpu.wait_dma2 semaphore(%arg17 : memref<!tpu.dma_semaphore, #tpu.memory_space<semaphore_mem>>) src(%dma_wait3A_41 : memref<80xi32, #tpu.memory_space<hbm>>) dst(%arg9 : memref<80xi32, #tpu.memory_space<vmem>>)
    %dma_wait3A_42 = arith.constant 1 : i32
    %dma_wait3A_43 = arith.constant 0 : i32
    %dma_wait3A_44 = tpu.memref_slice %arg2[%dma_wait3A_42, %dma_wait3A_43] : memref<2x320000xi32, #tpu.memory_space<hbm>> -> memref<1x80xi32, #tpu.memory_space<hbm>>
    %dma_wait3A_45 = tpu.memref_squeeze %dma_wait3A_44 : memref<1x80xi32, #tpu.memory_space<hbm>> -> memref<80xi32, #tpu.memory_space<hbm>>
    %dma_wait3A_46 = arith.constant 0 : i32
    %dma_wait3A_47 = tpu.memref_slice %arg2[%dma_wait3A_42, %dma_wait3A_46] : memref<2x320000xi32, #tpu.memory_space<hbm>> -> memref<1x80xi32, #tpu.memory_space<hbm>>
    %dma_wait3A_48 = tpu.memref_squeeze %dma_wait3A_47 : memref<1x80xi32, #tpu.memory_space<hbm>> -> memref<80xi32, #tpu.memory_space<hbm>>
    tpu.wait_dma2 semaphore(%arg17 : memref<!tpu.dma_semaphore, #tpu.memory_space<semaphore_mem>>) src(%dma_wait3A_48 : memref<80xi32, #tpu.memory_space<hbm>>) dst(%arg10 : memref<80xi32, #tpu.memory_space<vmem>>)
    %scan3A_49 = arith.constant 0 : i32
    %scan3A_50 = arith.constant 0 : i32
    %scan3A_51 = arith.constant 5 : i32
    %scan3A_52 = arith.addi %scan3A_50, %scan3A_51 : i32
    %scan3A_53 = arith.constant 1 : i32
    scf.for %scan3A_142 = %scan3A_50 to %scan3A_52 step %scan3A_53  : i32 {
      %mul3A_143 = arith.constant 16 : i32
      %mul3A_144 = arith.muli %scan3A_142, %mul3A_143 : i32
      %get3A = arith.index_cast %mul3A_144 : i32 to index
      %get3A_145 = tpu.vector_load %arg9[%get3A] {strides = array<i32>} : memref<80xi32, #tpu.memory_space<vmem>>, vector<16xi32>,
      %get3A_146 = arith.index_cast %mul3A_144 : i32 to index
      %get3A_147 = tpu.vector_load %arg10[%get3A_146] {strides = array<i32>} : memref<80xi32, #tpu.memory_space<vmem>>, vector<16xi32>,
      %add3A_148 = vector.broadcast %mul3A_0 : i32 to vector<16xi32>
      %add3A_149 = arith.addi %get3A_145, %add3A_148 : vector<16xi32>
      %swap3A = arith.index_cast %mul3A_144 : i32 to index
      %swap3A_150 = tpu.vector_load %arg11[%swap3A] {strides = array<i32>} : memref<80xi32, #tpu.memory_space<vmem>>, vector<16xi32>,
      tpu.vector_store %arg11[%swap3A], %add3A_149 {strides = array<i32>} : memref<80xi32, #tpu.memory_space<vmem>>, vector<16xi32>,
      %add3A_151 = vector.broadcast %mul3A_0 : i32 to vector<16xi32>
      %add3A_152 = arith.addi %get3A_147, %add3A_151 : vector<16xi32>
      %swap3A_153 = arith.index_cast %mul3A_144 : i32 to index
      %swap3A_154 = tpu.vector_load %arg12[%swap3A_153] {strides = array<i32>} : memref<80xi32, #tpu.memory_space<vmem>>, vector<16xi32>,
      tpu.vector_store %arg12[%swap3A_153], %add3A_152 {strides = array<i32>} : memref<80xi32, #tpu.memory_space<vmem>>, vector<16xi32>,
      %swap3A_155 = arith.index_cast %mul3A_144 : i32 to index
      %swap3A_156 = tpu.vector_load %arg13[%swap3A_155] {strides = array<i32>} : memref<80xi32, #tpu.memory_space<vmem>>, vector<16xi32>,
      tpu.vector_store %arg13[%swap3A_155], %get3A_147 {strides = array<i32>} : memref<80xi32, #tpu.memory_space<vmem>>, vector<16xi32>,
    }
    %scan3A_54 = arith.constant 5 : i32
    %dma_start3A_55 = arith.constant 0 : i32
    %dma_start3A_56 = arith.constant 0 : i32
    %dma_start3A_57 = tpu.memref_slice %arg3[%dma_start3A_55, %dma_start3A_56] : memref<20000x128xf32, #tpu.memory_space<hbm>> -> memref<20000x128xf32, #tpu.memory_space<hbm>>
    tpu.enqueue_indirect_dma source(%dma_start3A_57 : memref<20000x128xf32, #tpu.memory_space<hbm>>) target(%arg14 : memref<80x128xf32, #tpu.memory_space<vmem>>) offsets(%arg11 : memref<80xi32, #tpu.memory_space<vmem>>) semaphore(%arg18 : memref<!tpu.dma_semaphore, #tpu.memory_space<semaphore_mem>>)
    %dma_start3A_58 = arith.constant 0 : i32
    %dma_start3A_59 = arith.constant 0 : i32
    %dma_start3A_60 = tpu.memref_slice %arg4[%dma_start3A_58, %dma_start3A_59] : memref<20000x16xf32, #tpu.memory_space<hbm>> -> memref<20000x16xf32, #tpu.memory_space<hbm>>
    tpu.enqueue_indirect_dma source(%dma_start3A_60 : memref<20000x16xf32, #tpu.memory_space<hbm>>) target(%arg15 : memref<80x16xf32, #tpu.memory_space<vmem>>) offsets(%arg11 : memref<80xi32, #tpu.memory_space<vmem>>) semaphore(%arg19 : memref<!tpu.dma_semaphore, #tpu.memory_space<semaphore_mem>>)
    %dma_start3A_61 = arith.constant 0 : i32
    %dma_start3A_62 = arith.constant 0 : i32
    %dma_start3A_63 = tpu.memref_slice %arg4[%dma_start3A_61, %dma_start3A_62] : memref<20000x16xf32, #tpu.memory_space<hbm>> -> memref<20000x16xf32, #tpu.memory_space<hbm>>
    tpu.enqueue_indirect_dma source(%dma_start3A_63 : memref<20000x16xf32, #tpu.memory_space<hbm>>) target(%arg16 : memref<80x16xf32, #tpu.memory_space<vmem>>) offsets(%arg12 : memref<80xi32, #tpu.memory_space<vmem>>) semaphore(%arg20 : memref<!tpu.dma_semaphore, #tpu.memory_space<semaphore_mem>>)
    %add3A_64 = arith.constant 80 : i32
    %add3A_65 = arith.addi %mul3A_24, %add3A_64 : i32
    %dma_start3A_66 = arith.constant 0 : i32
    %dma_start3A_67 = tpu.memref_slice %arg2[%dma_start3A_66, %add3A_65] : memref<2x320000xi32, #tpu.memory_space<hbm>> -> memref<1x80xi32, #tpu.memory_space<hbm>>
    %dma_start3A_68 = tpu.memref_squeeze %dma_start3A_67 : memref<1x80xi32, #tpu.memory_space<hbm>> -> memref<80xi32, #tpu.memory_space<hbm>>
    %dma_start3A_69 = tpu.memref_slice %arg2[%dma_start3A_66, %add3A_65] : memref<2x320000xi32, #tpu.memory_space<hbm>> -> memref<1x80xi32, #tpu.memory_space<hbm>>
    %dma_start3A_70 = tpu.memref_squeeze %dma_start3A_69 : memref<1x80xi32, #tpu.memory_space<hbm>> -> memref<80xi32, #tpu.memory_space<hbm>>
    tpu.enqueue_dma source(%dma_start3A_70 : memref<80xi32, #tpu.memory_space<hbm>>) target(%arg23 : memref<80xi32, #tpu.memory_space<vmem>>) target_semaphore(%arg31 : memref<!tpu.dma_semaphore, #tpu.memory_space<semaphore_mem>>)
    %dma_start3A_71 = arith.constant 1 : i32
    %dma_start3A_72 = tpu.memref_slice %arg2[%dma_start3A_71, %add3A_65] : memref<2x320000xi32, #tpu.memory_space<hbm>> -> memref<1x80xi32, #tpu.memory_space<hbm>>
    %dma_start3A_73 = tpu.memref_squeeze %dma_start3A_72 : memref<1x80xi32, #tpu.memory_space<hbm>> -> memref<80xi32, #tpu.memory_space<hbm>>
    %dma_start3A_74 = tpu.memref_slice %arg2[%dma_start3A_71, %add3A_65] : memref<2x320000xi32, #tpu.memory_space<hbm>> -> memref<1x80xi32, #tpu.memory_space<hbm>>
    %dma_start3A_75 = tpu.memref_squeeze %dma_start3A_74 : memref<1x80xi32, #tpu.memory_space<hbm>> -> memref<80xi32, #tpu.memory_space<hbm>>
    tpu.enqueue_dma source(%dma_start3A_75 : memref<80xi32, #tpu.memory_space<hbm>>) target(%arg24 : memref<80xi32, #tpu.memory_space<vmem>>) target_semaphore(%arg31 : memref<!tpu.dma_semaphore, #tpu.memory_space<semaphore_mem>>)
    %add3A_76 = arith.constant 160 : i32
    %add3A_77 = arith.addi %mul3A_24, %add3A_76 : i32
    %dma_start3A_78 = arith.constant 0 : i32
    %dma_start3A_79 = tpu.memref_slice %arg2[%dma_start3A_78, %add3A_77] : memref<2x320000xi32, #tpu.memory_space<hbm>> -> memref<1x80xi32, #tpu.memory_space<hbm>>
    %dma_start3A_80 = tpu.memref_squeeze %dma_start3A_79 : memref<1x80xi32, #tpu.memory_space<hbm>> -> memref<80xi32, #tpu.memory_space<hbm>>
    %dma_start3A_81 = tpu.memref_slice %arg2[%dma_start3A_78, %add3A_77] : memref<2x320000xi32, #tpu.memory_space<hbm>> -> memref<1x80xi32, #tpu.memory_space<hbm>>
    %dma_start3A_82 = tpu.memref_squeeze %dma_start3A_81 : memref<1x80xi32, #tpu.memory_space<hbm>> -> memref<80xi32, #tpu.memory_space<hbm>>
    tpu.enqueue_dma source(%dma_start3A_82 : memref<80xi32, #tpu.memory_space<hbm>>) target(%arg37 : memref<80xi32, #tpu.memory_space<vmem>>) target_semaphore(%arg45 : memref<!tpu.dma_semaphore, #tpu.memory_space<semaphore_mem>>)
    %dma_start3A_83 = arith.constant 1 : i32
    %dma_start3A_84 = tpu.memref_slice %arg2[%dma_start3A_83, %add3A_77] : memref<2x320000xi32, #tpu.memory_space<hbm>> -> memref<1x80xi32, #tpu.memory_space<hbm>>
    %dma_start3A_85 = tpu.memref_squeeze %dma_start3A_84 : memref<1x80xi32, #tpu.memory_space<hbm>> -> memref<80xi32, #tpu.memory_space<hbm>>
    %dma_start3A_86 = tpu.memref_slice %arg2[%dma_start3A_83, %add3A_77] : memref<2x320000xi32, #tpu.memory_space<hbm>> -> memref<1x80xi32, #tpu.memory_space<hbm>>
    %dma_start3A_87 = tpu.memref_squeeze %dma_start3A_86 : memref<1x80xi32, #tpu.memory_space<hbm>> -> memref<80xi32, #tpu.memory_space<hbm>>
    tpu.enqueue_dma source(%dma_start3A_87 : memref<80xi32, #tpu.memory_space<hbm>>) target(%arg38 : memref<80xi32, #tpu.memory_space<vmem>>) target_semaphore(%arg45 : memref<!tpu.dma_semaphore, #tpu.memory_space<semaphore_mem>>)
    %scan3A_88 = arith.constant 0 : i32
    %scan3A_89 = arith.constant 0 : i32
    %scan3A_90 = arith.constant 83 : i32
    %scan3A_91 = arith.addi %scan3A_89, %scan3A_90 : i32
    %scan3A_92 = arith.constant 1 : i32
    scf.for %scan3A_142 = %scan3A_89 to %scan3A_91 step %scan3A_92  : i32 {
      %mul3A_143 = arith.constant 3 : i32
      %mul3A_144 = arith.muli %scan3A_142, %mul3A_143 : i32
      %add3A_145 = arith.constant 0 : i32
      %add3A_146 = arith.addi %mul3A_144, %add3A_145 : i32
      %dma_wait3A_147 = arith.constant 0 : i32
      %dma_wait3A_148 = arith.constant 0 : i32
      %dma_wait3A_149 = tpu.memref_slice %arg2[%dma_wait3A_147, %dma_wait3A_148] : memref<2x320000xi32, #tpu.memory_space<hbm>> -> memref<1x80xi32, #tpu.memory_space<hbm>>
      %dma_wait3A_150 = tpu.memref_squeeze %dma_wait3A_149 : memref<1x80xi32, #tpu.memory_space<hbm>> -> memref<80xi32, #tpu.memory_space<hbm>>
      %dma_wait3A_151 = arith.constant 0 : i32
      %dma_wait3A_152 = tpu.memref_slice %arg2[%dma_wait3A_147, %dma_wait3A_151] : memref<2x320000xi32, #tpu.memory_space<hbm>> -> memref<1x80xi32, #tpu.memory_space<hbm>>
      %dma_wait3A_153 = tpu.memref_squeeze %dma_wait3A_152 : memref<1x80xi32, #tpu.memory_space<hbm>> -> memref<80xi32, #tpu.memory_space<hbm>>
      tpu.wait_dma2 semaphore(%arg31 : memref<!tpu.dma_semaphore, #tpu.memory_space<semaphore_mem>>) src(%dma_wait3A_153 : memref<80xi32, #tpu.memory_space<hbm>>) dst(%arg23 : memref<80xi32, #tpu.memory_space<vmem>>)
      %dma_wait3A_154 = arith.constant 1 : i32
      %dma_wait3A_155 = arith.constant 0 : i32
      %dma_wait3A_156 = tpu.memref_slice %arg2[%dma_wait3A_154, %dma_wait3A_155] : memref<2x320000xi32, #tpu.memory_space<hbm>> -> memref<1x80xi32, #tpu.memory_space<hbm>>
      %dma_wait3A_157 = tpu.memref_squeeze %dma_wait3A_156 : memref<1x80xi32, #tpu.memory_space<hbm>> -> memref<80xi32, #tpu.memory_space<hbm>>
      %dma_wait3A_158 = arith.constant 0 : i32
      %dma_wait3A_159 = tpu.memref_slice %arg2[%dma_wait3A_154, %dma_wait3A_158] : memref<2x320000xi32, #tpu.memory_space<hbm>> -> memref<1x80xi32, #tpu.memory_space<hbm>>
      %dma_wait3A_160 = tpu.memref_squeeze %dma_wait3A_159 : memref<1x80xi32, #tpu.memory_space<hbm>> -> memref<80xi32, #tpu.memory_space<hbm>>
      tpu.wait_dma2 semaphore(%arg31 : memref<!tpu.dma_semaphore, #tpu.memory_space<semaphore_mem>>) src(%dma_wait3A_160 : memref<80xi32, #tpu.memory_space<hbm>>) dst(%arg24 : memref<80xi32, #tpu.memory_space<vmem>>)
      %ge3A = arith.constant 2 : i32
      %ge3A_161 = arith.cmpi sge, %add3A_146, %ge3A : i32
      %convert_element_type3A = arith.extui %ge3A_161 : i1 to i32
      %cond3A = arith.constant 0 : i32
      %cond3A_162 = arith.cmpi ne, %convert_element_type3A, %cond3A : i32
      scf.if %cond3A_162 {
        %dma_wait3A_351 = arith.constant 0 : i32
        %dma_wait3A_352 = arith.constant 0 : i32
        %dma_wait3A_353 = tpu.memref_slice %arg7[%dma_wait3A_351, %dma_wait3A_352] : memref<10000x128xf32, #tpu.memory_space<vmem_shared>> -> memref<10000x128xf32, #tpu.memory_space<vmem_shared>>
        tpu.wait_indirect_dma semaphore(%arg35 : memref<!tpu.dma_semaphore, #tpu.memory_space<semaphore_mem>>) src(%arg28 : memref<80x128xf32, #tpu.memory_space<vmem>>) dst(%dma_wait3A_353 : memref<10000x128xf32, #tpu.memory_space<vmem_shared>>)
        %dma_wait3A_354 = arith.constant 0 : i32
        %dma_wait3A_355 = arith.constant 0 : i32
        %dma_wait3A_356 = tpu.memref_slice %arg8[%dma_wait3A_354, %dma_wait3A_355] : memref<10000x16xf32, #tpu.memory_space<vmem_shared>> -> memref<10000x16xf32, #tpu.memory_space<vmem_shared>>
        tpu.wait_indirect_dma semaphore(%arg36 : memref<!tpu.dma_semaphore, #tpu.memory_space<semaphore_mem>>) src(%arg30 : memref<80x16xf32, #tpu.memory_space<vmem>>) dst(%dma_wait3A_356 : memref<10000x16xf32, #tpu.memory_space<vmem_shared>>)
      } else {
      }
      %scan3A_163 = arith.constant 0 : i32
      %scan3A_164 = arith.constant 0 : i32
      %scan3A_165 = arith.constant 5 : i32
      %scan3A_166 = arith.addi %scan3A_164, %scan3A_165 : i32
      %scan3A_167 = arith.constant 1 : i32
      scf.for %scan3A_351 = %scan3A_164 to %scan3A_166 step %scan3A_167  : i32 {
        %mul3A_352 = arith.constant 16 : i32
        %mul3A_353 = arith.muli %scan3A_351, %mul3A_352 : i32
        %get3A = arith.index_cast %mul3A_353 : i32 to index
        %get3A_354 = tpu.vector_load %arg23[%get3A] {strides = array<i32>} : memref<80xi32, #tpu.memory_space<vmem>>, vector<16xi32>,
        %get3A_355 = arith.index_cast %mul3A_353 : i32 to index
        %get3A_356 = tpu.vector_load %arg24[%get3A_355] {strides = array<i32>} : memref<80xi32, #tpu.memory_space<vmem>>, vector<16xi32>,
        %add3A_357 = vector.broadcast %mul3A_0 : i32 to vector<16xi32>
        %add3A_358 = arith.addi %get3A_354, %add3A_357 : vector<16xi32>
        %swap3A = arith.index_cast %mul3A_353 : i32 to index
        %swap3A_359 = tpu.vector_load %arg25[%swap3A] {strides = array<i32>} : memref<80xi32, #tpu.memory_space<vmem>>, vector<16xi32>,
        tpu.vector_store %arg25[%swap3A], %add3A_358 {strides = array<i32>} : memref<80xi32, #tpu.memory_space<vmem>>, vector<16xi32>,
        %add3A_360 = vector.broadcast %mul3A_0 : i32 to vector<16xi32>
        %add3A_361 = arith.addi %get3A_356, %add3A_360 : vector<16xi32>
        %swap3A_362 = arith.index_cast %mul3A_353 : i32 to index
        %swap3A_363 = tpu.vector_load %arg26[%swap3A_362] {strides = array<i32>} : memref<80xi32, #tpu.memory_space<vmem>>, vector<16xi32>,
        tpu.vector_store %arg26[%swap3A_362], %add3A_361 {strides = array<i32>} : memref<80xi32, #tpu.memory_space<vmem>>, vector<16xi32>,
        %swap3A_364 = arith.index_cast %mul3A_353 : i32 to index
        %swap3A_365 = tpu.vector_load %arg27[%swap3A_364] {strides = array<i32>} : memref<80xi32, #tpu.memory_space<vmem>>, vector<16xi32>,
        tpu.vector_store %arg27[%swap3A_364], %get3A_356 {strides = array<i32>} : memref<80xi32, #tpu.memory_space<vmem>>, vector<16xi32>,
      }
      %scan3A_168 = arith.constant 5 : i32
      %dma_start3A_169 = arith.constant 0 : i32
      %dma_start3A_170 = arith.constant 0 : i32
      %dma_start3A_171 = tpu.memref_slice %arg3[%dma_start3A_169, %dma_start3A_170] : memref<20000x128xf32, #tpu.memory_space<hbm>> -> memref<20000x128xf32, #tpu.memory_space<hbm>>
      tpu.enqueue_indirect_dma source(%dma_start3A_171 : memref<20000x128xf32, #tpu.memory_space<hbm>>) target(%arg28 : memref<80x128xf32, #tpu.memory_space<vmem>>) offsets(%arg25 : memref<80xi32, #tpu.memory_space<vmem>>) semaphore(%arg32 : memref<!tpu.dma_semaphore, #tpu.memory_space<semaphore_mem>>)
      %dma_start3A_172 = arith.constant 0 : i32
      %dma_start3A_173 = arith.constant 0 : i32
      %dma_start3A_174 = tpu.memref_slice %arg4[%dma_start3A_172, %dma_start3A_173] : memref<20000x16xf32, #tpu.memory_space<hbm>> -> memref<20000x16xf32, #tpu.memory_space<hbm>>
      tpu.enqueue_indirect_dma source(%dma_start3A_174 : memref<20000x16xf32, #tpu.memory_space<hbm>>) target(%arg29 : memref<80x16xf32, #tpu.memory_space<vmem>>) offsets(%arg25 : memref<80xi32, #tpu.memory_space<vmem>>) semaphore(%arg33 : memref<!tpu.dma_semaphore, #tpu.memory_space<semaphore_mem>>)
      %dma_start3A_175 = arith.constant 0 : i32
      %dma_start3A_176 = arith.constant 0 : i32
      %dma_start3A_177 = tpu.memref_slice %arg4[%dma_start3A_175, %dma_start3A_176] : memref<20000x16xf32, #tpu.memory_space<hbm>> -> memref<20000x16xf32, #tpu.memory_space<hbm>>
      tpu.enqueue_indirect_dma source(%dma_start3A_177 : memref<20000x16xf32, #tpu.memory_space<hbm>>) target(%arg30 : memref<80x16xf32, #tpu.memory_space<vmem>>) offsets(%arg26 : memref<80xi32, #tpu.memory_space<vmem>>) semaphore(%arg34 : memref<!tpu.dma_semaphore, #tpu.memory_space<semaphore_mem>>)
      %add3A_178 = arith.constant 2 : i32
      %add3A_179 = arith.addi %add3A_146, %add3A_178 : i32
      %lt3A = arith.constant 250 : i32
      %lt3A_180 = arith.cmpi slt, %add3A_179, %lt3A : i32
      %convert_element_type3A_181 = arith.extui %lt3A_180 : i1 to i32
      %cond3A_182 = arith.constant 0 : i32
      %cond3A_183 = arith.cmpi ne, %convert_element_type3A_181, %cond3A_182 : i32
      scf.if %cond3A_183 {
        %add3A_351 = arith.constant 2 : i32
        %add3A_352 = arith.addi %add3A_146, %add3A_351 : i32
        %mul3A_353 = arith.constant 80 : i32
        %mul3A_354 = arith.muli %add3A_352, %mul3A_353 : i32
        %add3A_355 = arith.addi %mul3A_24, %mul3A_354 : i32
        %dma_start3A_356 = arith.constant 0 : i32
        %dma_start3A_357 = tpu.memref_slice %arg2[%dma_start3A_356, %add3A_355] : memref<2x320000xi32, #tpu.memory_space<hbm>> -> memref<1x80xi32, #tpu.memory_space<hbm>>
        %dma_start3A_358 = tpu.memref_squeeze %dma_start3A_357 : memref<1x80xi32, #tpu.memory_space<hbm>> -> memref<80xi32, #tpu.memory_space<hbm>>
        %dma_start3A_359 = tpu.memref_slice %arg2[%dma_start3A_356, %add3A_355] : memref<2x320000xi32, #tpu.memory_space<hbm>> -> memref<1x80xi32, #tpu.memory_space<hbm>>
        %dma_start3A_360 = tpu.memref_squeeze %dma_start3A_359 : memref<1x80xi32, #tpu.memory_space<hbm>> -> memref<80xi32, #tpu.memory_space<hbm>>
        tpu.enqueue_dma source(%dma_start3A_360 : memref<80xi32, #tpu.memory_space<hbm>>) target(%arg37 : memref<80xi32, #tpu.memory_space<vmem>>) target_semaphore(%arg45 : memref<!tpu.dma_semaphore, #tpu.memory_space<semaphore_mem>>)
        %dma_start3A_361 = arith.constant 1 : i32
        %dma_start3A_362 = tpu.memref_slice %arg2[%dma_start3A_361, %add3A_355] : memref<2x320000xi32, #tpu.memory_space<hbm>> -> memref<1x80xi32, #tpu.memory_space<hbm>>
        %dma_start3A_363 = tpu.memref_squeeze %dma_start3A_362 : memref<1x80xi32, #tpu.memory_space<hbm>> -> memref<80xi32, #tpu.memory_space<hbm>>
        %dma_start3A_364 = tpu.memref_slice %arg2[%dma_start3A_361, %add3A_355] : memref<2x320000xi32, #tpu.memory_space<hbm>> -> memref<1x80xi32, #tpu.memory_space<hbm>>
        %dma_start3A_365 = tpu.memref_squeeze %dma_start3A_364 : memref<1x80xi32, #tpu.memory_space<hbm>> -> memref<80xi32, #tpu.memory_space<hbm>>
        tpu.enqueue_dma source(%dma_start3A_365 : memref<80xi32, #tpu.memory_space<hbm>>) target(%arg38 : memref<80xi32, #tpu.memory_space<vmem>>) target_semaphore(%arg45 : memref<!tpu.dma_semaphore, #tpu.memory_space<semaphore_mem>>)
      } else {
      }
      %dma_wait3A_184 = arith.constant 0 : i32
      %dma_wait3A_185 = arith.constant 0 : i32
      %dma_wait3A_186 = tpu.memref_slice %arg3[%dma_wait3A_184, %dma_wait3A_185] : memref<20000x128xf32, #tpu.memory_space<hbm>> -> memref<20000x128xf32, #tpu.memory_space<hbm>>
      tpu.wait_indirect_dma semaphore(%arg18 : memref<!tpu.dma_semaphore, #tpu.memory_space<semaphore_mem>>) src(%dma_wait3A_186 : memref<20000x128xf32, #tpu.memory_space<hbm>>) dst(%arg14 : memref<80x128xf32, #tpu.memory_space<vmem>>)
      %dma_wait3A_187 = arith.constant 0 : i32
      %dma_wait3A_188 = arith.constant 0 : i32
      %dma_wait3A_189 = tpu.memref_slice %arg4[%dma_wait3A_187, %dma_wait3A_188] : memref<20000x16xf32, #tpu.memory_space<hbm>> -> memref<20000x16xf32, #tpu.memory_space<hbm>>
      tpu.wait_indirect_dma semaphore(%arg19 : memref<!tpu.dma_semaphore, #tpu.memory_space<semaphore_mem>>) src(%dma_wait3A_189 : memref<20000x16xf32, #tpu.memory_space<hbm>>) dst(%arg15 : memref<80x16xf32, #tpu.memory_space<vmem>>)
      %dma_wait3A_190 = arith.constant 0 : i32
      %dma_wait3A_191 = arith.constant 0 : i32
      %dma_wait3A_192 = tpu.memref_slice %arg4[%dma_wait3A_190, %dma_wait3A_191] : memref<20000x16xf32, #tpu.memory_space<hbm>> -> memref<20000x16xf32, #tpu.memory_space<hbm>>
      tpu.wait_indirect_dma semaphore(%arg20 : memref<!tpu.dma_semaphore, #tpu.memory_space<semaphore_mem>>) src(%dma_wait3A_192 : memref<20000x16xf32, #tpu.memory_space<hbm>>) dst(%arg16 : memref<80x16xf32, #tpu.memory_space<vmem>>)
      %scan3A_193 = arith.constant 0 : i32
      %scan3A_194 = arith.constant 0 : i32
      %scan3A_195 = arith.constant 5 : i32
      %scan3A_196 = arith.addi %scan3A_194, %scan3A_195 : i32
      %scan3A_197 = arith.constant 1 : i32
      scf.for %scan3A_351 = %scan3A_194 to %scan3A_196 step %scan3A_197  : i32 {
        %mul3A_352 = arith.constant 16 : i32
        %mul3A_353 = arith.muli %scan3A_351, %mul3A_352 : i32
        %iota3A = tpu.iota {dimensions = array<i32: 0>} : vector<16xi32>
        %add3A_354 = vector.broadcast %mul3A_353 : i32 to vector<16xi32>
        %add3A_355 = arith.addi %add3A_354, %iota3A : vector<16xi32>
        %broadcast_in_dim3A = arith.constant 0 : i32
        %broadcast_in_dim3A_356 = vector.broadcast %broadcast_in_dim3A : i32 to vector<16xi32>
        %gather3A = tpu.vector_load_idx %arg15[%add3A_355, %broadcast_in_dim3A_356] : memref<80x16xf32, #tpu.memory_space<vmem>>[vector<16xi32>, vector<16xi32>], vector<16xf32>,
        %broadcast_in_dim3A_357 = arith.constant 8 : i32
        %broadcast_in_dim3A_358 = vector.broadcast %broadcast_in_dim3A_357 : i32 to vector<16xi32>
        %gather3A_359 = tpu.vector_load_idx %arg16[%add3A_355, %broadcast_in_dim3A_358] : memref<80x16xf32, #tpu.memory_space<vmem>>[vector<16xi32>, vector<16xi32>], vector<16xf32>,
        %add3A_360 = arith.addf %gather3A, %gather3A_359 : vector<16xf32>
        %broadcast_in_dim3A_361 = arith.constant 1 : i32
        %broadcast_in_dim3A_362 = vector.broadcast %broadcast_in_dim3A_361 : i32 to vector<16xi32>
        %gather3A_363 = tpu.vector_load_idx %arg15[%add3A_355, %broadcast_in_dim3A_362] : memref<80x16xf32, #tpu.memory_space<vmem>>[vector<16xi32>, vector<16xi32>], vector<16xf32>,
        %broadcast_in_dim3A_364 = arith.constant 9 : i32
        %broadcast_in_dim3A_365 = vector.broadcast %broadcast_in_dim3A_364 : i32 to vector<16xi32>
        %gather3A_366 = tpu.vector_load_idx %arg16[%add3A_355, %broadcast_in_dim3A_365] : memref<80x16xf32, #tpu.memory_space<vmem>>[vector<16xi32>, vector<16xi32>], vector<16xf32>,
        %add3A_367 = arith.addf %gather3A_363, %gather3A_366 : vector<16xf32>
        %broadcast_in_dim3A_368 = arith.constant 2 : i32
        %broadcast_in_dim3A_369 = vector.broadcast %broadcast_in_dim3A_368 : i32 to vector<16xi32>
        %gather3A_370 = tpu.vector_load_idx %arg15[%add3A_355, %broadcast_in_dim3A_369] : memref<80x16xf32, #tpu.memory_space<vmem>>[vector<16xi32>, vector<16xi32>], vector<16xf32>,
        %broadcast_in_dim3A_371 = arith.constant 10 : i32
        %broadcast_in_dim3A_372 = vector.broadcast %broadcast_in_dim3A_371 : i32 to vector<16xi32>
        %gather3A_373 = tpu.vector_load_idx %arg16[%add3A_355, %broadcast_in_dim3A_372] : memref<80x16xf32, #tpu.memory_space<vmem>>[vector<16xi32>, vector<16xi32>], vector<16xf32>,
        %add3A_374 = arith.addf %gather3A_370, %gather3A_373 : vector<16xf32>
        %broadcast_in_dim3A_375 = arith.constant 3 : i32
        %broadcast_in_dim3A_376 = vector.broadcast %broadcast_in_dim3A_375 : i32 to vector<16xi32>
        %gather3A_377 = tpu.vector_load_idx %arg15[%add3A_355, %broadcast_in_dim3A_376] : memref<80x16xf32, #tpu.memory_space<vmem>>[vector<16xi32>, vector<16xi32>], vector<16xf32>,
        %broadcast_in_dim3A_378 = arith.constant 11 : i32
        %broadcast_in_dim3A_379 = vector.broadcast %broadcast_in_dim3A_378 : i32 to vector<16xi32>
        %gather3A_380 = tpu.vector_load_idx %arg16[%add3A_355, %broadcast_in_dim3A_379] : memref<80x16xf32, #tpu.memory_space<vmem>>[vector<16xi32>, vector<16xi32>], vector<16xf32>,
        %add3A_381 = arith.addf %gather3A_377, %gather3A_380 : vector<16xf32>
        %broadcast_in_dim3A_382 = arith.constant 4 : i32
        %broadcast_in_dim3A_383 = vector.broadcast %broadcast_in_dim3A_382 : i32 to vector<16xi32>
        %gather3A_384 = tpu.vector_load_idx %arg15[%add3A_355, %broadcast_in_dim3A_383] : memref<80x16xf32, #tpu.memory_space<vmem>>[vector<16xi32>, vector<16xi32>], vector<16xf32>,
        %broadcast_in_dim3A_385 = arith.constant 12 : i32
        %broadcast_in_dim3A_386 = vector.broadcast %broadcast_in_dim3A_385 : i32 to vector<16xi32>
        %gather3A_387 = tpu.vector_load_idx %arg16[%add3A_355, %broadcast_in_dim3A_386] : memref<80x16xf32, #tpu.memory_space<vmem>>[vector<16xi32>, vector<16xi32>], vector<16xf32>,
        %add3A_388 = arith.addf %gather3A_384, %gather3A_387 : vector<16xf32>
        %broadcast_in_dim3A_389 = arith.constant 5 : i32
        %broadcast_in_dim3A_390 = vector.broadcast %broadcast_in_dim3A_389 : i32 to vector<16xi32>
        %gather3A_391 = tpu.vector_load_idx %arg15[%add3A_355, %broadcast_in_dim3A_390] : memref<80x16xf32, #tpu.memory_space<vmem>>[vector<16xi32>, vector<16xi32>], vector<16xf32>,
        %broadcast_in_dim3A_392 = arith.constant 13 : i32
        %broadcast_in_dim3A_393 = vector.broadcast %broadcast_in_dim3A_392 : i32 to vector<16xi32>
        %gather3A_394 = tpu.vector_load_idx %arg16[%add3A_355, %broadcast_in_dim3A_393] : memref<80x16xf32, #tpu.memory_space<vmem>>[vector<16xi32>, vector<16xi32>], vector<16xf32>,
        %add3A_395 = arith.addf %gather3A_391, %gather3A_394 : vector<16xf32>
        %broadcast_in_dim3A_396 = arith.constant 6 : i32
        %broadcast_in_dim3A_397 = vector.broadcast %broadcast_in_dim3A_396 : i32 to vector<16xi32>
        %gather3A_398 = tpu.vector_load_idx %arg15[%add3A_355, %broadcast_in_dim3A_397] : memref<80x16xf32, #tpu.memory_space<vmem>>[vector<16xi32>, vector<16xi32>], vector<16xf32>,
        %broadcast_in_dim3A_399 = arith.constant 14 : i32
        %broadcast_in_dim3A_400 = vector.broadcast %broadcast_in_dim3A_399 : i32 to vector<16xi32>
        %gather3A_401 = tpu.vector_load_idx %arg16[%add3A_355, %broadcast_in_dim3A_400] : memref<80x16xf32, #tpu.memory_space<vmem>>[vector<16xi32>, vector<16xi32>], vector<16xf32>,
        %add3A_402 = arith.addf %gather3A_398, %gather3A_401 : vector<16xf32>
        %broadcast_in_dim3A_403 = arith.constant 7 : i32
        %broadcast_in_dim3A_404 = vector.broadcast %broadcast_in_dim3A_403 : i32 to vector<16xi32>
        %gather3A_405 = tpu.vector_load_idx %arg15[%add3A_355, %broadcast_in_dim3A_404] : memref<80x16xf32, #tpu.memory_space<vmem>>[vector<16xi32>, vector<16xi32>], vector<16xf32>,
        %broadcast_in_dim3A_406 = arith.constant 15 : i32
        %broadcast_in_dim3A_407 = vector.broadcast %broadcast_in_dim3A_406 : i32 to vector<16xi32>
        %gather3A_408 = tpu.vector_load_idx %arg16[%add3A_355, %broadcast_in_dim3A_407] : memref<80x16xf32, #tpu.memory_space<vmem>>[vector<16xi32>, vector<16xi32>], vector<16xf32>,
        %add3A_409 = arith.addf %gather3A_405, %gather3A_408 : vector<16xf32>
        %mul3A_410 = arith.constant 2.000000e-01 : f32
        %mul3A_411 = vector.broadcast %mul3A_410 : f32 to vector<16xf32>
        %mul3A_412 = arith.mulf %mul3A_411, %add3A_360 : vector<16xf32>
        %max3A = arith.maximumf %add3A_360, %mul3A_412 : vector<16xf32>
        %mul3A_413 = arith.constant 1.44269502 : f32
        %mul3A_414 = vector.broadcast %mul3A_413 : f32 to vector<16xf32>
        %mul3A_415 = arith.mulf %max3A, %mul3A_414 : vector<16xf32>
        %convert_element_type3A_416 = arith.fptosi %mul3A_415 : vector<16xf32> to vector<16xi32>
        %convert_element_type3A_417 = arith.sitofp %convert_element_type3A_416 : vector<16xi32> to vector<16xf32>
        %lt3A_418 = arith.cmpf olt, %mul3A_415, %convert_element_type3A_417 : vector<16xf32>
        %jit3A = arith.constant 1 : i32
        %jit3A_419 = arith.constant 0 : i32
        %broadcast_in_dim3A_420 = vector.broadcast %jit3A : i32 to vector<16xi32>
        %broadcast_in_dim3A_421 = vector.broadcast %jit3A_419 : i32 to vector<16xi32>
        %select_n3A = arith.select %lt3A_418, %broadcast_in_dim3A_420, %broadcast_in_dim3A_421 : vector<16xi1>, vector<16xi32>
        %sub3A = arith.subi %convert_element_type3A_416, %select_n3A : vector<16xi32>
        %convert_element_type3A_422 = arith.sitofp %sub3A : vector<16xi32> to vector<16xf32>
        %sub3A_423 = arith.subf %mul3A_415, %convert_element_type3A_422 : vector<16xf32>
        %mul3A_424 = arith.constant 0.00189437938 : f32
        %mul3A_425 = vector.broadcast %mul3A_424 : f32 to vector<16xf32>
        %mul3A_426 = arith.mulf %mul3A_425, %sub3A_423 : vector<16xf32>
        %add3A_427 = arith.constant 0.00894058216 : f32
        %add3A_428 = vector.broadcast %add3A_427 : f32 to vector<16xf32>
        %add3A_429 = arith.addf %mul3A_426, %add3A_428 : vector<16xf32>
        %mul3A_430 = arith.mulf %add3A_429, %sub3A_423 : vector<16xf32>
        %add3A_431 = arith.constant 0.0558765568 : f32
        %add3A_432 = vector.broadcast %add3A_431 : f32 to vector<16xf32>
        %add3A_433 = arith.addf %mul3A_430, %add3A_432 : vector<16xf32>
        %mul3A_434 = arith.mulf %add3A_433, %sub3A_423 : vector<16xf32>
        %add3A_435 = arith.constant 0.240131691 : f32
        %add3A_436 = vector.broadcast %add3A_435 : f32 to vector<16xf32>
        %add3A_437 = arith.addf %mul3A_434, %add3A_436 : vector<16xf32>
        %mul3A_438 = arith.mulf %add3A_437, %sub3A_423 : vector<16xf32>
        %add3A_439 = arith.constant 0.693156778 : f32
        %add3A_440 = vector.broadcast %add3A_439 : f32 to vector<16xf32>
        %add3A_441 = arith.addf %mul3A_438, %add3A_440 : vector<16xf32>
        %mul3A_442 = arith.mulf %add3A_441, %sub3A_423 : vector<16xf32>
        %add3A_443 = arith.constant 0.999999761 : f32
        %add3A_444 = vector.broadcast %add3A_443 : f32 to vector<16xf32>
        %add3A_445 = arith.addf %mul3A_442, %add3A_444 : vector<16xf32>
        %add3A_446 = arith.constant 127 : i32
        %add3A_447 = vector.broadcast %add3A_446 : i32 to vector<16xi32>
        %add3A_448 = arith.addi %sub3A, %add3A_447 : vector<16xi32>
        %shift_left3A = arith.constant 23 : i32
        %shift_left3A_449 = vector.broadcast %shift_left3A : i32 to vector<16xi32>
        %shift_left3A_450 = arith.shli %add3A_448, %shift_left3A_449 : vector<16xi32>
        %bitcast_convert_type3A = tpu.bitcast %shift_left3A_450 : vector<16xi32> -> vector<16xf32>
        %mul3A_451 = arith.mulf %add3A_445, %bitcast_convert_type3A : vector<16xf32>
        %mul3A_452 = arith.constant 2.000000e-01 : f32
        %mul3A_453 = vector.broadcast %mul3A_452 : f32 to vector<16xf32>
        %mul3A_454 = arith.mulf %mul3A_453, %add3A_367 : vector<16xf32>
        %max3A_455 = arith.maximumf %add3A_367, %mul3A_454 : vector<16xf32>
        %mul3A_456 = arith.constant 1.44269502 : f32
        %mul3A_457 = vector.broadcast %mul3A_456 : f32 to vector<16xf32>
        %mul3A_458 = arith.mulf %max3A_455, %mul3A_457 : vector<16xf32>
        %convert_element_type3A_459 = arith.fptosi %mul3A_458 : vector<16xf32> to vector<16xi32>
        %convert_element_type3A_460 = arith.sitofp %convert_element_type3A_459 : vector<16xi32> to vector<16xf32>
        %lt3A_461 = arith.cmpf olt, %mul3A_458, %convert_element_type3A_460 : vector<16xf32>
        %jit3A_462 = arith.constant 1 : i32
        %jit3A_463 = arith.constant 0 : i32
        %broadcast_in_dim3A_464 = vector.broadcast %jit3A_462 : i32 to vector<16xi32>
        %broadcast_in_dim3A_465 = vector.broadcast %jit3A_463 : i32 to vector<16xi32>
        %select_n3A_466 = arith.select %lt3A_461, %broadcast_in_dim3A_464, %broadcast_in_dim3A_465 : vector<16xi1>, vector<16xi32>
        %sub3A_467 = arith.subi %convert_element_type3A_459, %select_n3A_466 : vector<16xi32>
        %convert_element_type3A_468 = arith.sitofp %sub3A_467 : vector<16xi32> to vector<16xf32>
        %sub3A_469 = arith.subf %mul3A_458, %convert_element_type3A_468 : vector<16xf32>
        %mul3A_470 = arith.constant 0.00189437938 : f32
        %mul3A_471 = vector.broadcast %mul3A_470 : f32 to vector<16xf32>
        %mul3A_472 = arith.mulf %mul3A_471, %sub3A_469 : vector<16xf32>
        %add3A_473 = arith.constant 0.00894058216 : f32
        %add3A_474 = vector.broadcast %add3A_473 : f32 to vector<16xf32>
        %add3A_475 = arith.addf %mul3A_472, %add3A_474 : vector<16xf32>
        %mul3A_476 = arith.mulf %add3A_475, %sub3A_469 : vector<16xf32>
        %add3A_477 = arith.constant 0.0558765568 : f32
        %add3A_478 = vector.broadcast %add3A_477 : f32 to vector<16xf32>
        %add3A_479 = arith.addf %mul3A_476, %add3A_478 : vector<16xf32>
        %mul3A_480 = arith.mulf %add3A_479, %sub3A_469 : vector<16xf32>
        %add3A_481 = arith.constant 0.240131691 : f32
        %add3A_482 = vector.broadcast %add3A_481 : f32 to vector<16xf32>
        %add3A_483 = arith.addf %mul3A_480, %add3A_482 : vector<16xf32>
        %mul3A_484 = arith.mulf %add3A_483, %sub3A_469 : vector<16xf32>
        %add3A_485 = arith.constant 0.693156778 : f32
        %add3A_486 = vector.broadcast %add3A_485 : f32 to vector<16xf32>
        %add3A_487 = arith.addf %mul3A_484, %add3A_486 : vector<16xf32>
        %mul3A_488 = arith.mulf %add3A_487, %sub3A_469 : vector<16xf32>
        %add3A_489 = arith.constant 0.999999761 : f32
        %add3A_490 = vector.broadcast %add3A_489 : f32 to vector<16xf32>
        %add3A_491 = arith.addf %mul3A_488, %add3A_490 : vector<16xf32>
        %add3A_492 = arith.constant 127 : i32
        %add3A_493 = vector.broadcast %add3A_492 : i32 to vector<16xi32>
        %add3A_494 = arith.addi %sub3A_467, %add3A_493 : vector<16xi32>
        %shift_left3A_495 = arith.constant 23 : i32
        %shift_left3A_496 = vector.broadcast %shift_left3A_495 : i32 to vector<16xi32>
        %shift_left3A_497 = arith.shli %add3A_494, %shift_left3A_496 : vector<16xi32>
        %bitcast_convert_type3A_498 = tpu.bitcast %shift_left3A_497 : vector<16xi32> -> vector<16xf32>
        %mul3A_499 = arith.mulf %add3A_491, %bitcast_convert_type3A_498 : vector<16xf32>
        %mul3A_500 = arith.constant 2.000000e-01 : f32
        %mul3A_501 = vector.broadcast %mul3A_500 : f32 to vector<16xf32>
        %mul3A_502 = arith.mulf %mul3A_501, %add3A_374 : vector<16xf32>
        %max3A_503 = arith.maximumf %add3A_374, %mul3A_502 : vector<16xf32>
        %mul3A_504 = arith.constant 1.44269502 : f32
        %mul3A_505 = vector.broadcast %mul3A_504 : f32 to vector<16xf32>
        %mul3A_506 = arith.mulf %max3A_503, %mul3A_505 : vector<16xf32>
        %convert_element_type3A_507 = arith.fptosi %mul3A_506 : vector<16xf32> to vector<16xi32>
        %convert_element_type3A_508 = arith.sitofp %convert_element_type3A_507 : vector<16xi32> to vector<16xf32>
        %lt3A_509 = arith.cmpf olt, %mul3A_506, %convert_element_type3A_508 : vector<16xf32>
        %jit3A_510 = arith.constant 1 : i32
        %jit3A_511 = arith.constant 0 : i32
        %broadcast_in_dim3A_512 = vector.broadcast %jit3A_510 : i32 to vector<16xi32>
        %broadcast_in_dim3A_513 = vector.broadcast %jit3A_511 : i32 to vector<16xi32>
        %select_n3A_514 = arith.select %lt3A_509, %broadcast_in_dim3A_512, %broadcast_in_dim3A_513 : vector<16xi1>, vector<16xi32>
        %sub3A_515 = arith.subi %convert_element_type3A_507, %select_n3A_514 : vector<16xi32>
        %convert_element_type3A_516 = arith.sitofp %sub3A_515 : vector<16xi32> to vector<16xf32>
        %sub3A_517 = arith.subf %mul3A_506, %convert_element_type3A_516 : vector<16xf32>
        %mul3A_518 = arith.constant 0.00189437938 : f32
        %mul3A_519 = vector.broadcast %mul3A_518 : f32 to vector<16xf32>
        %mul3A_520 = arith.mulf %mul3A_519, %sub3A_517 : vector<16xf32>
        %add3A_521 = arith.constant 0.00894058216 : f32
        %add3A_522 = vector.broadcast %add3A_521 : f32 to vector<16xf32>
        %add3A_523 = arith.addf %mul3A_520, %add3A_522 : vector<16xf32>
        %mul3A_524 = arith.mulf %add3A_523, %sub3A_517 : vector<16xf32>
        %add3A_525 = arith.constant 0.0558765568 : f32
        %add3A_526 = vector.broadcast %add3A_525 : f32 to vector<16xf32>
        %add3A_527 = arith.addf %mul3A_524, %add3A_526 : vector<16xf32>
        %mul3A_528 = arith.mulf %add3A_527, %sub3A_517 : vector<16xf32>
        %add3A_529 = arith.constant 0.240131691 : f32
        %add3A_530 = vector.broadcast %add3A_529 : f32 to vector<16xf32>
        %add3A_531 = arith.addf %mul3A_528, %add3A_530 : vector<16xf32>
        %mul3A_532 = arith.mulf %add3A_531, %sub3A_517 : vector<16xf32>
        %add3A_533 = arith.constant 0.693156778 : f32
        %add3A_534 = vector.broadcast %add3A_533 : f32 to vector<16xf32>
        %add3A_535 = arith.addf %mul3A_532, %add3A_534 : vector<16xf32>
        %mul3A_536 = arith.mulf %add3A_535, %sub3A_517 : vector<16xf32>
        %add3A_537 = arith.constant 0.999999761 : f32
        %add3A_538 = vector.broadcast %add3A_537 : f32 to vector<16xf32>
        %add3A_539 = arith.addf %mul3A_536, %add3A_538 : vector<16xf32>
        %add3A_540 = arith.constant 127 : i32
        %add3A_541 = vector.broadcast %add3A_540 : i32 to vector<16xi32>
        %add3A_542 = arith.addi %sub3A_515, %add3A_541 : vector<16xi32>
        %shift_left3A_543 = arith.constant 23 : i32
        %shift_left3A_544 = vector.broadcast %shift_left3A_543 : i32 to vector<16xi32>
        %shift_left3A_545 = arith.shli %add3A_542, %shift_left3A_544 : vector<16xi32>
        %bitcast_convert_type3A_546 = tpu.bitcast %shift_left3A_545 : vector<16xi32> -> vector<16xf32>
        %mul3A_547 = arith.mulf %add3A_539, %bitcast_convert_type3A_546 : vector<16xf32>
        %mul3A_548 = arith.constant 2.000000e-01 : f32
        %mul3A_549 = vector.broadcast %mul3A_548 : f32 to vector<16xf32>
        %mul3A_550 = arith.mulf %mul3A_549, %add3A_381 : vector<16xf32>
        %max3A_551 = arith.maximumf %add3A_381, %mul3A_550 : vector<16xf32>
        %mul3A_552 = arith.constant 1.44269502 : f32
        %mul3A_553 = vector.broadcast %mul3A_552 : f32 to vector<16xf32>
        %mul3A_554 = arith.mulf %max3A_551, %mul3A_553 : vector<16xf32>
        %convert_element_type3A_555 = arith.fptosi %mul3A_554 : vector<16xf32> to vector<16xi32>
        %convert_element_type3A_556 = arith.sitofp %convert_element_type3A_555 : vector<16xi32> to vector<16xf32>
        %lt3A_557 = arith.cmpf olt, %mul3A_554, %convert_element_type3A_556 : vector<16xf32>
        %jit3A_558 = arith.constant 1 : i32
        %jit3A_559 = arith.constant 0 : i32
        %broadcast_in_dim3A_560 = vector.broadcast %jit3A_558 : i32 to vector<16xi32>
        %broadcast_in_dim3A_561 = vector.broadcast %jit3A_559 : i32 to vector<16xi32>
        %select_n3A_562 = arith.select %lt3A_557, %broadcast_in_dim3A_560, %broadcast_in_dim3A_561 : vector<16xi1>, vector<16xi32>
        %sub3A_563 = arith.subi %convert_element_type3A_555, %select_n3A_562 : vector<16xi32>
        %convert_element_type3A_564 = arith.sitofp %sub3A_563 : vector<16xi32> to vector<16xf32>
        %sub3A_565 = arith.subf %mul3A_554, %convert_element_type3A_564 : vector<16xf32>
        %mul3A_566 = arith.constant 0.00189437938 : f32
        %mul3A_567 = vector.broadcast %mul3A_566 : f32 to vector<16xf32>
        %mul3A_568 = arith.mulf %mul3A_567, %sub3A_565 : vector<16xf32>
        %add3A_569 = arith.constant 0.00894058216 : f32
        %add3A_570 = vector.broadcast %add3A_569 : f32 to vector<16xf32>
        %add3A_571 = arith.addf %mul3A_568, %add3A_570 : vector<16xf32>
        %mul3A_572 = arith.mulf %add3A_571, %sub3A_565 : vector<16xf32>
        %add3A_573 = arith.constant 0.0558765568 : f32
        %add3A_574 = vector.broadcast %add3A_573 : f32 to vector<16xf32>
        %add3A_575 = arith.addf %mul3A_572, %add3A_574 : vector<16xf32>
        %mul3A_576 = arith.mulf %add3A_575, %sub3A_565 : vector<16xf32>
        %add3A_577 = arith.constant 0.240131691 : f32
        %add3A_578 = vector.broadcast %add3A_577 : f32 to vector<16xf32>
        %add3A_579 = arith.addf %mul3A_576, %add3A_578 : vector<16xf32>
        %mul3A_580 = arith.mulf %add3A_579, %sub3A_565 : vector<16xf32>
        %add3A_581 = arith.constant 0.693156778 : f32
        %add3A_582 = vector.broadcast %add3A_581 : f32 to vector<16xf32>
        %add3A_583 = arith.addf %mul3A_580, %add3A_582 : vector<16xf32>
        %mul3A_584 = arith.mulf %add3A_583, %sub3A_565 : vector<16xf32>
        %add3A_585 = arith.constant 0.999999761 : f32
        %add3A_586 = vector.broadcast %add3A_585 : f32 to vector<16xf32>
        %add3A_587 = arith.addf %mul3A_584, %add3A_586 : vector<16xf32>
        %add3A_588 = arith.constant 127 : i32
        %add3A_589 = vector.broadcast %add3A_588 : i32 to vector<16xi32>
        %add3A_590 = arith.addi %sub3A_563, %add3A_589 : vector<16xi32>
        %shift_left3A_591 = arith.constant 23 : i32
        %shift_left3A_592 = vector.broadcast %shift_left3A_591 : i32 to vector<16xi32>
        %shift_left3A_593 = arith.shli %add3A_590, %shift_left3A_592 : vector<16xi32>
        %bitcast_convert_type3A_594 = tpu.bitcast %shift_left3A_593 : vector<16xi32> -> vector<16xf32>
        %mul3A_595 = arith.mulf %add3A_587, %bitcast_convert_type3A_594 : vector<16xf32>
        %mul3A_596 = arith.constant 2.000000e-01 : f32
        %mul3A_597 = vector.broadcast %mul3A_596 : f32 to vector<16xf32>
        %mul3A_598 = arith.mulf %mul3A_597, %add3A_388 : vector<16xf32>
        %max3A_599 = arith.maximumf %add3A_388, %mul3A_598 : vector<16xf32>
        %mul3A_600 = arith.constant 1.44269502 : f32
        %mul3A_601 = vector.broadcast %mul3A_600 : f32 to vector<16xf32>
        %mul3A_602 = arith.mulf %max3A_599, %mul3A_601 : vector<16xf32>
        %convert_element_type3A_603 = arith.fptosi %mul3A_602 : vector<16xf32> to vector<16xi32>
        %convert_element_type3A_604 = arith.sitofp %convert_element_type3A_603 : vector<16xi32> to vector<16xf32>
        %lt3A_605 = arith.cmpf olt, %mul3A_602, %convert_element_type3A_604 : vector<16xf32>
        %jit3A_606 = arith.constant 1 : i32
        %jit3A_607 = arith.constant 0 : i32
        %broadcast_in_dim3A_608 = vector.broadcast %jit3A_606 : i32 to vector<16xi32>
        %broadcast_in_dim3A_609 = vector.broadcast %jit3A_607 : i32 to vector<16xi32>
        %select_n3A_610 = arith.select %lt3A_605, %broadcast_in_dim3A_608, %broadcast_in_dim3A_609 : vector<16xi1>, vector<16xi32>
        %sub3A_611 = arith.subi %convert_element_type3A_603, %select_n3A_610 : vector<16xi32>
        %convert_element_type3A_612 = arith.sitofp %sub3A_611 : vector<16xi32> to vector<16xf32>
        %sub3A_613 = arith.subf %mul3A_602, %convert_element_type3A_612 : vector<16xf32>
        %mul3A_614 = arith.constant 0.00189437938 : f32
        %mul3A_615 = vector.broadcast %mul3A_614 : f32 to vector<16xf32>
        %mul3A_616 = arith.mulf %mul3A_615, %sub3A_613 : vector<16xf32>
        %add3A_617 = arith.constant 0.00894058216 : f32
        %add3A_618 = vector.broadcast %add3A_617 : f32 to vector<16xf32>
        %add3A_619 = arith.addf %mul3A_616, %add3A_618 : vector<16xf32>
        %mul3A_620 = arith.mulf %add3A_619, %sub3A_613 : vector<16xf32>
        %add3A_621 = arith.constant 0.0558765568 : f32
        %add3A_622 = vector.broadcast %add3A_621 : f32 to vector<16xf32>
        %add3A_623 = arith.addf %mul3A_620, %add3A_622 : vector<16xf32>
        %mul3A_624 = arith.mulf %add3A_623, %sub3A_613 : vector<16xf32>
        %add3A_625 = arith.constant 0.240131691 : f32
        %add3A_626 = vector.broadcast %add3A_625 : f32 to vector<16xf32>
        %add3A_627 = arith.addf %mul3A_624, %add3A_626 : vector<16xf32>
        %mul3A_628 = arith.mulf %add3A_627, %sub3A_613 : vector<16xf32>
        %add3A_629 = arith.constant 0.693156778 : f32
        %add3A_630 = vector.broadcast %add3A_629 : f32 to vector<16xf32>
        %add3A_631 = arith.addf %mul3A_628, %add3A_630 : vector<16xf32>
        %mul3A_632 = arith.mulf %add3A_631, %sub3A_613 : vector<16xf32>
        %add3A_633 = arith.constant 0.999999761 : f32
        %add3A_634 = vector.broadcast %add3A_633 : f32 to vector<16xf32>
        %add3A_635 = arith.addf %mul3A_632, %add3A_634 : vector<16xf32>
        %add3A_636 = arith.constant 127 : i32
        %add3A_637 = vector.broadcast %add3A_636 : i32 to vector<16xi32>
        %add3A_638 = arith.addi %sub3A_611, %add3A_637 : vector<16xi32>
        %shift_left3A_639 = arith.constant 23 : i32
        %shift_left3A_640 = vector.broadcast %shift_left3A_639 : i32 to vector<16xi32>
        %shift_left3A_641 = arith.shli %add3A_638, %shift_left3A_640 : vector<16xi32>
        %bitcast_convert_type3A_642 = tpu.bitcast %shift_left3A_641 : vector<16xi32> -> vector<16xf32>
        %mul3A_643 = arith.mulf %add3A_635, %bitcast_convert_type3A_642 : vector<16xf32>
        %mul3A_644 = arith.constant 2.000000e-01 : f32
        %mul3A_645 = vector.broadcast %mul3A_644 : f32 to vector<16xf32>
        %mul3A_646 = arith.mulf %mul3A_645, %add3A_395 : vector<16xf32>
        %max3A_647 = arith.maximumf %add3A_395, %mul3A_646 : vector<16xf32>
        %mul3A_648 = arith.constant 1.44269502 : f32
        %mul3A_649 = vector.broadcast %mul3A_648 : f32 to vector<16xf32>
        %mul3A_650 = arith.mulf %max3A_647, %mul3A_649 : vector<16xf32>
        %convert_element_type3A_651 = arith.fptosi %mul3A_650 : vector<16xf32> to vector<16xi32>
        %convert_element_type3A_652 = arith.sitofp %convert_element_type3A_651 : vector<16xi32> to vector<16xf32>
        %lt3A_653 = arith.cmpf olt, %mul3A_650, %convert_element_type3A_652 : vector<16xf32>
        %jit3A_654 = arith.constant 1 : i32
        %jit3A_655 = arith.constant 0 : i32
        %broadcast_in_dim3A_656 = vector.broadcast %jit3A_654 : i32 to vector<16xi32>
        %broadcast_in_dim3A_657 = vector.broadcast %jit3A_655 : i32 to vector<16xi32>
        %select_n3A_658 = arith.select %lt3A_653, %broadcast_in_dim3A_656, %broadcast_in_dim3A_657 : vector<16xi1>, vector<16xi32>
        %sub3A_659 = arith.subi %convert_element_type3A_651, %select_n3A_658 : vector<16xi32>
        %convert_element_type3A_660 = arith.sitofp %sub3A_659 : vector<16xi32> to vector<16xf32>
        %sub3A_661 = arith.subf %mul3A_650, %convert_element_type3A_660 : vector<16xf32>
        %mul3A_662 = arith.constant 0.00189437938 : f32
        %mul3A_663 = vector.broadcast %mul3A_662 : f32 to vector<16xf32>
        %mul3A_664 = arith.mulf %mul3A_663, %sub3A_661 : vector<16xf32>
        %add3A_665 = arith.constant 0.00894058216 : f32
        %add3A_666 = vector.broadcast %add3A_665 : f32 to vector<16xf32>
        %add3A_667 = arith.addf %mul3A_664, %add3A_666 : vector<16xf32>
        %mul3A_668 = arith.mulf %add3A_667, %sub3A_661 : vector<16xf32>
        %add3A_669 = arith.constant 0.0558765568 : f32
        %add3A_670 = vector.broadcast %add3A_669 : f32 to vector<16xf32>
        %add3A_671 = arith.addf %mul3A_668, %add3A_670 : vector<16xf32>
        %mul3A_672 = arith.mulf %add3A_671, %sub3A_661 : vector<16xf32>
        %add3A_673 = arith.constant 0.240131691 : f32
        %add3A_674 = vector.broadcast %add3A_673 : f32 to vector<16xf32>
        %add3A_675 = arith.addf %mul3A_672, %add3A_674 : vector<16xf32>
        %mul3A_676 = arith.mulf %add3A_675, %sub3A_661 : vector<16xf32>
        %add3A_677 = arith.constant 0.693156778 : f32
        %add3A_678 = vector.broadcast %add3A_677 : f32 to vector<16xf32>
        %add3A_679 = arith.addf %mul3A_676, %add3A_678 : vector<16xf32>
        %mul3A_680 = arith.mulf %add3A_679, %sub3A_661 : vector<16xf32>
        %add3A_681 = arith.constant 0.999999761 : f32
        %add3A_682 = vector.broadcast %add3A_681 : f32 to vector<16xf32>
        %add3A_683 = arith.addf %mul3A_680, %add3A_682 : vector<16xf32>
        %add3A_684 = arith.constant 127 : i32
        %add3A_685 = vector.broadcast %add3A_684 : i32 to vector<16xi32>
        %add3A_686 = arith.addi %sub3A_659, %add3A_685 : vector<16xi32>
        %shift_left3A_687 = arith.constant 23 : i32
        %shift_left3A_688 = vector.broadcast %shift_left3A_687 : i32 to vector<16xi32>
        %shift_left3A_689 = arith.shli %add3A_686, %shift_left3A_688 : vector<16xi32>
        %bitcast_convert_type3A_690 = tpu.bitcast %shift_left3A_689 : vector<16xi32> -> vector<16xf32>
        %mul3A_691 = arith.mulf %add3A_683, %bitcast_convert_type3A_690 : vector<16xf32>
        %mul3A_692 = arith.constant 2.000000e-01 : f32
        %mul3A_693 = vector.broadcast %mul3A_692 : f32 to vector<16xf32>
        %mul3A_694 = arith.mulf %mul3A_693, %add3A_402 : vector<16xf32>
        %max3A_695 = arith.maximumf %add3A_402, %mul3A_694 : vector<16xf32>
        %mul3A_696 = arith.constant 1.44269502 : f32
        %mul3A_697 = vector.broadcast %mul3A_696 : f32 to vector<16xf32>
        %mul3A_698 = arith.mulf %max3A_695, %mul3A_697 : vector<16xf32>
        %convert_element_type3A_699 = arith.fptosi %mul3A_698 : vector<16xf32> to vector<16xi32>
        %convert_element_type3A_700 = arith.sitofp %convert_element_type3A_699 : vector<16xi32> to vector<16xf32>
        %lt3A_701 = arith.cmpf olt, %mul3A_698, %convert_element_type3A_700 : vector<16xf32>
        %jit3A_702 = arith.constant 1 : i32
        %jit3A_703 = arith.constant 0 : i32
        %broadcast_in_dim3A_704 = vector.broadcast %jit3A_702 : i32 to vector<16xi32>
        %broadcast_in_dim3A_705 = vector.broadcast %jit3A_703 : i32 to vector<16xi32>
        %select_n3A_706 = arith.select %lt3A_701, %broadcast_in_dim3A_704, %broadcast_in_dim3A_705 : vector<16xi1>, vector<16xi32>
        %sub3A_707 = arith.subi %convert_element_type3A_699, %select_n3A_706 : vector<16xi32>
        %convert_element_type3A_708 = arith.sitofp %sub3A_707 : vector<16xi32> to vector<16xf32>
        %sub3A_709 = arith.subf %mul3A_698, %convert_element_type3A_708 : vector<16xf32>
        %mul3A_710 = arith.constant 0.00189437938 : f32
        %mul3A_711 = vector.broadcast %mul3A_710 : f32 to vector<16xf32>
        %mul3A_712 = arith.mulf %mul3A_711, %sub3A_709 : vector<16xf32>
        %add3A_713 = arith.constant 0.00894058216 : f32
        %add3A_714 = vector.broadcast %add3A_713 : f32 to vector<16xf32>
        %add3A_715 = arith.addf %mul3A_712, %add3A_714 : vector<16xf32>
        %mul3A_716 = arith.mulf %add3A_715, %sub3A_709 : vector<16xf32>
        %add3A_717 = arith.constant 0.0558765568 : f32
        %add3A_718 = vector.broadcast %add3A_717 : f32 to vector<16xf32>
        %add3A_719 = arith.addf %mul3A_716, %add3A_718 : vector<16xf32>
        %mul3A_720 = arith.mulf %add3A_719, %sub3A_709 : vector<16xf32>
        %add3A_721 = arith.constant 0.240131691 : f32
        %add3A_722 = vector.broadcast %add3A_721 : f32 to vector<16xf32>
        %add3A_723 = arith.addf %mul3A_720, %add3A_722 : vector<16xf32>
        %mul3A_724 = arith.mulf %add3A_723, %sub3A_709 : vector<16xf32>
        %add3A_725 = arith.constant 0.693156778 : f32
        %add3A_726 = vector.broadcast %add3A_725 : f32 to vector<16xf32>
        %add3A_727 = arith.addf %mul3A_724, %add3A_726 : vector<16xf32>
        %mul3A_728 = arith.mulf %add3A_727, %sub3A_709 : vector<16xf32>
        %add3A_729 = arith.constant 0.999999761 : f32
        %add3A_730 = vector.broadcast %add3A_729 : f32 to vector<16xf32>
        %add3A_731 = arith.addf %mul3A_728, %add3A_730 : vector<16xf32>
        %add3A_732 = arith.constant 127 : i32
        %add3A_733 = vector.broadcast %add3A_732 : i32 to vector<16xi32>
        %add3A_734 = arith.addi %sub3A_707, %add3A_733 : vector<16xi32>
        %shift_left3A_735 = arith.constant 23 : i32
        %shift_left3A_736 = vector.broadcast %shift_left3A_735 : i32 to vector<16xi32>
        %shift_left3A_737 = arith.shli %add3A_734, %shift_left3A_736 : vector<16xi32>
        %bitcast_convert_type3A_738 = tpu.bitcast %shift_left3A_737 : vector<16xi32> -> vector<16xf32>
        %mul3A_739 = arith.mulf %add3A_731, %bitcast_convert_type3A_738 : vector<16xf32>
        %mul3A_740 = arith.constant 2.000000e-01 : f32
        %mul3A_741 = vector.broadcast %mul3A_740 : f32 to vector<16xf32>
        %mul3A_742 = arith.mulf %mul3A_741, %add3A_409 : vector<16xf32>
        %max3A_743 = arith.maximumf %add3A_409, %mul3A_742 : vector<16xf32>
        %mul3A_744 = arith.constant 1.44269502 : f32
        %mul3A_745 = vector.broadcast %mul3A_744 : f32 to vector<16xf32>
        %mul3A_746 = arith.mulf %max3A_743, %mul3A_745 : vector<16xf32>
        %convert_element_type3A_747 = arith.fptosi %mul3A_746 : vector<16xf32> to vector<16xi32>
        %convert_element_type3A_748 = arith.sitofp %convert_element_type3A_747 : vector<16xi32> to vector<16xf32>
        %lt3A_749 = arith.cmpf olt, %mul3A_746, %convert_element_type3A_748 : vector<16xf32>
        %jit3A_750 = arith.constant 1 : i32
        %jit3A_751 = arith.constant 0 : i32
        %broadcast_in_dim3A_752 = vector.broadcast %jit3A_750 : i32 to vector<16xi32>
        %broadcast_in_dim3A_753 = vector.broadcast %jit3A_751 : i32 to vector<16xi32>
        %select_n3A_754 = arith.select %lt3A_749, %broadcast_in_dim3A_752, %broadcast_in_dim3A_753 : vector<16xi1>, vector<16xi32>
        %sub3A_755 = arith.subi %convert_element_type3A_747, %select_n3A_754 : vector<16xi32>
        %convert_element_type3A_756 = arith.sitofp %sub3A_755 : vector<16xi32> to vector<16xf32>
        %sub3A_757 = arith.subf %mul3A_746, %convert_element_type3A_756 : vector<16xf32>
        %mul3A_758 = arith.constant 0.00189437938 : f32
        %mul3A_759 = vector.broadcast %mul3A_758 : f32 to vector<16xf32>
        %mul3A_760 = arith.mulf %mul3A_759, %sub3A_757 : vector<16xf32>
        %add3A_761 = arith.constant 0.00894058216 : f32
        %add3A_762 = vector.broadcast %add3A_761 : f32 to vector<16xf32>
        %add3A_763 = arith.addf %mul3A_760, %add3A_762 : vector<16xf32>
        %mul3A_764 = arith.mulf %add3A_763, %sub3A_757 : vector<16xf32>
        %add3A_765 = arith.constant 0.0558765568 : f32
        %add3A_766 = vector.broadcast %add3A_765 : f32 to vector<16xf32>
        %add3A_767 = arith.addf %mul3A_764, %add3A_766 : vector<16xf32>
        %mul3A_768 = arith.mulf %add3A_767, %sub3A_757 : vector<16xf32>
        %add3A_769 = arith.constant 0.240131691 : f32
        %add3A_770 = vector.broadcast %add3A_769 : f32 to vector<16xf32>
        %add3A_771 = arith.addf %mul3A_768, %add3A_770 : vector<16xf32>
        %mul3A_772 = arith.mulf %add3A_771, %sub3A_757 : vector<16xf32>
        %add3A_773 = arith.constant 0.693156778 : f32
        %add3A_774 = vector.broadcast %add3A_773 : f32 to vector<16xf32>
        %add3A_775 = arith.addf %mul3A_772, %add3A_774 : vector<16xf32>
        %mul3A_776 = arith.mulf %add3A_775, %sub3A_757 : vector<16xf32>
        %add3A_777 = arith.constant 0.999999761 : f32
        %add3A_778 = vector.broadcast %add3A_777 : f32 to vector<16xf32>
        %add3A_779 = arith.addf %mul3A_776, %add3A_778 : vector<16xf32>
        %add3A_780 = arith.constant 127 : i32
        %add3A_781 = vector.broadcast %add3A_780 : i32 to vector<16xi32>
        %add3A_782 = arith.addi %sub3A_755, %add3A_781 : vector<16xi32>
        %shift_left3A_783 = arith.constant 23 : i32
        %shift_left3A_784 = vector.broadcast %shift_left3A_783 : i32 to vector<16xi32>
        %shift_left3A_785 = arith.shli %add3A_782, %shift_left3A_784 : vector<16xi32>
        %bitcast_convert_type3A_786 = tpu.bitcast %shift_left3A_785 : vector<16xi32> -> vector<16xf32>
        %mul3A_787 = arith.mulf %add3A_779, %bitcast_convert_type3A_786 : vector<16xf32>
        %broadcast_in_dim3A_788 = arith.constant 0 : i32
        %broadcast_in_dim3A_789 = vector.broadcast %broadcast_in_dim3A_788 : i32 to vector<16xi32>
        tpu.vector_store_idx %arg16[%add3A_355, %broadcast_in_dim3A_789], %mul3A_451 : memref<80x16xf32, #tpu.memory_space<vmem>>[vector<16xi32>, vector<16xi32>], vector<16xf32>,
        %broadcast_in_dim3A_790 = arith.constant 1 : i32
        %broadcast_in_dim3A_791 = vector.broadcast %broadcast_in_dim3A_790 : i32 to vector<16xi32>
        tpu.vector_store_idx %arg16[%add3A_355, %broadcast_in_dim3A_791], %mul3A_499 : memref<80x16xf32, #tpu.memory_space<vmem>>[vector<16xi32>, vector<16xi32>], vector<16xf32>,
        %broadcast_in_dim3A_792 = arith.constant 2 : i32
        %broadcast_in_dim3A_793 = vector.broadcast %broadcast_in_dim3A_792 : i32 to vector<16xi32>
        tpu.vector_store_idx %arg16[%add3A_355, %broadcast_in_dim3A_793], %mul3A_547 : memref<80x16xf32, #tpu.memory_space<vmem>>[vector<16xi32>, vector<16xi32>], vector<16xf32>,
        %broadcast_in_dim3A_794 = arith.constant 3 : i32
        %broadcast_in_dim3A_795 = vector.broadcast %broadcast_in_dim3A_794 : i32 to vector<16xi32>
        tpu.vector_store_idx %arg16[%add3A_355, %broadcast_in_dim3A_795], %mul3A_595 : memref<80x16xf32, #tpu.memory_space<vmem>>[vector<16xi32>, vector<16xi32>], vector<16xf32>,
        %broadcast_in_dim3A_796 = arith.constant 4 : i32
        %broadcast_in_dim3A_797 = vector.broadcast %broadcast_in_dim3A_796 : i32 to vector<16xi32>
        tpu.vector_store_idx %arg16[%add3A_355, %broadcast_in_dim3A_797], %mul3A_643 : memref<80x16xf32, #tpu.memory_space<vmem>>[vector<16xi32>, vector<16xi32>], vector<16xf32>,
        %broadcast_in_dim3A_798 = arith.constant 5 : i32
        %broadcast_in_dim3A_799 = vector.broadcast %broadcast_in_dim3A_798 : i32 to vector<16xi32>
        tpu.vector_store_idx %arg16[%add3A_355, %broadcast_in_dim3A_799], %mul3A_691 : memref<80x16xf32, #tpu.memory_space<vmem>>[vector<16xi32>, vector<16xi32>], vector<16xf32>,
        %broadcast_in_dim3A_800 = arith.constant 6 : i32
        %broadcast_in_dim3A_801 = vector.broadcast %broadcast_in_dim3A_800 : i32 to vector<16xi32>
        tpu.vector_store_idx %arg16[%add3A_355, %broadcast_in_dim3A_801], %mul3A_739 : memref<80x16xf32, #tpu.memory_space<vmem>>[vector<16xi32>, vector<16xi32>], vector<16xf32>,
        %broadcast_in_dim3A_802 = arith.constant 7 : i32
        %broadcast_in_dim3A_803 = vector.broadcast %broadcast_in_dim3A_802 : i32 to vector<16xi32>
        tpu.vector_store_idx %arg16[%add3A_355, %broadcast_in_dim3A_803], %mul3A_787 : memref<80x16xf32, #tpu.memory_space<vmem>>[vector<16xi32>, vector<16xi32>], vector<16xf32>,
      }
      %scan3A_198 = arith.constant 5 : i32
      %scan3A_199 = arith.constant 0 : i32
      %scan3A_200 = arith.constant 0 : i32
      %scan3A_201 = arith.constant 80 : i32
      %scan3A_202 = arith.addi %scan3A_200, %scan3A_201 : i32
      %scan3A_203 = arith.constant 2 : i32
      scf.for %scan3A_351 = %scan3A_200 to %scan3A_202 step %scan3A_203  : i32 {
        %get3A = arith.index_cast %scan3A_351 : i32 to index
        %get3A_352 = arith.constant 0 : index
        %get3A_353 = tpu.vector_load %arg16[%get3A, %get3A_352] {strides = array<i32>} : memref<80x16xf32, #tpu.memory_space<vmem>>, vector<16xf32>,
        %get3A_354 = arith.index_cast %scan3A_351 : i32 to index
        %get3A_355 = arith.constant 0 : index
        %get3A_356 = tpu.vector_load %arg14[%get3A_354, %get3A_355] {strides = array<i32>} : memref<80x128xf32, #tpu.memory_space<vmem>>, vector<16xf32>,
        %slice3A = vector.extract_strided_slice %get3A_353 {offsets = [0], sizes = [1], strides = [1]} : vector<16xf32> to vector<1xf32>
        %squeeze3A = vector.extract %slice3A[0] : f32 from vector<1xf32>
        %mul3A_357 = vector.broadcast %squeeze3A : f32 to vector<16xf32>
        %mul3A_358 = arith.mulf %get3A_356, %mul3A_357 : vector<16xf32>
        %swap3A = arith.index_cast %scan3A_351 : i32 to index
        %swap3A_359 = arith.constant 0 : index
        %swap3A_360 = tpu.vector_load %arg14[%swap3A, %swap3A_359] {strides = array<i32>} : memref<80x128xf32, #tpu.memory_space<vmem>>, vector<16xf32>,
        tpu.vector_store %arg14[%swap3A, %swap3A_359], %mul3A_358 {strides = array<i32>} : memref<80x128xf32, #tpu.memory_space<vmem>>, vector<16xf32>,
        %get3A_361 = arith.index_cast %scan3A_351 : i32 to index
        %get3A_362 = arith.constant 16 : index
        %get3A_363 = tpu.vector_load %arg14[%get3A_361, %get3A_362] {strides = array<i32>} : memref<80x128xf32, #tpu.memory_space<vmem>>, vector<16xf32>,
        %slice3A_364 = vector.extract_strided_slice %get3A_353 {offsets = [1], sizes = [1], strides = [1]} : vector<16xf32> to vector<1xf32>
        %squeeze3A_365 = vector.extract %slice3A_364[0] : f32 from vector<1xf32>
        %mul3A_366 = vector.broadcast %squeeze3A_365 : f32 to vector<16xf32>
        %mul3A_367 = arith.mulf %get3A_363, %mul3A_366 : vector<16xf32>
        %swap3A_368 = arith.index_cast %scan3A_351 : i32 to index
        %swap3A_369 = arith.constant 16 : index
        %swap3A_370 = tpu.vector_load %arg14[%swap3A_368, %swap3A_369] {strides = array<i32>} : memref<80x128xf32, #tpu.memory_space<vmem>>, vector<16xf32>,
        tpu.vector_store %arg14[%swap3A_368, %swap3A_369], %mul3A_367 {strides = array<i32>} : memref<80x128xf32, #tpu.memory_space<vmem>>, vector<16xf32>,
        %get3A_371 = arith.index_cast %scan3A_351 : i32 to index
        %get3A_372 = arith.constant 32 : index
        %get3A_373 = tpu.vector_load %arg14[%get3A_371, %get3A_372] {strides = array<i32>} : memref<80x128xf32, #tpu.memory_space<vmem>>, vector<16xf32>,
        %slice3A_374 = vector.extract_strided_slice %get3A_353 {offsets = [2], sizes = [1], strides = [1]} : vector<16xf32> to vector<1xf32>
        %squeeze3A_375 = vector.extract %slice3A_374[0] : f32 from vector<1xf32>
        %mul3A_376 = vector.broadcast %squeeze3A_375 : f32 to vector<16xf32>
        %mul3A_377 = arith.mulf %get3A_373, %mul3A_376 : vector<16xf32>
        %swap3A_378 = arith.index_cast %scan3A_351 : i32 to index
        %swap3A_379 = arith.constant 32 : index
        %swap3A_380 = tpu.vector_load %arg14[%swap3A_378, %swap3A_379] {strides = array<i32>} : memref<80x128xf32, #tpu.memory_space<vmem>>, vector<16xf32>,
        tpu.vector_store %arg14[%swap3A_378, %swap3A_379], %mul3A_377 {strides = array<i32>} : memref<80x128xf32, #tpu.memory_space<vmem>>, vector<16xf32>,
        %get3A_381 = arith.index_cast %scan3A_351 : i32 to index
        %get3A_382 = arith.constant 48 : index
        %get3A_383 = tpu.vector_load %arg14[%get3A_381, %get3A_382] {strides = array<i32>} : memref<80x128xf32, #tpu.memory_space<vmem>>, vector<16xf32>,
        %slice3A_384 = vector.extract_strided_slice %get3A_353 {offsets = [3], sizes = [1], strides = [1]} : vector<16xf32> to vector<1xf32>
        %squeeze3A_385 = vector.extract %slice3A_384[0] : f32 from vector<1xf32>
        %mul3A_386 = vector.broadcast %squeeze3A_385 : f32 to vector<16xf32>
        %mul3A_387 = arith.mulf %get3A_383, %mul3A_386 : vector<16xf32>
        %swap3A_388 = arith.index_cast %scan3A_351 : i32 to index
        %swap3A_389 = arith.constant 48 : index
        %swap3A_390 = tpu.vector_load %arg14[%swap3A_388, %swap3A_389] {strides = array<i32>} : memref<80x128xf32, #tpu.memory_space<vmem>>, vector<16xf32>,
        tpu.vector_store %arg14[%swap3A_388, %swap3A_389], %mul3A_387 {strides = array<i32>} : memref<80x128xf32, #tpu.memory_space<vmem>>, vector<16xf32>,
        %get3A_391 = arith.index_cast %scan3A_351 : i32 to index
        %get3A_392 = arith.constant 64 : index
        %get3A_393 = tpu.vector_load %arg14[%get3A_391, %get3A_392] {strides = array<i32>} : memref<80x128xf32, #tpu.memory_space<vmem>>, vector<16xf32>,
        %slice3A_394 = vector.extract_strided_slice %get3A_353 {offsets = [4], sizes = [1], strides = [1]} : vector<16xf32> to vector<1xf32>
        %squeeze3A_395 = vector.extract %slice3A_394[0] : f32 from vector<1xf32>
        %mul3A_396 = vector.broadcast %squeeze3A_395 : f32 to vector<16xf32>
        %mul3A_397 = arith.mulf %get3A_393, %mul3A_396 : vector<16xf32>
        %swap3A_398 = arith.index_cast %scan3A_351 : i32 to index
        %swap3A_399 = arith.constant 64 : index
        %swap3A_400 = tpu.vector_load %arg14[%swap3A_398, %swap3A_399] {strides = array<i32>} : memref<80x128xf32, #tpu.memory_space<vmem>>, vector<16xf32>,
        tpu.vector_store %arg14[%swap3A_398, %swap3A_399], %mul3A_397 {strides = array<i32>} : memref<80x128xf32, #tpu.memory_space<vmem>>, vector<16xf32>,
        %get3A_401 = arith.index_cast %scan3A_351 : i32 to index
        %get3A_402 = arith.constant 80 : index
        %get3A_403 = tpu.vector_load %arg14[%get3A_401, %get3A_402] {strides = array<i32>} : memref<80x128xf32, #tpu.memory_space<vmem>>, vector<16xf32>,
        %slice3A_404 = vector.extract_strided_slice %get3A_353 {offsets = [5], sizes = [1], strides = [1]} : vector<16xf32> to vector<1xf32>
        %squeeze3A_405 = vector.extract %slice3A_404[0] : f32 from vector<1xf32>
        %mul3A_406 = vector.broadcast %squeeze3A_405 : f32 to vector<16xf32>
        %mul3A_407 = arith.mulf %get3A_403, %mul3A_406 : vector<16xf32>
        %swap3A_408 = arith.index_cast %scan3A_351 : i32 to index
        %swap3A_409 = arith.constant 80 : index
        %swap3A_410 = tpu.vector_load %arg14[%swap3A_408, %swap3A_409] {strides = array<i32>} : memref<80x128xf32, #tpu.memory_space<vmem>>, vector<16xf32>,
        tpu.vector_store %arg14[%swap3A_408, %swap3A_409], %mul3A_407 {strides = array<i32>} : memref<80x128xf32, #tpu.memory_space<vmem>>, vector<16xf32>,
        %get3A_411 = arith.index_cast %scan3A_351 : i32 to index
        %get3A_412 = arith.constant 96 : index
        %get3A_413 = tpu.vector_load %arg14[%get3A_411, %get3A_412] {strides = array<i32>} : memref<80x128xf32, #tpu.memory_space<vmem>>, vector<16xf32>,
        %slice3A_414 = vector.extract_strided_slice %get3A_353 {offsets = [6], sizes = [1], strides = [1]} : vector<16xf32> to vector<1xf32>
        %squeeze3A_415 = vector.extract %slice3A_414[0] : f32 from vector<1xf32>
        %mul3A_416 = vector.broadcast %squeeze3A_415 : f32 to vector<16xf32>
        %mul3A_417 = arith.mulf %get3A_413, %mul3A_416 : vector<16xf32>
        %swap3A_418 = arith.index_cast %scan3A_351 : i32 to index
        %swap3A_419 = arith.constant 96 : index
        %swap3A_420 = tpu.vector_load %arg14[%swap3A_418, %swap3A_419] {strides = array<i32>} : memref<80x128xf32, #tpu.memory_space<vmem>>, vector<16xf32>,
        tpu.vector_store %arg14[%swap3A_418, %swap3A_419], %mul3A_417 {strides = array<i32>} : memref<80x128xf32, #tpu.memory_space<vmem>>, vector<16xf32>,
        %get3A_421 = arith.index_cast %scan3A_351 : i32 to index
        %get3A_422 = arith.constant 112 : index
        %get3A_423 = tpu.vector_load %arg14[%get3A_421, %get3A_422] {strides = array<i32>} : memref<80x128xf32, #tpu.memory_space<vmem>>, vector<16xf32>,
        %slice3A_424 = vector.extract_strided_slice %get3A_353 {offsets = [7], sizes = [1], strides = [1]} : vector<16xf32> to vector<1xf32>
        %squeeze3A_425 = vector.extract %slice3A_424[0] : f32 from vector<1xf32>
        %mul3A_426 = vector.broadcast %squeeze3A_425 : f32 to vector<16xf32>
        %mul3A_427 = arith.mulf %get3A_423, %mul3A_426 : vector<16xf32>
        %swap3A_428 = arith.index_cast %scan3A_351 : i32 to index
        %swap3A_429 = arith.constant 112 : index
        %swap3A_430 = tpu.vector_load %arg14[%swap3A_428, %swap3A_429] {strides = array<i32>} : memref<80x128xf32, #tpu.memory_space<vmem>>, vector<16xf32>,
        tpu.vector_store %arg14[%swap3A_428, %swap3A_429], %mul3A_427 {strides = array<i32>} : memref<80x128xf32, #tpu.memory_space<vmem>>, vector<16xf32>,
        %scan3A_431 = arith.constant 1 : i32
        %scan3A_432 = arith.addi %scan3A_351, %scan3A_431 : i32
        %get3A_433 = arith.index_cast %scan3A_432 : i32 to index
        %get3A_434 = arith.constant 0 : index
        %get3A_435 = tpu.vector_load %arg16[%get3A_433, %get3A_434] {strides = array<i32>} : memref<80x16xf32, #tpu.memory_space<vmem>>, vector<16xf32>,
        %get3A_436 = arith.index_cast %scan3A_432 : i32 to index
        %get3A_437 = arith.constant 0 : index
        %get3A_438 = tpu.vector_load %arg14[%get3A_436, %get3A_437] {strides = array<i32>} : memref<80x128xf32, #tpu.memory_space<vmem>>, vector<16xf32>,
        %slice3A_439 = vector.extract_strided_slice %get3A_435 {offsets = [0], sizes = [1], strides = [1]} : vector<16xf32> to vector<1xf32>
        %squeeze3A_440 = vector.extract %slice3A_439[0] : f32 from vector<1xf32>
        %mul3A_441 = vector.broadcast %squeeze3A_440 : f32 to vector<16xf32>
        %mul3A_442 = arith.mulf %get3A_438, %mul3A_441 : vector<16xf32>
        %swap3A_443 = arith.index_cast %scan3A_432 : i32 to index
        %swap3A_444 = arith.constant 0 : index
        %swap3A_445 = tpu.vector_load %arg14[%swap3A_443, %swap3A_444] {strides = array<i32>} : memref<80x128xf32, #tpu.memory_space<vmem>>, vector<16xf32>,
        tpu.vector_store %arg14[%swap3A_443, %swap3A_444], %mul3A_442 {strides = array<i32>} : memref<80x128xf32, #tpu.memory_space<vmem>>, vector<16xf32>,
        %get3A_446 = arith.index_cast %scan3A_432 : i32 to index
        %get3A_447 = arith.constant 16 : index
        %get3A_448 = tpu.vector_load %arg14[%get3A_446, %get3A_447] {strides = array<i32>} : memref<80x128xf32, #tpu.memory_space<vmem>>, vector<16xf32>,
        %slice3A_449 = vector.extract_strided_slice %get3A_435 {offsets = [1], sizes = [1], strides = [1]} : vector<16xf32> to vector<1xf32>
        %squeeze3A_450 = vector.extract %slice3A_449[0] : f32 from vector<1xf32>
        %mul3A_451 = vector.broadcast %squeeze3A_450 : f32 to vector<16xf32>
        %mul3A_452 = arith.mulf %get3A_448, %mul3A_451 : vector<16xf32>
        %swap3A_453 = arith.index_cast %scan3A_432 : i32 to index
        %swap3A_454 = arith.constant 16 : index
        %swap3A_455 = tpu.vector_load %arg14[%swap3A_453, %swap3A_454] {strides = array<i32>} : memref<80x128xf32, #tpu.memory_space<vmem>>, vector<16xf32>,
        tpu.vector_store %arg14[%swap3A_453, %swap3A_454], %mul3A_452 {strides = array<i32>} : memref<80x128xf32, #tpu.memory_space<vmem>>, vector<16xf32>,
        %get3A_456 = arith.index_cast %scan3A_432 : i32 to index
        %get3A_457 = arith.constant 32 : index
        %get3A_458 = tpu.vector_load %arg14[%get3A_456, %get3A_457] {strides = array<i32>} : memref<80x128xf32, #tpu.memory_space<vmem>>, vector<16xf32>,
        %slice3A_459 = vector.extract_strided_slice %get3A_435 {offsets = [2], sizes = [1], strides = [1]} : vector<16xf32> to vector<1xf32>
        %squeeze3A_460 = vector.extract %slice3A_459[0] : f32 from vector<1xf32>
        %mul3A_461 = vector.broadcast %squeeze3A_460 : f32 to vector<16xf32>
        %mul3A_462 = arith.mulf %get3A_458, %mul3A_461 : vector<16xf32>
        %swap3A_463 = arith.index_cast %scan3A_432 : i32 to index
        %swap3A_464 = arith.constant 32 : index
        %swap3A_465 = tpu.vector_load %arg14[%swap3A_463, %swap3A_464] {strides = array<i32>} : memref<80x128xf32, #tpu.memory_space<vmem>>, vector<16xf32>,
        tpu.vector_store %arg14[%swap3A_463, %swap3A_464], %mul3A_462 {strides = array<i32>} : memref<80x128xf32, #tpu.memory_space<vmem>>, vector<16xf32>,
        %get3A_466 = arith.index_cast %scan3A_432 : i32 to index
        %get3A_467 = arith.constant 48 : index
        %get3A_468 = tpu.vector_load %arg14[%get3A_466, %get3A_467] {strides = array<i32>} : memref<80x128xf32, #tpu.memory_space<vmem>>, vector<16xf32>,
        %slice3A_469 = vector.extract_strided_slice %get3A_435 {offsets = [3], sizes = [1], strides = [1]} : vector<16xf32> to vector<1xf32>
        %squeeze3A_470 = vector.extract %slice3A_469[0] : f32 from vector<1xf32>
        %mul3A_471 = vector.broadcast %squeeze3A_470 : f32 to vector<16xf32>
        %mul3A_472 = arith.mulf %get3A_468, %mul3A_471 : vector<16xf32>
        %swap3A_473 = arith.index_cast %scan3A_432 : i32 to index
        %swap3A_474 = arith.constant 48 : index
        %swap3A_475 = tpu.vector_load %arg14[%swap3A_473, %swap3A_474] {strides = array<i32>} : memref<80x128xf32, #tpu.memory_space<vmem>>, vector<16xf32>,
        tpu.vector_store %arg14[%swap3A_473, %swap3A_474], %mul3A_472 {strides = array<i32>} : memref<80x128xf32, #tpu.memory_space<vmem>>, vector<16xf32>,
        %get3A_476 = arith.index_cast %scan3A_432 : i32 to index
        %get3A_477 = arith.constant 64 : index
        %get3A_478 = tpu.vector_load %arg14[%get3A_476, %get3A_477] {strides = array<i32>} : memref<80x128xf32, #tpu.memory_space<vmem>>, vector<16xf32>,
        %slice3A_479 = vector.extract_strided_slice %get3A_435 {offsets = [4], sizes = [1], strides = [1]} : vector<16xf32> to vector<1xf32>
        %squeeze3A_480 = vector.extract %slice3A_479[0] : f32 from vector<1xf32>
        %mul3A_481 = vector.broadcast %squeeze3A_480 : f32 to vector<16xf32>
        %mul3A_482 = arith.mulf %get3A_478, %mul3A_481 : vector<16xf32>
        %swap3A_483 = arith.index_cast %scan3A_432 : i32 to index
        %swap3A_484 = arith.constant 64 : index
        %swap3A_485 = tpu.vector_load %arg14[%swap3A_483, %swap3A_484] {strides = array<i32>} : memref<80x128xf32, #tpu.memory_space<vmem>>, vector<16xf32>,
        tpu.vector_store %arg14[%swap3A_483, %swap3A_484], %mul3A_482 {strides = array<i32>} : memref<80x128xf32, #tpu.memory_space<vmem>>, vector<16xf32>,
        %get3A_486 = arith.index_cast %scan3A_432 : i32 to index
        %get3A_487 = arith.constant 80 : index
        %get3A_488 = tpu.vector_load %arg14[%get3A_486, %get3A_487] {strides = array<i32>} : memref<80x128xf32, #tpu.memory_space<vmem>>, vector<16xf32>,
        %slice3A_489 = vector.extract_strided_slice %get3A_435 {offsets = [5], sizes = [1], strides = [1]} : vector<16xf32> to vector<1xf32>
        %squeeze3A_490 = vector.extract %slice3A_489[0] : f32 from vector<1xf32>
        %mul3A_491 = vector.broadcast %squeeze3A_490 : f32 to vector<16xf32>
        %mul3A_492 = arith.mulf %get3A_488, %mul3A_491 : vector<16xf32>
        %swap3A_493 = arith.index_cast %scan3A_432 : i32 to index
        %swap3A_494 = arith.constant 80 : index
        %swap3A_495 = tpu.vector_load %arg14[%swap3A_493, %swap3A_494] {strides = array<i32>} : memref<80x128xf32, #tpu.memory_space<vmem>>, vector<16xf32>,
        tpu.vector_store %arg14[%swap3A_493, %swap3A_494], %mul3A_492 {strides = array<i32>} : memref<80x128xf32, #tpu.memory_space<vmem>>, vector<16xf32>,
        %get3A_496 = arith.index_cast %scan3A_432 : i32 to index
        %get3A_497 = arith.constant 96 : index
        %get3A_498 = tpu.vector_load %arg14[%get3A_496, %get3A_497] {strides = array<i32>} : memref<80x128xf32, #tpu.memory_space<vmem>>, vector<16xf32>,
        %slice3A_499 = vector.extract_strided_slice %get3A_435 {offsets = [6], sizes = [1], strides = [1]} : vector<16xf32> to vector<1xf32>
        %squeeze3A_500 = vector.extract %slice3A_499[0] : f32 from vector<1xf32>
        %mul3A_501 = vector.broadcast %squeeze3A_500 : f32 to vector<16xf32>
        %mul3A_502 = arith.mulf %get3A_498, %mul3A_501 : vector<16xf32>
        %swap3A_503 = arith.index_cast %scan3A_432 : i32 to index
        %swap3A_504 = arith.constant 96 : index
        %swap3A_505 = tpu.vector_load %arg14[%swap3A_503, %swap3A_504] {strides = array<i32>} : memref<80x128xf32, #tpu.memory_space<vmem>>, vector<16xf32>,
        tpu.vector_store %arg14[%swap3A_503, %swap3A_504], %mul3A_502 {strides = array<i32>} : memref<80x128xf32, #tpu.memory_space<vmem>>, vector<16xf32>,
        %get3A_506 = arith.index_cast %scan3A_432 : i32 to index
        %get3A_507 = arith.constant 112 : index
        %get3A_508 = tpu.vector_load %arg14[%get3A_506, %get3A_507] {strides = array<i32>} : memref<80x128xf32, #tpu.memory_space<vmem>>, vector<16xf32>,
        %slice3A_509 = vector.extract_strided_slice %get3A_435 {offsets = [7], sizes = [1], strides = [1]} : vector<16xf32> to vector<1xf32>
        %squeeze3A_510 = vector.extract %slice3A_509[0] : f32 from vector<1xf32>
        %mul3A_511 = vector.broadcast %squeeze3A_510 : f32 to vector<16xf32>
        %mul3A_512 = arith.mulf %get3A_508, %mul3A_511 : vector<16xf32>
        %swap3A_513 = arith.index_cast %scan3A_432 : i32 to index
        %swap3A_514 = arith.constant 112 : index
        %swap3A_515 = tpu.vector_load %arg14[%swap3A_513, %swap3A_514] {strides = array<i32>} : memref<80x128xf32, #tpu.memory_space<vmem>>, vector<16xf32>,
        tpu.vector_store %arg14[%swap3A_513, %swap3A_514], %mul3A_512 {strides = array<i32>} : memref<80x128xf32, #tpu.memory_space<vmem>>, vector<16xf32>,
      }
      %scan3A_204 = arith.constant 80 : i32
      %dma_start3A_205 = arith.constant 0 : i32
      %dma_start3A_206 = arith.constant 0 : i32
      %dma_start3A_207 = tpu.memref_slice %arg7[%dma_start3A_205, %dma_start3A_206] : memref<10000x128xf32, #tpu.memory_space<vmem_shared>> -> memref<10000x128xf32, #tpu.memory_space<vmem_shared>>
      tpu.enqueue_indirect_dma source(%arg14 : memref<80x128xf32, #tpu.memory_space<vmem>>) target(%dma_start3A_207 : memref<10000x128xf32, #tpu.memory_space<vmem_shared>>) offsets(%arg13 : memref<80xi32, #tpu.memory_space<vmem>>) semaphore(%arg21 : memref<!tpu.dma_semaphore, #tpu.memory_space<semaphore_mem>>) {add = true}
      %dma_start3A_208 = arith.constant 0 : i32
      %dma_start3A_209 = arith.constant 0 : i32
      %dma_start3A_210 = tpu.memref_slice %arg8[%dma_start3A_208, %dma_start3A_209] : memref<10000x16xf32, #tpu.memory_space<vmem_shared>> -> memref<10000x16xf32, #tpu.memory_space<vmem_shared>>
      tpu.enqueue_indirect_dma source(%arg16 : memref<80x16xf32, #tpu.memory_space<vmem>>) target(%dma_start3A_210 : memref<10000x16xf32, #tpu.memory_space<vmem_shared>>) offsets(%arg13 : memref<80xi32, #tpu.memory_space<vmem>>) semaphore(%arg22 : memref<!tpu.dma_semaphore, #tpu.memory_space<semaphore_mem>>) {add = true}
      %add3A_211 = arith.constant 1 : i32
      %add3A_212 = arith.addi %mul3A_144, %add3A_211 : i32
      %dma_wait3A_213 = arith.constant 0 : i32
      %dma_wait3A_214 = arith.constant 0 : i32
      %dma_wait3A_215 = tpu.memref_slice %arg2[%dma_wait3A_213, %dma_wait3A_214] : memref<2x320000xi32, #tpu.memory_space<hbm>> -> memref<1x80xi32, #tpu.memory_space<hbm>>
      %dma_wait3A_216 = tpu.memref_squeeze %dma_wait3A_215 : memref<1x80xi32, #tpu.memory_space<hbm>> -> memref<80xi32, #tpu.memory_space<hbm>>
      %dma_wait3A_217 = arith.constant 0 : i32
      %dma_wait3A_218 = tpu.memref_slice %arg2[%dma_wait3A_213, %dma_wait3A_217] : memref<2x320000xi32, #tpu.memory_space<hbm>> -> memref<1x80xi32, #tpu.memory_space<hbm>>
      %dma_wait3A_219 = tpu.memref_squeeze %dma_wait3A_218 : memref<1x80xi32, #tpu.memory_space<hbm>> -> memref<80xi32, #tpu.memory_space<hbm>>
      tpu.wait_dma2 semaphore(%arg45 : memref<!tpu.dma_semaphore, #tpu.memory_space<semaphore_mem>>) src(%dma_wait3A_219 : memref<80xi32, #tpu.memory_space<hbm>>) dst(%arg37 : memref<80xi32, #tpu.memory_space<vmem>>)
      %dma_wait3A_220 = arith.constant 1 : i32
      %dma_wait3A_221 = arith.constant 0 : i32
      %dma_wait3A_222 = tpu.memref_slice %arg2[%dma_wait3A_220, %dma_wait3A_221] : memref<2x320000xi32, #tpu.memory_space<hbm>> -> memref<1x80xi32, #tpu.memory_space<hbm>>
      %dma_wait3A_223 = tpu.memref_squeeze %dma_wait3A_222 : memref<1x80xi32, #tpu.memory_space<hbm>> -> memref<80xi32, #tpu.memory_space<hbm>>
      %dma_wait3A_224 = arith.constant 0 : i32
      %dma_wait3A_225 = tpu.memref_slice %arg2[%dma_wait3A_220, %dma_wait3A_224] : memref<2x320000xi32, #tpu.memory_space<hbm>> -> memref<1x80xi32, #tpu.memory_space<hbm>>
      %dma_wait3A_226 = tpu.memref_squeeze %dma_wait3A_225 : memref<1x80xi32, #tpu.memory_space<hbm>> -> memref<80xi32, #tpu.memory_space<hbm>>
      tpu.wait_dma2 semaphore(%arg45 : memref<!tpu.dma_semaphore, #tpu.memory_space<semaphore_mem>>) src(%dma_wait3A_226 : memref<80xi32, #tpu.memory_space<hbm>>) dst(%arg38 : memref<80xi32, #tpu.memory_space<vmem>>)
      %ge3A_227 = arith.constant 2 : i32
      %ge3A_228 = arith.cmpi sge, %add3A_212, %ge3A_227 : i32
      %convert_element_type3A_229 = arith.extui %ge3A_228 : i1 to i32
      %cond3A_230 = arith.constant 0 : i32
      %cond3A_231 = arith.cmpi ne, %convert_element_type3A_229, %cond3A_230 : i32
      scf.if %cond3A_231 {
        %dma_wait3A_351 = arith.constant 0 : i32
        %dma_wait3A_352 = arith.constant 0 : i32
        %dma_wait3A_353 = tpu.memref_slice %arg7[%dma_wait3A_351, %dma_wait3A_352] : memref<10000x128xf32, #tpu.memory_space<vmem_shared>> -> memref<10000x128xf32, #tpu.memory_space<vmem_shared>>
        tpu.wait_indirect_dma semaphore(%arg49 : memref<!tpu.dma_semaphore, #tpu.memory_space<semaphore_mem>>) src(%arg42 : memref<80x128xf32, #tpu.memory_space<vmem>>) dst(%dma_wait3A_353 : memref<10000x128xf32, #tpu.memory_space<vmem_shared>>)
        %dma_wait3A_354 = arith.constant 0 : i32
        %dma_wait3A_355 = arith.constant 0 : i32
        %dma_wait3A_356 = tpu.memref_slice %arg8[%dma_wait3A_354, %dma_wait3A_355] : memref<10000x16xf32, #tpu.memory_space<vmem_shared>> -> memref<10000x16xf32, #tpu.memory_space<vmem_shared>>
        tpu.wait_indirect_dma semaphore(%arg50 : memref<!tpu.dma_semaphore, #tpu.memory_space<semaphore_mem>>) src(%arg44 : memref<80x16xf32, #tpu.memory_space<vmem>>) dst(%dma_wait3A_356 : memref<10000x16xf32, #tpu.memory_space<vmem_shared>>)
      } else {
      }
      %scan3A_232 = arith.constant 0 : i32
      %scan3A_233 = arith.constant 0 : i32
      %scan3A_234 = arith.constant 5 : i32
      %scan3A_235 = arith.addi %scan3A_233, %scan3A_234 : i32
      %scan3A_236 = arith.constant 1 : i32
      scf.for %scan3A_351 = %scan3A_233 to %scan3A_235 step %scan3A_236  : i32 {
        %mul3A_352 = arith.constant 16 : i32
        %mul3A_353 = arith.muli %scan3A_351, %mul3A_352 : i32
        %get3A = arith.index_cast %mul3A_353 : i32 to index
        %get3A_354 = tpu.vector_load %arg37[%get3A] {strides = array<i32>} : memref<80xi32, #tpu.memory_space<vmem>>, vector<16xi32>,
        %get3A_355 = arith.index_cast %mul3A_353 : i32 to index
        %get3A_356 = tpu.vector_load %arg38[%get3A_355] {strides = array<i32>} : memref<80xi32, #tpu.memory_space<vmem>>, vector<16xi32>,
        %add3A_357 = vector.broadcast %mul3A_0 : i32 to vector<16xi32>
        %add3A_358 = arith.addi %get3A_354, %add3A_357 : vector<16xi32>
        %swap3A = arith.index_cast %mul3A_353 : i32 to index
        %swap3A_359 = tpu.vector_load %arg39[%swap3A] {strides = array<i32>} : memref<80xi32, #tpu.memory_space<vmem>>, vector<16xi32>,
        tpu.vector_store %arg39[%swap3A], %add3A_358 {strides = array<i32>} : memref<80xi32, #tpu.memory_space<vmem>>, vector<16xi32>,
        %add3A_360 = vector.broadcast %mul3A_0 : i32 to vector<16xi32>
        %add3A_361 = arith.addi %get3A_356, %add3A_360 : vector<16xi32>
        %swap3A_362 = arith.index_cast %mul3A_353 : i32 to index
        %swap3A_363 = tpu.vector_load %arg40[%swap3A_362] {strides = array<i32>} : memref<80xi32, #tpu.memory_space<vmem>>, vector<16xi32>,
        tpu.vector_store %arg40[%swap3A_362], %add3A_361 {strides = array<i32>} : memref<80xi32, #tpu.memory_space<vmem>>, vector<16xi32>,
        %swap3A_364 = arith.index_cast %mul3A_353 : i32 to index
        %swap3A_365 = tpu.vector_load %arg41[%swap3A_364] {strides = array<i32>} : memref<80xi32, #tpu.memory_space<vmem>>, vector<16xi32>,
        tpu.vector_store %arg41[%swap3A_364], %get3A_356 {strides = array<i32>} : memref<80xi32, #tpu.memory_space<vmem>>, vector<16xi32>,
      }
      %scan3A_237 = arith.constant 5 : i32
      %dma_start3A_238 = arith.constant 0 : i32
      %dma_start3A_239 = arith.constant 0 : i32
      %dma_start3A_240 = tpu.memref_slice %arg3[%dma_start3A_238, %dma_start3A_239] : memref<20000x128xf32, #tpu.memory_space<hbm>> -> memref<20000x128xf32, #tpu.memory_space<hbm>>
      tpu.enqueue_indirect_dma source(%dma_start3A_240 : memref<20000x128xf32, #tpu.memory_space<hbm>>) target(%arg42 : memref<80x128xf32, #tpu.memory_space<vmem>>) offsets(%arg39 : memref<80xi32, #tpu.memory_space<vmem>>) semaphore(%arg46 : memref<!tpu.dma_semaphore, #tpu.memory_space<semaphore_mem>>)
      %dma_start3A_241 = arith.constant 0 : i32
      %dma_start3A_242 = arith.constant 0 : i32
      %dma_start3A_243 = tpu.memref_slice %arg4[%dma_start3A_241, %dma_start3A_242] : memref<20000x16xf32, #tpu.memory_space<hbm>> -> memref<20000x16xf32, #tpu.memory_space<hbm>>
      tpu.enqueue_indirect_dma source(%dma_start3A_243 : memref<20000x16xf32, #tpu.memory_space<hbm>>) target(%arg43 : memref<80x16xf32, #tpu.memory_space<vmem>>) offsets(%arg39 : memref<80xi32, #tpu.memory_space<vmem>>) semaphore(%arg47 : memref<!tpu.dma_semaphore, #tpu.memory_space<semaphore_mem>>)
      %dma_start3A_244 = arith.constant 0 : i32
      %dma_start3A_245 = arith.constant 0 : i32
      %dma_start3A_246 = tpu.memref_slice %arg4[%dma_start3A_244, %dma_start3A_245] : memref<20000x16xf32, #tpu.memory_space<hbm>> -> memref<20000x16xf32, #tpu.memory_space<hbm>>
      tpu.enqueue_indirect_dma source(%dma_start3A_246 : memref<20000x16xf32, #tpu.memory_space<hbm>>) target(%arg44 : memref<80x16xf32, #tpu.memory_space<vmem>>) offsets(%arg40 : memref<80xi32, #tpu.memory_space<vmem>>) semaphore(%arg48 : memref<!tpu.dma_semaphore, #tpu.memory_space<semaphore_mem>>)
      %add3A_247 = arith.constant 2 : i32
      %add3A_248 = arith.addi %add3A_212, %add3A_247 : i32
      %lt3A_249 = arith.constant 250 : i32
      %lt3A_250 = arith.cmpi slt, %add3A_248, %lt3A_249 : i32
      %convert_element_type3A_251 = arith.extui %lt3A_250 : i1 to i32
      %cond3A_252 = arith.constant 0 : i32
      %cond3A_253 = arith.cmpi ne, %convert_element_type3A_251, %cond3A_252 : i32
      scf.if %cond3A_253 {
        %add3A_351 = arith.constant 2 : i32
        %add3A_352 = arith.addi %add3A_212, %add3A_351 : i32
        %mul3A_353 = arith.constant 80 : i32
        %mul3A_354 = arith.muli %add3A_352, %mul3A_353 : i32
        %add3A_355 = arith.addi %mul3A_24, %mul3A_354 : i32
        %dma_start3A_356 = arith.constant 0 : i32
        %dma_start3A_357 = tpu.memref_slice %arg2[%dma_start3A_356, %add3A_355] : memref<2x320000xi32, #tpu.memory_space<hbm>> -> memref<1x80xi32, #tpu.memory_space<hbm>>
        %dma_start3A_358 = tpu.memref_squeeze %dma_start3A_357 : memref<1x80xi32, #tpu.memory_space<hbm>> -> memref<80xi32, #tpu.memory_space<hbm>>
        %dma_start3A_359 = tpu.memref_slice %arg2[%dma_start3A_356, %add3A_355] : memref<2x320000xi32, #tpu.memory_space<hbm>> -> memref<1x80xi32, #tpu.memory_space<hbm>>
        %dma_start3A_360 = tpu.memref_squeeze %dma_start3A_359 : memref<1x80xi32, #tpu.memory_space<hbm>> -> memref<80xi32, #tpu.memory_space<hbm>>
        tpu.enqueue_dma source(%dma_start3A_360 : memref<80xi32, #tpu.memory_space<hbm>>) target(%arg9 : memref<80xi32, #tpu.memory_space<vmem>>) target_semaphore(%arg17 : memref<!tpu.dma_semaphore, #tpu.memory_space<semaphore_mem>>)
        %dma_start3A_361 = arith.constant 1 : i32
        %dma_start3A_362 = tpu.memref_slice %arg2[%dma_start3A_361, %add3A_355] : memref<2x320000xi32, #tpu.memory_space<hbm>> -> memref<1x80xi32, #tpu.memory_space<hbm>>
        %dma_start3A_363 = tpu.memref_squeeze %dma_start3A_362 : memref<1x80xi32, #tpu.memory_space<hbm>> -> memref<80xi32, #tpu.memory_space<hbm>>
        %dma_start3A_364 = tpu.memref_slice %arg2[%dma_start3A_361, %add3A_355] : memref<2x320000xi32, #tpu.memory_space<hbm>> -> memref<1x80xi32, #tpu.memory_space<hbm>>
        %dma_start3A_365 = tpu.memref_squeeze %dma_start3A_364 : memref<1x80xi32, #tpu.memory_space<hbm>> -> memref<80xi32, #tpu.memory_space<hbm>>
        tpu.enqueue_dma source(%dma_start3A_365 : memref<80xi32, #tpu.memory_space<hbm>>) target(%arg10 : memref<80xi32, #tpu.memory_space<vmem>>) target_semaphore(%arg17 : memref<!tpu.dma_semaphore, #tpu.memory_space<semaphore_mem>>)
      } else {
      }
      %dma_wait3A_254 = arith.constant 0 : i32
      %dma_wait3A_255 = arith.constant 0 : i32
      %dma_wait3A_256 = tpu.memref_slice %arg3[%dma_wait3A_254, %dma_wait3A_255] : memref<20000x128xf32, #tpu.memory_space<hbm>> -> memref<20000x128xf32, #tpu.memory_space<hbm>>
      tpu.wait_indirect_dma semaphore(%arg32 : memref<!tpu.dma_semaphore, #tpu.memory_space<semaphore_mem>>) src(%dma_wait3A_256 : memref<20000x128xf32, #tpu.memory_space<hbm>>) dst(%arg28 : memref<80x128xf32, #tpu.memory_space<vmem>>)
      %dma_wait3A_257 = arith.constant 0 : i32
      %dma_wait3A_258 = arith.constant 0 : i32
      %dma_wait3A_259 = tpu.memref_slice %arg4[%dma_wait3A_257, %dma_wait3A_258] : memref<20000x16xf32, #tpu.memory_space<hbm>> -> memref<20000x16xf32, #tpu.memory_space<hbm>>
      tpu.wait_indirect_dma semaphore(%arg33 : memref<!tpu.dma_semaphore, #tpu.memory_space<semaphore_mem>>) src(%dma_wait3A_259 : memref<20000x16xf32, #tpu.memory_space<hbm>>) dst(%arg29 : memref<80x16xf32, #tpu.memory_space<vmem>>)
      %dma_wait3A_260 = arith.constant 0 : i32
      %dma_wait3A_261 = arith.constant 0 : i32
      %dma_wait3A_262 = tpu.memref_slice %arg4[%dma_wait3A_260, %dma_wait3A_261] : memref<20000x16xf32, #tpu.memory_space<hbm>> -> memref<20000x16xf32, #tpu.memory_space<hbm>>
      tpu.wait_indirect_dma semaphore(%arg34 : memref<!tpu.dma_semaphore, #tpu.memory_space<semaphore_mem>>) src(%dma_wait3A_262 : memref<20000x16xf32, #tpu.memory_space<hbm>>) dst(%arg30 : memref<80x16xf32, #tpu.memory_space<vmem>>)
      %scan3A_263 = arith.constant 0 : i32
      %scan3A_264 = arith.constant 0 : i32
      %scan3A_265 = arith.constant 5 : i32
      %scan3A_266 = arith.addi %scan3A_264, %scan3A_265 : i32
      %scan3A_267 = arith.constant 1 : i32
      scf.for %scan3A_351 = %scan3A_264 to %scan3A_266 step %scan3A_267  : i32 {
        %mul3A_352 = arith.constant 16 : i32
        %mul3A_353 = arith.muli %scan3A_351, %mul3A_352 : i32
        %iota3A = tpu.iota {dimensions = array<i32: 0>} : vector<16xi32>
        %add3A_354 = vector.broadcast %mul3A_353 : i32 to vector<16xi32>
        %add3A_355 = arith.addi %add3A_354, %iota3A : vector<16xi32>
        %broadcast_in_dim3A = arith.constant 0 : i32
        %broadcast_in_dim3A_356 = vector.broadcast %broadcast_in_dim3A : i32 to vector<16xi32>
        %gather3A = tpu.vector_load_idx %arg29[%add3A_355, %broadcast_in_dim3A_356] : memref<80x16xf32, #tpu.memory_space<vmem>>[vector<16xi32>, vector<16xi32>], vector<16xf32>,
        %broadcast_in_dim3A_357 = arith.constant 8 : i32
        %broadcast_in_dim3A_358 = vector.broadcast %broadcast_in_dim3A_357 : i32 to vector<16xi32>
        %gather3A_359 = tpu.vector_load_idx %arg30[%add3A_355, %broadcast_in_dim3A_358] : memref<80x16xf32, #tpu.memory_space<vmem>>[vector<16xi32>, vector<16xi32>], vector<16xf32>,
        %add3A_360 = arith.addf %gather3A, %gather3A_359 : vector<16xf32>
        %broadcast_in_dim3A_361 = arith.constant 1 : i32
        %broadcast_in_dim3A_362 = vector.broadcast %broadcast_in_dim3A_361 : i32 to vector<16xi32>
        %gather3A_363 = tpu.vector_load_idx %arg29[%add3A_355, %broadcast_in_dim3A_362] : memref<80x16xf32, #tpu.memory_space<vmem>>[vector<16xi32>, vector<16xi32>], vector<16xf32>,
        %broadcast_in_dim3A_364 = arith.constant 9 : i32
        %broadcast_in_dim3A_365 = vector.broadcast %broadcast_in_dim3A_364 : i32 to vector<16xi32>
        %gather3A_366 = tpu.vector_load_idx %arg30[%add3A_355, %broadcast_in_dim3A_365] : memref<80x16xf32, #tpu.memory_space<vmem>>[vector<16xi32>, vector<16xi32>], vector<16xf32>,
        %add3A_367 = arith.addf %gather3A_363, %gather3A_366 : vector<16xf32>
        %broadcast_in_dim3A_368 = arith.constant 2 : i32
        %broadcast_in_dim3A_369 = vector.broadcast %broadcast_in_dim3A_368 : i32 to vector<16xi32>
        %gather3A_370 = tpu.vector_load_idx %arg29[%add3A_355, %broadcast_in_dim3A_369] : memref<80x16xf32, #tpu.memory_space<vmem>>[vector<16xi32>, vector<16xi32>], vector<16xf32>,
        %broadcast_in_dim3A_371 = arith.constant 10 : i32
        %broadcast_in_dim3A_372 = vector.broadcast %broadcast_in_dim3A_371 : i32 to vector<16xi32>
        %gather3A_373 = tpu.vector_load_idx %arg30[%add3A_355, %broadcast_in_dim3A_372] : memref<80x16xf32, #tpu.memory_space<vmem>>[vector<16xi32>, vector<16xi32>], vector<16xf32>,
        %add3A_374 = arith.addf %gather3A_370, %gather3A_373 : vector<16xf32>
        %broadcast_in_dim3A_375 = arith.constant 3 : i32
        %broadcast_in_dim3A_376 = vector.broadcast %broadcast_in_dim3A_375 : i32 to vector<16xi32>
        %gather3A_377 = tpu.vector_load_idx %arg29[%add3A_355, %broadcast_in_dim3A_376] : memref<80x16xf32, #tpu.memory_space<vmem>>[vector<16xi32>, vector<16xi32>], vector<16xf32>,
        %broadcast_in_dim3A_378 = arith.constant 11 : i32
        %broadcast_in_dim3A_379 = vector.broadcast %broadcast_in_dim3A_378 : i32 to vector<16xi32>
        %gather3A_380 = tpu.vector_load_idx %arg30[%add3A_355, %broadcast_in_dim3A_379] : memref<80x16xf32, #tpu.memory_space<vmem>>[vector<16xi32>, vector<16xi32>], vector<16xf32>,
        %add3A_381 = arith.addf %gather3A_377, %gather3A_380 : vector<16xf32>
        %broadcast_in_dim3A_382 = arith.constant 4 : i32
        %broadcast_in_dim3A_383 = vector.broadcast %broadcast_in_dim3A_382 : i32 to vector<16xi32>
        %gather3A_384 = tpu.vector_load_idx %arg29[%add3A_355, %broadcast_in_dim3A_383] : memref<80x16xf32, #tpu.memory_space<vmem>>[vector<16xi32>, vector<16xi32>], vector<16xf32>,
        %broadcast_in_dim3A_385 = arith.constant 12 : i32
        %broadcast_in_dim3A_386 = vector.broadcast %broadcast_in_dim3A_385 : i32 to vector<16xi32>
        %gather3A_387 = tpu.vector_load_idx %arg30[%add3A_355, %broadcast_in_dim3A_386] : memref<80x16xf32, #tpu.memory_space<vmem>>[vector<16xi32>, vector<16xi32>], vector<16xf32>,
        %add3A_388 = arith.addf %gather3A_384, %gather3A_387 : vector<16xf32>
        %broadcast_in_dim3A_389 = arith.constant 5 : i32
        %broadcast_in_dim3A_390 = vector.broadcast %broadcast_in_dim3A_389 : i32 to vector<16xi32>
        %gather3A_391 = tpu.vector_load_idx %arg29[%add3A_355, %broadcast_in_dim3A_390] : memref<80x16xf32, #tpu.memory_space<vmem>>[vector<16xi32>, vector<16xi32>], vector<16xf32>,
        %broadcast_in_dim3A_392 = arith.constant 13 : i32
        %broadcast_in_dim3A_393 = vector.broadcast %broadcast_in_dim3A_392 : i32 to vector<16xi32>
        %gather3A_394 = tpu.vector_load_idx %arg30[%add3A_355, %broadcast_in_dim3A_393] : memref<80x16xf32, #tpu.memory_space<vmem>>[vector<16xi32>, vector<16xi32>], vector<16xf32>,
        %add3A_395 = arith.addf %gather3A_391, %gather3A_394 : vector<16xf32>
        %broadcast_in_dim3A_396 = arith.constant 6 : i32
        %broadcast_in_dim3A_397 = vector.broadcast %broadcast_in_dim3A_396 : i32 to vector<16xi32>
        %gather3A_398 = tpu.vector_load_idx %arg29[%add3A_355, %broadcast_in_dim3A_397] : memref<80x16xf32, #tpu.memory_space<vmem>>[vector<16xi32>, vector<16xi32>], vector<16xf32>,
        %broadcast_in_dim3A_399 = arith.constant 14 : i32
        %broadcast_in_dim3A_400 = vector.broadcast %broadcast_in_dim3A_399 : i32 to vector<16xi32>
        %gather3A_401 = tpu.vector_load_idx %arg30[%add3A_355, %broadcast_in_dim3A_400] : memref<80x16xf32, #tpu.memory_space<vmem>>[vector<16xi32>, vector<16xi32>], vector<16xf32>,
        %add3A_402 = arith.addf %gather3A_398, %gather3A_401 : vector<16xf32>
        %broadcast_in_dim3A_403 = arith.constant 7 : i32
        %broadcast_in_dim3A_404 = vector.broadcast %broadcast_in_dim3A_403 : i32 to vector<16xi32>
        %gather3A_405 = tpu.vector_load_idx %arg29[%add3A_355, %broadcast_in_dim3A_404] : memref<80x16xf32, #tpu.memory_space<vmem>>[vector<16xi32>, vector<16xi32>], vector<16xf32>,
        %broadcast_in_dim3A_406 = arith.constant 15 : i32
        %broadcast_in_dim3A_407 = vector.broadcast %broadcast_in_dim3A_406 : i32 to vector<16xi32>
        %gather3A_408 = tpu.vector_load_idx %arg30[%add3A_355, %broadcast_in_dim3A_407] : memref<80x16xf32, #tpu.memory_space<vmem>>[vector<16xi32>, vector<16xi32>], vector<16xf32>,
        %add3A_409 = arith.addf %gather3A_405, %gather3A_408 : vector<16xf32>
        %mul3A_410 = arith.constant 2.000000e-01 : f32
        %mul3A_411 = vector.broadcast %mul3A_410 : f32 to vector<16xf32>
        %mul3A_412 = arith.mulf %mul3A_411, %add3A_360 : vector<16xf32>
        %max3A = arith.maximumf %add3A_360, %mul3A_412 : vector<16xf32>
        %mul3A_413 = arith.constant 1.44269502 : f32
        %mul3A_414 = vector.broadcast %mul3A_413 : f32 to vector<16xf32>
        %mul3A_415 = arith.mulf %max3A, %mul3A_414 : vector<16xf32>
        %convert_element_type3A_416 = arith.fptosi %mul3A_415 : vector<16xf32> to vector<16xi32>
        %convert_element_type3A_417 = arith.sitofp %convert_element_type3A_416 : vector<16xi32> to vector<16xf32>
        %lt3A_418 = arith.cmpf olt, %mul3A_415, %convert_element_type3A_417 : vector<16xf32>
        %jit3A = arith.constant 1 : i32
        %jit3A_419 = arith.constant 0 : i32
        %broadcast_in_dim3A_420 = vector.broadcast %jit3A : i32 to vector<16xi32>
        %broadcast_in_dim3A_421 = vector.broadcast %jit3A_419 : i32 to vector<16xi32>
        %select_n3A = arith.select %lt3A_418, %broadcast_in_dim3A_420, %broadcast_in_dim3A_421 : vector<16xi1>, vector<16xi32>
        %sub3A = arith.subi %convert_element_type3A_416, %select_n3A : vector<16xi32>
        %convert_element_type3A_422 = arith.sitofp %sub3A : vector<16xi32> to vector<16xf32>
        %sub3A_423 = arith.subf %mul3A_415, %convert_element_type3A_422 : vector<16xf32>
        %mul3A_424 = arith.constant 0.00189437938 : f32
        %mul3A_425 = vector.broadcast %mul3A_424 : f32 to vector<16xf32>
        %mul3A_426 = arith.mulf %mul3A_425, %sub3A_423 : vector<16xf32>
        %add3A_427 = arith.constant 0.00894058216 : f32
        %add3A_428 = vector.broadcast %add3A_427 : f32 to vector<16xf32>
        %add3A_429 = arith.addf %mul3A_426, %add3A_428 : vector<16xf32>
        %mul3A_430 = arith.mulf %add3A_429, %sub3A_423 : vector<16xf32>
        %add3A_431 = arith.constant 0.0558765568 : f32
        %add3A_432 = vector.broadcast %add3A_431 : f32 to vector<16xf32>
        %add3A_433 = arith.addf %mul3A_430, %add3A_432 : vector<16xf32>
        %mul3A_434 = arith.mulf %add3A_433, %sub3A_423 : vector<16xf32>
        %add3A_435 = arith.constant 0.240131691 : f32
        %add3A_436 = vector.broadcast %add3A_435 : f32 to vector<16xf32>
        %add3A_437 = arith.addf %mul3A_434, %add3A_436 : vector<16xf32>
        %mul3A_438 = arith.mulf %add3A_437, %sub3A_423 : vector<16xf32>
        %add3A_439 = arith.constant 0.693156778 : f32
        %add3A_440 = vector.broadcast %add3A_439 : f32 to vector<16xf32>
        %add3A_441 = arith.addf %mul3A_438, %add3A_440 : vector<16xf32>
        %mul3A_442 = arith.mulf %add3A_441, %sub3A_423 : vector<16xf32>
        %add3A_443 = arith.constant 0.999999761 : f32
        %add3A_444 = vector.broadcast %add3A_443 : f32 to vector<16xf32>
        %add3A_445 = arith.addf %mul3A_442, %add3A_444 : vector<16xf32>
        %add3A_446 = arith.constant 127 : i32
        %add3A_447 = vector.broadcast %add3A_446 : i32 to vector<16xi32>
        %add3A_448 = arith.addi %sub3A, %add3A_447 : vector<16xi32>
        %shift_left3A = arith.constant 23 : i32
        %shift_left3A_449 = vector.broadcast %shift_left3A : i32 to vector<16xi32>
        %shift_left3A_450 = arith.shli %add3A_448, %shift_left3A_449 : vector<16xi32>
        %bitcast_convert_type3A = tpu.bitcast %shift_left3A_450 : vector<16xi32> -> vector<16xf32>
        %mul3A_451 = arith.mulf %add3A_445, %bitcast_convert_type3A : vector<16xf32>
        %mul3A_452 = arith.constant 2.000000e-01 : f32
        %mul3A_453 = vector.broadcast %mul3A_452 : f32 to vector<16xf32>
        %mul3A_454 = arith.mulf %mul3A_453, %add3A_367 : vector<16xf32>
        %max3A_455 = arith.maximumf %add3A_367, %mul3A_454 : vector<16xf32>
        %mul3A_456 = arith.constant 1.44269502 : f32
        %mul3A_457 = vector.broadcast %mul3A_456 : f32 to vector<16xf32>
        %mul3A_458 = arith.mulf %max3A_455, %mul3A_457 : vector<16xf32>
        %convert_element_type3A_459 = arith.fptosi %mul3A_458 : vector<16xf32> to vector<16xi32>
        %convert_element_type3A_460 = arith.sitofp %convert_element_type3A_459 : vector<16xi32> to vector<16xf32>
        %lt3A_461 = arith.cmpf olt, %mul3A_458, %convert_element_type3A_460 : vector<16xf32>
        %jit3A_462 = arith.constant 1 : i32
        %jit3A_463 = arith.constant 0 : i32
        %broadcast_in_dim3A_464 = vector.broadcast %jit3A_462 : i32 to vector<16xi32>
        %broadcast_in_dim3A_465 = vector.broadcast %jit3A_463 : i32 to vector<16xi32>
        %select_n3A_466 = arith.select %lt3A_461, %broadcast_in_dim3A_464, %broadcast_in_dim3A_465 : vector<16xi1>, vector<16xi32>
        %sub3A_467 = arith.subi %convert_element_type3A_459, %select_n3A_466 : vector<16xi32>
        %convert_element_type3A_468 = arith.sitofp %sub3A_467 : vector<16xi32> to vector<16xf32>
        %sub3A_469 = arith.subf %mul3A_458, %convert_element_type3A_468 : vector<16xf32>
        %mul3A_470 = arith.constant 0.00189437938 : f32
        %mul3A_471 = vector.broadcast %mul3A_470 : f32 to vector<16xf32>
        %mul3A_472 = arith.mulf %mul3A_471, %sub3A_469 : vector<16xf32>
        %add3A_473 = arith.constant 0.00894058216 : f32
        %add3A_474 = vector.broadcast %add3A_473 : f32 to vector<16xf32>
        %add3A_475 = arith.addf %mul3A_472, %add3A_474 : vector<16xf32>
        %mul3A_476 = arith.mulf %add3A_475, %sub3A_469 : vector<16xf32>
        %add3A_477 = arith.constant 0.0558765568 : f32
        %add3A_478 = vector.broadcast %add3A_477 : f32 to vector<16xf32>
        %add3A_479 = arith.addf %mul3A_476, %add3A_478 : vector<16xf32>
        %mul3A_480 = arith.mulf %add3A_479, %sub3A_469 : vector<16xf32>
        %add3A_481 = arith.constant 0.240131691 : f32
        %add3A_482 = vector.broadcast %add3A_481 : f32 to vector<16xf32>
        %add3A_483 = arith.addf %mul3A_480, %add3A_482 : vector<16xf32>
        %mul3A_484 = arith.mulf %add3A_483, %sub3A_469 : vector<16xf32>
        %add3A_485 = arith.constant 0.693156778 : f32
        %add3A_486 = vector.broadcast %add3A_485 : f32 to vector<16xf32>
        %add3A_487 = arith.addf %mul3A_484, %add3A_486 : vector<16xf32>
        %mul3A_488 = arith.mulf %add3A_487, %sub3A_469 : vector<16xf32>
        %add3A_489 = arith.constant 0.999999761 : f32
        %add3A_490 = vector.broadcast %add3A_489 : f32 to vector<16xf32>
        %add3A_491 = arith.addf %mul3A_488, %add3A_490 : vector<16xf32>
        %add3A_492 = arith.constant 127 : i32
        %add3A_493 = vector.broadcast %add3A_492 : i32 to vector<16xi32>
        %add3A_494 = arith.addi %sub3A_467, %add3A_493 : vector<16xi32>
        %shift_left3A_495 = arith.constant 23 : i32
        %shift_left3A_496 = vector.broadcast %shift_left3A_495 : i32 to vector<16xi32>
        %shift_left3A_497 = arith.shli %add3A_494, %shift_left3A_496 : vector<16xi32>
        %bitcast_convert_type3A_498 = tpu.bitcast %shift_left3A_497 : vector<16xi32> -> vector<16xf32>
        %mul3A_499 = arith.mulf %add3A_491, %bitcast_convert_type3A_498 : vector<16xf32>
        %mul3A_500 = arith.constant 2.000000e-01 : f32
        %mul3A_501 = vector.broadcast %mul3A_500 : f32 to vector<16xf32>
        %mul3A_502 = arith.mulf %mul3A_501, %add3A_374 : vector<16xf32>
        %max3A_503 = arith.maximumf %add3A_374, %mul3A_502 : vector<16xf32>
        %mul3A_504 = arith.constant 1.44269502 : f32
        %mul3A_505 = vector.broadcast %mul3A_504 : f32 to vector<16xf32>
        %mul3A_506 = arith.mulf %max3A_503, %mul3A_505 : vector<16xf32>
        %convert_element_type3A_507 = arith.fptosi %mul3A_506 : vector<16xf32> to vector<16xi32>
        %convert_element_type3A_508 = arith.sitofp %convert_element_type3A_507 : vector<16xi32> to vector<16xf32>
        %lt3A_509 = arith.cmpf olt, %mul3A_506, %convert_element_type3A_508 : vector<16xf32>
        %jit3A_510 = arith.constant 1 : i32
        %jit3A_511 = arith.constant 0 : i32
        %broadcast_in_dim3A_512 = vector.broadcast %jit3A_510 : i32 to vector<16xi32>
        %broadcast_in_dim3A_513 = vector.broadcast %jit3A_511 : i32 to vector<16xi32>
        %select_n3A_514 = arith.select %lt3A_509, %broadcast_in_dim3A_512, %broadcast_in_dim3A_513 : vector<16xi1>, vector<16xi32>
        %sub3A_515 = arith.subi %convert_element_type3A_507, %select_n3A_514 : vector<16xi32>
        %convert_element_type3A_516 = arith.sitofp %sub3A_515 : vector<16xi32> to vector<16xf32>
        %sub3A_517 = arith.subf %mul3A_506, %convert_element_type3A_516 : vector<16xf32>
        %mul3A_518 = arith.constant 0.00189437938 : f32
        %mul3A_519 = vector.broadcast %mul3A_518 : f32 to vector<16xf32>
        %mul3A_520 = arith.mulf %mul3A_519, %sub3A_517 : vector<16xf32>
        %add3A_521 = arith.constant 0.00894058216 : f32
        %add3A_522 = vector.broadcast %add3A_521 : f32 to vector<16xf32>
        %add3A_523 = arith.addf %mul3A_520, %add3A_522 : vector<16xf32>
        %mul3A_524 = arith.mulf %add3A_523, %sub3A_517 : vector<16xf32>
        %add3A_525 = arith.constant 0.0558765568 : f32
        %add3A_526 = vector.broadcast %add3A_525 : f32 to vector<16xf32>
        %add3A_527 = arith.addf %mul3A_524, %add3A_526 : vector<16xf32>
        %mul3A_528 = arith.mulf %add3A_527, %sub3A_517 : vector<16xf32>
        %add3A_529 = arith.constant 0.240131691 : f32
        %add3A_530 = vector.broadcast %add3A_529 : f32 to vector<16xf32>
        %add3A_531 = arith.addf %mul3A_528, %add3A_530 : vector<16xf32>
        %mul3A_532 = arith.mulf %add3A_531, %sub3A_517 : vector<16xf32>
        %add3A_533 = arith.constant 0.693156778 : f32
        %add3A_534 = vector.broadcast %add3A_533 : f32 to vector<16xf32>
        %add3A_535 = arith.addf %mul3A_532, %add3A_534 : vector<16xf32>
        %mul3A_536 = arith.mulf %add3A_535, %sub3A_517 : vector<16xf32>
        %add3A_537 = arith.constant 0.999999761 : f32
        %add3A_538 = vector.broadcast %add3A_537 : f32 to vector<16xf32>
        %add3A_539 = arith.addf %mul3A_536, %add3A_538 : vector<16xf32>
        %add3A_540 = arith.constant 127 : i32
        %add3A_541 = vector.broadcast %add3A_540 : i32 to vector<16xi32>
        %add3A_542 = arith.addi %sub3A_515, %add3A_541 : vector<16xi32>
        %shift_left3A_543 = arith.constant 23 : i32
        %shift_left3A_544 = vector.broadcast %shift_left3A_543 : i32 to vector<16xi32>
        %shift_left3A_545 = arith.shli %add3A_542, %shift_left3A_544 : vector<16xi32>
        %bitcast_convert_type3A_546 = tpu.bitcast %shift_left3A_545 : vector<16xi32> -> vector<16xf32>
        %mul3A_547 = arith.mulf %add3A_539, %bitcast_convert_type3A_546 : vector<16xf32>
        %mul3A_548 = arith.constant 2.000000e-01 : f32
        %mul3A_549 = vector.broadcast %mul3A_548 : f32 to vector<16xf32>
        %mul3A_550 = arith.mulf %mul3A_549, %add3A_381 : vector<16xf32>
        %max3A_551 = arith.maximumf %add3A_381, %mul3A_550 : vector<16xf32>
        %mul3A_552 = arith.constant 1.44269502 : f32
        %mul3A_553 = vector.broadcast %mul3A_552 : f32 to vector<16xf32>
        %mul3A_554 = arith.mulf %max3A_551, %mul3A_553 : vector<16xf32>
        %convert_element_type3A_555 = arith.fptosi %mul3A_554 : vector<16xf32> to vector<16xi32>
        %convert_element_type3A_556 = arith.sitofp %convert_element_type3A_555 : vector<16xi32> to vector<16xf32>
        %lt3A_557 = arith.cmpf olt, %mul3A_554, %convert_element_type3A_556 : vector<16xf32>
        %jit3A_558 = arith.constant 1 : i32
        %jit3A_559 = arith.constant 0 : i32
        %broadcast_in_dim3A_560 = vector.broadcast %jit3A_558 : i32 to vector<16xi32>
        %broadcast_in_dim3A_561 = vector.broadcast %jit3A_559 : i32 to vector<16xi32>
        %select_n3A_562 = arith.select %lt3A_557, %broadcast_in_dim3A_560, %broadcast_in_dim3A_561 : vector<16xi1>, vector<16xi32>
        %sub3A_563 = arith.subi %convert_element_type3A_555, %select_n3A_562 : vector<16xi32>
        %convert_element_type3A_564 = arith.sitofp %sub3A_563 : vector<16xi32> to vector<16xf32>
        %sub3A_565 = arith.subf %mul3A_554, %convert_element_type3A_564 : vector<16xf32>
        %mul3A_566 = arith.constant 0.00189437938 : f32
        %mul3A_567 = vector.broadcast %mul3A_566 : f32 to vector<16xf32>
        %mul3A_568 = arith.mulf %mul3A_567, %sub3A_565 : vector<16xf32>
        %add3A_569 = arith.constant 0.00894058216 : f32
        %add3A_570 = vector.broadcast %add3A_569 : f32 to vector<16xf32>
        %add3A_571 = arith.addf %mul3A_568, %add3A_570 : vector<16xf32>
        %mul3A_572 = arith.mulf %add3A_571, %sub3A_565 : vector<16xf32>
        %add3A_573 = arith.constant 0.0558765568 : f32
        %add3A_574 = vector.broadcast %add3A_573 : f32 to vector<16xf32>
        %add3A_575 = arith.addf %mul3A_572, %add3A_574 : vector<16xf32>
        %mul3A_576 = arith.mulf %add3A_575, %sub3A_565 : vector<16xf32>
        %add3A_577 = arith.constant 0.240131691 : f32
        %add3A_578 = vector.broadcast %add3A_577 : f32 to vector<16xf32>
        %add3A_579 = arith.addf %mul3A_576, %add3A_578 : vector<16xf32>
        %mul3A_580 = arith.mulf %add3A_579, %sub3A_565 : vector<16xf32>
        %add3A_581 = arith.constant 0.693156778 : f32
        %add3A_582 = vector.broadcast %add3A_581 : f32 to vector<16xf32>
        %add3A_583 = arith.addf %mul3A_580, %add3A_582 : vector<16xf32>
        %mul3A_584 = arith.mulf %add3A_583, %sub3A_565 : vector<16xf32>
        %add3A_585 = arith.constant 0.999999761 : f32
        %add3A_586 = vector.broadcast %add3A_585 : f32 to vector<16xf32>
        %add3A_587 = arith.addf %mul3A_584, %add3A_586 : vector<16xf32>
        %add3A_588 = arith.constant 127 : i32
        %add3A_589 = vector.broadcast %add3A_588 : i32 to vector<16xi32>
        %add3A_590 = arith.addi %sub3A_563, %add3A_589 : vector<16xi32>
        %shift_left3A_591 = arith.constant 23 : i32
        %shift_left3A_592 = vector.broadcast %shift_left3A_591 : i32 to vector<16xi32>
        %shift_left3A_593 = arith.shli %add3A_590, %shift_left3A_592 : vector<16xi32>
        %bitcast_convert_type3A_594 = tpu.bitcast %shift_left3A_593 : vector<16xi32> -> vector<16xf32>
        %mul3A_595 = arith.mulf %add3A_587, %bitcast_convert_type3A_594 : vector<16xf32>
        %mul3A_596 = arith.constant 2.000000e-01 : f32
        %mul3A_597 = vector.broadcast %mul3A_596 : f32 to vector<16xf32>
        %mul3A_598 = arith.mulf %mul3A_597, %add3A_388 : vector<16xf32>
        %max3A_599 = arith.maximumf %add3A_388, %mul3A_598 : vector<16xf32>
        %mul3A_600 = arith.constant 1.44269502 : f32
        %mul3A_601 = vector.broadcast %mul3A_600 : f32 to vector<16xf32>
        %mul3A_602 = arith.mulf %max3A_599, %mul3A_601 : vector<16xf32>
        %convert_element_type3A_603 = arith.fptosi %mul3A_602 : vector<16xf32> to vector<16xi32>
        %convert_element_type3A_604 = arith.sitofp %convert_element_type3A_603 : vector<16xi32> to vector<16xf32>
        %lt3A_605 = arith.cmpf olt, %mul3A_602, %convert_element_type3A_604 : vector<16xf32>
        %jit3A_606 = arith.constant 1 : i32
        %jit3A_607 = arith.constant 0 : i32
        %broadcast_in_dim3A_608 = vector.broadcast %jit3A_606 : i32 to vector<16xi32>
        %broadcast_in_dim3A_609 = vector.broadcast %jit3A_607 : i32 to vector<16xi32>
        %select_n3A_610 = arith.select %lt3A_605, %broadcast_in_dim3A_608, %broadcast_in_dim3A_609 : vector<16xi1>, vector<16xi32>
        %sub3A_611 = arith.subi %convert_element_type3A_603, %select_n3A_610 : vector<16xi32>
        %convert_element_type3A_612 = arith.sitofp %sub3A_611 : vector<16xi32> to vector<16xf32>
        %sub3A_613 = arith.subf %mul3A_602, %convert_element_type3A_612 : vector<16xf32>
        %mul3A_614 = arith.constant 0.00189437938 : f32
        %mul3A_615 = vector.broadcast %mul3A_614 : f32 to vector<16xf32>
        %mul3A_616 = arith.mulf %mul3A_615, %sub3A_613 : vector<16xf32>
        %add3A_617 = arith.constant 0.00894058216 : f32
        %add3A_618 = vector.broadcast %add3A_617 : f32 to vector<16xf32>
        %add3A_619 = arith.addf %mul3A_616, %add3A_618 : vector<16xf32>
        %mul3A_620 = arith.mulf %add3A_619, %sub3A_613 : vector<16xf32>
        %add3A_621 = arith.constant 0.0558765568 : f32
        %add3A_622 = vector.broadcast %add3A_621 : f32 to vector<16xf32>
        %add3A_623 = arith.addf %mul3A_620, %add3A_622 : vector<16xf32>
        %mul3A_624 = arith.mulf %add3A_623, %sub3A_613 : vector<16xf32>
        %add3A_625 = arith.constant 0.240131691 : f32
        %add3A_626 = vector.broadcast %add3A_625 : f32 to vector<16xf32>
        %add3A_627 = arith.addf %mul3A_624, %add3A_626 : vector<16xf32>
        %mul3A_628 = arith.mulf %add3A_627, %sub3A_613 : vector<16xf32>
        %add3A_629 = arith.constant 0.693156778 : f32
        %add3A_630 = vector.broadcast %add3A_629 : f32 to vector<16xf32>
        %add3A_631 = arith.addf %mul3A_628, %add3A_630 : vector<16xf32>
        %mul3A_632 = arith.mulf %add3A_631, %sub3A_613 : vector<16xf32>
        %add3A_633 = arith.constant 0.999999761 : f32
        %add3A_634 = vector.broadcast %add3A_633 : f32 to vector<16xf32>
        %add3A_635 = arith.addf %mul3A_632, %add3A_634 : vector<16xf32>
        %add3A_636 = arith.constant 127 : i32
        %add3A_637 = vector.broadcast %add3A_636 : i32 to vector<16xi32>
        %add3A_638 = arith.addi %sub3A_611, %add3A_637 : vector<16xi32>
        %shift_left3A_639 = arith.constant 23 : i32
        %shift_left3A_640 = vector.broadcast %shift_left3A_639 : i32 to vector<16xi32>
        %shift_left3A_641 = arith.shli %add3A_638, %shift_left3A_640 : vector<16xi32>
        %bitcast_convert_type3A_642 = tpu.bitcast %shift_left3A_641 : vector<16xi32> -> vector<16xf32>
        %mul3A_643 = arith.mulf %add3A_635, %bitcast_convert_type3A_642 : vector<16xf32>
        %mul3A_644 = arith.constant 2.000000e-01 : f32
        %mul3A_645 = vector.broadcast %mul3A_644 : f32 to vector<16xf32>
        %mul3A_646 = arith.mulf %mul3A_645, %add3A_395 : vector<16xf32>
        %max3A_647 = arith.maximumf %add3A_395, %mul3A_646 : vector<16xf32>
        %mul3A_648 = arith.constant 1.44269502 : f32
        %mul3A_649 = vector.broadcast %mul3A_648 : f32 to vector<16xf32>
        %mul3A_650 = arith.mulf %max3A_647, %mul3A_649 : vector<16xf32>
        %convert_element_type3A_651 = arith.fptosi %mul3A_650 : vector<16xf32> to vector<16xi32>
        %convert_element_type3A_652 = arith.sitofp %convert_element_type3A_651 : vector<16xi32> to vector<16xf32>
        %lt3A_653 = arith.cmpf olt, %mul3A_650, %convert_element_type3A_652 : vector<16xf32>
        %jit3A_654 = arith.constant 1 : i32
        %jit3A_655 = arith.constant 0 : i32
        %broadcast_in_dim3A_656 = vector.broadcast %jit3A_654 : i32 to vector<16xi32>
        %broadcast_in_dim3A_657 = vector.broadcast %jit3A_655 : i32 to vector<16xi32>
        %select_n3A_658 = arith.select %lt3A_653, %broadcast_in_dim3A_656, %broadcast_in_dim3A_657 : vector<16xi1>, vector<16xi32>
        %sub3A_659 = arith.subi %convert_element_type3A_651, %select_n3A_658 : vector<16xi32>
        %convert_element_type3A_660 = arith.sitofp %sub3A_659 : vector<16xi32> to vector<16xf32>
        %sub3A_661 = arith.subf %mul3A_650, %convert_element_type3A_660 : vector<16xf32>
        %mul3A_662 = arith.constant 0.00189437938 : f32
        %mul3A_663 = vector.broadcast %mul3A_662 : f32 to vector<16xf32>
        %mul3A_664 = arith.mulf %mul3A_663, %sub3A_661 : vector<16xf32>
        %add3A_665 = arith.constant 0.00894058216 : f32
        %add3A_666 = vector.broadcast %add3A_665 : f32 to vector<16xf32>
        %add3A_667 = arith.addf %mul3A_664, %add3A_666 : vector<16xf32>
        %mul3A_668 = arith.mulf %add3A_667, %sub3A_661 : vector<16xf32>
        %add3A_669 = arith.constant 0.0558765568 : f32
        %add3A_670 = vector.broadcast %add3A_669 : f32 to vector<16xf32>
        %add3A_671 = arith.addf %mul3A_668, %add3A_670 : vector<16xf32>
        %mul3A_672 = arith.mulf %add3A_671, %sub3A_661 : vector<16xf32>
        %add3A_673 = arith.constant 0.240131691 : f32
        %add3A_674 = vector.broadcast %add3A_673 : f32 to vector<16xf32>
        %add3A_675 = arith.addf %mul3A_672, %add3A_674 : vector<16xf32>
        %mul3A_676 = arith.mulf %add3A_675, %sub3A_661 : vector<16xf32>
        %add3A_677 = arith.constant 0.693156778 : f32
        %add3A_678 = vector.broadcast %add3A_677 : f32 to vector<16xf32>
        %add3A_679 = arith.addf %mul3A_676, %add3A_678 : vector<16xf32>
        %mul3A_680 = arith.mulf %add3A_679, %sub3A_661 : vector<16xf32>
        %add3A_681 = arith.constant 0.999999761 : f32
        %add3A_682 = vector.broadcast %add3A_681 : f32 to vector<16xf32>
        %add3A_683 = arith.addf %mul3A_680, %add3A_682 : vector<16xf32>
        %add3A_684 = arith.constant 127 : i32
        %add3A_685 = vector.broadcast %add3A_684 : i32 to vector<16xi32>
        %add3A_686 = arith.addi %sub3A_659, %add3A_685 : vector<16xi32>
        %shift_left3A_687 = arith.constant 23 : i32
        %shift_left3A_688 = vector.broadcast %shift_left3A_687 : i32 to vector<16xi32>
        %shift_left3A_689 = arith.shli %add3A_686, %shift_left3A_688 : vector<16xi32>
        %bitcast_convert_type3A_690 = tpu.bitcast %shift_left3A_689 : vector<16xi32> -> vector<16xf32>
        %mul3A_691 = arith.mulf %add3A_683, %bitcast_convert_type3A_690 : vector<16xf32>
        %mul3A_692 = arith.constant 2.000000e-01 : f32
        %mul3A_693 = vector.broadcast %mul3A_692 : f32 to vector<16xf32>
        %mul3A_694 = arith.mulf %mul3A_693, %add3A_402 : vector<16xf32>
        %max3A_695 = arith.maximumf %add3A_402, %mul3A_694 : vector<16xf32>
        %mul3A_696 = arith.constant 1.44269502 : f32
        %mul3A_697 = vector.broadcast %mul3A_696 : f32 to vector<16xf32>
        %mul3A_698 = arith.mulf %max3A_695, %mul3A_697 : vector<16xf32>
        %convert_element_type3A_699 = arith.fptosi %mul3A_698 : vector<16xf32> to vector<16xi32>
        %convert_element_type3A_700 = arith.sitofp %convert_element_type3A_699 : vector<16xi32> to vector<16xf32>
        %lt3A_701 = arith.cmpf olt, %mul3A_698, %convert_element_type3A_700 : vector<16xf32>
        %jit3A_702 = arith.constant 1 : i32
        %jit3A_703 = arith.constant 0 : i32
        %broadcast_in_dim3A_704 = vector.broadcast %jit3A_702 : i32 to vector<16xi32>
        %broadcast_in_dim3A_705 = vector.broadcast %jit3A_703 : i32 to vector<16xi32>
        %select_n3A_706 = arith.select %lt3A_701, %broadcast_in_dim3A_704, %broadcast_in_dim3A_705 : vector<16xi1>, vector<16xi32>
        %sub3A_707 = arith.subi %convert_element_type3A_699, %select_n3A_706 : vector<16xi32>
        %convert_element_type3A_708 = arith.sitofp %sub3A_707 : vector<16xi32> to vector<16xf32>
        %sub3A_709 = arith.subf %mul3A_698, %convert_element_type3A_708 : vector<16xf32>
        %mul3A_710 = arith.constant 0.00189437938 : f32
        %mul3A_711 = vector.broadcast %mul3A_710 : f32 to vector<16xf32>
        %mul3A_712 = arith.mulf %mul3A_711, %sub3A_709 : vector<16xf32>
        %add3A_713 = arith.constant 0.00894058216 : f32
        %add3A_714 = vector.broadcast %add3A_713 : f32 to vector<16xf32>
        %add3A_715 = arith.addf %mul3A_712, %add3A_714 : vector<16xf32>
        %mul3A_716 = arith.mulf %add3A_715, %sub3A_709 : vector<16xf32>
        %add3A_717 = arith.constant 0.0558765568 : f32
        %add3A_718 = vector.broadcast %add3A_717 : f32 to vector<16xf32>
        %add3A_719 = arith.addf %mul3A_716, %add3A_718 : vector<16xf32>
        %mul3A_720 = arith.mulf %add3A_719, %sub3A_709 : vector<16xf32>
        %add3A_721 = arith.constant 0.240131691 : f32
        %add3A_722 = vector.broadcast %add3A_721 : f32 to vector<16xf32>
        %add3A_723 = arith.addf %mul3A_720, %add3A_722 : vector<16xf32>
        %mul3A_724 = arith.mulf %add3A_723, %sub3A_709 : vector<16xf32>
        %add3A_725 = arith.constant 0.693156778 : f32
        %add3A_726 = vector.broadcast %add3A_725 : f32 to vector<16xf32>
        %add3A_727 = arith.addf %mul3A_724, %add3A_726 : vector<16xf32>
        %mul3A_728 = arith.mulf %add3A_727, %sub3A_709 : vector<16xf32>
        %add3A_729 = arith.constant 0.999999761 : f32
        %add3A_730 = vector.broadcast %add3A_729 : f32 to vector<16xf32>
        %add3A_731 = arith.addf %mul3A_728, %add3A_730 : vector<16xf32>
        %add3A_732 = arith.constant 127 : i32
        %add3A_733 = vector.broadcast %add3A_732 : i32 to vector<16xi32>
        %add3A_734 = arith.addi %sub3A_707, %add3A_733 : vector<16xi32>
        %shift_left3A_735 = arith.constant 23 : i32
        %shift_left3A_736 = vector.broadcast %shift_left3A_735 : i32 to vector<16xi32>
        %shift_left3A_737 = arith.shli %add3A_734, %shift_left3A_736 : vector<16xi32>
        %bitcast_convert_type3A_738 = tpu.bitcast %shift_left3A_737 : vector<16xi32> -> vector<16xf32>
        %mul3A_739 = arith.mulf %add3A_731, %bitcast_convert_type3A_738 : vector<16xf32>
        %mul3A_740 = arith.constant 2.000000e-01 : f32
        %mul3A_741 = vector.broadcast %mul3A_740 : f32 to vector<16xf32>
        %mul3A_742 = arith.mulf %mul3A_741, %add3A_409 : vector<16xf32>
        %max3A_743 = arith.maximumf %add3A_409, %mul3A_742 : vector<16xf32>
        %mul3A_744 = arith.constant 1.44269502 : f32
        %mul3A_745 = vector.broadcast %mul3A_744 : f32 to vector<16xf32>
        %mul3A_746 = arith.mulf %max3A_743, %mul3A_745 : vector<16xf32>
        %convert_element_type3A_747 = arith.fptosi %mul3A_746 : vector<16xf32> to vector<16xi32>
        %convert_element_type3A_748 = arith.sitofp %convert_element_type3A_747 : vector<16xi32> to vector<16xf32>
        %lt3A_749 = arith.cmpf olt, %mul3A_746, %convert_element_type3A_748 : vector<16xf32>
        %jit3A_750 = arith.constant 1 : i32
        %jit3A_751 = arith.constant 0 : i32
        %broadcast_in_dim3A_752 = vector.broadcast %jit3A_750 : i32 to vector<16xi32>
        %broadcast_in_dim3A_753 = vector.broadcast %jit3A_751 : i32 to vector<16xi32>
        %select_n3A_754 = arith.select %lt3A_749, %broadcast_in_dim3A_752, %broadcast_in_dim3A_753 : vector<16xi1>, vector<16xi32>
        %sub3A_755 = arith.subi %convert_element_type3A_747, %select_n3A_754 : vector<16xi32>
        %convert_element_type3A_756 = arith.sitofp %sub3A_755 : vector<16xi32> to vector<16xf32>
        %sub3A_757 = arith.subf %mul3A_746, %convert_element_type3A_756 : vector<16xf32>
        %mul3A_758 = arith.constant 0.00189437938 : f32
        %mul3A_759 = vector.broadcast %mul3A_758 : f32 to vector<16xf32>
        %mul3A_760 = arith.mulf %mul3A_759, %sub3A_757 : vector<16xf32>
        %add3A_761 = arith.constant 0.00894058216 : f32
        %add3A_762 = vector.broadcast %add3A_761 : f32 to vector<16xf32>
        %add3A_763 = arith.addf %mul3A_760, %add3A_762 : vector<16xf32>
        %mul3A_764 = arith.mulf %add3A_763, %sub3A_757 : vector<16xf32>
        %add3A_765 = arith.constant 0.0558765568 : f32
        %add3A_766 = vector.broadcast %add3A_765 : f32 to vector<16xf32>
        %add3A_767 = arith.addf %mul3A_764, %add3A_766 : vector<16xf32>
        %mul3A_768 = arith.mulf %add3A_767, %sub3A_757 : vector<16xf32>
        %add3A_769 = arith.constant 0.240131691 : f32
        %add3A_770 = vector.broadcast %add3A_769 : f32 to vector<16xf32>
        %add3A_771 = arith.addf %mul3A_768, %add3A_770 : vector<16xf32>
        %mul3A_772 = arith.mulf %add3A_771, %sub3A_757 : vector<16xf32>
        %add3A_773 = arith.constant 0.693156778 : f32
        %add3A_774 = vector.broadcast %add3A_773 : f32 to vector<16xf32>
        %add3A_775 = arith.addf %mul3A_772, %add3A_774 : vector<16xf32>
        %mul3A_776 = arith.mulf %add3A_775, %sub3A_757 : vector<16xf32>
        %add3A_777 = arith.constant 0.999999761 : f32
        %add3A_778 = vector.broadcast %add3A_777 : f32 to vector<16xf32>
        %add3A_779 = arith.addf %mul3A_776, %add3A_778 : vector<16xf32>
        %add3A_780 = arith.constant 127 : i32
        %add3A_781 = vector.broadcast %add3A_780 : i32 to vector<16xi32>
        %add3A_782 = arith.addi %sub3A_755, %add3A_781 : vector<16xi32>
        %shift_left3A_783 = arith.constant 23 : i32
        %shift_left3A_784 = vector.broadcast %shift_left3A_783 : i32 to vector<16xi32>
        %shift_left3A_785 = arith.shli %add3A_782, %shift_left3A_784 : vector<16xi32>
        %bitcast_convert_type3A_786 = tpu.bitcast %shift_left3A_785 : vector<16xi32> -> vector<16xf32>
        %mul3A_787 = arith.mulf %add3A_779, %bitcast_convert_type3A_786 : vector<16xf32>
        %broadcast_in_dim3A_788 = arith.constant 0 : i32
        %broadcast_in_dim3A_789 = vector.broadcast %broadcast_in_dim3A_788 : i32 to vector<16xi32>
        tpu.vector_store_idx %arg30[%add3A_355, %broadcast_in_dim3A_789], %mul3A_451 : memref<80x16xf32, #tpu.memory_space<vmem>>[vector<16xi32>, vector<16xi32>], vector<16xf32>,
        %broadcast_in_dim3A_790 = arith.constant 1 : i32
        %broadcast_in_dim3A_791 = vector.broadcast %broadcast_in_dim3A_790 : i32 to vector<16xi32>
        tpu.vector_store_idx %arg30[%add3A_355, %broadcast_in_dim3A_791], %mul3A_499 : memref<80x16xf32, #tpu.memory_space<vmem>>[vector<16xi32>, vector<16xi32>], vector<16xf32>,
        %broadcast_in_dim3A_792 = arith.constant 2 : i32
        %broadcast_in_dim3A_793 = vector.broadcast %broadcast_in_dim3A_792 : i32 to vector<16xi32>
        tpu.vector_store_idx %arg30[%add3A_355, %broadcast_in_dim3A_793], %mul3A_547 : memref<80x16xf32, #tpu.memory_space<vmem>>[vector<16xi32>, vector<16xi32>], vector<16xf32>,
        %broadcast_in_dim3A_794 = arith.constant 3 : i32
        %broadcast_in_dim3A_795 = vector.broadcast %broadcast_in_dim3A_794 : i32 to vector<16xi32>
        tpu.vector_store_idx %arg30[%add3A_355, %broadcast_in_dim3A_795], %mul3A_595 : memref<80x16xf32, #tpu.memory_space<vmem>>[vector<16xi32>, vector<16xi32>], vector<16xf32>,
        %broadcast_in_dim3A_796 = arith.constant 4 : i32
        %broadcast_in_dim3A_797 = vector.broadcast %broadcast_in_dim3A_796 : i32 to vector<16xi32>
        tpu.vector_store_idx %arg30[%add3A_355, %broadcast_in_dim3A_797], %mul3A_643 : memref<80x16xf32, #tpu.memory_space<vmem>>[vector<16xi32>, vector<16xi32>], vector<16xf32>,
        %broadcast_in_dim3A_798 = arith.constant 5 : i32
        %broadcast_in_dim3A_799 = vector.broadcast %broadcast_in_dim3A_798 : i32 to vector<16xi32>
        tpu.vector_store_idx %arg30[%add3A_355, %broadcast_in_dim3A_799], %mul3A_691 : memref<80x16xf32, #tpu.memory_space<vmem>>[vector<16xi32>, vector<16xi32>], vector<16xf32>,
        %broadcast_in_dim3A_800 = arith.constant 6 : i32
        %broadcast_in_dim3A_801 = vector.broadcast %broadcast_in_dim3A_800 : i32 to vector<16xi32>
        tpu.vector_store_idx %arg30[%add3A_355, %broadcast_in_dim3A_801], %mul3A_739 : memref<80x16xf32, #tpu.memory_space<vmem>>[vector<16xi32>, vector<16xi32>], vector<16xf32>,
        %broadcast_in_dim3A_802 = arith.constant 7 : i32
        %broadcast_in_dim3A_803 = vector.broadcast %broadcast_in_dim3A_802 : i32 to vector<16xi32>
        tpu.vector_store_idx %arg30[%add3A_355, %broadcast_in_dim3A_803], %mul3A_787 : memref<80x16xf32, #tpu.memory_space<vmem>>[vector<16xi32>, vector<16xi32>], vector<16xf32>,
      }
      %scan3A_268 = arith.constant 5 : i32
      %scan3A_269 = arith.constant 0 : i32
      %scan3A_270 = arith.constant 0 : i32
      %scan3A_271 = arith.constant 80 : i32
      %scan3A_272 = arith.addi %scan3A_270, %scan3A_271 : i32
      %scan3A_273 = arith.constant 2 : i32
      scf.for %scan3A_351 = %scan3A_270 to %scan3A_272 step %scan3A_273  : i32 {
        %get3A = arith.index_cast %scan3A_351 : i32 to index
        %get3A_352 = arith.constant 0 : index
        %get3A_353 = tpu.vector_load %arg30[%get3A, %get3A_352] {strides = array<i32>} : memref<80x16xf32, #tpu.memory_space<vmem>>, vector<16xf32>,
        %get3A_354 = arith.index_cast %scan3A_351 : i32 to index
        %get3A_355 = arith.constant 0 : index
        %get3A_356 = tpu.vector_load %arg28[%get3A_354, %get3A_355] {strides = array<i32>} : memref<80x128xf32, #tpu.memory_space<vmem>>, vector<16xf32>,
        %slice3A = vector.extract_strided_slice %get3A_353 {offsets = [0], sizes = [1], strides = [1]} : vector<16xf32> to vector<1xf32>
        %squeeze3A = vector.extract %slice3A[0] : f32 from vector<1xf32>
        %mul3A_357 = vector.broadcast %squeeze3A : f32 to vector<16xf32>
        %mul3A_358 = arith.mulf %get3A_356, %mul3A_357 : vector<16xf32>
        %swap3A = arith.index_cast %scan3A_351 : i32 to index
        %swap3A_359 = arith.constant 0 : index
        %swap3A_360 = tpu.vector_load %arg28[%swap3A, %swap3A_359] {strides = array<i32>} : memref<80x128xf32, #tpu.memory_space<vmem>>, vector<16xf32>,
        tpu.vector_store %arg28[%swap3A, %swap3A_359], %mul3A_358 {strides = array<i32>} : memref<80x128xf32, #tpu.memory_space<vmem>>, vector<16xf32>,
        %get3A_361 = arith.index_cast %scan3A_351 : i32 to index
        %get3A_362 = arith.constant 16 : index
        %get3A_363 = tpu.vector_load %arg28[%get3A_361, %get3A_362] {strides = array<i32>} : memref<80x128xf32, #tpu.memory_space<vmem>>, vector<16xf32>,
        %slice3A_364 = vector.extract_strided_slice %get3A_353 {offsets = [1], sizes = [1], strides = [1]} : vector<16xf32> to vector<1xf32>
        %squeeze3A_365 = vector.extract %slice3A_364[0] : f32 from vector<1xf32>
        %mul3A_366 = vector.broadcast %squeeze3A_365 : f32 to vector<16xf32>
        %mul3A_367 = arith.mulf %get3A_363, %mul3A_366 : vector<16xf32>
        %swap3A_368 = arith.index_cast %scan3A_351 : i32 to index
        %swap3A_369 = arith.constant 16 : index
        %swap3A_370 = tpu.vector_load %arg28[%swap3A_368, %swap3A_369] {strides = array<i32>} : memref<80x128xf32, #tpu.memory_space<vmem>>, vector<16xf32>,
        tpu.vector_store %arg28[%swap3A_368, %swap3A_369], %mul3A_367 {strides = array<i32>} : memref<80x128xf32, #tpu.memory_space<vmem>>, vector<16xf32>,
        %get3A_371 = arith.index_cast %scan3A_351 : i32 to index
        %get3A_372 = arith.constant 32 : index
        %get3A_373 = tpu.vector_load %arg28[%get3A_371, %get3A_372] {strides = array<i32>} : memref<80x128xf32, #tpu.memory_space<vmem>>, vector<16xf32>,
        %slice3A_374 = vector.extract_strided_slice %get3A_353 {offsets = [2], sizes = [1], strides = [1]} : vector<16xf32> to vector<1xf32>
        %squeeze3A_375 = vector.extract %slice3A_374[0] : f32 from vector<1xf32>
        %mul3A_376 = vector.broadcast %squeeze3A_375 : f32 to vector<16xf32>
        %mul3A_377 = arith.mulf %get3A_373, %mul3A_376 : vector<16xf32>
        %swap3A_378 = arith.index_cast %scan3A_351 : i32 to index
        %swap3A_379 = arith.constant 32 : index
        %swap3A_380 = tpu.vector_load %arg28[%swap3A_378, %swap3A_379] {strides = array<i32>} : memref<80x128xf32, #tpu.memory_space<vmem>>, vector<16xf32>,
        tpu.vector_store %arg28[%swap3A_378, %swap3A_379], %mul3A_377 {strides = array<i32>} : memref<80x128xf32, #tpu.memory_space<vmem>>, vector<16xf32>,
        %get3A_381 = arith.index_cast %scan3A_351 : i32 to index
        %get3A_382 = arith.constant 48 : index
        %get3A_383 = tpu.vector_load %arg28[%get3A_381, %get3A_382] {strides = array<i32>} : memref<80x128xf32, #tpu.memory_space<vmem>>, vector<16xf32>,
        %slice3A_384 = vector.extract_strided_slice %get3A_353 {offsets = [3], sizes = [1], strides = [1]} : vector<16xf32> to vector<1xf32>
        %squeeze3A_385 = vector.extract %slice3A_384[0] : f32 from vector<1xf32>
        %mul3A_386 = vector.broadcast %squeeze3A_385 : f32 to vector<16xf32>
        %mul3A_387 = arith.mulf %get3A_383, %mul3A_386 : vector<16xf32>
        %swap3A_388 = arith.index_cast %scan3A_351 : i32 to index
        %swap3A_389 = arith.constant 48 : index
        %swap3A_390 = tpu.vector_load %arg28[%swap3A_388, %swap3A_389] {strides = array<i32>} : memref<80x128xf32, #tpu.memory_space<vmem>>, vector<16xf32>,
        tpu.vector_store %arg28[%swap3A_388, %swap3A_389], %mul3A_387 {strides = array<i32>} : memref<80x128xf32, #tpu.memory_space<vmem>>, vector<16xf32>,
        %get3A_391 = arith.index_cast %scan3A_351 : i32 to index
        %get3A_392 = arith.constant 64 : index
        %get3A_393 = tpu.vector_load %arg28[%get3A_391, %get3A_392] {strides = array<i32>} : memref<80x128xf32, #tpu.memory_space<vmem>>, vector<16xf32>,
        %slice3A_394 = vector.extract_strided_slice %get3A_353 {offsets = [4], sizes = [1], strides = [1]} : vector<16xf32> to vector<1xf32>
        %squeeze3A_395 = vector.extract %slice3A_394[0] : f32 from vector<1xf32>
        %mul3A_396 = vector.broadcast %squeeze3A_395 : f32 to vector<16xf32>
        %mul3A_397 = arith.mulf %get3A_393, %mul3A_396 : vector<16xf32>
        %swap3A_398 = arith.index_cast %scan3A_351 : i32 to index
        %swap3A_399 = arith.constant 64 : index
        %swap3A_400 = tpu.vector_load %arg28[%swap3A_398, %swap3A_399] {strides = array<i32>} : memref<80x128xf32, #tpu.memory_space<vmem>>, vector<16xf32>,
        tpu.vector_store %arg28[%swap3A_398, %swap3A_399], %mul3A_397 {strides = array<i32>} : memref<80x128xf32, #tpu.memory_space<vmem>>, vector<16xf32>,
        %get3A_401 = arith.index_cast %scan3A_351 : i32 to index
        %get3A_402 = arith.constant 80 : index
        %get3A_403 = tpu.vector_load %arg28[%get3A_401, %get3A_402] {strides = array<i32>} : memref<80x128xf32, #tpu.memory_space<vmem>>, vector<16xf32>,
        %slice3A_404 = vector.extract_strided_slice %get3A_353 {offsets = [5], sizes = [1], strides = [1]} : vector<16xf32> to vector<1xf32>
        %squeeze3A_405 = vector.extract %slice3A_404[0] : f32 from vector<1xf32>
        %mul3A_406 = vector.broadcast %squeeze3A_405 : f32 to vector<16xf32>
        %mul3A_407 = arith.mulf %get3A_403, %mul3A_406 : vector<16xf32>
        %swap3A_408 = arith.index_cast %scan3A_351 : i32 to index
        %swap3A_409 = arith.constant 80 : index
        %swap3A_410 = tpu.vector_load %arg28[%swap3A_408, %swap3A_409] {strides = array<i32>} : memref<80x128xf32, #tpu.memory_space<vmem>>, vector<16xf32>,
        tpu.vector_store %arg28[%swap3A_408, %swap3A_409], %mul3A_407 {strides = array<i32>} : memref<80x128xf32, #tpu.memory_space<vmem>>, vector<16xf32>,
        %get3A_411 = arith.index_cast %scan3A_351 : i32 to index
        %get3A_412 = arith.constant 96 : index
        %get3A_413 = tpu.vector_load %arg28[%get3A_411, %get3A_412] {strides = array<i32>} : memref<80x128xf32, #tpu.memory_space<vmem>>, vector<16xf32>,
        %slice3A_414 = vector.extract_strided_slice %get3A_353 {offsets = [6], sizes = [1], strides = [1]} : vector<16xf32> to vector<1xf32>
        %squeeze3A_415 = vector.extract %slice3A_414[0] : f32 from vector<1xf32>
        %mul3A_416 = vector.broadcast %squeeze3A_415 : f32 to vector<16xf32>
        %mul3A_417 = arith.mulf %get3A_413, %mul3A_416 : vector<16xf32>
        %swap3A_418 = arith.index_cast %scan3A_351 : i32 to index
        %swap3A_419 = arith.constant 96 : index
        %swap3A_420 = tpu.vector_load %arg28[%swap3A_418, %swap3A_419] {strides = array<i32>} : memref<80x128xf32, #tpu.memory_space<vmem>>, vector<16xf32>,
        tpu.vector_store %arg28[%swap3A_418, %swap3A_419], %mul3A_417 {strides = array<i32>} : memref<80x128xf32, #tpu.memory_space<vmem>>, vector<16xf32>,
        %get3A_421 = arith.index_cast %scan3A_351 : i32 to index
        %get3A_422 = arith.constant 112 : index
        %get3A_423 = tpu.vector_load %arg28[%get3A_421, %get3A_422] {strides = array<i32>} : memref<80x128xf32, #tpu.memory_space<vmem>>, vector<16xf32>,
        %slice3A_424 = vector.extract_strided_slice %get3A_353 {offsets = [7], sizes = [1], strides = [1]} : vector<16xf32> to vector<1xf32>
        %squeeze3A_425 = vector.extract %slice3A_424[0] : f32 from vector<1xf32>
        %mul3A_426 = vector.broadcast %squeeze3A_425 : f32 to vector<16xf32>
        %mul3A_427 = arith.mulf %get3A_423, %mul3A_426 : vector<16xf32>
        %swap3A_428 = arith.index_cast %scan3A_351 : i32 to index
        %swap3A_429 = arith.constant 112 : index
        %swap3A_430 = tpu.vector_load %arg28[%swap3A_428, %swap3A_429] {strides = array<i32>} : memref<80x128xf32, #tpu.memory_space<vmem>>, vector<16xf32>,
        tpu.vector_store %arg28[%swap3A_428, %swap3A_429], %mul3A_427 {strides = array<i32>} : memref<80x128xf32, #tpu.memory_space<vmem>>, vector<16xf32>,
        %scan3A_431 = arith.constant 1 : i32
        %scan3A_432 = arith.addi %scan3A_351, %scan3A_431 : i32
        %get3A_433 = arith.index_cast %scan3A_432 : i32 to index
        %get3A_434 = arith.constant 0 : index
        %get3A_435 = tpu.vector_load %arg30[%get3A_433, %get3A_434] {strides = array<i32>} : memref<80x16xf32, #tpu.memory_space<vmem>>, vector<16xf32>,
        %get3A_436 = arith.index_cast %scan3A_432 : i32 to index
        %get3A_437 = arith.constant 0 : index
        %get3A_438 = tpu.vector_load %arg28[%get3A_436, %get3A_437] {strides = array<i32>} : memref<80x128xf32, #tpu.memory_space<vmem>>, vector<16xf32>,
        %slice3A_439 = vector.extract_strided_slice %get3A_435 {offsets = [0], sizes = [1], strides = [1]} : vector<16xf32> to vector<1xf32>
        %squeeze3A_440 = vector.extract %slice3A_439[0] : f32 from vector<1xf32>
        %mul3A_441 = vector.broadcast %squeeze3A_440 : f32 to vector<16xf32>
        %mul3A_442 = arith.mulf %get3A_438, %mul3A_441 : vector<16xf32>
        %swap3A_443 = arith.index_cast %scan3A_432 : i32 to index
        %swap3A_444 = arith.constant 0 : index
        %swap3A_445 = tpu.vector_load %arg28[%swap3A_443, %swap3A_444] {strides = array<i32>} : memref<80x128xf32, #tpu.memory_space<vmem>>, vector<16xf32>,
        tpu.vector_store %arg28[%swap3A_443, %swap3A_444], %mul3A_442 {strides = array<i32>} : memref<80x128xf32, #tpu.memory_space<vmem>>, vector<16xf32>,
        %get3A_446 = arith.index_cast %scan3A_432 : i32 to index
        %get3A_447 = arith.constant 16 : index
        %get3A_448 = tpu.vector_load %arg28[%get3A_446, %get3A_447] {strides = array<i32>} : memref<80x128xf32, #tpu.memory_space<vmem>>, vector<16xf32>,
        %slice3A_449 = vector.extract_strided_slice %get3A_435 {offsets = [1], sizes = [1], strides = [1]} : vector<16xf32> to vector<1xf32>
        %squeeze3A_450 = vector.extract %slice3A_449[0] : f32 from vector<1xf32>
        %mul3A_451 = vector.broadcast %squeeze3A_450 : f32 to vector<16xf32>
        %mul3A_452 = arith.mulf %get3A_448, %mul3A_451 : vector<16xf32>
        %swap3A_453 = arith.index_cast %scan3A_432 : i32 to index
        %swap3A_454 = arith.constant 16 : index
        %swap3A_455 = tpu.vector_load %arg28[%swap3A_453, %swap3A_454] {strides = array<i32>} : memref<80x128xf32, #tpu.memory_space<vmem>>, vector<16xf32>,
        tpu.vector_store %arg28[%swap3A_453, %swap3A_454], %mul3A_452 {strides = array<i32>} : memref<80x128xf32, #tpu.memory_space<vmem>>, vector<16xf32>,
        %get3A_456 = arith.index_cast %scan3A_432 : i32 to index
        %get3A_457 = arith.constant 32 : index
        %get3A_458 = tpu.vector_load %arg28[%get3A_456, %get3A_457] {strides = array<i32>} : memref<80x128xf32, #tpu.memory_space<vmem>>, vector<16xf32>,
        %slice3A_459 = vector.extract_strided_slice %get3A_435 {offsets = [2], sizes = [1], strides = [1]} : vector<16xf32> to vector<1xf32>
        %squeeze3A_460 = vector.extract %slice3A_459[0] : f32 from vector<1xf32>
        %mul3A_461 = vector.broadcast %squeeze3A_460 : f32 to vector<16xf32>
        %mul3A_462 = arith.mulf %get3A_458, %mul3A_461 : vector<16xf32>
        %swap3A_463 = arith.index_cast %scan3A_432 : i32 to index
        %swap3A_464 = arith.constant 32 : index
        %swap3A_465 = tpu.vector_load %arg28[%swap3A_463, %swap3A_464] {strides = array<i32>} : memref<80x128xf32, #tpu.memory_space<vmem>>, vector<16xf32>,
        tpu.vector_store %arg28[%swap3A_463, %swap3A_464], %mul3A_462 {strides = array<i32>} : memref<80x128xf32, #tpu.memory_space<vmem>>, vector<16xf32>,
        %get3A_466 = arith.index_cast %scan3A_432 : i32 to index
        %get3A_467 = arith.constant 48 : index
        %get3A_468 = tpu.vector_load %arg28[%get3A_466, %get3A_467] {strides = array<i32>} : memref<80x128xf32, #tpu.memory_space<vmem>>, vector<16xf32>,
        %slice3A_469 = vector.extract_strided_slice %get3A_435 {offsets = [3], sizes = [1], strides = [1]} : vector<16xf32> to vector<1xf32>
        %squeeze3A_470 = vector.extract %slice3A_469[0] : f32 from vector<1xf32>
        %mul3A_471 = vector.broadcast %squeeze3A_470 : f32 to vector<16xf32>
        %mul3A_472 = arith.mulf %get3A_468, %mul3A_471 : vector<16xf32>
        %swap3A_473 = arith.index_cast %scan3A_432 : i32 to index
        %swap3A_474 = arith.constant 48 : index
        %swap3A_475 = tpu.vector_load %arg28[%swap3A_473, %swap3A_474] {strides = array<i32>} : memref<80x128xf32, #tpu.memory_space<vmem>>, vector<16xf32>,
        tpu.vector_store %arg28[%swap3A_473, %swap3A_474], %mul3A_472 {strides = array<i32>} : memref<80x128xf32, #tpu.memory_space<vmem>>, vector<16xf32>,
        %get3A_476 = arith.index_cast %scan3A_432 : i32 to index
        %get3A_477 = arith.constant 64 : index
        %get3A_478 = tpu.vector_load %arg28[%get3A_476, %get3A_477] {strides = array<i32>} : memref<80x128xf32, #tpu.memory_space<vmem>>, vector<16xf32>,
        %slice3A_479 = vector.extract_strided_slice %get3A_435 {offsets = [4], sizes = [1], strides = [1]} : vector<16xf32> to vector<1xf32>
        %squeeze3A_480 = vector.extract %slice3A_479[0] : f32 from vector<1xf32>
        %mul3A_481 = vector.broadcast %squeeze3A_480 : f32 to vector<16xf32>
        %mul3A_482 = arith.mulf %get3A_478, %mul3A_481 : vector<16xf32>
        %swap3A_483 = arith.index_cast %scan3A_432 : i32 to index
        %swap3A_484 = arith.constant 64 : index
        %swap3A_485 = tpu.vector_load %arg28[%swap3A_483, %swap3A_484] {strides = array<i32>} : memref<80x128xf32, #tpu.memory_space<vmem>>, vector<16xf32>,
        tpu.vector_store %arg28[%swap3A_483, %swap3A_484], %mul3A_482 {strides = array<i32>} : memref<80x128xf32, #tpu.memory_space<vmem>>, vector<16xf32>,
        %get3A_486 = arith.index_cast %scan3A_432 : i32 to index
        %get3A_487 = arith.constant 80 : index
        %get3A_488 = tpu.vector_load %arg28[%get3A_486, %get3A_487] {strides = array<i32>} : memref<80x128xf32, #tpu.memory_space<vmem>>, vector<16xf32>,
        %slice3A_489 = vector.extract_strided_slice %get3A_435 {offsets = [5], sizes = [1], strides = [1]} : vector<16xf32> to vector<1xf32>
        %squeeze3A_490 = vector.extract %slice3A_489[0] : f32 from vector<1xf32>
        %mul3A_491 = vector.broadcast %squeeze3A_490 : f32 to vector<16xf32>
        %mul3A_492 = arith.mulf %get3A_488, %mul3A_491 : vector<16xf32>
        %swap3A_493 = arith.index_cast %scan3A_432 : i32 to index
        %swap3A_494 = arith.constant 80 : index
        %swap3A_495 = tpu.vector_load %arg28[%swap3A_493, %swap3A_494] {strides = array<i32>} : memref<80x128xf32, #tpu.memory_space<vmem>>, vector<16xf32>,
        tpu.vector_store %arg28[%swap3A_493, %swap3A_494], %mul3A_492 {strides = array<i32>} : memref<80x128xf32, #tpu.memory_space<vmem>>, vector<16xf32>,
        %get3A_496 = arith.index_cast %scan3A_432 : i32 to index
        %get3A_497 = arith.constant 96 : index
        %get3A_498 = tpu.vector_load %arg28[%get3A_496, %get3A_497] {strides = array<i32>} : memref<80x128xf32, #tpu.memory_space<vmem>>, vector<16xf32>,
        %slice3A_499 = vector.extract_strided_slice %get3A_435 {offsets = [6], sizes = [1], strides = [1]} : vector<16xf32> to vector<1xf32>
        %squeeze3A_500 = vector.extract %slice3A_499[0] : f32 from vector<1xf32>
        %mul3A_501 = vector.broadcast %squeeze3A_500 : f32 to vector<16xf32>
        %mul3A_502 = arith.mulf %get3A_498, %mul3A_501 : vector<16xf32>
        %swap3A_503 = arith.index_cast %scan3A_432 : i32 to index
        %swap3A_504 = arith.constant 96 : index
        %swap3A_505 = tpu.vector_load %arg28[%swap3A_503, %swap3A_504] {strides = array<i32>} : memref<80x128xf32, #tpu.memory_space<vmem>>, vector<16xf32>,
        tpu.vector_store %arg28[%swap3A_503, %swap3A_504], %mul3A_502 {strides = array<i32>} : memref<80x128xf32, #tpu.memory_space<vmem>>, vector<16xf32>,
        %get3A_506 = arith.index_cast %scan3A_432 : i32 to index
        %get3A_507 = arith.constant 112 : index
        %get3A_508 = tpu.vector_load %arg28[%get3A_506, %get3A_507] {strides = array<i32>} : memref<80x128xf32, #tpu.memory_space<vmem>>, vector<16xf32>,
        %slice3A_509 = vector.extract_strided_slice %get3A_435 {offsets = [7], sizes = [1], strides = [1]} : vector<16xf32> to vector<1xf32>
        %squeeze3A_510 = vector.extract %slice3A_509[0] : f32 from vector<1xf32>
        %mul3A_511 = vector.broadcast %squeeze3A_510 : f32 to vector<16xf32>
        %mul3A_512 = arith.mulf %get3A_508, %mul3A_511 : vector<16xf32>
        %swap3A_513 = arith.index_cast %scan3A_432 : i32 to index
        %swap3A_514 = arith.constant 112 : index
        %swap3A_515 = tpu.vector_load %arg28[%swap3A_513, %swap3A_514] {strides = array<i32>} : memref<80x128xf32, #tpu.memory_space<vmem>>, vector<16xf32>,
        tpu.vector_store %arg28[%swap3A_513, %swap3A_514], %mul3A_512 {strides = array<i32>} : memref<80x128xf32, #tpu.memory_space<vmem>>, vector<16xf32>,
      }
      %scan3A_274 = arith.constant 80 : i32
      %dma_start3A_275 = arith.constant 0 : i32
      %dma_start3A_276 = arith.constant 0 : i32
      %dma_start3A_277 = tpu.memref_slice %arg7[%dma_start3A_275, %dma_start3A_276] : memref<10000x128xf32, #tpu.memory_space<vmem_shared>> -> memref<10000x128xf32, #tpu.memory_space<vmem_shared>>
      tpu.enqueue_indirect_dma source(%arg28 : memref<80x128xf32, #tpu.memory_space<vmem>>) target(%dma_start3A_277 : memref<10000x128xf32, #tpu.memory_space<vmem_shared>>) offsets(%arg27 : memref<80xi32, #tpu.memory_space<vmem>>) semaphore(%arg35 : memref<!tpu.dma_semaphore, #tpu.memory_space<semaphore_mem>>) {add = true}
      %dma_start3A_278 = arith.constant 0 : i32
      %dma_start3A_279 = arith.constant 0 : i32
      %dma_start3A_280 = tpu.memref_slice %arg8[%dma_start3A_278, %dma_start3A_279] : memref<10000x16xf32, #tpu.memory_space<vmem_shared>> -> memref<10000x16xf32, #tpu.memory_space<vmem_shared>>
      tpu.enqueue_indirect_dma source(%arg30 : memref<80x16xf32, #tpu.memory_space<vmem>>) target(%dma_start3A_280 : memref<10000x16xf32, #tpu.memory_space<vmem_shared>>) offsets(%arg27 : memref<80xi32, #tpu.memory_space<vmem>>) semaphore(%arg36 : memref<!tpu.dma_semaphore, #tpu.memory_space<semaphore_mem>>) {add = true}
      %add3A_281 = arith.constant 2 : i32
      %add3A_282 = arith.addi %mul3A_144, %add3A_281 : i32
      %dma_wait3A_283 = arith.constant 0 : i32
      %dma_wait3A_284 = arith.constant 0 : i32
      %dma_wait3A_285 = tpu.memref_slice %arg2[%dma_wait3A_283, %dma_wait3A_284] : memref<2x320000xi32, #tpu.memory_space<hbm>> -> memref<1x80xi32, #tpu.memory_space<hbm>>
      %dma_wait3A_286 = tpu.memref_squeeze %dma_wait3A_285 : memref<1x80xi32, #tpu.memory_space<hbm>> -> memref<80xi32, #tpu.memory_space<hbm>>
      %dma_wait3A_287 = arith.constant 0 : i32
      %dma_wait3A_288 = tpu.memref_slice %arg2[%dma_wait3A_283, %dma_wait3A_287] : memref<2x320000xi32, #tpu.memory_space<hbm>> -> memref<1x80xi32, #tpu.memory_space<hbm>>
      %dma_wait3A_289 = tpu.memref_squeeze %dma_wait3A_288 : memref<1x80xi32, #tpu.memory_space<hbm>> -> memref<80xi32, #tpu.memory_space<hbm>>
      tpu.wait_dma2 semaphore(%arg17 : memref<!tpu.dma_semaphore, #tpu.memory_space<semaphore_mem>>) src(%dma_wait3A_289 : memref<80xi32, #tpu.memory_space<hbm>>) dst(%arg9 : memref<80xi32, #tpu.memory_space<vmem>>)
      %dma_wait3A_290 = arith.constant 1 : i32
      %dma_wait3A_291 = arith.constant 0 : i32
      %dma_wait3A_292 = tpu.memref_slice %arg2[%dma_wait3A_290, %dma_wait3A_291] : memref<2x320000xi32, #tpu.memory_space<hbm>> -> memref<1x80xi32, #tpu.memory_space<hbm>>
      %dma_wait3A_293 = tpu.memref_squeeze %dma_wait3A_292 : memref<1x80xi32, #tpu.memory_space<hbm>> -> memref<80xi32, #tpu.memory_space<hbm>>
      %dma_wait3A_294 = arith.constant 0 : i32
      %dma_wait3A_295 = tpu.memref_slice %arg2[%dma_wait3A_290, %dma_wait3A_294] : memref<2x320000xi32, #tpu.memory_space<hbm>> -> memref<1x80xi32, #tpu.memory_space<hbm>>
      %dma_wait3A_296 = tpu.memref_squeeze %dma_wait3A_295 : memref<1x80xi32, #tpu.memory_space<hbm>> -> memref<80xi32, #tpu.memory_space<hbm>>
      tpu.wait_dma2 semaphore(%arg17 : memref<!tpu.dma_semaphore, #tpu.memory_space<semaphore_mem>>) src(%dma_wait3A_296 : memref<80xi32, #tpu.memory_space<hbm>>) dst(%arg10 : memref<80xi32, #tpu.memory_space<vmem>>)
      %ge3A_297 = arith.constant 2 : i32
      %ge3A_298 = arith.cmpi sge, %add3A_282, %ge3A_297 : i32
      %convert_element_type3A_299 = arith.extui %ge3A_298 : i1 to i32
      %cond3A_300 = arith.constant 0 : i32
      %cond3A_301 = arith.cmpi ne, %convert_element_type3A_299, %cond3A_300 : i32
      scf.if %cond3A_301 {
        %dma_wait3A_351 = arith.constant 0 : i32
        %dma_wait3A_352 = arith.constant 0 : i32
        %dma_wait3A_353 = tpu.memref_slice %arg7[%dma_wait3A_351, %dma_wait3A_352] : memref<10000x128xf32, #tpu.memory_space<vmem_shared>> -> memref<10000x128xf32, #tpu.memory_space<vmem_shared>>
        tpu.wait_indirect_dma semaphore(%arg21 : memref<!tpu.dma_semaphore, #tpu.memory_space<semaphore_mem>>) src(%arg14 : memref<80x128xf32, #tpu.memory_space<vmem>>) dst(%dma_wait3A_353 : memref<10000x128xf32, #tpu.memory_space<vmem_shared>>)
        %dma_wait3A_354 = arith.constant 0 : i32
        %dma_wait3A_355 = arith.constant 0 : i32
        %dma_wait3A_356 = tpu.memref_slice %arg8[%dma_wait3A_354, %dma_wait3A_355] : memref<10000x16xf32, #tpu.memory_space<vmem_shared>> -> memref<10000x16xf32, #tpu.memory_space<vmem_shared>>
        tpu.wait_indirect_dma semaphore(%arg22 : memref<!tpu.dma_semaphore, #tpu.memory_space<semaphore_mem>>) src(%arg16 : memref<80x16xf32, #tpu.memory_space<vmem>>) dst(%dma_wait3A_356 : memref<10000x16xf32, #tpu.memory_space<vmem_shared>>)
      } else {
      }
      %scan3A_302 = arith.constant 0 : i32
      %scan3A_303 = arith.constant 0 : i32
      %scan3A_304 = arith.constant 5 : i32
      %scan3A_305 = arith.addi %scan3A_303, %scan3A_304 : i32
      %scan3A_306 = arith.constant 1 : i32
      scf.for %scan3A_351 = %scan3A_303 to %scan3A_305 step %scan3A_306  : i32 {
        %mul3A_352 = arith.constant 16 : i32
        %mul3A_353 = arith.muli %scan3A_351, %mul3A_352 : i32
        %get3A = arith.index_cast %mul3A_353 : i32 to index
        %get3A_354 = tpu.vector_load %arg9[%get3A] {strides = array<i32>} : memref<80xi32, #tpu.memory_space<vmem>>, vector<16xi32>,
        %get3A_355 = arith.index_cast %mul3A_353 : i32 to index
        %get3A_356 = tpu.vector_load %arg10[%get3A_355] {strides = array<i32>} : memref<80xi32, #tpu.memory_space<vmem>>, vector<16xi32>,
        %add3A_357 = vector.broadcast %mul3A_0 : i32 to vector<16xi32>
        %add3A_358 = arith.addi %get3A_354, %add3A_357 : vector<16xi32>
        %swap3A = arith.index_cast %mul3A_353 : i32 to index
        %swap3A_359 = tpu.vector_load %arg11[%swap3A] {strides = array<i32>} : memref<80xi32, #tpu.memory_space<vmem>>, vector<16xi32>,
        tpu.vector_store %arg11[%swap3A], %add3A_358 {strides = array<i32>} : memref<80xi32, #tpu.memory_space<vmem>>, vector<16xi32>,
        %add3A_360 = vector.broadcast %mul3A_0 : i32 to vector<16xi32>
        %add3A_361 = arith.addi %get3A_356, %add3A_360 : vector<16xi32>
        %swap3A_362 = arith.index_cast %mul3A_353 : i32 to index
        %swap3A_363 = tpu.vector_load %arg12[%swap3A_362] {strides = array<i32>} : memref<80xi32, #tpu.memory_space<vmem>>, vector<16xi32>,
        tpu.vector_store %arg12[%swap3A_362], %add3A_361 {strides = array<i32>} : memref<80xi32, #tpu.memory_space<vmem>>, vector<16xi32>,
        %swap3A_364 = arith.index_cast %mul3A_353 : i32 to index
        %swap3A_365 = tpu.vector_load %arg13[%swap3A_364] {strides = array<i32>} : memref<80xi32, #tpu.memory_space<vmem>>, vector<16xi32>,
        tpu.vector_store %arg13[%swap3A_364], %get3A_356 {strides = array<i32>} : memref<80xi32, #tpu.memory_space<vmem>>, vector<16xi32>,
      }
      %scan3A_307 = arith.constant 5 : i32
      %dma_start3A_308 = arith.constant 0 : i32
      %dma_start3A_309 = arith.constant 0 : i32
      %dma_start3A_310 = tpu.memref_slice %arg3[%dma_start3A_308, %dma_start3A_309] : memref<20000x128xf32, #tpu.memory_space<hbm>> -> memref<20000x128xf32, #tpu.memory_space<hbm>>
      tpu.enqueue_indirect_dma source(%dma_start3A_310 : memref<20000x128xf32, #tpu.memory_space<hbm>>) target(%arg14 : memref<80x128xf32, #tpu.memory_space<vmem>>) offsets(%arg11 : memref<80xi32, #tpu.memory_space<vmem>>) semaphore(%arg18 : memref<!tpu.dma_semaphore, #tpu.memory_space<semaphore_mem>>)
      %dma_start3A_311 = arith.constant 0 : i32
      %dma_start3A_312 = arith.constant 0 : i32
      %dma_start3A_313 = tpu.memref_slice %arg4[%dma_start3A_311, %dma_start3A_312] : memref<20000x16xf32, #tpu.memory_space<hbm>> -> memref<20000x16xf32, #tpu.memory_space<hbm>>
      tpu.enqueue_indirect_dma source(%dma_start3A_313 : memref<20000x16xf32, #tpu.memory_space<hbm>>) target(%arg15 : memref<80x16xf32, #tpu.memory_space<vmem>>) offsets(%arg11 : memref<80xi32, #tpu.memory_space<vmem>>) semaphore(%arg19 : memref<!tpu.dma_semaphore, #tpu.memory_space<semaphore_mem>>)
      %dma_start3A_314 = arith.constant 0 : i32
      %dma_start3A_315 = arith.constant 0 : i32
      %dma_start3A_316 = tpu.memref_slice %arg4[%dma_start3A_314, %dma_start3A_315] : memref<20000x16xf32, #tpu.memory_space<hbm>> -> memref<20000x16xf32, #tpu.memory_space<hbm>>
      tpu.enqueue_indirect_dma source(%dma_start3A_316 : memref<20000x16xf32, #tpu.memory_space<hbm>>) target(%arg16 : memref<80x16xf32, #tpu.memory_space<vmem>>) offsets(%arg12 : memref<80xi32, #tpu.memory_space<vmem>>) semaphore(%arg20 : memref<!tpu.dma_semaphore, #tpu.memory_space<semaphore_mem>>)
      %add3A_317 = arith.constant 2 : i32
      %add3A_318 = arith.addi %add3A_282, %add3A_317 : i32
      %lt3A_319 = arith.constant 250 : i32
      %lt3A_320 = arith.cmpi slt, %add3A_318, %lt3A_319 : i32
      %convert_element_type3A_321 = arith.extui %lt3A_320 : i1 to i32
      %cond3A_322 = arith.constant 0 : i32
      %cond3A_323 = arith.cmpi ne, %convert_element_type3A_321, %cond3A_322 : i32
      scf.if %cond3A_323 {
        %add3A_351 = arith.constant 2 : i32
        %add3A_352 = arith.addi %add3A_282, %add3A_351 : i32
        %mul3A_353 = arith.constant 80 : i32
        %mul3A_354 = arith.muli %add3A_352, %mul3A_353 : i32
        %add3A_355 = arith.addi %mul3A_24, %mul3A_354 : i32
        %dma_start3A_356 = arith.constant 0 : i32
        %dma_start3A_357 = tpu.memref_slice %arg2[%dma_start3A_356, %add3A_355] : memref<2x320000xi32, #tpu.memory_space<hbm>> -> memref<1x80xi32, #tpu.memory_space<hbm>>
        %dma_start3A_358 = tpu.memref_squeeze %dma_start3A_357 : memref<1x80xi32, #tpu.memory_space<hbm>> -> memref<80xi32, #tpu.memory_space<hbm>>
        %dma_start3A_359 = tpu.memref_slice %arg2[%dma_start3A_356, %add3A_355] : memref<2x320000xi32, #tpu.memory_space<hbm>> -> memref<1x80xi32, #tpu.memory_space<hbm>>
        %dma_start3A_360 = tpu.memref_squeeze %dma_start3A_359 : memref<1x80xi32, #tpu.memory_space<hbm>> -> memref<80xi32, #tpu.memory_space<hbm>>
        tpu.enqueue_dma source(%dma_start3A_360 : memref<80xi32, #tpu.memory_space<hbm>>) target(%arg23 : memref<80xi32, #tpu.memory_space<vmem>>) target_semaphore(%arg31 : memref<!tpu.dma_semaphore, #tpu.memory_space<semaphore_mem>>)
        %dma_start3A_361 = arith.constant 1 : i32
        %dma_start3A_362 = tpu.memref_slice %arg2[%dma_start3A_361, %add3A_355] : memref<2x320000xi32, #tpu.memory_space<hbm>> -> memref<1x80xi32, #tpu.memory_space<hbm>>
        %dma_start3A_363 = tpu.memref_squeeze %dma_start3A_362 : memref<1x80xi32, #tpu.memory_space<hbm>> -> memref<80xi32, #tpu.memory_space<hbm>>
        %dma_start3A_364 = tpu.memref_slice %arg2[%dma_start3A_361, %add3A_355] : memref<2x320000xi32, #tpu.memory_space<hbm>> -> memref<1x80xi32, #tpu.memory_space<hbm>>
        %dma_start3A_365 = tpu.memref_squeeze %dma_start3A_364 : memref<1x80xi32, #tpu.memory_space<hbm>> -> memref<80xi32, #tpu.memory_space<hbm>>
        tpu.enqueue_dma source(%dma_start3A_365 : memref<80xi32, #tpu.memory_space<hbm>>) target(%arg24 : memref<80xi32, #tpu.memory_space<vmem>>) target_semaphore(%arg31 : memref<!tpu.dma_semaphore, #tpu.memory_space<semaphore_mem>>)
      } else {
      }
      %dma_wait3A_324 = arith.constant 0 : i32
      %dma_wait3A_325 = arith.constant 0 : i32
      %dma_wait3A_326 = tpu.memref_slice %arg3[%dma_wait3A_324, %dma_wait3A_325] : memref<20000x128xf32, #tpu.memory_space<hbm>> -> memref<20000x128xf32, #tpu.memory_space<hbm>>
      tpu.wait_indirect_dma semaphore(%arg46 : memref<!tpu.dma_semaphore, #tpu.memory_space<semaphore_mem>>) src(%dma_wait3A_326 : memref<20000x128xf32, #tpu.memory_space<hbm>>) dst(%arg42 : memref<80x128xf32, #tpu.memory_space<vmem>>)
      %dma_wait3A_327 = arith.constant 0 : i32
      %dma_wait3A_328 = arith.constant 0 : i32
      %dma_wait3A_329 = tpu.memref_slice %arg4[%dma_wait3A_327, %dma_wait3A_328] : memref<20000x16xf32, #tpu.memory_space<hbm>> -> memref<20000x16xf32, #tpu.memory_space<hbm>>
      tpu.wait_indirect_dma semaphore(%arg47 : memref<!tpu.dma_semaphore, #tpu.memory_space<semaphore_mem>>) src(%dma_wait3A_329 : memref<20000x16xf32, #tpu.memory_space<hbm>>) dst(%arg43 : memref<80x16xf32, #tpu.memory_space<vmem>>)
      %dma_wait3A_330 = arith.constant 0 : i32
      %dma_wait3A_331 = arith.constant 0 : i32
      %dma_wait3A_332 = tpu.memref_slice %arg4[%dma_wait3A_330, %dma_wait3A_331] : memref<20000x16xf32, #tpu.memory_space<hbm>> -> memref<20000x16xf32, #tpu.memory_space<hbm>>
      tpu.wait_indirect_dma semaphore(%arg48 : memref<!tpu.dma_semaphore, #tpu.memory_space<semaphore_mem>>) src(%dma_wait3A_332 : memref<20000x16xf32, #tpu.memory_space<hbm>>) dst(%arg44 : memref<80x16xf32, #tpu.memory_space<vmem>>)
      %scan3A_333 = arith.constant 0 : i32
      %scan3A_334 = arith.constant 0 : i32
      %scan3A_335 = arith.constant 5 : i32
      %scan3A_336 = arith.addi %scan3A_334, %scan3A_335 : i32
      %scan3A_337 = arith.constant 1 : i32
      scf.for %scan3A_351 = %scan3A_334 to %scan3A_336 step %scan3A_337  : i32 {
        %mul3A_352 = arith.constant 16 : i32
        %mul3A_353 = arith.muli %scan3A_351, %mul3A_352 : i32
        %iota3A = tpu.iota {dimensions = array<i32: 0>} : vector<16xi32>
        %add3A_354 = vector.broadcast %mul3A_353 : i32 to vector<16xi32>
        %add3A_355 = arith.addi %add3A_354, %iota3A : vector<16xi32>
        %broadcast_in_dim3A = arith.constant 0 : i32
        %broadcast_in_dim3A_356 = vector.broadcast %broadcast_in_dim3A : i32 to vector<16xi32>
        %gather3A = tpu.vector_load_idx %arg43[%add3A_355, %broadcast_in_dim3A_356] : memref<80x16xf32, #tpu.memory_space<vmem>>[vector<16xi32>, vector<16xi32>], vector<16xf32>,
        %broadcast_in_dim3A_357 = arith.constant 8 : i32
        %broadcast_in_dim3A_358 = vector.broadcast %broadcast_in_dim3A_357 : i32 to vector<16xi32>
        %gather3A_359 = tpu.vector_load_idx %arg44[%add3A_355, %broadcast_in_dim3A_358] : memref<80x16xf32, #tpu.memory_space<vmem>>[vector<16xi32>, vector<16xi32>], vector<16xf32>,
        %add3A_360 = arith.addf %gather3A, %gather3A_359 : vector<16xf32>
        %broadcast_in_dim3A_361 = arith.constant 1 : i32
        %broadcast_in_dim3A_362 = vector.broadcast %broadcast_in_dim3A_361 : i32 to vector<16xi32>
        %gather3A_363 = tpu.vector_load_idx %arg43[%add3A_355, %broadcast_in_dim3A_362] : memref<80x16xf32, #tpu.memory_space<vmem>>[vector<16xi32>, vector<16xi32>], vector<16xf32>,
        %broadcast_in_dim3A_364 = arith.constant 9 : i32
        %broadcast_in_dim3A_365 = vector.broadcast %broadcast_in_dim3A_364 : i32 to vector<16xi32>
        %gather3A_366 = tpu.vector_load_idx %arg44[%add3A_355, %broadcast_in_dim3A_365] : memref<80x16xf32, #tpu.memory_space<vmem>>[vector<16xi32>, vector<16xi32>], vector<16xf32>,
        %add3A_367 = arith.addf %gather3A_363, %gather3A_366 : vector<16xf32>
        %broadcast_in_dim3A_368 = arith.constant 2 : i32
        %broadcast_in_dim3A_369 = vector.broadcast %broadcast_in_dim3A_368 : i32 to vector<16xi32>
        %gather3A_370 = tpu.vector_load_idx %arg43[%add3A_355, %broadcast_in_dim3A_369] : memref<80x16xf32, #tpu.memory_space<vmem>>[vector<16xi32>, vector<16xi32>], vector<16xf32>,
        %broadcast_in_dim3A_371 = arith.constant 10 : i32
        %broadcast_in_dim3A_372 = vector.broadcast %broadcast_in_dim3A_371 : i32 to vector<16xi32>
        %gather3A_373 = tpu.vector_load_idx %arg44[%add3A_355, %broadcast_in_dim3A_372] : memref<80x16xf32, #tpu.memory_space<vmem>>[vector<16xi32>, vector<16xi32>], vector<16xf32>,
        %add3A_374 = arith.addf %gather3A_370, %gather3A_373 : vector<16xf32>
        %broadcast_in_dim3A_375 = arith.constant 3 : i32
        %broadcast_in_dim3A_376 = vector.broadcast %broadcast_in_dim3A_375 : i32 to vector<16xi32>
        %gather3A_377 = tpu.vector_load_idx %arg43[%add3A_355, %broadcast_in_dim3A_376] : memref<80x16xf32, #tpu.memory_space<vmem>>[vector<16xi32>, vector<16xi32>], vector<16xf32>,
        %broadcast_in_dim3A_378 = arith.constant 11 : i32
        %broadcast_in_dim3A_379 = vector.broadcast %broadcast_in_dim3A_378 : i32 to vector<16xi32>
        %gather3A_380 = tpu.vector_load_idx %arg44[%add3A_355, %broadcast_in_dim3A_379] : memref<80x16xf32, #tpu.memory_space<vmem>>[vector<16xi32>, vector<16xi32>], vector<16xf32>,
        %add3A_381 = arith.addf %gather3A_377, %gather3A_380 : vector<16xf32>
        %broadcast_in_dim3A_382 = arith.constant 4 : i32
        %broadcast_in_dim3A_383 = vector.broadcast %broadcast_in_dim3A_382 : i32 to vector<16xi32>
        %gather3A_384 = tpu.vector_load_idx %arg43[%add3A_355, %broadcast_in_dim3A_383] : memref<80x16xf32, #tpu.memory_space<vmem>>[vector<16xi32>, vector<16xi32>], vector<16xf32>,
        %broadcast_in_dim3A_385 = arith.constant 12 : i32
        %broadcast_in_dim3A_386 = vector.broadcast %broadcast_in_dim3A_385 : i32 to vector<16xi32>
        %gather3A_387 = tpu.vector_load_idx %arg44[%add3A_355, %broadcast_in_dim3A_386] : memref<80x16xf32, #tpu.memory_space<vmem>>[vector<16xi32>, vector<16xi32>], vector<16xf32>,
        %add3A_388 = arith.addf %gather3A_384, %gather3A_387 : vector<16xf32>
        %broadcast_in_dim3A_389 = arith.constant 5 : i32
        %broadcast_in_dim3A_390 = vector.broadcast %broadcast_in_dim3A_389 : i32 to vector<16xi32>
        %gather3A_391 = tpu.vector_load_idx %arg43[%add3A_355, %broadcast_in_dim3A_390] : memref<80x16xf32, #tpu.memory_space<vmem>>[vector<16xi32>, vector<16xi32>], vector<16xf32>,
        %broadcast_in_dim3A_392 = arith.constant 13 : i32
        %broadcast_in_dim3A_393 = vector.broadcast %broadcast_in_dim3A_392 : i32 to vector<16xi32>
        %gather3A_394 = tpu.vector_load_idx %arg44[%add3A_355, %broadcast_in_dim3A_393] : memref<80x16xf32, #tpu.memory_space<vmem>>[vector<16xi32>, vector<16xi32>], vector<16xf32>,
        %add3A_395 = arith.addf %gather3A_391, %gather3A_394 : vector<16xf32>
        %broadcast_in_dim3A_396 = arith.constant 6 : i32
        %broadcast_in_dim3A_397 = vector.broadcast %broadcast_in_dim3A_396 : i32 to vector<16xi32>
        %gather3A_398 = tpu.vector_load_idx %arg43[%add3A_355, %broadcast_in_dim3A_397] : memref<80x16xf32, #tpu.memory_space<vmem>>[vector<16xi32>, vector<16xi32>], vector<16xf32>,
        %broadcast_in_dim3A_399 = arith.constant 14 : i32
        %broadcast_in_dim3A_400 = vector.broadcast %broadcast_in_dim3A_399 : i32 to vector<16xi32>
        %gather3A_401 = tpu.vector_load_idx %arg44[%add3A_355, %broadcast_in_dim3A_400] : memref<80x16xf32, #tpu.memory_space<vmem>>[vector<16xi32>, vector<16xi32>], vector<16xf32>,
        %add3A_402 = arith.addf %gather3A_398, %gather3A_401 : vector<16xf32>
        %broadcast_in_dim3A_403 = arith.constant 7 : i32
        %broadcast_in_dim3A_404 = vector.broadcast %broadcast_in_dim3A_403 : i32 to vector<16xi32>
        %gather3A_405 = tpu.vector_load_idx %arg43[%add3A_355, %broadcast_in_dim3A_404] : memref<80x16xf32, #tpu.memory_space<vmem>>[vector<16xi32>, vector<16xi32>], vector<16xf32>,
        %broadcast_in_dim3A_406 = arith.constant 15 : i32
        %broadcast_in_dim3A_407 = vector.broadcast %broadcast_in_dim3A_406 : i32 to vector<16xi32>
        %gather3A_408 = tpu.vector_load_idx %arg44[%add3A_355, %broadcast_in_dim3A_407] : memref<80x16xf32, #tpu.memory_space<vmem>>[vector<16xi32>, vector<16xi32>], vector<16xf32>,
        %add3A_409 = arith.addf %gather3A_405, %gather3A_408 : vector<16xf32>
        %mul3A_410 = arith.constant 2.000000e-01 : f32
        %mul3A_411 = vector.broadcast %mul3A_410 : f32 to vector<16xf32>
        %mul3A_412 = arith.mulf %mul3A_411, %add3A_360 : vector<16xf32>
        %max3A = arith.maximumf %add3A_360, %mul3A_412 : vector<16xf32>
        %mul3A_413 = arith.constant 1.44269502 : f32
        %mul3A_414 = vector.broadcast %mul3A_413 : f32 to vector<16xf32>
        %mul3A_415 = arith.mulf %max3A, %mul3A_414 : vector<16xf32>
        %convert_element_type3A_416 = arith.fptosi %mul3A_415 : vector<16xf32> to vector<16xi32>
        %convert_element_type3A_417 = arith.sitofp %convert_element_type3A_416 : vector<16xi32> to vector<16xf32>
        %lt3A_418 = arith.cmpf olt, %mul3A_415, %convert_element_type3A_417 : vector<16xf32>
        %jit3A = arith.constant 1 : i32
        %jit3A_419 = arith.constant 0 : i32
        %broadcast_in_dim3A_420 = vector.broadcast %jit3A : i32 to vector<16xi32>
        %broadcast_in_dim3A_421 = vector.broadcast %jit3A_419 : i32 to vector<16xi32>
        %select_n3A = arith.select %lt3A_418, %broadcast_in_dim3A_420, %broadcast_in_dim3A_421 : vector<16xi1>, vector<16xi32>
        %sub3A = arith.subi %convert_element_type3A_416, %select_n3A : vector<16xi32>
        %convert_element_type3A_422 = arith.sitofp %sub3A : vector<16xi32> to vector<16xf32>
        %sub3A_423 = arith.subf %mul3A_415, %convert_element_type3A_422 : vector<16xf32>
        %mul3A_424 = arith.constant 0.00189437938 : f32
        %mul3A_425 = vector.broadcast %mul3A_424 : f32 to vector<16xf32>
        %mul3A_426 = arith.mulf %mul3A_425, %sub3A_423 : vector<16xf32>
        %add3A_427 = arith.constant 0.00894058216 : f32
        %add3A_428 = vector.broadcast %add3A_427 : f32 to vector<16xf32>
        %add3A_429 = arith.addf %mul3A_426, %add3A_428 : vector<16xf32>
        %mul3A_430 = arith.mulf %add3A_429, %sub3A_423 : vector<16xf32>
        %add3A_431 = arith.constant 0.0558765568 : f32
        %add3A_432 = vector.broadcast %add3A_431 : f32 to vector<16xf32>
        %add3A_433 = arith.addf %mul3A_430, %add3A_432 : vector<16xf32>
        %mul3A_434 = arith.mulf %add3A_433, %sub3A_423 : vector<16xf32>
        %add3A_435 = arith.constant 0.240131691 : f32
        %add3A_436 = vector.broadcast %add3A_435 : f32 to vector<16xf32>
        %add3A_437 = arith.addf %mul3A_434, %add3A_436 : vector<16xf32>
        %mul3A_438 = arith.mulf %add3A_437, %sub3A_423 : vector<16xf32>
        %add3A_439 = arith.constant 0.693156778 : f32
        %add3A_440 = vector.broadcast %add3A_439 : f32 to vector<16xf32>
        %add3A_441 = arith.addf %mul3A_438, %add3A_440 : vector<16xf32>
        %mul3A_442 = arith.mulf %add3A_441, %sub3A_423 : vector<16xf32>
        %add3A_443 = arith.constant 0.999999761 : f32
        %add3A_444 = vector.broadcast %add3A_443 : f32 to vector<16xf32>
        %add3A_445 = arith.addf %mul3A_442, %add3A_444 : vector<16xf32>
        %add3A_446 = arith.constant 127 : i32
        %add3A_447 = vector.broadcast %add3A_446 : i32 to vector<16xi32>
        %add3A_448 = arith.addi %sub3A, %add3A_447 : vector<16xi32>
        %shift_left3A = arith.constant 23 : i32
        %shift_left3A_449 = vector.broadcast %shift_left3A : i32 to vector<16xi32>
        %shift_left3A_450 = arith.shli %add3A_448, %shift_left3A_449 : vector<16xi32>
        %bitcast_convert_type3A = tpu.bitcast %shift_left3A_450 : vector<16xi32> -> vector<16xf32>
        %mul3A_451 = arith.mulf %add3A_445, %bitcast_convert_type3A : vector<16xf32>
        %mul3A_452 = arith.constant 2.000000e-01 : f32
        %mul3A_453 = vector.broadcast %mul3A_452 : f32 to vector<16xf32>
        %mul3A_454 = arith.mulf %mul3A_453, %add3A_367 : vector<16xf32>
        %max3A_455 = arith.maximumf %add3A_367, %mul3A_454 : vector<16xf32>
        %mul3A_456 = arith.constant 1.44269502 : f32
        %mul3A_457 = vector.broadcast %mul3A_456 : f32 to vector<16xf32>
        %mul3A_458 = arith.mulf %max3A_455, %mul3A_457 : vector<16xf32>
        %convert_element_type3A_459 = arith.fptosi %mul3A_458 : vector<16xf32> to vector<16xi32>
        %convert_element_type3A_460 = arith.sitofp %convert_element_type3A_459 : vector<16xi32> to vector<16xf32>
        %lt3A_461 = arith.cmpf olt, %mul3A_458, %convert_element_type3A_460 : vector<16xf32>
        %jit3A_462 = arith.constant 1 : i32
        %jit3A_463 = arith.constant 0 : i32
        %broadcast_in_dim3A_464 = vector.broadcast %jit3A_462 : i32 to vector<16xi32>
        %broadcast_in_dim3A_465 = vector.broadcast %jit3A_463 : i32 to vector<16xi32>
        %select_n3A_466 = arith.select %lt3A_461, %broadcast_in_dim3A_464, %broadcast_in_dim3A_465 : vector<16xi1>, vector<16xi32>
        %sub3A_467 = arith.subi %convert_element_type3A_459, %select_n3A_466 : vector<16xi32>
        %convert_element_type3A_468 = arith.sitofp %sub3A_467 : vector<16xi32> to vector<16xf32>
        %sub3A_469 = arith.subf %mul3A_458, %convert_element_type3A_468 : vector<16xf32>
        %mul3A_470 = arith.constant 0.00189437938 : f32
        %mul3A_471 = vector.broadcast %mul3A_470 : f32 to vector<16xf32>
        %mul3A_472 = arith.mulf %mul3A_471, %sub3A_469 : vector<16xf32>
        %add3A_473 = arith.constant 0.00894058216 : f32
        %add3A_474 = vector.broadcast %add3A_473 : f32 to vector<16xf32>
        %add3A_475 = arith.addf %mul3A_472, %add3A_474 : vector<16xf32>
        %mul3A_476 = arith.mulf %add3A_475, %sub3A_469 : vector<16xf32>
        %add3A_477 = arith.constant 0.0558765568 : f32
        %add3A_478 = vector.broadcast %add3A_477 : f32 to vector<16xf32>
        %add3A_479 = arith.addf %mul3A_476, %add3A_478 : vector<16xf32>
        %mul3A_480 = arith.mulf %add3A_479, %sub3A_469 : vector<16xf32>
        %add3A_481 = arith.constant 0.240131691 : f32
        %add3A_482 = vector.broadcast %add3A_481 : f32 to vector<16xf32>
        %add3A_483 = arith.addf %mul3A_480, %add3A_482 : vector<16xf32>
        %mul3A_484 = arith.mulf %add3A_483, %sub3A_469 : vector<16xf32>
        %add3A_485 = arith.constant 0.693156778 : f32
        %add3A_486 = vector.broadcast %add3A_485 : f32 to vector<16xf32>
        %add3A_487 = arith.addf %mul3A_484, %add3A_486 : vector<16xf32>
        %mul3A_488 = arith.mulf %add3A_487, %sub3A_469 : vector<16xf32>
        %add3A_489 = arith.constant 0.999999761 : f32
        %add3A_490 = vector.broadcast %add3A_489 : f32 to vector<16xf32>
        %add3A_491 = arith.addf %mul3A_488, %add3A_490 : vector<16xf32>
        %add3A_492 = arith.constant 127 : i32
        %add3A_493 = vector.broadcast %add3A_492 : i32 to vector<16xi32>
        %add3A_494 = arith.addi %sub3A_467, %add3A_493 : vector<16xi32>
        %shift_left3A_495 = arith.constant 23 : i32
        %shift_left3A_496 = vector.broadcast %shift_left3A_495 : i32 to vector<16xi32>
        %shift_left3A_497 = arith.shli %add3A_494, %shift_left3A_496 : vector<16xi32>
        %bitcast_convert_type3A_498 = tpu.bitcast %shift_left3A_497 : vector<16xi32> -> vector<16xf32>
        %mul3A_499 = arith.mulf %add3A_491, %bitcast_convert_type3A_498 : vector<16xf32>
        %mul3A_500 = arith.constant 2.000000e-01 : f32
        %mul3A_501 = vector.broadcast %mul3A_500 : f32 to vector<16xf32>
        %mul3A_502 = arith.mulf %mul3A_501, %add3A_374 : vector<16xf32>
        %max3A_503 = arith.maximumf %add3A_374, %mul3A_502 : vector<16xf32>
        %mul3A_504 = arith.constant 1.44269502 : f32
        %mul3A_505 = vector.broadcast %mul3A_504 : f32 to vector<16xf32>
        %mul3A_506 = arith.mulf %max3A_503, %mul3A_505 : vector<16xf32>
        %convert_element_type3A_507 = arith.fptosi %mul3A_506 : vector<16xf32> to vector<16xi32>
        %convert_element_type3A_508 = arith.sitofp %convert_element_type3A_507 : vector<16xi32> to vector<16xf32>
        %lt3A_509 = arith.cmpf olt, %mul3A_506, %convert_element_type3A_508 : vector<16xf32>
        %jit3A_510 = arith.constant 1 : i32
        %jit3A_511 = arith.constant 0 : i32
        %broadcast_in_dim3A_512 = vector.broadcast %jit3A_510 : i32 to vector<16xi32>
        %broadcast_in_dim3A_513 = vector.broadcast %jit3A_511 : i32 to vector<16xi32>
        %select_n3A_514 = arith.select %lt3A_509, %broadcast_in_dim3A_512, %broadcast_in_dim3A_513 : vector<16xi1>, vector<16xi32>
        %sub3A_515 = arith.subi %convert_element_type3A_507, %select_n3A_514 : vector<16xi32>
        %convert_element_type3A_516 = arith.sitofp %sub3A_515 : vector<16xi32> to vector<16xf32>
        %sub3A_517 = arith.subf %mul3A_506, %convert_element_type3A_516 : vector<16xf32>
        %mul3A_518 = arith.constant 0.00189437938 : f32
        %mul3A_519 = vector.broadcast %mul3A_518 : f32 to vector<16xf32>
        %mul3A_520 = arith.mulf %mul3A_519, %sub3A_517 : vector<16xf32>
        %add3A_521 = arith.constant 0.00894058216 : f32
        %add3A_522 = vector.broadcast %add3A_521 : f32 to vector<16xf32>
        %add3A_523 = arith.addf %mul3A_520, %add3A_522 : vector<16xf32>
        %mul3A_524 = arith.mulf %add3A_523, %sub3A_517 : vector<16xf32>
        %add3A_525 = arith.constant 0.0558765568 : f32
        %add3A_526 = vector.broadcast %add3A_525 : f32 to vector<16xf32>
        %add3A_527 = arith.addf %mul3A_524, %add3A_526 : vector<16xf32>
        %mul3A_528 = arith.mulf %add3A_527, %sub3A_517 : vector<16xf32>
        %add3A_529 = arith.constant 0.240131691 : f32
        %add3A_530 = vector.broadcast %add3A_529 : f32 to vector<16xf32>
        %add3A_531 = arith.addf %mul3A_528, %add3A_530 : vector<16xf32>
        %mul3A_532 = arith.mulf %add3A_531, %sub3A_517 : vector<16xf32>
        %add3A_533 = arith.constant 0.693156778 : f32
        %add3A_534 = vector.broadcast %add3A_533 : f32 to vector<16xf32>
        %add3A_535 = arith.addf %mul3A_532, %add3A_534 : vector<16xf32>
        %mul3A_536 = arith.mulf %add3A_535, %sub3A_517 : vector<16xf32>
        %add3A_537 = arith.constant 0.999999761 : f32
        %add3A_538 = vector.broadcast %add3A_537 : f32 to vector<16xf32>
        %add3A_539 = arith.addf %mul3A_536, %add3A_538 : vector<16xf32>
        %add3A_540 = arith.constant 127 : i32
        %add3A_541 = vector.broadcast %add3A_540 : i32 to vector<16xi32>
        %add3A_542 = arith.addi %sub3A_515, %add3A_541 : vector<16xi32>
        %shift_left3A_543 = arith.constant 23 : i32
        %shift_left3A_544 = vector.broadcast %shift_left3A_543 : i32 to vector<16xi32>
        %shift_left3A_545 = arith.shli %add3A_542, %shift_left3A_544 : vector<16xi32>
        %bitcast_convert_type3A_546 = tpu.bitcast %shift_left3A_545 : vector<16xi32> -> vector<16xf32>
        %mul3A_547 = arith.mulf %add3A_539, %bitcast_convert_type3A_546 : vector<16xf32>
        %mul3A_548 = arith.constant 2.000000e-01 : f32
        %mul3A_549 = vector.broadcast %mul3A_548 : f32 to vector<16xf32>
        %mul3A_550 = arith.mulf %mul3A_549, %add3A_381 : vector<16xf32>
        %max3A_551 = arith.maximumf %add3A_381, %mul3A_550 : vector<16xf32>
        %mul3A_552 = arith.constant 1.44269502 : f32
        %mul3A_553 = vector.broadcast %mul3A_552 : f32 to vector<16xf32>
        %mul3A_554 = arith.mulf %max3A_551, %mul3A_553 : vector<16xf32>
        %convert_element_type3A_555 = arith.fptosi %mul3A_554 : vector<16xf32> to vector<16xi32>
        %convert_element_type3A_556 = arith.sitofp %convert_element_type3A_555 : vector<16xi32> to vector<16xf32>
        %lt3A_557 = arith.cmpf olt, %mul3A_554, %convert_element_type3A_556 : vector<16xf32>
        %jit3A_558 = arith.constant 1 : i32
        %jit3A_559 = arith.constant 0 : i32
        %broadcast_in_dim3A_560 = vector.broadcast %jit3A_558 : i32 to vector<16xi32>
        %broadcast_in_dim3A_561 = vector.broadcast %jit3A_559 : i32 to vector<16xi32>
        %select_n3A_562 = arith.select %lt3A_557, %broadcast_in_dim3A_560, %broadcast_in_dim3A_561 : vector<16xi1>, vector<16xi32>
        %sub3A_563 = arith.subi %convert_element_type3A_555, %select_n3A_562 : vector<16xi32>
        %convert_element_type3A_564 = arith.sitofp %sub3A_563 : vector<16xi32> to vector<16xf32>
        %sub3A_565 = arith.subf %mul3A_554, %convert_element_type3A_564 : vector<16xf32>
        %mul3A_566 = arith.constant 0.00189437938 : f32
        %mul3A_567 = vector.broadcast %mul3A_566 : f32 to vector<16xf32>
        %mul3A_568 = arith.mulf %mul3A_567, %sub3A_565 : vector<16xf32>
        %add3A_569 = arith.constant 0.00894058216 : f32
        %add3A_570 = vector.broadcast %add3A_569 : f32 to vector<16xf32>
        %add3A_571 = arith.addf %mul3A_568, %add3A_570 : vector<16xf32>
        %mul3A_572 = arith.mulf %add3A_571, %sub3A_565 : vector<16xf32>
        %add3A_573 = arith.constant 0.0558765568 : f32
        %add3A_574 = vector.broadcast %add3A_573 : f32 to vector<16xf32>
        %add3A_575 = arith.addf %mul3A_572, %add3A_574 : vector<16xf32>
        %mul3A_576 = arith.mulf %add3A_575, %sub3A_565 : vector<16xf32>
        %add3A_577 = arith.constant 0.240131691 : f32
        %add3A_578 = vector.broadcast %add3A_577 : f32 to vector<16xf32>
        %add3A_579 = arith.addf %mul3A_576, %add3A_578 : vector<16xf32>
        %mul3A_580 = arith.mulf %add3A_579, %sub3A_565 : vector<16xf32>
        %add3A_581 = arith.constant 0.693156778 : f32
        %add3A_582 = vector.broadcast %add3A_581 : f32 to vector<16xf32>
        %add3A_583 = arith.addf %mul3A_580, %add3A_582 : vector<16xf32>
        %mul3A_584 = arith.mulf %add3A_583, %sub3A_565 : vector<16xf32>
        %add3A_585 = arith.constant 0.999999761 : f32
        %add3A_586 = vector.broadcast %add3A_585 : f32 to vector<16xf32>
        %add3A_587 = arith.addf %mul3A_584, %add3A_586 : vector<16xf32>
        %add3A_588 = arith.constant 127 : i32
        %add3A_589 = vector.broadcast %add3A_588 : i32 to vector<16xi32>
        %add3A_590 = arith.addi %sub3A_563, %add3A_589 : vector<16xi32>
        %shift_left3A_591 = arith.constant 23 : i32
        %shift_left3A_592 = vector.broadcast %shift_left3A_591 : i32 to vector<16xi32>
        %shift_left3A_593 = arith.shli %add3A_590, %shift_left3A_592 : vector<16xi32>
        %bitcast_convert_type3A_594 = tpu.bitcast %shift_left3A_593 : vector<16xi32> -> vector<16xf32>
        %mul3A_595 = arith.mulf %add3A_587, %bitcast_convert_type3A_594 : vector<16xf32>
        %mul3A_596 = arith.constant 2.000000e-01 : f32
        %mul3A_597 = vector.broadcast %mul3A_596 : f32 to vector<16xf32>
        %mul3A_598 = arith.mulf %mul3A_597, %add3A_388 : vector<16xf32>
        %max3A_599 = arith.maximumf %add3A_388, %mul3A_598 : vector<16xf32>
        %mul3A_600 = arith.constant 1.44269502 : f32
        %mul3A_601 = vector.broadcast %mul3A_600 : f32 to vector<16xf32>
        %mul3A_602 = arith.mulf %max3A_599, %mul3A_601 : vector<16xf32>
        %convert_element_type3A_603 = arith.fptosi %mul3A_602 : vector<16xf32> to vector<16xi32>
        %convert_element_type3A_604 = arith.sitofp %convert_element_type3A_603 : vector<16xi32> to vector<16xf32>
        %lt3A_605 = arith.cmpf olt, %mul3A_602, %convert_element_type3A_604 : vector<16xf32>
        %jit3A_606 = arith.constant 1 : i32
        %jit3A_607 = arith.constant 0 : i32
        %broadcast_in_dim3A_608 = vector.broadcast %jit3A_606 : i32 to vector<16xi32>
        %broadcast_in_dim3A_609 = vector.broadcast %jit3A_607 : i32 to vector<16xi32>
        %select_n3A_610 = arith.select %lt3A_605, %broadcast_in_dim3A_608, %broadcast_in_dim3A_609 : vector<16xi1>, vector<16xi32>
        %sub3A_611 = arith.subi %convert_element_type3A_603, %select_n3A_610 : vector<16xi32>
        %convert_element_type3A_612 = arith.sitofp %sub3A_611 : vector<16xi32> to vector<16xf32>
        %sub3A_613 = arith.subf %mul3A_602, %convert_element_type3A_612 : vector<16xf32>
        %mul3A_614 = arith.constant 0.00189437938 : f32
        %mul3A_615 = vector.broadcast %mul3A_614 : f32 to vector<16xf32>
        %mul3A_616 = arith.mulf %mul3A_615, %sub3A_613 : vector<16xf32>
        %add3A_617 = arith.constant 0.00894058216 : f32
        %add3A_618 = vector.broadcast %add3A_617 : f32 to vector<16xf32>
        %add3A_619 = arith.addf %mul3A_616, %add3A_618 : vector<16xf32>
        %mul3A_620 = arith.mulf %add3A_619, %sub3A_613 : vector<16xf32>
        %add3A_621 = arith.constant 0.0558765568 : f32
        %add3A_622 = vector.broadcast %add3A_621 : f32 to vector<16xf32>
        %add3A_623 = arith.addf %mul3A_620, %add3A_622 : vector<16xf32>
        %mul3A_624 = arith.mulf %add3A_623, %sub3A_613 : vector<16xf32>
        %add3A_625 = arith.constant 0.240131691 : f32
        %add3A_626 = vector.broadcast %add3A_625 : f32 to vector<16xf32>
        %add3A_627 = arith.addf %mul3A_624, %add3A_626 : vector<16xf32>
        %mul3A_628 = arith.mulf %add3A_627, %sub3A_613 : vector<16xf32>
        %add3A_629 = arith.constant 0.693156778 : f32
        %add3A_630 = vector.broadcast %add3A_629 : f32 to vector<16xf32>
        %add3A_631 = arith.addf %mul3A_628, %add3A_630 : vector<16xf32>
        %mul3A_632 = arith.mulf %add3A_631, %sub3A_613 : vector<16xf32>
        %add3A_633 = arith.constant 0.999999761 : f32
        %add3A_634 = vector.broadcast %add3A_633 : f32 to vector<16xf32>
        %add3A_635 = arith.addf %mul3A_632, %add3A_634 : vector<16xf32>
        %add3A_636 = arith.constant 127 : i32
        %add3A_637 = vector.broadcast %add3A_636 : i32 to vector<16xi32>
        %add3A_638 = arith.addi %sub3A_611, %add3A_637 : vector<16xi32>
        %shift_left3A_639 = arith.constant 23 : i32
        %shift_left3A_640 = vector.broadcast %shift_left3A_639 : i32 to vector<16xi32>
        %shift_left3A_641 = arith.shli %add3A_638, %shift_left3A_640 : vector<16xi32>
        %bitcast_convert_type3A_642 = tpu.bitcast %shift_left3A_641 : vector<16xi32> -> vector<16xf32>
        %mul3A_643 = arith.mulf %add3A_635, %bitcast_convert_type3A_642 : vector<16xf32>
        %mul3A_644 = arith.constant 2.000000e-01 : f32
        %mul3A_645 = vector.broadcast %mul3A_644 : f32 to vector<16xf32>
        %mul3A_646 = arith.mulf %mul3A_645, %add3A_395 : vector<16xf32>
        %max3A_647 = arith.maximumf %add3A_395, %mul3A_646 : vector<16xf32>
        %mul3A_648 = arith.constant 1.44269502 : f32
        %mul3A_649 = vector.broadcast %mul3A_648 : f32 to vector<16xf32>
        %mul3A_650 = arith.mulf %max3A_647, %mul3A_649 : vector<16xf32>
        %convert_element_type3A_651 = arith.fptosi %mul3A_650 : vector<16xf32> to vector<16xi32>
        %convert_element_type3A_652 = arith.sitofp %convert_element_type3A_651 : vector<16xi32> to vector<16xf32>
        %lt3A_653 = arith.cmpf olt, %mul3A_650, %convert_element_type3A_652 : vector<16xf32>
        %jit3A_654 = arith.constant 1 : i32
        %jit3A_655 = arith.constant 0 : i32
        %broadcast_in_dim3A_656 = vector.broadcast %jit3A_654 : i32 to vector<16xi32>
        %broadcast_in_dim3A_657 = vector.broadcast %jit3A_655 : i32 to vector<16xi32>
        %select_n3A_658 = arith.select %lt3A_653, %broadcast_in_dim3A_656, %broadcast_in_dim3A_657 : vector<16xi1>, vector<16xi32>
        %sub3A_659 = arith.subi %convert_element_type3A_651, %select_n3A_658 : vector<16xi32>
        %convert_element_type3A_660 = arith.sitofp %sub3A_659 : vector<16xi32> to vector<16xf32>
        %sub3A_661 = arith.subf %mul3A_650, %convert_element_type3A_660 : vector<16xf32>
        %mul3A_662 = arith.constant 0.00189437938 : f32
        %mul3A_663 = vector.broadcast %mul3A_662 : f32 to vector<16xf32>
        %mul3A_664 = arith.mulf %mul3A_663, %sub3A_661 : vector<16xf32>
        %add3A_665 = arith.constant 0.00894058216 : f32
        %add3A_666 = vector.broadcast %add3A_665 : f32 to vector<16xf32>
        %add3A_667 = arith.addf %mul3A_664, %add3A_666 : vector<16xf32>
        %mul3A_668 = arith.mulf %add3A_667, %sub3A_661 : vector<16xf32>
        %add3A_669 = arith.constant 0.0558765568 : f32
        %add3A_670 = vector.broadcast %add3A_669 : f32 to vector<16xf32>
        %add3A_671 = arith.addf %mul3A_668, %add3A_670 : vector<16xf32>
        %mul3A_672 = arith.mulf %add3A_671, %sub3A_661 : vector<16xf32>
        %add3A_673 = arith.constant 0.240131691 : f32
        %add3A_674 = vector.broadcast %add3A_673 : f32 to vector<16xf32>
        %add3A_675 = arith.addf %mul3A_672, %add3A_674 : vector<16xf32>
        %mul3A_676 = arith.mulf %add3A_675, %sub3A_661 : vector<16xf32>
        %add3A_677 = arith.constant 0.693156778 : f32
        %add3A_678 = vector.broadcast %add3A_677 : f32 to vector<16xf32>
        %add3A_679 = arith.addf %mul3A_676, %add3A_678 : vector<16xf32>
        %mul3A_680 = arith.mulf %add3A_679, %sub3A_661 : vector<16xf32>
        %add3A_681 = arith.constant 0.999999761 : f32
        %add3A_682 = vector.broadcast %add3A_681 : f32 to vector<16xf32>
        %add3A_683 = arith.addf %mul3A_680, %add3A_682 : vector<16xf32>
        %add3A_684 = arith.constant 127 : i32
        %add3A_685 = vector.broadcast %add3A_684 : i32 to vector<16xi32>
        %add3A_686 = arith.addi %sub3A_659, %add3A_685 : vector<16xi32>
        %shift_left3A_687 = arith.constant 23 : i32
        %shift_left3A_688 = vector.broadcast %shift_left3A_687 : i32 to vector<16xi32>
        %shift_left3A_689 = arith.shli %add3A_686, %shift_left3A_688 : vector<16xi32>
        %bitcast_convert_type3A_690 = tpu.bitcast %shift_left3A_689 : vector<16xi32> -> vector<16xf32>
        %mul3A_691 = arith.mulf %add3A_683, %bitcast_convert_type3A_690 : vector<16xf32>
        %mul3A_692 = arith.constant 2.000000e-01 : f32
        %mul3A_693 = vector.broadcast %mul3A_692 : f32 to vector<16xf32>
        %mul3A_694 = arith.mulf %mul3A_693, %add3A_402 : vector<16xf32>
        %max3A_695 = arith.maximumf %add3A_402, %mul3A_694 : vector<16xf32>
        %mul3A_696 = arith.constant 1.44269502 : f32
        %mul3A_697 = vector.broadcast %mul3A_696 : f32 to vector<16xf32>
        %mul3A_698 = arith.mulf %max3A_695, %mul3A_697 : vector<16xf32>
        %convert_element_type3A_699 = arith.fptosi %mul3A_698 : vector<16xf32> to vector<16xi32>
        %convert_element_type3A_700 = arith.sitofp %convert_element_type3A_699 : vector<16xi32> to vector<16xf32>
        %lt3A_701 = arith.cmpf olt, %mul3A_698, %convert_element_type3A_700 : vector<16xf32>
        %jit3A_702 = arith.constant 1 : i32
        %jit3A_703 = arith.constant 0 : i32
        %broadcast_in_dim3A_704 = vector.broadcast %jit3A_702 : i32 to vector<16xi32>
        %broadcast_in_dim3A_705 = vector.broadcast %jit3A_703 : i32 to vector<16xi32>
        %select_n3A_706 = arith.select %lt3A_701, %broadcast_in_dim3A_704, %broadcast_in_dim3A_705 : vector<16xi1>, vector<16xi32>
        %sub3A_707 = arith.subi %convert_element_type3A_699, %select_n3A_706 : vector<16xi32>
        %convert_element_type3A_708 = arith.sitofp %sub3A_707 : vector<16xi32> to vector<16xf32>
        %sub3A_709 = arith.subf %mul3A_698, %convert_element_type3A_708 : vector<16xf32>
        %mul3A_710 = arith.constant 0.00189437938 : f32
        %mul3A_711 = vector.broadcast %mul3A_710 : f32 to vector<16xf32>
        %mul3A_712 = arith.mulf %mul3A_711, %sub3A_709 : vector<16xf32>
        %add3A_713 = arith.constant 0.00894058216 : f32
        %add3A_714 = vector.broadcast %add3A_713 : f32 to vector<16xf32>
        %add3A_715 = arith.addf %mul3A_712, %add3A_714 : vector<16xf32>
        %mul3A_716 = arith.mulf %add3A_715, %sub3A_709 : vector<16xf32>
        %add3A_717 = arith.constant 0.0558765568 : f32
        %add3A_718 = vector.broadcast %add3A_717 : f32 to vector<16xf32>
        %add3A_719 = arith.addf %mul3A_716, %add3A_718 : vector<16xf32>
        %mul3A_720 = arith.mulf %add3A_719, %sub3A_709 : vector<16xf32>
        %add3A_721 = arith.constant 0.240131691 : f32
        %add3A_722 = vector.broadcast %add3A_721 : f32 to vector<16xf32>
        %add3A_723 = arith.addf %mul3A_720, %add3A_722 : vector<16xf32>
        %mul3A_724 = arith.mulf %add3A_723, %sub3A_709 : vector<16xf32>
        %add3A_725 = arith.constant 0.693156778 : f32
        %add3A_726 = vector.broadcast %add3A_725 : f32 to vector<16xf32>
        %add3A_727 = arith.addf %mul3A_724, %add3A_726 : vector<16xf32>
        %mul3A_728 = arith.mulf %add3A_727, %sub3A_709 : vector<16xf32>
        %add3A_729 = arith.constant 0.999999761 : f32
        %add3A_730 = vector.broadcast %add3A_729 : f32 to vector<16xf32>
        %add3A_731 = arith.addf %mul3A_728, %add3A_730 : vector<16xf32>
        %add3A_732 = arith.constant 127 : i32
        %add3A_733 = vector.broadcast %add3A_732 : i32 to vector<16xi32>
        %add3A_734 = arith.addi %sub3A_707, %add3A_733 : vector<16xi32>
        %shift_left3A_735 = arith.constant 23 : i32
        %shift_left3A_736 = vector.broadcast %shift_left3A_735 : i32 to vector<16xi32>
        %shift_left3A_737 = arith.shli %add3A_734, %shift_left3A_736 : vector<16xi32>
        %bitcast_convert_type3A_738 = tpu.bitcast %shift_left3A_737 : vector<16xi32> -> vector<16xf32>
        %mul3A_739 = arith.mulf %add3A_731, %bitcast_convert_type3A_738 : vector<16xf32>
        %mul3A_740 = arith.constant 2.000000e-01 : f32
        %mul3A_741 = vector.broadcast %mul3A_740 : f32 to vector<16xf32>
        %mul3A_742 = arith.mulf %mul3A_741, %add3A_409 : vector<16xf32>
        %max3A_743 = arith.maximumf %add3A_409, %mul3A_742 : vector<16xf32>
        %mul3A_744 = arith.constant 1.44269502 : f32
        %mul3A_745 = vector.broadcast %mul3A_744 : f32 to vector<16xf32>
        %mul3A_746 = arith.mulf %max3A_743, %mul3A_745 : vector<16xf32>
        %convert_element_type3A_747 = arith.fptosi %mul3A_746 : vector<16xf32> to vector<16xi32>
        %convert_element_type3A_748 = arith.sitofp %convert_element_type3A_747 : vector<16xi32> to vector<16xf32>
        %lt3A_749 = arith.cmpf olt, %mul3A_746, %convert_element_type3A_748 : vector<16xf32>
        %jit3A_750 = arith.constant 1 : i32
        %jit3A_751 = arith.constant 0 : i32
        %broadcast_in_dim3A_752 = vector.broadcast %jit3A_750 : i32 to vector<16xi32>
        %broadcast_in_dim3A_753 = vector.broadcast %jit3A_751 : i32 to vector<16xi32>
        %select_n3A_754 = arith.select %lt3A_749, %broadcast_in_dim3A_752, %broadcast_in_dim3A_753 : vector<16xi1>, vector<16xi32>
        %sub3A_755 = arith.subi %convert_element_type3A_747, %select_n3A_754 : vector<16xi32>
        %convert_element_type3A_756 = arith.sitofp %sub3A_755 : vector<16xi32> to vector<16xf32>
        %sub3A_757 = arith.subf %mul3A_746, %convert_element_type3A_756 : vector<16xf32>
        %mul3A_758 = arith.constant 0.00189437938 : f32
        %mul3A_759 = vector.broadcast %mul3A_758 : f32 to vector<16xf32>
        %mul3A_760 = arith.mulf %mul3A_759, %sub3A_757 : vector<16xf32>
        %add3A_761 = arith.constant 0.00894058216 : f32
        %add3A_762 = vector.broadcast %add3A_761 : f32 to vector<16xf32>
        %add3A_763 = arith.addf %mul3A_760, %add3A_762 : vector<16xf32>
        %mul3A_764 = arith.mulf %add3A_763, %sub3A_757 : vector<16xf32>
        %add3A_765 = arith.constant 0.0558765568 : f32
        %add3A_766 = vector.broadcast %add3A_765 : f32 to vector<16xf32>
        %add3A_767 = arith.addf %mul3A_764, %add3A_766 : vector<16xf32>
        %mul3A_768 = arith.mulf %add3A_767, %sub3A_757 : vector<16xf32>
        %add3A_769 = arith.constant 0.240131691 : f32
        %add3A_770 = vector.broadcast %add3A_769 : f32 to vector<16xf32>
        %add3A_771 = arith.addf %mul3A_768, %add3A_770 : vector<16xf32>
        %mul3A_772 = arith.mulf %add3A_771, %sub3A_757 : vector<16xf32>
        %add3A_773 = arith.constant 0.693156778 : f32
        %add3A_774 = vector.broadcast %add3A_773 : f32 to vector<16xf32>
        %add3A_775 = arith.addf %mul3A_772, %add3A_774 : vector<16xf32>
        %mul3A_776 = arith.mulf %add3A_775, %sub3A_757 : vector<16xf32>
        %add3A_777 = arith.constant 0.999999761 : f32
        %add3A_778 = vector.broadcast %add3A_777 : f32 to vector<16xf32>
        %add3A_779 = arith.addf %mul3A_776, %add3A_778 : vector<16xf32>
        %add3A_780 = arith.constant 127 : i32
        %add3A_781 = vector.broadcast %add3A_780 : i32 to vector<16xi32>
        %add3A_782 = arith.addi %sub3A_755, %add3A_781 : vector<16xi32>
        %shift_left3A_783 = arith.constant 23 : i32
        %shift_left3A_784 = vector.broadcast %shift_left3A_783 : i32 to vector<16xi32>
        %shift_left3A_785 = arith.shli %add3A_782, %shift_left3A_784 : vector<16xi32>
        %bitcast_convert_type3A_786 = tpu.bitcast %shift_left3A_785 : vector<16xi32> -> vector<16xf32>
        %mul3A_787 = arith.mulf %add3A_779, %bitcast_convert_type3A_786 : vector<16xf32>
        %broadcast_in_dim3A_788 = arith.constant 0 : i32
        %broadcast_in_dim3A_789 = vector.broadcast %broadcast_in_dim3A_788 : i32 to vector<16xi32>
        tpu.vector_store_idx %arg44[%add3A_355, %broadcast_in_dim3A_789], %mul3A_451 : memref<80x16xf32, #tpu.memory_space<vmem>>[vector<16xi32>, vector<16xi32>], vector<16xf32>,
        %broadcast_in_dim3A_790 = arith.constant 1 : i32
        %broadcast_in_dim3A_791 = vector.broadcast %broadcast_in_dim3A_790 : i32 to vector<16xi32>
        tpu.vector_store_idx %arg44[%add3A_355, %broadcast_in_dim3A_791], %mul3A_499 : memref<80x16xf32, #tpu.memory_space<vmem>>[vector<16xi32>, vector<16xi32>], vector<16xf32>,
        %broadcast_in_dim3A_792 = arith.constant 2 : i32
        %broadcast_in_dim3A_793 = vector.broadcast %broadcast_in_dim3A_792 : i32 to vector<16xi32>
        tpu.vector_store_idx %arg44[%add3A_355, %broadcast_in_dim3A_793], %mul3A_547 : memref<80x16xf32, #tpu.memory_space<vmem>>[vector<16xi32>, vector<16xi32>], vector<16xf32>,
        %broadcast_in_dim3A_794 = arith.constant 3 : i32
        %broadcast_in_dim3A_795 = vector.broadcast %broadcast_in_dim3A_794 : i32 to vector<16xi32>
        tpu.vector_store_idx %arg44[%add3A_355, %broadcast_in_dim3A_795], %mul3A_595 : memref<80x16xf32, #tpu.memory_space<vmem>>[vector<16xi32>, vector<16xi32>], vector<16xf32>,
        %broadcast_in_dim3A_796 = arith.constant 4 : i32
        %broadcast_in_dim3A_797 = vector.broadcast %broadcast_in_dim3A_796 : i32 to vector<16xi32>
        tpu.vector_store_idx %arg44[%add3A_355, %broadcast_in_dim3A_797], %mul3A_643 : memref<80x16xf32, #tpu.memory_space<vmem>>[vector<16xi32>, vector<16xi32>], vector<16xf32>,
        %broadcast_in_dim3A_798 = arith.constant 5 : i32
        %broadcast_in_dim3A_799 = vector.broadcast %broadcast_in_dim3A_798 : i32 to vector<16xi32>
        tpu.vector_store_idx %arg44[%add3A_355, %broadcast_in_dim3A_799], %mul3A_691 : memref<80x16xf32, #tpu.memory_space<vmem>>[vector<16xi32>, vector<16xi32>], vector<16xf32>,
        %broadcast_in_dim3A_800 = arith.constant 6 : i32
        %broadcast_in_dim3A_801 = vector.broadcast %broadcast_in_dim3A_800 : i32 to vector<16xi32>
        tpu.vector_store_idx %arg44[%add3A_355, %broadcast_in_dim3A_801], %mul3A_739 : memref<80x16xf32, #tpu.memory_space<vmem>>[vector<16xi32>, vector<16xi32>], vector<16xf32>,
        %broadcast_in_dim3A_802 = arith.constant 7 : i32
        %broadcast_in_dim3A_803 = vector.broadcast %broadcast_in_dim3A_802 : i32 to vector<16xi32>
        tpu.vector_store_idx %arg44[%add3A_355, %broadcast_in_dim3A_803], %mul3A_787 : memref<80x16xf32, #tpu.memory_space<vmem>>[vector<16xi32>, vector<16xi32>], vector<16xf32>,
      }
      %scan3A_338 = arith.constant 5 : i32
      %scan3A_339 = arith.constant 0 : i32
      %scan3A_340 = arith.constant 0 : i32
      %scan3A_341 = arith.constant 80 : i32
      %scan3A_342 = arith.addi %scan3A_340, %scan3A_341 : i32
      %scan3A_343 = arith.constant 2 : i32
      scf.for %scan3A_351 = %scan3A_340 to %scan3A_342 step %scan3A_343  : i32 {
        %get3A = arith.index_cast %scan3A_351 : i32 to index
        %get3A_352 = arith.constant 0 : index
        %get3A_353 = tpu.vector_load %arg44[%get3A, %get3A_352] {strides = array<i32>} : memref<80x16xf32, #tpu.memory_space<vmem>>, vector<16xf32>,
        %get3A_354 = arith.index_cast %scan3A_351 : i32 to index
        %get3A_355 = arith.constant 0 : index
        %get3A_356 = tpu.vector_load %arg42[%get3A_354, %get3A_355] {strides = array<i32>} : memref<80x128xf32, #tpu.memory_space<vmem>>, vector<16xf32>,
        %slice3A = vector.extract_strided_slice %get3A_353 {offsets = [0], sizes = [1], strides = [1]} : vector<16xf32> to vector<1xf32>
        %squeeze3A = vector.extract %slice3A[0] : f32 from vector<1xf32>
        %mul3A_357 = vector.broadcast %squeeze3A : f32 to vector<16xf32>
        %mul3A_358 = arith.mulf %get3A_356, %mul3A_357 : vector<16xf32>
        %swap3A = arith.index_cast %scan3A_351 : i32 to index
        %swap3A_359 = arith.constant 0 : index
        %swap3A_360 = tpu.vector_load %arg42[%swap3A, %swap3A_359] {strides = array<i32>} : memref<80x128xf32, #tpu.memory_space<vmem>>, vector<16xf32>,
        tpu.vector_store %arg42[%swap3A, %swap3A_359], %mul3A_358 {strides = array<i32>} : memref<80x128xf32, #tpu.memory_space<vmem>>, vector<16xf32>,
        %get3A_361 = arith.index_cast %scan3A_351 : i32 to index
        %get3A_362 = arith.constant 16 : index
        %get3A_363 = tpu.vector_load %arg42[%get3A_361, %get3A_362] {strides = array<i32>} : memref<80x128xf32, #tpu.memory_space<vmem>>, vector<16xf32>,
        %slice3A_364 = vector.extract_strided_slice %get3A_353 {offsets = [1], sizes = [1], strides = [1]} : vector<16xf32> to vector<1xf32>
        %squeeze3A_365 = vector.extract %slice3A_364[0] : f32 from vector<1xf32>
        %mul3A_366 = vector.broadcast %squeeze3A_365 : f32 to vector<16xf32>
        %mul3A_367 = arith.mulf %get3A_363, %mul3A_366 : vector<16xf32>
        %swap3A_368 = arith.index_cast %scan3A_351 : i32 to index
        %swap3A_369 = arith.constant 16 : index
        %swap3A_370 = tpu.vector_load %arg42[%swap3A_368, %swap3A_369] {strides = array<i32>} : memref<80x128xf32, #tpu.memory_space<vmem>>, vector<16xf32>,
        tpu.vector_store %arg42[%swap3A_368, %swap3A_369], %mul3A_367 {strides = array<i32>} : memref<80x128xf32, #tpu.memory_space<vmem>>, vector<16xf32>,
        %get3A_371 = arith.index_cast %scan3A_351 : i32 to index
        %get3A_372 = arith.constant 32 : index
        %get3A_373 = tpu.vector_load %arg42[%get3A_371, %get3A_372] {strides = array<i32>} : memref<80x128xf32, #tpu.memory_space<vmem>>, vector<16xf32>,
        %slice3A_374 = vector.extract_strided_slice %get3A_353 {offsets = [2], sizes = [1], strides = [1]} : vector<16xf32> to vector<1xf32>
        %squeeze3A_375 = vector.extract %slice3A_374[0] : f32 from vector<1xf32>
        %mul3A_376 = vector.broadcast %squeeze3A_375 : f32 to vector<16xf32>
        %mul3A_377 = arith.mulf %get3A_373, %mul3A_376 : vector<16xf32>
        %swap3A_378 = arith.index_cast %scan3A_351 : i32 to index
        %swap3A_379 = arith.constant 32 : index
        %swap3A_380 = tpu.vector_load %arg42[%swap3A_378, %swap3A_379] {strides = array<i32>} : memref<80x128xf32, #tpu.memory_space<vmem>>, vector<16xf32>,
        tpu.vector_store %arg42[%swap3A_378, %swap3A_379], %mul3A_377 {strides = array<i32>} : memref<80x128xf32, #tpu.memory_space<vmem>>, vector<16xf32>,
        %get3A_381 = arith.index_cast %scan3A_351 : i32 to index
        %get3A_382 = arith.constant 48 : index
        %get3A_383 = tpu.vector_load %arg42[%get3A_381, %get3A_382] {strides = array<i32>} : memref<80x128xf32, #tpu.memory_space<vmem>>, vector<16xf32>,
        %slice3A_384 = vector.extract_strided_slice %get3A_353 {offsets = [3], sizes = [1], strides = [1]} : vector<16xf32> to vector<1xf32>
        %squeeze3A_385 = vector.extract %slice3A_384[0] : f32 from vector<1xf32>
        %mul3A_386 = vector.broadcast %squeeze3A_385 : f32 to vector<16xf32>
        %mul3A_387 = arith.mulf %get3A_383, %mul3A_386 : vector<16xf32>
        %swap3A_388 = arith.index_cast %scan3A_351 : i32 to index
        %swap3A_389 = arith.constant 48 : index
        %swap3A_390 = tpu.vector_load %arg42[%swap3A_388, %swap3A_389] {strides = array<i32>} : memref<80x128xf32, #tpu.memory_space<vmem>>, vector<16xf32>,
        tpu.vector_store %arg42[%swap3A_388, %swap3A_389], %mul3A_387 {strides = array<i32>} : memref<80x128xf32, #tpu.memory_space<vmem>>, vector<16xf32>,
        %get3A_391 = arith.index_cast %scan3A_351 : i32 to index
        %get3A_392 = arith.constant 64 : index
        %get3A_393 = tpu.vector_load %arg42[%get3A_391, %get3A_392] {strides = array<i32>} : memref<80x128xf32, #tpu.memory_space<vmem>>, vector<16xf32>,
        %slice3A_394 = vector.extract_strided_slice %get3A_353 {offsets = [4], sizes = [1], strides = [1]} : vector<16xf32> to vector<1xf32>
        %squeeze3A_395 = vector.extract %slice3A_394[0] : f32 from vector<1xf32>
        %mul3A_396 = vector.broadcast %squeeze3A_395 : f32 to vector<16xf32>
        %mul3A_397 = arith.mulf %get3A_393, %mul3A_396 : vector<16xf32>
        %swap3A_398 = arith.index_cast %scan3A_351 : i32 to index
        %swap3A_399 = arith.constant 64 : index
        %swap3A_400 = tpu.vector_load %arg42[%swap3A_398, %swap3A_399] {strides = array<i32>} : memref<80x128xf32, #tpu.memory_space<vmem>>, vector<16xf32>,
        tpu.vector_store %arg42[%swap3A_398, %swap3A_399], %mul3A_397 {strides = array<i32>} : memref<80x128xf32, #tpu.memory_space<vmem>>, vector<16xf32>,
        %get3A_401 = arith.index_cast %scan3A_351 : i32 to index
        %get3A_402 = arith.constant 80 : index
        %get3A_403 = tpu.vector_load %arg42[%get3A_401, %get3A_402] {strides = array<i32>} : memref<80x128xf32, #tpu.memory_space<vmem>>, vector<16xf32>,
        %slice3A_404 = vector.extract_strided_slice %get3A_353 {offsets = [5], sizes = [1], strides = [1]} : vector<16xf32> to vector<1xf32>
        %squeeze3A_405 = vector.extract %slice3A_404[0] : f32 from vector<1xf32>
        %mul3A_406 = vector.broadcast %squeeze3A_405 : f32 to vector<16xf32>
        %mul3A_407 = arith.mulf %get3A_403, %mul3A_406 : vector<16xf32>
        %swap3A_408 = arith.index_cast %scan3A_351 : i32 to index
        %swap3A_409 = arith.constant 80 : index
        %swap3A_410 = tpu.vector_load %arg42[%swap3A_408, %swap3A_409] {strides = array<i32>} : memref<80x128xf32, #tpu.memory_space<vmem>>, vector<16xf32>,
        tpu.vector_store %arg42[%swap3A_408, %swap3A_409], %mul3A_407 {strides = array<i32>} : memref<80x128xf32, #tpu.memory_space<vmem>>, vector<16xf32>,
        %get3A_411 = arith.index_cast %scan3A_351 : i32 to index
        %get3A_412 = arith.constant 96 : index
        %get3A_413 = tpu.vector_load %arg42[%get3A_411, %get3A_412] {strides = array<i32>} : memref<80x128xf32, #tpu.memory_space<vmem>>, vector<16xf32>,
        %slice3A_414 = vector.extract_strided_slice %get3A_353 {offsets = [6], sizes = [1], strides = [1]} : vector<16xf32> to vector<1xf32>
        %squeeze3A_415 = vector.extract %slice3A_414[0] : f32 from vector<1xf32>
        %mul3A_416 = vector.broadcast %squeeze3A_415 : f32 to vector<16xf32>
        %mul3A_417 = arith.mulf %get3A_413, %mul3A_416 : vector<16xf32>
        %swap3A_418 = arith.index_cast %scan3A_351 : i32 to index
        %swap3A_419 = arith.constant 96 : index
        %swap3A_420 = tpu.vector_load %arg42[%swap3A_418, %swap3A_419] {strides = array<i32>} : memref<80x128xf32, #tpu.memory_space<vmem>>, vector<16xf32>,
        tpu.vector_store %arg42[%swap3A_418, %swap3A_419], %mul3A_417 {strides = array<i32>} : memref<80x128xf32, #tpu.memory_space<vmem>>, vector<16xf32>,
        %get3A_421 = arith.index_cast %scan3A_351 : i32 to index
        %get3A_422 = arith.constant 112 : index
        %get3A_423 = tpu.vector_load %arg42[%get3A_421, %get3A_422] {strides = array<i32>} : memref<80x128xf32, #tpu.memory_space<vmem>>, vector<16xf32>,
        %slice3A_424 = vector.extract_strided_slice %get3A_353 {offsets = [7], sizes = [1], strides = [1]} : vector<16xf32> to vector<1xf32>
        %squeeze3A_425 = vector.extract %slice3A_424[0] : f32 from vector<1xf32>
        %mul3A_426 = vector.broadcast %squeeze3A_425 : f32 to vector<16xf32>
        %mul3A_427 = arith.mulf %get3A_423, %mul3A_426 : vector<16xf32>
        %swap3A_428 = arith.index_cast %scan3A_351 : i32 to index
        %swap3A_429 = arith.constant 112 : index
        %swap3A_430 = tpu.vector_load %arg42[%swap3A_428, %swap3A_429] {strides = array<i32>} : memref<80x128xf32, #tpu.memory_space<vmem>>, vector<16xf32>,
        tpu.vector_store %arg42[%swap3A_428, %swap3A_429], %mul3A_427 {strides = array<i32>} : memref<80x128xf32, #tpu.memory_space<vmem>>, vector<16xf32>,
        %scan3A_431 = arith.constant 1 : i32
        %scan3A_432 = arith.addi %scan3A_351, %scan3A_431 : i32
        %get3A_433 = arith.index_cast %scan3A_432 : i32 to index
        %get3A_434 = arith.constant 0 : index
        %get3A_435 = tpu.vector_load %arg44[%get3A_433, %get3A_434] {strides = array<i32>} : memref<80x16xf32, #tpu.memory_space<vmem>>, vector<16xf32>,
        %get3A_436 = arith.index_cast %scan3A_432 : i32 to index
        %get3A_437 = arith.constant 0 : index
        %get3A_438 = tpu.vector_load %arg42[%get3A_436, %get3A_437] {strides = array<i32>} : memref<80x128xf32, #tpu.memory_space<vmem>>, vector<16xf32>,
        %slice3A_439 = vector.extract_strided_slice %get3A_435 {offsets = [0], sizes = [1], strides = [1]} : vector<16xf32> to vector<1xf32>
        %squeeze3A_440 = vector.extract %slice3A_439[0] : f32 from vector<1xf32>
        %mul3A_441 = vector.broadcast %squeeze3A_440 : f32 to vector<16xf32>
        %mul3A_442 = arith.mulf %get3A_438, %mul3A_441 : vector<16xf32>
        %swap3A_443 = arith.index_cast %scan3A_432 : i32 to index
        %swap3A_444 = arith.constant 0 : index
        %swap3A_445 = tpu.vector_load %arg42[%swap3A_443, %swap3A_444] {strides = array<i32>} : memref<80x128xf32, #tpu.memory_space<vmem>>, vector<16xf32>,
        tpu.vector_store %arg42[%swap3A_443, %swap3A_444], %mul3A_442 {strides = array<i32>} : memref<80x128xf32, #tpu.memory_space<vmem>>, vector<16xf32>,
        %get3A_446 = arith.index_cast %scan3A_432 : i32 to index
        %get3A_447 = arith.constant 16 : index
        %get3A_448 = tpu.vector_load %arg42[%get3A_446, %get3A_447] {strides = array<i32>} : memref<80x128xf32, #tpu.memory_space<vmem>>, vector<16xf32>,
        %slice3A_449 = vector.extract_strided_slice %get3A_435 {offsets = [1], sizes = [1], strides = [1]} : vector<16xf32> to vector<1xf32>
        %squeeze3A_450 = vector.extract %slice3A_449[0] : f32 from vector<1xf32>
        %mul3A_451 = vector.broadcast %squeeze3A_450 : f32 to vector<16xf32>
        %mul3A_452 = arith.mulf %get3A_448, %mul3A_451 : vector<16xf32>
        %swap3A_453 = arith.index_cast %scan3A_432 : i32 to index
        %swap3A_454 = arith.constant 16 : index
        %swap3A_455 = tpu.vector_load %arg42[%swap3A_453, %swap3A_454] {strides = array<i32>} : memref<80x128xf32, #tpu.memory_space<vmem>>, vector<16xf32>,
        tpu.vector_store %arg42[%swap3A_453, %swap3A_454], %mul3A_452 {strides = array<i32>} : memref<80x128xf32, #tpu.memory_space<vmem>>, vector<16xf32>,
        %get3A_456 = arith.index_cast %scan3A_432 : i32 to index
        %get3A_457 = arith.constant 32 : index
        %get3A_458 = tpu.vector_load %arg42[%get3A_456, %get3A_457] {strides = array<i32>} : memref<80x128xf32, #tpu.memory_space<vmem>>, vector<16xf32>,
        %slice3A_459 = vector.extract_strided_slice %get3A_435 {offsets = [2], sizes = [1], strides = [1]} : vector<16xf32> to vector<1xf32>
        %squeeze3A_460 = vector.extract %slice3A_459[0] : f32 from vector<1xf32>
        %mul3A_461 = vector.broadcast %squeeze3A_460 : f32 to vector<16xf32>
        %mul3A_462 = arith.mulf %get3A_458, %mul3A_461 : vector<16xf32>
        %swap3A_463 = arith.index_cast %scan3A_432 : i32 to index
        %swap3A_464 = arith.constant 32 : index
        %swap3A_465 = tpu.vector_load %arg42[%swap3A_463, %swap3A_464] {strides = array<i32>} : memref<80x128xf32, #tpu.memory_space<vmem>>, vector<16xf32>,
        tpu.vector_store %arg42[%swap3A_463, %swap3A_464], %mul3A_462 {strides = array<i32>} : memref<80x128xf32, #tpu.memory_space<vmem>>, vector<16xf32>,
        %get3A_466 = arith.index_cast %scan3A_432 : i32 to index
        %get3A_467 = arith.constant 48 : index
        %get3A_468 = tpu.vector_load %arg42[%get3A_466, %get3A_467] {strides = array<i32>} : memref<80x128xf32, #tpu.memory_space<vmem>>, vector<16xf32>,
        %slice3A_469 = vector.extract_strided_slice %get3A_435 {offsets = [3], sizes = [1], strides = [1]} : vector<16xf32> to vector<1xf32>
        %squeeze3A_470 = vector.extract %slice3A_469[0] : f32 from vector<1xf32>
        %mul3A_471 = vector.broadcast %squeeze3A_470 : f32 to vector<16xf32>
        %mul3A_472 = arith.mulf %get3A_468, %mul3A_471 : vector<16xf32>
        %swap3A_473 = arith.index_cast %scan3A_432 : i32 to index
        %swap3A_474 = arith.constant 48 : index
        %swap3A_475 = tpu.vector_load %arg42[%swap3A_473, %swap3A_474] {strides = array<i32>} : memref<80x128xf32, #tpu.memory_space<vmem>>, vector<16xf32>,
        tpu.vector_store %arg42[%swap3A_473, %swap3A_474], %mul3A_472 {strides = array<i32>} : memref<80x128xf32, #tpu.memory_space<vmem>>, vector<16xf32>,
        %get3A_476 = arith.index_cast %scan3A_432 : i32 to index
        %get3A_477 = arith.constant 64 : index
        %get3A_478 = tpu.vector_load %arg42[%get3A_476, %get3A_477] {strides = array<i32>} : memref<80x128xf32, #tpu.memory_space<vmem>>, vector<16xf32>,
        %slice3A_479 = vector.extract_strided_slice %get3A_435 {offsets = [4], sizes = [1], strides = [1]} : vector<16xf32> to vector<1xf32>
        %squeeze3A_480 = vector.extract %slice3A_479[0] : f32 from vector<1xf32>
        %mul3A_481 = vector.broadcast %squeeze3A_480 : f32 to vector<16xf32>
        %mul3A_482 = arith.mulf %get3A_478, %mul3A_481 : vector<16xf32>
        %swap3A_483 = arith.index_cast %scan3A_432 : i32 to index
        %swap3A_484 = arith.constant 64 : index
        %swap3A_485 = tpu.vector_load %arg42[%swap3A_483, %swap3A_484] {strides = array<i32>} : memref<80x128xf32, #tpu.memory_space<vmem>>, vector<16xf32>,
        tpu.vector_store %arg42[%swap3A_483, %swap3A_484], %mul3A_482 {strides = array<i32>} : memref<80x128xf32, #tpu.memory_space<vmem>>, vector<16xf32>,
        %get3A_486 = arith.index_cast %scan3A_432 : i32 to index
        %get3A_487 = arith.constant 80 : index
        %get3A_488 = tpu.vector_load %arg42[%get3A_486, %get3A_487] {strides = array<i32>} : memref<80x128xf32, #tpu.memory_space<vmem>>, vector<16xf32>,
        %slice3A_489 = vector.extract_strided_slice %get3A_435 {offsets = [5], sizes = [1], strides = [1]} : vector<16xf32> to vector<1xf32>
        %squeeze3A_490 = vector.extract %slice3A_489[0] : f32 from vector<1xf32>
        %mul3A_491 = vector.broadcast %squeeze3A_490 : f32 to vector<16xf32>
        %mul3A_492 = arith.mulf %get3A_488, %mul3A_491 : vector<16xf32>
        %swap3A_493 = arith.index_cast %scan3A_432 : i32 to index
        %swap3A_494 = arith.constant 80 : index
        %swap3A_495 = tpu.vector_load %arg42[%swap3A_493, %swap3A_494] {strides = array<i32>} : memref<80x128xf32, #tpu.memory_space<vmem>>, vector<16xf32>,
        tpu.vector_store %arg42[%swap3A_493, %swap3A_494], %mul3A_492 {strides = array<i32>} : memref<80x128xf32, #tpu.memory_space<vmem>>, vector<16xf32>,
        %get3A_496 = arith.index_cast %scan3A_432 : i32 to index
        %get3A_497 = arith.constant 96 : index
        %get3A_498 = tpu.vector_load %arg42[%get3A_496, %get3A_497] {strides = array<i32>} : memref<80x128xf32, #tpu.memory_space<vmem>>, vector<16xf32>,
        %slice3A_499 = vector.extract_strided_slice %get3A_435 {offsets = [6], sizes = [1], strides = [1]} : vector<16xf32> to vector<1xf32>
        %squeeze3A_500 = vector.extract %slice3A_499[0] : f32 from vector<1xf32>
        %mul3A_501 = vector.broadcast %squeeze3A_500 : f32 to vector<16xf32>
        %mul3A_502 = arith.mulf %get3A_498, %mul3A_501 : vector<16xf32>
        %swap3A_503 = arith.index_cast %scan3A_432 : i32 to index
        %swap3A_504 = arith.constant 96 : index
        %swap3A_505 = tpu.vector_load %arg42[%swap3A_503, %swap3A_504] {strides = array<i32>} : memref<80x128xf32, #tpu.memory_space<vmem>>, vector<16xf32>,
        tpu.vector_store %arg42[%swap3A_503, %swap3A_504], %mul3A_502 {strides = array<i32>} : memref<80x128xf32, #tpu.memory_space<vmem>>, vector<16xf32>,
        %get3A_506 = arith.index_cast %scan3A_432 : i32 to index
        %get3A_507 = arith.constant 112 : index
        %get3A_508 = tpu.vector_load %arg42[%get3A_506, %get3A_507] {strides = array<i32>} : memref<80x128xf32, #tpu.memory_space<vmem>>, vector<16xf32>,
        %slice3A_509 = vector.extract_strided_slice %get3A_435 {offsets = [7], sizes = [1], strides = [1]} : vector<16xf32> to vector<1xf32>
        %squeeze3A_510 = vector.extract %slice3A_509[0] : f32 from vector<1xf32>
        %mul3A_511 = vector.broadcast %squeeze3A_510 : f32 to vector<16xf32>
        %mul3A_512 = arith.mulf %get3A_508, %mul3A_511 : vector<16xf32>
        %swap3A_513 = arith.index_cast %scan3A_432 : i32 to index
        %swap3A_514 = arith.constant 112 : index
        %swap3A_515 = tpu.vector_load %arg42[%swap3A_513, %swap3A_514] {strides = array<i32>} : memref<80x128xf32, #tpu.memory_space<vmem>>, vector<16xf32>,
        tpu.vector_store %arg42[%swap3A_513, %swap3A_514], %mul3A_512 {strides = array<i32>} : memref<80x128xf32, #tpu.memory_space<vmem>>, vector<16xf32>,
      }
      %scan3A_344 = arith.constant 80 : i32
      %dma_start3A_345 = arith.constant 0 : i32
      %dma_start3A_346 = arith.constant 0 : i32
      %dma_start3A_347 = tpu.memref_slice %arg7[%dma_start3A_345, %dma_start3A_346] : memref<10000x128xf32, #tpu.memory_space<vmem_shared>> -> memref<10000x128xf32, #tpu.memory_space<vmem_shared>>
      tpu.enqueue_indirect_dma source(%arg42 : memref<80x128xf32, #tpu.memory_space<vmem>>) target(%dma_start3A_347 : memref<10000x128xf32, #tpu.memory_space<vmem_shared>>) offsets(%arg41 : memref<80xi32, #tpu.memory_space<vmem>>) semaphore(%arg49 : memref<!tpu.dma_semaphore, #tpu.memory_space<semaphore_mem>>) {add = true}
      %dma_start3A_348 = arith.constant 0 : i32
      %dma_start3A_349 = arith.constant 0 : i32
      %dma_start3A_350 = tpu.memref_slice %arg8[%dma_start3A_348, %dma_start3A_349] : memref<10000x16xf32, #tpu.memory_space<vmem_shared>> -> memref<10000x16xf32, #tpu.memory_space<vmem_shared>>
      tpu.enqueue_indirect_dma source(%arg44 : memref<80x16xf32, #tpu.memory_space<vmem>>) target(%dma_start3A_350 : memref<10000x16xf32, #tpu.memory_space<vmem_shared>>) offsets(%arg41 : memref<80xi32, #tpu.memory_space<vmem>>) semaphore(%arg50 : memref<!tpu.dma_semaphore, #tpu.memory_space<semaphore_mem>>) {add = true}
    }
    %scan3A_93 = arith.constant 83 : i32
    %dma_wait3A_94 = arith.constant 0 : i32
    %dma_wait3A_95 = arith.constant 0 : i32
    %dma_wait3A_96 = tpu.memref_slice %arg3[%dma_wait3A_94, %dma_wait3A_95] : memref<20000x128xf32, #tpu.memory_space<hbm>> -> memref<20000x128xf32, #tpu.memory_space<hbm>>
    tpu.wait_indirect_dma semaphore(%arg18 : memref<!tpu.dma_semaphore, #tpu.memory_space<semaphore_mem>>) src(%dma_wait3A_96 : memref<20000x128xf32, #tpu.memory_space<hbm>>) dst(%arg14 : memref<80x128xf32, #tpu.memory_space<vmem>>)
    %dma_wait3A_97 = arith.constant 0 : i32
    %dma_wait3A_98 = arith.constant 0 : i32
    %dma_wait3A_99 = tpu.memref_slice %arg4[%dma_wait3A_97, %dma_wait3A_98] : memref<20000x16xf32, #tpu.memory_space<hbm>> -> memref<20000x16xf32, #tpu.memory_space<hbm>>
    tpu.wait_indirect_dma semaphore(%arg19 : memref<!tpu.dma_semaphore, #tpu.memory_space<semaphore_mem>>) src(%dma_wait3A_99 : memref<20000x16xf32, #tpu.memory_space<hbm>>) dst(%arg15 : memref<80x16xf32, #tpu.memory_space<vmem>>)
    %dma_wait3A_100 = arith.constant 0 : i32
    %dma_wait3A_101 = arith.constant 0 : i32
    %dma_wait3A_102 = tpu.memref_slice %arg4[%dma_wait3A_100, %dma_wait3A_101] : memref<20000x16xf32, #tpu.memory_space<hbm>> -> memref<20000x16xf32, #tpu.memory_space<hbm>>
    tpu.wait_indirect_dma semaphore(%arg20 : memref<!tpu.dma_semaphore, #tpu.memory_space<semaphore_mem>>) src(%dma_wait3A_102 : memref<20000x16xf32, #tpu.memory_space<hbm>>) dst(%arg16 : memref<80x16xf32, #tpu.memory_space<vmem>>)
    %scan3A_103 = arith.constant 0 : i32
    %scan3A_104 = arith.constant 0 : i32
    %scan3A_105 = arith.constant 5 : i32
    %scan3A_106 = arith.addi %scan3A_104, %scan3A_105 : i32
    %scan3A_107 = arith.constant 1 : i32
    scf.for %scan3A_142 = %scan3A_104 to %scan3A_106 step %scan3A_107  : i32 {
      %mul3A_143 = arith.constant 16 : i32
      %mul3A_144 = arith.muli %scan3A_142, %mul3A_143 : i32
      %iota3A = tpu.iota {dimensions = array<i32: 0>} : vector<16xi32>
      %add3A_145 = vector.broadcast %mul3A_144 : i32 to vector<16xi32>
      %add3A_146 = arith.addi %add3A_145, %iota3A : vector<16xi32>
      %broadcast_in_dim3A = arith.constant 0 : i32
      %broadcast_in_dim3A_147 = vector.broadcast %broadcast_in_dim3A : i32 to vector<16xi32>
      %gather3A = tpu.vector_load_idx %arg15[%add3A_146, %broadcast_in_dim3A_147] : memref<80x16xf32, #tpu.memory_space<vmem>>[vector<16xi32>, vector<16xi32>], vector<16xf32>,
      %broadcast_in_dim3A_148 = arith.constant 8 : i32
      %broadcast_in_dim3A_149 = vector.broadcast %broadcast_in_dim3A_148 : i32 to vector<16xi32>
      %gather3A_150 = tpu.vector_load_idx %arg16[%add3A_146, %broadcast_in_dim3A_149] : memref<80x16xf32, #tpu.memory_space<vmem>>[vector<16xi32>, vector<16xi32>], vector<16xf32>,
      %add3A_151 = arith.addf %gather3A, %gather3A_150 : vector<16xf32>
      %broadcast_in_dim3A_152 = arith.constant 1 : i32
      %broadcast_in_dim3A_153 = vector.broadcast %broadcast_in_dim3A_152 : i32 to vector<16xi32>
      %gather3A_154 = tpu.vector_load_idx %arg15[%add3A_146, %broadcast_in_dim3A_153] : memref<80x16xf32, #tpu.memory_space<vmem>>[vector<16xi32>, vector<16xi32>], vector<16xf32>,
      %broadcast_in_dim3A_155 = arith.constant 9 : i32
      %broadcast_in_dim3A_156 = vector.broadcast %broadcast_in_dim3A_155 : i32 to vector<16xi32>
      %gather3A_157 = tpu.vector_load_idx %arg16[%add3A_146, %broadcast_in_dim3A_156] : memref<80x16xf32, #tpu.memory_space<vmem>>[vector<16xi32>, vector<16xi32>], vector<16xf32>,
      %add3A_158 = arith.addf %gather3A_154, %gather3A_157 : vector<16xf32>
      %broadcast_in_dim3A_159 = arith.constant 2 : i32
      %broadcast_in_dim3A_160 = vector.broadcast %broadcast_in_dim3A_159 : i32 to vector<16xi32>
      %gather3A_161 = tpu.vector_load_idx %arg15[%add3A_146, %broadcast_in_dim3A_160] : memref<80x16xf32, #tpu.memory_space<vmem>>[vector<16xi32>, vector<16xi32>], vector<16xf32>,
      %broadcast_in_dim3A_162 = arith.constant 10 : i32
      %broadcast_in_dim3A_163 = vector.broadcast %broadcast_in_dim3A_162 : i32 to vector<16xi32>
      %gather3A_164 = tpu.vector_load_idx %arg16[%add3A_146, %broadcast_in_dim3A_163] : memref<80x16xf32, #tpu.memory_space<vmem>>[vector<16xi32>, vector<16xi32>], vector<16xf32>,
      %add3A_165 = arith.addf %gather3A_161, %gather3A_164 : vector<16xf32>
      %broadcast_in_dim3A_166 = arith.constant 3 : i32
      %broadcast_in_dim3A_167 = vector.broadcast %broadcast_in_dim3A_166 : i32 to vector<16xi32>
      %gather3A_168 = tpu.vector_load_idx %arg15[%add3A_146, %broadcast_in_dim3A_167] : memref<80x16xf32, #tpu.memory_space<vmem>>[vector<16xi32>, vector<16xi32>], vector<16xf32>,
      %broadcast_in_dim3A_169 = arith.constant 11 : i32
      %broadcast_in_dim3A_170 = vector.broadcast %broadcast_in_dim3A_169 : i32 to vector<16xi32>
      %gather3A_171 = tpu.vector_load_idx %arg16[%add3A_146, %broadcast_in_dim3A_170] : memref<80x16xf32, #tpu.memory_space<vmem>>[vector<16xi32>, vector<16xi32>], vector<16xf32>,
      %add3A_172 = arith.addf %gather3A_168, %gather3A_171 : vector<16xf32>
      %broadcast_in_dim3A_173 = arith.constant 4 : i32
      %broadcast_in_dim3A_174 = vector.broadcast %broadcast_in_dim3A_173 : i32 to vector<16xi32>
      %gather3A_175 = tpu.vector_load_idx %arg15[%add3A_146, %broadcast_in_dim3A_174] : memref<80x16xf32, #tpu.memory_space<vmem>>[vector<16xi32>, vector<16xi32>], vector<16xf32>,
      %broadcast_in_dim3A_176 = arith.constant 12 : i32
      %broadcast_in_dim3A_177 = vector.broadcast %broadcast_in_dim3A_176 : i32 to vector<16xi32>
      %gather3A_178 = tpu.vector_load_idx %arg16[%add3A_146, %broadcast_in_dim3A_177] : memref<80x16xf32, #tpu.memory_space<vmem>>[vector<16xi32>, vector<16xi32>], vector<16xf32>,
      %add3A_179 = arith.addf %gather3A_175, %gather3A_178 : vector<16xf32>
      %broadcast_in_dim3A_180 = arith.constant 5 : i32
      %broadcast_in_dim3A_181 = vector.broadcast %broadcast_in_dim3A_180 : i32 to vector<16xi32>
      %gather3A_182 = tpu.vector_load_idx %arg15[%add3A_146, %broadcast_in_dim3A_181] : memref<80x16xf32, #tpu.memory_space<vmem>>[vector<16xi32>, vector<16xi32>], vector<16xf32>,
      %broadcast_in_dim3A_183 = arith.constant 13 : i32
      %broadcast_in_dim3A_184 = vector.broadcast %broadcast_in_dim3A_183 : i32 to vector<16xi32>
      %gather3A_185 = tpu.vector_load_idx %arg16[%add3A_146, %broadcast_in_dim3A_184] : memref<80x16xf32, #tpu.memory_space<vmem>>[vector<16xi32>, vector<16xi32>], vector<16xf32>,
      %add3A_186 = arith.addf %gather3A_182, %gather3A_185 : vector<16xf32>
      %broadcast_in_dim3A_187 = arith.constant 6 : i32
      %broadcast_in_dim3A_188 = vector.broadcast %broadcast_in_dim3A_187 : i32 to vector<16xi32>
      %gather3A_189 = tpu.vector_load_idx %arg15[%add3A_146, %broadcast_in_dim3A_188] : memref<80x16xf32, #tpu.memory_space<vmem>>[vector<16xi32>, vector<16xi32>], vector<16xf32>,
      %broadcast_in_dim3A_190 = arith.constant 14 : i32
      %broadcast_in_dim3A_191 = vector.broadcast %broadcast_in_dim3A_190 : i32 to vector<16xi32>
      %gather3A_192 = tpu.vector_load_idx %arg16[%add3A_146, %broadcast_in_dim3A_191] : memref<80x16xf32, #tpu.memory_space<vmem>>[vector<16xi32>, vector<16xi32>], vector<16xf32>,
      %add3A_193 = arith.addf %gather3A_189, %gather3A_192 : vector<16xf32>
      %broadcast_in_dim3A_194 = arith.constant 7 : i32
      %broadcast_in_dim3A_195 = vector.broadcast %broadcast_in_dim3A_194 : i32 to vector<16xi32>
      %gather3A_196 = tpu.vector_load_idx %arg15[%add3A_146, %broadcast_in_dim3A_195] : memref<80x16xf32, #tpu.memory_space<vmem>>[vector<16xi32>, vector<16xi32>], vector<16xf32>,
      %broadcast_in_dim3A_197 = arith.constant 15 : i32
      %broadcast_in_dim3A_198 = vector.broadcast %broadcast_in_dim3A_197 : i32 to vector<16xi32>
      %gather3A_199 = tpu.vector_load_idx %arg16[%add3A_146, %broadcast_in_dim3A_198] : memref<80x16xf32, #tpu.memory_space<vmem>>[vector<16xi32>, vector<16xi32>], vector<16xf32>,
      %add3A_200 = arith.addf %gather3A_196, %gather3A_199 : vector<16xf32>
      %mul3A_201 = arith.constant 2.000000e-01 : f32
      %mul3A_202 = vector.broadcast %mul3A_201 : f32 to vector<16xf32>
      %mul3A_203 = arith.mulf %mul3A_202, %add3A_151 : vector<16xf32>
      %max3A = arith.maximumf %add3A_151, %mul3A_203 : vector<16xf32>
      %mul3A_204 = arith.constant 1.44269502 : f32
      %mul3A_205 = vector.broadcast %mul3A_204 : f32 to vector<16xf32>
      %mul3A_206 = arith.mulf %max3A, %mul3A_205 : vector<16xf32>
      %convert_element_type3A = arith.fptosi %mul3A_206 : vector<16xf32> to vector<16xi32>
      %convert_element_type3A_207 = arith.sitofp %convert_element_type3A : vector<16xi32> to vector<16xf32>
      %lt3A = arith.cmpf olt, %mul3A_206, %convert_element_type3A_207 : vector<16xf32>
      %jit3A = arith.constant 1 : i32
      %jit3A_208 = arith.constant 0 : i32
      %broadcast_in_dim3A_209 = vector.broadcast %jit3A : i32 to vector<16xi32>
      %broadcast_in_dim3A_210 = vector.broadcast %jit3A_208 : i32 to vector<16xi32>
      %select_n3A = arith.select %lt3A, %broadcast_in_dim3A_209, %broadcast_in_dim3A_210 : vector<16xi1>, vector<16xi32>
      %sub3A = arith.subi %convert_element_type3A, %select_n3A : vector<16xi32>
      %convert_element_type3A_211 = arith.sitofp %sub3A : vector<16xi32> to vector<16xf32>
      %sub3A_212 = arith.subf %mul3A_206, %convert_element_type3A_211 : vector<16xf32>
      %mul3A_213 = arith.constant 0.00189437938 : f32
      %mul3A_214 = vector.broadcast %mul3A_213 : f32 to vector<16xf32>
      %mul3A_215 = arith.mulf %mul3A_214, %sub3A_212 : vector<16xf32>
      %add3A_216 = arith.constant 0.00894058216 : f32
      %add3A_217 = vector.broadcast %add3A_216 : f32 to vector<16xf32>
      %add3A_218 = arith.addf %mul3A_215, %add3A_217 : vector<16xf32>
      %mul3A_219 = arith.mulf %add3A_218, %sub3A_212 : vector<16xf32>
      %add3A_220 = arith.constant 0.0558765568 : f32
      %add3A_221 = vector.broadcast %add3A_220 : f32 to vector<16xf32>
      %add3A_222 = arith.addf %mul3A_219, %add3A_221 : vector<16xf32>
      %mul3A_223 = arith.mulf %add3A_222, %sub3A_212 : vector<16xf32>
      %add3A_224 = arith.constant 0.240131691 : f32
      %add3A_225 = vector.broadcast %add3A_224 : f32 to vector<16xf32>
      %add3A_226 = arith.addf %mul3A_223, %add3A_225 : vector<16xf32>
      %mul3A_227 = arith.mulf %add3A_226, %sub3A_212 : vector<16xf32>
      %add3A_228 = arith.constant 0.693156778 : f32
      %add3A_229 = vector.broadcast %add3A_228 : f32 to vector<16xf32>
      %add3A_230 = arith.addf %mul3A_227, %add3A_229 : vector<16xf32>
      %mul3A_231 = arith.mulf %add3A_230, %sub3A_212 : vector<16xf32>
      %add3A_232 = arith.constant 0.999999761 : f32
      %add3A_233 = vector.broadcast %add3A_232 : f32 to vector<16xf32>
      %add3A_234 = arith.addf %mul3A_231, %add3A_233 : vector<16xf32>
      %add3A_235 = arith.constant 127 : i32
      %add3A_236 = vector.broadcast %add3A_235 : i32 to vector<16xi32>
      %add3A_237 = arith.addi %sub3A, %add3A_236 : vector<16xi32>
      %shift_left3A = arith.constant 23 : i32
      %shift_left3A_238 = vector.broadcast %shift_left3A : i32 to vector<16xi32>
      %shift_left3A_239 = arith.shli %add3A_237, %shift_left3A_238 : vector<16xi32>
      %bitcast_convert_type3A = tpu.bitcast %shift_left3A_239 : vector<16xi32> -> vector<16xf32>
      %mul3A_240 = arith.mulf %add3A_234, %bitcast_convert_type3A : vector<16xf32>
      %mul3A_241 = arith.constant 2.000000e-01 : f32
      %mul3A_242 = vector.broadcast %mul3A_241 : f32 to vector<16xf32>
      %mul3A_243 = arith.mulf %mul3A_242, %add3A_158 : vector<16xf32>
      %max3A_244 = arith.maximumf %add3A_158, %mul3A_243 : vector<16xf32>
      %mul3A_245 = arith.constant 1.44269502 : f32
      %mul3A_246 = vector.broadcast %mul3A_245 : f32 to vector<16xf32>
      %mul3A_247 = arith.mulf %max3A_244, %mul3A_246 : vector<16xf32>
      %convert_element_type3A_248 = arith.fptosi %mul3A_247 : vector<16xf32> to vector<16xi32>
      %convert_element_type3A_249 = arith.sitofp %convert_element_type3A_248 : vector<16xi32> to vector<16xf32>
      %lt3A_250 = arith.cmpf olt, %mul3A_247, %convert_element_type3A_249 : vector<16xf32>
      %jit3A_251 = arith.constant 1 : i32
      %jit3A_252 = arith.constant 0 : i32
      %broadcast_in_dim3A_253 = vector.broadcast %jit3A_251 : i32 to vector<16xi32>
      %broadcast_in_dim3A_254 = vector.broadcast %jit3A_252 : i32 to vector<16xi32>
      %select_n3A_255 = arith.select %lt3A_250, %broadcast_in_dim3A_253, %broadcast_in_dim3A_254 : vector<16xi1>, vector<16xi32>
      %sub3A_256 = arith.subi %convert_element_type3A_248, %select_n3A_255 : vector<16xi32>
      %convert_element_type3A_257 = arith.sitofp %sub3A_256 : vector<16xi32> to vector<16xf32>
      %sub3A_258 = arith.subf %mul3A_247, %convert_element_type3A_257 : vector<16xf32>
      %mul3A_259 = arith.constant 0.00189437938 : f32
      %mul3A_260 = vector.broadcast %mul3A_259 : f32 to vector<16xf32>
      %mul3A_261 = arith.mulf %mul3A_260, %sub3A_258 : vector<16xf32>
      %add3A_262 = arith.constant 0.00894058216 : f32
      %add3A_263 = vector.broadcast %add3A_262 : f32 to vector<16xf32>
      %add3A_264 = arith.addf %mul3A_261, %add3A_263 : vector<16xf32>
      %mul3A_265 = arith.mulf %add3A_264, %sub3A_258 : vector<16xf32>
      %add3A_266 = arith.constant 0.0558765568 : f32
      %add3A_267 = vector.broadcast %add3A_266 : f32 to vector<16xf32>
      %add3A_268 = arith.addf %mul3A_265, %add3A_267 : vector<16xf32>
      %mul3A_269 = arith.mulf %add3A_268, %sub3A_258 : vector<16xf32>
      %add3A_270 = arith.constant 0.240131691 : f32
      %add3A_271 = vector.broadcast %add3A_270 : f32 to vector<16xf32>
      %add3A_272 = arith.addf %mul3A_269, %add3A_271 : vector<16xf32>
      %mul3A_273 = arith.mulf %add3A_272, %sub3A_258 : vector<16xf32>
      %add3A_274 = arith.constant 0.693156778 : f32
      %add3A_275 = vector.broadcast %add3A_274 : f32 to vector<16xf32>
      %add3A_276 = arith.addf %mul3A_273, %add3A_275 : vector<16xf32>
      %mul3A_277 = arith.mulf %add3A_276, %sub3A_258 : vector<16xf32>
      %add3A_278 = arith.constant 0.999999761 : f32
      %add3A_279 = vector.broadcast %add3A_278 : f32 to vector<16xf32>
      %add3A_280 = arith.addf %mul3A_277, %add3A_279 : vector<16xf32>
      %add3A_281 = arith.constant 127 : i32
      %add3A_282 = vector.broadcast %add3A_281 : i32 to vector<16xi32>
      %add3A_283 = arith.addi %sub3A_256, %add3A_282 : vector<16xi32>
      %shift_left3A_284 = arith.constant 23 : i32
      %shift_left3A_285 = vector.broadcast %shift_left3A_284 : i32 to vector<16xi32>
      %shift_left3A_286 = arith.shli %add3A_283, %shift_left3A_285 : vector<16xi32>
      %bitcast_convert_type3A_287 = tpu.bitcast %shift_left3A_286 : vector<16xi32> -> vector<16xf32>
      %mul3A_288 = arith.mulf %add3A_280, %bitcast_convert_type3A_287 : vector<16xf32>
      %mul3A_289 = arith.constant 2.000000e-01 : f32
      %mul3A_290 = vector.broadcast %mul3A_289 : f32 to vector<16xf32>
      %mul3A_291 = arith.mulf %mul3A_290, %add3A_165 : vector<16xf32>
      %max3A_292 = arith.maximumf %add3A_165, %mul3A_291 : vector<16xf32>
      %mul3A_293 = arith.constant 1.44269502 : f32
      %mul3A_294 = vector.broadcast %mul3A_293 : f32 to vector<16xf32>
      %mul3A_295 = arith.mulf %max3A_292, %mul3A_294 : vector<16xf32>
      %convert_element_type3A_296 = arith.fptosi %mul3A_295 : vector<16xf32> to vector<16xi32>
      %convert_element_type3A_297 = arith.sitofp %convert_element_type3A_296 : vector<16xi32> to vector<16xf32>
      %lt3A_298 = arith.cmpf olt, %mul3A_295, %convert_element_type3A_297 : vector<16xf32>
      %jit3A_299 = arith.constant 1 : i32
      %jit3A_300 = arith.constant 0 : i32
      %broadcast_in_dim3A_301 = vector.broadcast %jit3A_299 : i32 to vector<16xi32>
      %broadcast_in_dim3A_302 = vector.broadcast %jit3A_300 : i32 to vector<16xi32>
      %select_n3A_303 = arith.select %lt3A_298, %broadcast_in_dim3A_301, %broadcast_in_dim3A_302 : vector<16xi1>, vector<16xi32>
      %sub3A_304 = arith.subi %convert_element_type3A_296, %select_n3A_303 : vector<16xi32>
      %convert_element_type3A_305 = arith.sitofp %sub3A_304 : vector<16xi32> to vector<16xf32>
      %sub3A_306 = arith.subf %mul3A_295, %convert_element_type3A_305 : vector<16xf32>
      %mul3A_307 = arith.constant 0.00189437938 : f32
      %mul3A_308 = vector.broadcast %mul3A_307 : f32 to vector<16xf32>
      %mul3A_309 = arith.mulf %mul3A_308, %sub3A_306 : vector<16xf32>
      %add3A_310 = arith.constant 0.00894058216 : f32
      %add3A_311 = vector.broadcast %add3A_310 : f32 to vector<16xf32>
      %add3A_312 = arith.addf %mul3A_309, %add3A_311 : vector<16xf32>
      %mul3A_313 = arith.mulf %add3A_312, %sub3A_306 : vector<16xf32>
      %add3A_314 = arith.constant 0.0558765568 : f32
      %add3A_315 = vector.broadcast %add3A_314 : f32 to vector<16xf32>
      %add3A_316 = arith.addf %mul3A_313, %add3A_315 : vector<16xf32>
      %mul3A_317 = arith.mulf %add3A_316, %sub3A_306 : vector<16xf32>
      %add3A_318 = arith.constant 0.240131691 : f32
      %add3A_319 = vector.broadcast %add3A_318 : f32 to vector<16xf32>
      %add3A_320 = arith.addf %mul3A_317, %add3A_319 : vector<16xf32>
      %mul3A_321 = arith.mulf %add3A_320, %sub3A_306 : vector<16xf32>
      %add3A_322 = arith.constant 0.693156778 : f32
      %add3A_323 = vector.broadcast %add3A_322 : f32 to vector<16xf32>
      %add3A_324 = arith.addf %mul3A_321, %add3A_323 : vector<16xf32>
      %mul3A_325 = arith.mulf %add3A_324, %sub3A_306 : vector<16xf32>
      %add3A_326 = arith.constant 0.999999761 : f32
      %add3A_327 = vector.broadcast %add3A_326 : f32 to vector<16xf32>
      %add3A_328 = arith.addf %mul3A_325, %add3A_327 : vector<16xf32>
      %add3A_329 = arith.constant 127 : i32
      %add3A_330 = vector.broadcast %add3A_329 : i32 to vector<16xi32>
      %add3A_331 = arith.addi %sub3A_304, %add3A_330 : vector<16xi32>
      %shift_left3A_332 = arith.constant 23 : i32
      %shift_left3A_333 = vector.broadcast %shift_left3A_332 : i32 to vector<16xi32>
      %shift_left3A_334 = arith.shli %add3A_331, %shift_left3A_333 : vector<16xi32>
      %bitcast_convert_type3A_335 = tpu.bitcast %shift_left3A_334 : vector<16xi32> -> vector<16xf32>
      %mul3A_336 = arith.mulf %add3A_328, %bitcast_convert_type3A_335 : vector<16xf32>
      %mul3A_337 = arith.constant 2.000000e-01 : f32
      %mul3A_338 = vector.broadcast %mul3A_337 : f32 to vector<16xf32>
      %mul3A_339 = arith.mulf %mul3A_338, %add3A_172 : vector<16xf32>
      %max3A_340 = arith.maximumf %add3A_172, %mul3A_339 : vector<16xf32>
      %mul3A_341 = arith.constant 1.44269502 : f32
      %mul3A_342 = vector.broadcast %mul3A_341 : f32 to vector<16xf32>
      %mul3A_343 = arith.mulf %max3A_340, %mul3A_342 : vector<16xf32>
      %convert_element_type3A_344 = arith.fptosi %mul3A_343 : vector<16xf32> to vector<16xi32>
      %convert_element_type3A_345 = arith.sitofp %convert_element_type3A_344 : vector<16xi32> to vector<16xf32>
      %lt3A_346 = arith.cmpf olt, %mul3A_343, %convert_element_type3A_345 : vector<16xf32>
      %jit3A_347 = arith.constant 1 : i32
      %jit3A_348 = arith.constant 0 : i32
      %broadcast_in_dim3A_349 = vector.broadcast %jit3A_347 : i32 to vector<16xi32>
      %broadcast_in_dim3A_350 = vector.broadcast %jit3A_348 : i32 to vector<16xi32>
      %select_n3A_351 = arith.select %lt3A_346, %broadcast_in_dim3A_349, %broadcast_in_dim3A_350 : vector<16xi1>, vector<16xi32>
      %sub3A_352 = arith.subi %convert_element_type3A_344, %select_n3A_351 : vector<16xi32>
      %convert_element_type3A_353 = arith.sitofp %sub3A_352 : vector<16xi32> to vector<16xf32>
      %sub3A_354 = arith.subf %mul3A_343, %convert_element_type3A_353 : vector<16xf32>
      %mul3A_355 = arith.constant 0.00189437938 : f32
      %mul3A_356 = vector.broadcast %mul3A_355 : f32 to vector<16xf32>
      %mul3A_357 = arith.mulf %mul3A_356, %sub3A_354 : vector<16xf32>
      %add3A_358 = arith.constant 0.00894058216 : f32
      %add3A_359 = vector.broadcast %add3A_358 : f32 to vector<16xf32>
      %add3A_360 = arith.addf %mul3A_357, %add3A_359 : vector<16xf32>
      %mul3A_361 = arith.mulf %add3A_360, %sub3A_354 : vector<16xf32>
      %add3A_362 = arith.constant 0.0558765568 : f32
      %add3A_363 = vector.broadcast %add3A_362 : f32 to vector<16xf32>
      %add3A_364 = arith.addf %mul3A_361, %add3A_363 : vector<16xf32>
      %mul3A_365 = arith.mulf %add3A_364, %sub3A_354 : vector<16xf32>
      %add3A_366 = arith.constant 0.240131691 : f32
      %add3A_367 = vector.broadcast %add3A_366 : f32 to vector<16xf32>
      %add3A_368 = arith.addf %mul3A_365, %add3A_367 : vector<16xf32>
      %mul3A_369 = arith.mulf %add3A_368, %sub3A_354 : vector<16xf32>
      %add3A_370 = arith.constant 0.693156778 : f32
      %add3A_371 = vector.broadcast %add3A_370 : f32 to vector<16xf32>
      %add3A_372 = arith.addf %mul3A_369, %add3A_371 : vector<16xf32>
      %mul3A_373 = arith.mulf %add3A_372, %sub3A_354 : vector<16xf32>
      %add3A_374 = arith.constant 0.999999761 : f32
      %add3A_375 = vector.broadcast %add3A_374 : f32 to vector<16xf32>
      %add3A_376 = arith.addf %mul3A_373, %add3A_375 : vector<16xf32>
      %add3A_377 = arith.constant 127 : i32
      %add3A_378 = vector.broadcast %add3A_377 : i32 to vector<16xi32>
      %add3A_379 = arith.addi %sub3A_352, %add3A_378 : vector<16xi32>
      %shift_left3A_380 = arith.constant 23 : i32
      %shift_left3A_381 = vector.broadcast %shift_left3A_380 : i32 to vector<16xi32>
      %shift_left3A_382 = arith.shli %add3A_379, %shift_left3A_381 : vector<16xi32>
      %bitcast_convert_type3A_383 = tpu.bitcast %shift_left3A_382 : vector<16xi32> -> vector<16xf32>
      %mul3A_384 = arith.mulf %add3A_376, %bitcast_convert_type3A_383 : vector<16xf32>
      %mul3A_385 = arith.constant 2.000000e-01 : f32
      %mul3A_386 = vector.broadcast %mul3A_385 : f32 to vector<16xf32>
      %mul3A_387 = arith.mulf %mul3A_386, %add3A_179 : vector<16xf32>
      %max3A_388 = arith.maximumf %add3A_179, %mul3A_387 : vector<16xf32>
      %mul3A_389 = arith.constant 1.44269502 : f32
      %mul3A_390 = vector.broadcast %mul3A_389 : f32 to vector<16xf32>
      %mul3A_391 = arith.mulf %max3A_388, %mul3A_390 : vector<16xf32>
      %convert_element_type3A_392 = arith.fptosi %mul3A_391 : vector<16xf32> to vector<16xi32>
      %convert_element_type3A_393 = arith.sitofp %convert_element_type3A_392 : vector<16xi32> to vector<16xf32>
      %lt3A_394 = arith.cmpf olt, %mul3A_391, %convert_element_type3A_393 : vector<16xf32>
      %jit3A_395 = arith.constant 1 : i32
      %jit3A_396 = arith.constant 0 : i32
      %broadcast_in_dim3A_397 = vector.broadcast %jit3A_395 : i32 to vector<16xi32>
      %broadcast_in_dim3A_398 = vector.broadcast %jit3A_396 : i32 to vector<16xi32>
      %select_n3A_399 = arith.select %lt3A_394, %broadcast_in_dim3A_397, %broadcast_in_dim3A_398 : vector<16xi1>, vector<16xi32>
      %sub3A_400 = arith.subi %convert_element_type3A_392, %select_n3A_399 : vector<16xi32>
      %convert_element_type3A_401 = arith.sitofp %sub3A_400 : vector<16xi32> to vector<16xf32>
      %sub3A_402 = arith.subf %mul3A_391, %convert_element_type3A_401 : vector<16xf32>
      %mul3A_403 = arith.constant 0.00189437938 : f32
      %mul3A_404 = vector.broadcast %mul3A_403 : f32 to vector<16xf32>
      %mul3A_405 = arith.mulf %mul3A_404, %sub3A_402 : vector<16xf32>
      %add3A_406 = arith.constant 0.00894058216 : f32
      %add3A_407 = vector.broadcast %add3A_406 : f32 to vector<16xf32>
      %add3A_408 = arith.addf %mul3A_405, %add3A_407 : vector<16xf32>
      %mul3A_409 = arith.mulf %add3A_408, %sub3A_402 : vector<16xf32>
      %add3A_410 = arith.constant 0.0558765568 : f32
      %add3A_411 = vector.broadcast %add3A_410 : f32 to vector<16xf32>
      %add3A_412 = arith.addf %mul3A_409, %add3A_411 : vector<16xf32>
      %mul3A_413 = arith.mulf %add3A_412, %sub3A_402 : vector<16xf32>
      %add3A_414 = arith.constant 0.240131691 : f32
      %add3A_415 = vector.broadcast %add3A_414 : f32 to vector<16xf32>
      %add3A_416 = arith.addf %mul3A_413, %add3A_415 : vector<16xf32>
      %mul3A_417 = arith.mulf %add3A_416, %sub3A_402 : vector<16xf32>
      %add3A_418 = arith.constant 0.693156778 : f32
      %add3A_419 = vector.broadcast %add3A_418 : f32 to vector<16xf32>
      %add3A_420 = arith.addf %mul3A_417, %add3A_419 : vector<16xf32>
      %mul3A_421 = arith.mulf %add3A_420, %sub3A_402 : vector<16xf32>
      %add3A_422 = arith.constant 0.999999761 : f32
      %add3A_423 = vector.broadcast %add3A_422 : f32 to vector<16xf32>
      %add3A_424 = arith.addf %mul3A_421, %add3A_423 : vector<16xf32>
      %add3A_425 = arith.constant 127 : i32
      %add3A_426 = vector.broadcast %add3A_425 : i32 to vector<16xi32>
      %add3A_427 = arith.addi %sub3A_400, %add3A_426 : vector<16xi32>
      %shift_left3A_428 = arith.constant 23 : i32
      %shift_left3A_429 = vector.broadcast %shift_left3A_428 : i32 to vector<16xi32>
      %shift_left3A_430 = arith.shli %add3A_427, %shift_left3A_429 : vector<16xi32>
      %bitcast_convert_type3A_431 = tpu.bitcast %shift_left3A_430 : vector<16xi32> -> vector<16xf32>
      %mul3A_432 = arith.mulf %add3A_424, %bitcast_convert_type3A_431 : vector<16xf32>
      %mul3A_433 = arith.constant 2.000000e-01 : f32
      %mul3A_434 = vector.broadcast %mul3A_433 : f32 to vector<16xf32>
      %mul3A_435 = arith.mulf %mul3A_434, %add3A_186 : vector<16xf32>
      %max3A_436 = arith.maximumf %add3A_186, %mul3A_435 : vector<16xf32>
      %mul3A_437 = arith.constant 1.44269502 : f32
      %mul3A_438 = vector.broadcast %mul3A_437 : f32 to vector<16xf32>
      %mul3A_439 = arith.mulf %max3A_436, %mul3A_438 : vector<16xf32>
      %convert_element_type3A_440 = arith.fptosi %mul3A_439 : vector<16xf32> to vector<16xi32>
      %convert_element_type3A_441 = arith.sitofp %convert_element_type3A_440 : vector<16xi32> to vector<16xf32>
      %lt3A_442 = arith.cmpf olt, %mul3A_439, %convert_element_type3A_441 : vector<16xf32>
      %jit3A_443 = arith.constant 1 : i32
      %jit3A_444 = arith.constant 0 : i32
      %broadcast_in_dim3A_445 = vector.broadcast %jit3A_443 : i32 to vector<16xi32>
      %broadcast_in_dim3A_446 = vector.broadcast %jit3A_444 : i32 to vector<16xi32>
      %select_n3A_447 = arith.select %lt3A_442, %broadcast_in_dim3A_445, %broadcast_in_dim3A_446 : vector<16xi1>, vector<16xi32>
      %sub3A_448 = arith.subi %convert_element_type3A_440, %select_n3A_447 : vector<16xi32>
      %convert_element_type3A_449 = arith.sitofp %sub3A_448 : vector<16xi32> to vector<16xf32>
      %sub3A_450 = arith.subf %mul3A_439, %convert_element_type3A_449 : vector<16xf32>
      %mul3A_451 = arith.constant 0.00189437938 : f32
      %mul3A_452 = vector.broadcast %mul3A_451 : f32 to vector<16xf32>
      %mul3A_453 = arith.mulf %mul3A_452, %sub3A_450 : vector<16xf32>
      %add3A_454 = arith.constant 0.00894058216 : f32
      %add3A_455 = vector.broadcast %add3A_454 : f32 to vector<16xf32>
      %add3A_456 = arith.addf %mul3A_453, %add3A_455 : vector<16xf32>
      %mul3A_457 = arith.mulf %add3A_456, %sub3A_450 : vector<16xf32>
      %add3A_458 = arith.constant 0.0558765568 : f32
      %add3A_459 = vector.broadcast %add3A_458 : f32 to vector<16xf32>
      %add3A_460 = arith.addf %mul3A_457, %add3A_459 : vector<16xf32>
      %mul3A_461 = arith.mulf %add3A_460, %sub3A_450 : vector<16xf32>
      %add3A_462 = arith.constant 0.240131691 : f32
      %add3A_463 = vector.broadcast %add3A_462 : f32 to vector<16xf32>
      %add3A_464 = arith.addf %mul3A_461, %add3A_463 : vector<16xf32>
      %mul3A_465 = arith.mulf %add3A_464, %sub3A_450 : vector<16xf32>
      %add3A_466 = arith.constant 0.693156778 : f32
      %add3A_467 = vector.broadcast %add3A_466 : f32 to vector<16xf32>
      %add3A_468 = arith.addf %mul3A_465, %add3A_467 : vector<16xf32>
      %mul3A_469 = arith.mulf %add3A_468, %sub3A_450 : vector<16xf32>
      %add3A_470 = arith.constant 0.999999761 : f32
      %add3A_471 = vector.broadcast %add3A_470 : f32 to vector<16xf32>
      %add3A_472 = arith.addf %mul3A_469, %add3A_471 : vector<16xf32>
      %add3A_473 = arith.constant 127 : i32
      %add3A_474 = vector.broadcast %add3A_473 : i32 to vector<16xi32>
      %add3A_475 = arith.addi %sub3A_448, %add3A_474 : vector<16xi32>
      %shift_left3A_476 = arith.constant 23 : i32
      %shift_left3A_477 = vector.broadcast %shift_left3A_476 : i32 to vector<16xi32>
      %shift_left3A_478 = arith.shli %add3A_475, %shift_left3A_477 : vector<16xi32>
      %bitcast_convert_type3A_479 = tpu.bitcast %shift_left3A_478 : vector<16xi32> -> vector<16xf32>
      %mul3A_480 = arith.mulf %add3A_472, %bitcast_convert_type3A_479 : vector<16xf32>
      %mul3A_481 = arith.constant 2.000000e-01 : f32
      %mul3A_482 = vector.broadcast %mul3A_481 : f32 to vector<16xf32>
      %mul3A_483 = arith.mulf %mul3A_482, %add3A_193 : vector<16xf32>
      %max3A_484 = arith.maximumf %add3A_193, %mul3A_483 : vector<16xf32>
      %mul3A_485 = arith.constant 1.44269502 : f32
      %mul3A_486 = vector.broadcast %mul3A_485 : f32 to vector<16xf32>
      %mul3A_487 = arith.mulf %max3A_484, %mul3A_486 : vector<16xf32>
      %convert_element_type3A_488 = arith.fptosi %mul3A_487 : vector<16xf32> to vector<16xi32>
      %convert_element_type3A_489 = arith.sitofp %convert_element_type3A_488 : vector<16xi32> to vector<16xf32>
      %lt3A_490 = arith.cmpf olt, %mul3A_487, %convert_element_type3A_489 : vector<16xf32>
      %jit3A_491 = arith.constant 1 : i32
      %jit3A_492 = arith.constant 0 : i32
      %broadcast_in_dim3A_493 = vector.broadcast %jit3A_491 : i32 to vector<16xi32>
      %broadcast_in_dim3A_494 = vector.broadcast %jit3A_492 : i32 to vector<16xi32>
      %select_n3A_495 = arith.select %lt3A_490, %broadcast_in_dim3A_493, %broadcast_in_dim3A_494 : vector<16xi1>, vector<16xi32>
      %sub3A_496 = arith.subi %convert_element_type3A_488, %select_n3A_495 : vector<16xi32>
      %convert_element_type3A_497 = arith.sitofp %sub3A_496 : vector<16xi32> to vector<16xf32>
      %sub3A_498 = arith.subf %mul3A_487, %convert_element_type3A_497 : vector<16xf32>
      %mul3A_499 = arith.constant 0.00189437938 : f32
      %mul3A_500 = vector.broadcast %mul3A_499 : f32 to vector<16xf32>
      %mul3A_501 = arith.mulf %mul3A_500, %sub3A_498 : vector<16xf32>
      %add3A_502 = arith.constant 0.00894058216 : f32
      %add3A_503 = vector.broadcast %add3A_502 : f32 to vector<16xf32>
      %add3A_504 = arith.addf %mul3A_501, %add3A_503 : vector<16xf32>
      %mul3A_505 = arith.mulf %add3A_504, %sub3A_498 : vector<16xf32>
      %add3A_506 = arith.constant 0.0558765568 : f32
      %add3A_507 = vector.broadcast %add3A_506 : f32 to vector<16xf32>
      %add3A_508 = arith.addf %mul3A_505, %add3A_507 : vector<16xf32>
      %mul3A_509 = arith.mulf %add3A_508, %sub3A_498 : vector<16xf32>
      %add3A_510 = arith.constant 0.240131691 : f32
      %add3A_511 = vector.broadcast %add3A_510 : f32 to vector<16xf32>
      %add3A_512 = arith.addf %mul3A_509, %add3A_511 : vector<16xf32>
      %mul3A_513 = arith.mulf %add3A_512, %sub3A_498 : vector<16xf32>
      %add3A_514 = arith.constant 0.693156778 : f32
      %add3A_515 = vector.broadcast %add3A_514 : f32 to vector<16xf32>
      %add3A_516 = arith.addf %mul3A_513, %add3A_515 : vector<16xf32>
      %mul3A_517 = arith.mulf %add3A_516, %sub3A_498 : vector<16xf32>
      %add3A_518 = arith.constant 0.999999761 : f32
      %add3A_519 = vector.broadcast %add3A_518 : f32 to vector<16xf32>
      %add3A_520 = arith.addf %mul3A_517, %add3A_519 : vector<16xf32>
      %add3A_521 = arith.constant 127 : i32
      %add3A_522 = vector.broadcast %add3A_521 : i32 to vector<16xi32>
      %add3A_523 = arith.addi %sub3A_496, %add3A_522 : vector<16xi32>
      %shift_left3A_524 = arith.constant 23 : i32
      %shift_left3A_525 = vector.broadcast %shift_left3A_524 : i32 to vector<16xi32>
      %shift_left3A_526 = arith.shli %add3A_523, %shift_left3A_525 : vector<16xi32>
      %bitcast_convert_type3A_527 = tpu.bitcast %shift_left3A_526 : vector<16xi32> -> vector<16xf32>
      %mul3A_528 = arith.mulf %add3A_520, %bitcast_convert_type3A_527 : vector<16xf32>
      %mul3A_529 = arith.constant 2.000000e-01 : f32
      %mul3A_530 = vector.broadcast %mul3A_529 : f32 to vector<16xf32>
      %mul3A_531 = arith.mulf %mul3A_530, %add3A_200 : vector<16xf32>
      %max3A_532 = arith.maximumf %add3A_200, %mul3A_531 : vector<16xf32>
      %mul3A_533 = arith.constant 1.44269502 : f32
      %mul3A_534 = vector.broadcast %mul3A_533 : f32 to vector<16xf32>
      %mul3A_535 = arith.mulf %max3A_532, %mul3A_534 : vector<16xf32>
      %convert_element_type3A_536 = arith.fptosi %mul3A_535 : vector<16xf32> to vector<16xi32>
      %convert_element_type3A_537 = arith.sitofp %convert_element_type3A_536 : vector<16xi32> to vector<16xf32>
      %lt3A_538 = arith.cmpf olt, %mul3A_535, %convert_element_type3A_537 : vector<16xf32>
      %jit3A_539 = arith.constant 1 : i32
      %jit3A_540 = arith.constant 0 : i32
      %broadcast_in_dim3A_541 = vector.broadcast %jit3A_539 : i32 to vector<16xi32>
      %broadcast_in_dim3A_542 = vector.broadcast %jit3A_540 : i32 to vector<16xi32>
      %select_n3A_543 = arith.select %lt3A_538, %broadcast_in_dim3A_541, %broadcast_in_dim3A_542 : vector<16xi1>, vector<16xi32>
      %sub3A_544 = arith.subi %convert_element_type3A_536, %select_n3A_543 : vector<16xi32>
      %convert_element_type3A_545 = arith.sitofp %sub3A_544 : vector<16xi32> to vector<16xf32>
      %sub3A_546 = arith.subf %mul3A_535, %convert_element_type3A_545 : vector<16xf32>
      %mul3A_547 = arith.constant 0.00189437938 : f32
      %mul3A_548 = vector.broadcast %mul3A_547 : f32 to vector<16xf32>
      %mul3A_549 = arith.mulf %mul3A_548, %sub3A_546 : vector<16xf32>
      %add3A_550 = arith.constant 0.00894058216 : f32
      %add3A_551 = vector.broadcast %add3A_550 : f32 to vector<16xf32>
      %add3A_552 = arith.addf %mul3A_549, %add3A_551 : vector<16xf32>
      %mul3A_553 = arith.mulf %add3A_552, %sub3A_546 : vector<16xf32>
      %add3A_554 = arith.constant 0.0558765568 : f32
      %add3A_555 = vector.broadcast %add3A_554 : f32 to vector<16xf32>
      %add3A_556 = arith.addf %mul3A_553, %add3A_555 : vector<16xf32>
      %mul3A_557 = arith.mulf %add3A_556, %sub3A_546 : vector<16xf32>
      %add3A_558 = arith.constant 0.240131691 : f32
      %add3A_559 = vector.broadcast %add3A_558 : f32 to vector<16xf32>
      %add3A_560 = arith.addf %mul3A_557, %add3A_559 : vector<16xf32>
      %mul3A_561 = arith.mulf %add3A_560, %sub3A_546 : vector<16xf32>
      %add3A_562 = arith.constant 0.693156778 : f32
      %add3A_563 = vector.broadcast %add3A_562 : f32 to vector<16xf32>
      %add3A_564 = arith.addf %mul3A_561, %add3A_563 : vector<16xf32>
      %mul3A_565 = arith.mulf %add3A_564, %sub3A_546 : vector<16xf32>
      %add3A_566 = arith.constant 0.999999761 : f32
      %add3A_567 = vector.broadcast %add3A_566 : f32 to vector<16xf32>
      %add3A_568 = arith.addf %mul3A_565, %add3A_567 : vector<16xf32>
      %add3A_569 = arith.constant 127 : i32
      %add3A_570 = vector.broadcast %add3A_569 : i32 to vector<16xi32>
      %add3A_571 = arith.addi %sub3A_544, %add3A_570 : vector<16xi32>
      %shift_left3A_572 = arith.constant 23 : i32
      %shift_left3A_573 = vector.broadcast %shift_left3A_572 : i32 to vector<16xi32>
      %shift_left3A_574 = arith.shli %add3A_571, %shift_left3A_573 : vector<16xi32>
      %bitcast_convert_type3A_575 = tpu.bitcast %shift_left3A_574 : vector<16xi32> -> vector<16xf32>
      %mul3A_576 = arith.mulf %add3A_568, %bitcast_convert_type3A_575 : vector<16xf32>
      %broadcast_in_dim3A_577 = arith.constant 0 : i32
      %broadcast_in_dim3A_578 = vector.broadcast %broadcast_in_dim3A_577 : i32 to vector<16xi32>
      tpu.vector_store_idx %arg16[%add3A_146, %broadcast_in_dim3A_578], %mul3A_240 : memref<80x16xf32, #tpu.memory_space<vmem>>[vector<16xi32>, vector<16xi32>], vector<16xf32>,
      %broadcast_in_dim3A_579 = arith.constant 1 : i32
      %broadcast_in_dim3A_580 = vector.broadcast %broadcast_in_dim3A_579 : i32 to vector<16xi32>
      tpu.vector_store_idx %arg16[%add3A_146, %broadcast_in_dim3A_580], %mul3A_288 : memref<80x16xf32, #tpu.memory_space<vmem>>[vector<16xi32>, vector<16xi32>], vector<16xf32>,
      %broadcast_in_dim3A_581 = arith.constant 2 : i32
      %broadcast_in_dim3A_582 = vector.broadcast %broadcast_in_dim3A_581 : i32 to vector<16xi32>
      tpu.vector_store_idx %arg16[%add3A_146, %broadcast_in_dim3A_582], %mul3A_336 : memref<80x16xf32, #tpu.memory_space<vmem>>[vector<16xi32>, vector<16xi32>], vector<16xf32>,
      %broadcast_in_dim3A_583 = arith.constant 3 : i32
      %broadcast_in_dim3A_584 = vector.broadcast %broadcast_in_dim3A_583 : i32 to vector<16xi32>
      tpu.vector_store_idx %arg16[%add3A_146, %broadcast_in_dim3A_584], %mul3A_384 : memref<80x16xf32, #tpu.memory_space<vmem>>[vector<16xi32>, vector<16xi32>], vector<16xf32>,
      %broadcast_in_dim3A_585 = arith.constant 4 : i32
      %broadcast_in_dim3A_586 = vector.broadcast %broadcast_in_dim3A_585 : i32 to vector<16xi32>
      tpu.vector_store_idx %arg16[%add3A_146, %broadcast_in_dim3A_586], %mul3A_432 : memref<80x16xf32, #tpu.memory_space<vmem>>[vector<16xi32>, vector<16xi32>], vector<16xf32>,
      %broadcast_in_dim3A_587 = arith.constant 5 : i32
      %broadcast_in_dim3A_588 = vector.broadcast %broadcast_in_dim3A_587 : i32 to vector<16xi32>
      tpu.vector_store_idx %arg16[%add3A_146, %broadcast_in_dim3A_588], %mul3A_480 : memref<80x16xf32, #tpu.memory_space<vmem>>[vector<16xi32>, vector<16xi32>], vector<16xf32>,
      %broadcast_in_dim3A_589 = arith.constant 6 : i32
      %broadcast_in_dim3A_590 = vector.broadcast %broadcast_in_dim3A_589 : i32 to vector<16xi32>
      tpu.vector_store_idx %arg16[%add3A_146, %broadcast_in_dim3A_590], %mul3A_528 : memref<80x16xf32, #tpu.memory_space<vmem>>[vector<16xi32>, vector<16xi32>], vector<16xf32>,
      %broadcast_in_dim3A_591 = arith.constant 7 : i32
      %broadcast_in_dim3A_592 = vector.broadcast %broadcast_in_dim3A_591 : i32 to vector<16xi32>
      tpu.vector_store_idx %arg16[%add3A_146, %broadcast_in_dim3A_592], %mul3A_576 : memref<80x16xf32, #tpu.memory_space<vmem>>[vector<16xi32>, vector<16xi32>], vector<16xf32>,
    }
    %scan3A_108 = arith.constant 5 : i32
    %scan3A_109 = arith.constant 0 : i32
    %scan3A_110 = arith.constant 0 : i32
    %scan3A_111 = arith.constant 80 : i32
    %scan3A_112 = arith.addi %scan3A_110, %scan3A_111 : i32
    %scan3A_113 = arith.constant 2 : i32
    scf.for %scan3A_142 = %scan3A_110 to %scan3A_112 step %scan3A_113  : i32 {
      %get3A = arith.index_cast %scan3A_142 : i32 to index
      %get3A_143 = arith.constant 0 : index
      %get3A_144 = tpu.vector_load %arg16[%get3A, %get3A_143] {strides = array<i32>} : memref<80x16xf32, #tpu.memory_space<vmem>>, vector<16xf32>,
      %get3A_145 = arith.index_cast %scan3A_142 : i32 to index
      %get3A_146 = arith.constant 0 : index
      %get3A_147 = tpu.vector_load %arg14[%get3A_145, %get3A_146] {strides = array<i32>} : memref<80x128xf32, #tpu.memory_space<vmem>>, vector<16xf32>,
      %slice3A = vector.extract_strided_slice %get3A_144 {offsets = [0], sizes = [1], strides = [1]} : vector<16xf32> to vector<1xf32>
      %squeeze3A = vector.extract %slice3A[0] : f32 from vector<1xf32>
      %mul3A_148 = vector.broadcast %squeeze3A : f32 to vector<16xf32>
      %mul3A_149 = arith.mulf %get3A_147, %mul3A_148 : vector<16xf32>
      %swap3A = arith.index_cast %scan3A_142 : i32 to index
      %swap3A_150 = arith.constant 0 : index
      %swap3A_151 = tpu.vector_load %arg14[%swap3A, %swap3A_150] {strides = array<i32>} : memref<80x128xf32, #tpu.memory_space<vmem>>, vector<16xf32>,
      tpu.vector_store %arg14[%swap3A, %swap3A_150], %mul3A_149 {strides = array<i32>} : memref<80x128xf32, #tpu.memory_space<vmem>>, vector<16xf32>,
      %get3A_152 = arith.index_cast %scan3A_142 : i32 to index
      %get3A_153 = arith.constant 16 : index
      %get3A_154 = tpu.vector_load %arg14[%get3A_152, %get3A_153] {strides = array<i32>} : memref<80x128xf32, #tpu.memory_space<vmem>>, vector<16xf32>,
      %slice3A_155 = vector.extract_strided_slice %get3A_144 {offsets = [1], sizes = [1], strides = [1]} : vector<16xf32> to vector<1xf32>
      %squeeze3A_156 = vector.extract %slice3A_155[0] : f32 from vector<1xf32>
      %mul3A_157 = vector.broadcast %squeeze3A_156 : f32 to vector<16xf32>
      %mul3A_158 = arith.mulf %get3A_154, %mul3A_157 : vector<16xf32>
      %swap3A_159 = arith.index_cast %scan3A_142 : i32 to index
      %swap3A_160 = arith.constant 16 : index
      %swap3A_161 = tpu.vector_load %arg14[%swap3A_159, %swap3A_160] {strides = array<i32>} : memref<80x128xf32, #tpu.memory_space<vmem>>, vector<16xf32>,
      tpu.vector_store %arg14[%swap3A_159, %swap3A_160], %mul3A_158 {strides = array<i32>} : memref<80x128xf32, #tpu.memory_space<vmem>>, vector<16xf32>,
      %get3A_162 = arith.index_cast %scan3A_142 : i32 to index
      %get3A_163 = arith.constant 32 : index
      %get3A_164 = tpu.vector_load %arg14[%get3A_162, %get3A_163] {strides = array<i32>} : memref<80x128xf32, #tpu.memory_space<vmem>>, vector<16xf32>,
      %slice3A_165 = vector.extract_strided_slice %get3A_144 {offsets = [2], sizes = [1], strides = [1]} : vector<16xf32> to vector<1xf32>
      %squeeze3A_166 = vector.extract %slice3A_165[0] : f32 from vector<1xf32>
      %mul3A_167 = vector.broadcast %squeeze3A_166 : f32 to vector<16xf32>
      %mul3A_168 = arith.mulf %get3A_164, %mul3A_167 : vector<16xf32>
      %swap3A_169 = arith.index_cast %scan3A_142 : i32 to index
      %swap3A_170 = arith.constant 32 : index
      %swap3A_171 = tpu.vector_load %arg14[%swap3A_169, %swap3A_170] {strides = array<i32>} : memref<80x128xf32, #tpu.memory_space<vmem>>, vector<16xf32>,
      tpu.vector_store %arg14[%swap3A_169, %swap3A_170], %mul3A_168 {strides = array<i32>} : memref<80x128xf32, #tpu.memory_space<vmem>>, vector<16xf32>,
      %get3A_172 = arith.index_cast %scan3A_142 : i32 to index
      %get3A_173 = arith.constant 48 : index
      %get3A_174 = tpu.vector_load %arg14[%get3A_172, %get3A_173] {strides = array<i32>} : memref<80x128xf32, #tpu.memory_space<vmem>>, vector<16xf32>,
      %slice3A_175 = vector.extract_strided_slice %get3A_144 {offsets = [3], sizes = [1], strides = [1]} : vector<16xf32> to vector<1xf32>
      %squeeze3A_176 = vector.extract %slice3A_175[0] : f32 from vector<1xf32>
      %mul3A_177 = vector.broadcast %squeeze3A_176 : f32 to vector<16xf32>
      %mul3A_178 = arith.mulf %get3A_174, %mul3A_177 : vector<16xf32>
      %swap3A_179 = arith.index_cast %scan3A_142 : i32 to index
      %swap3A_180 = arith.constant 48 : index
      %swap3A_181 = tpu.vector_load %arg14[%swap3A_179, %swap3A_180] {strides = array<i32>} : memref<80x128xf32, #tpu.memory_space<vmem>>, vector<16xf32>,
      tpu.vector_store %arg14[%swap3A_179, %swap3A_180], %mul3A_178 {strides = array<i32>} : memref<80x128xf32, #tpu.memory_space<vmem>>, vector<16xf32>,
      %get3A_182 = arith.index_cast %scan3A_142 : i32 to index
      %get3A_183 = arith.constant 64 : index
      %get3A_184 = tpu.vector_load %arg14[%get3A_182, %get3A_183] {strides = array<i32>} : memref<80x128xf32, #tpu.memory_space<vmem>>, vector<16xf32>,
      %slice3A_185 = vector.extract_strided_slice %get3A_144 {offsets = [4], sizes = [1], strides = [1]} : vector<16xf32> to vector<1xf32>
      %squeeze3A_186 = vector.extract %slice3A_185[0] : f32 from vector<1xf32>
      %mul3A_187 = vector.broadcast %squeeze3A_186 : f32 to vector<16xf32>
      %mul3A_188 = arith.mulf %get3A_184, %mul3A_187 : vector<16xf32>
      %swap3A_189 = arith.index_cast %scan3A_142 : i32 to index
      %swap3A_190 = arith.constant 64 : index
      %swap3A_191 = tpu.vector_load %arg14[%swap3A_189, %swap3A_190] {strides = array<i32>} : memref<80x128xf32, #tpu.memory_space<vmem>>, vector<16xf32>,
      tpu.vector_store %arg14[%swap3A_189, %swap3A_190], %mul3A_188 {strides = array<i32>} : memref<80x128xf32, #tpu.memory_space<vmem>>, vector<16xf32>,
      %get3A_192 = arith.index_cast %scan3A_142 : i32 to index
      %get3A_193 = arith.constant 80 : index
      %get3A_194 = tpu.vector_load %arg14[%get3A_192, %get3A_193] {strides = array<i32>} : memref<80x128xf32, #tpu.memory_space<vmem>>, vector<16xf32>,
      %slice3A_195 = vector.extract_strided_slice %get3A_144 {offsets = [5], sizes = [1], strides = [1]} : vector<16xf32> to vector<1xf32>
      %squeeze3A_196 = vector.extract %slice3A_195[0] : f32 from vector<1xf32>
      %mul3A_197 = vector.broadcast %squeeze3A_196 : f32 to vector<16xf32>
      %mul3A_198 = arith.mulf %get3A_194, %mul3A_197 : vector<16xf32>
      %swap3A_199 = arith.index_cast %scan3A_142 : i32 to index
      %swap3A_200 = arith.constant 80 : index
      %swap3A_201 = tpu.vector_load %arg14[%swap3A_199, %swap3A_200] {strides = array<i32>} : memref<80x128xf32, #tpu.memory_space<vmem>>, vector<16xf32>,
      tpu.vector_store %arg14[%swap3A_199, %swap3A_200], %mul3A_198 {strides = array<i32>} : memref<80x128xf32, #tpu.memory_space<vmem>>, vector<16xf32>,
      %get3A_202 = arith.index_cast %scan3A_142 : i32 to index
      %get3A_203 = arith.constant 96 : index
      %get3A_204 = tpu.vector_load %arg14[%get3A_202, %get3A_203] {strides = array<i32>} : memref<80x128xf32, #tpu.memory_space<vmem>>, vector<16xf32>,
      %slice3A_205 = vector.extract_strided_slice %get3A_144 {offsets = [6], sizes = [1], strides = [1]} : vector<16xf32> to vector<1xf32>
      %squeeze3A_206 = vector.extract %slice3A_205[0] : f32 from vector<1xf32>
      %mul3A_207 = vector.broadcast %squeeze3A_206 : f32 to vector<16xf32>
      %mul3A_208 = arith.mulf %get3A_204, %mul3A_207 : vector<16xf32>
      %swap3A_209 = arith.index_cast %scan3A_142 : i32 to index
      %swap3A_210 = arith.constant 96 : index
      %swap3A_211 = tpu.vector_load %arg14[%swap3A_209, %swap3A_210] {strides = array<i32>} : memref<80x128xf32, #tpu.memory_space<vmem>>, vector<16xf32>,
      tpu.vector_store %arg14[%swap3A_209, %swap3A_210], %mul3A_208 {strides = array<i32>} : memref<80x128xf32, #tpu.memory_space<vmem>>, vector<16xf32>,
      %get3A_212 = arith.index_cast %scan3A_142 : i32 to index
      %get3A_213 = arith.constant 112 : index
      %get3A_214 = tpu.vector_load %arg14[%get3A_212, %get3A_213] {strides = array<i32>} : memref<80x128xf32, #tpu.memory_space<vmem>>, vector<16xf32>,
      %slice3A_215 = vector.extract_strided_slice %get3A_144 {offsets = [7], sizes = [1], strides = [1]} : vector<16xf32> to vector<1xf32>
      %squeeze3A_216 = vector.extract %slice3A_215[0] : f32 from vector<1xf32>
      %mul3A_217 = vector.broadcast %squeeze3A_216 : f32 to vector<16xf32>
      %mul3A_218 = arith.mulf %get3A_214, %mul3A_217 : vector<16xf32>
      %swap3A_219 = arith.index_cast %scan3A_142 : i32 to index
      %swap3A_220 = arith.constant 112 : index
      %swap3A_221 = tpu.vector_load %arg14[%swap3A_219, %swap3A_220] {strides = array<i32>} : memref<80x128xf32, #tpu.memory_space<vmem>>, vector<16xf32>,
      tpu.vector_store %arg14[%swap3A_219, %swap3A_220], %mul3A_218 {strides = array<i32>} : memref<80x128xf32, #tpu.memory_space<vmem>>, vector<16xf32>,
      %scan3A_222 = arith.constant 1 : i32
      %scan3A_223 = arith.addi %scan3A_142, %scan3A_222 : i32
      %get3A_224 = arith.index_cast %scan3A_223 : i32 to index
      %get3A_225 = arith.constant 0 : index
      %get3A_226 = tpu.vector_load %arg16[%get3A_224, %get3A_225] {strides = array<i32>} : memref<80x16xf32, #tpu.memory_space<vmem>>, vector<16xf32>,
      %get3A_227 = arith.index_cast %scan3A_223 : i32 to index
      %get3A_228 = arith.constant 0 : index
      %get3A_229 = tpu.vector_load %arg14[%get3A_227, %get3A_228] {strides = array<i32>} : memref<80x128xf32, #tpu.memory_space<vmem>>, vector<16xf32>,
      %slice3A_230 = vector.extract_strided_slice %get3A_226 {offsets = [0], sizes = [1], strides = [1]} : vector<16xf32> to vector<1xf32>
      %squeeze3A_231 = vector.extract %slice3A_230[0] : f32 from vector<1xf32>
      %mul3A_232 = vector.broadcast %squeeze3A_231 : f32 to vector<16xf32>
      %mul3A_233 = arith.mulf %get3A_229, %mul3A_232 : vector<16xf32>
      %swap3A_234 = arith.index_cast %scan3A_223 : i32 to index
      %swap3A_235 = arith.constant 0 : index
      %swap3A_236 = tpu.vector_load %arg14[%swap3A_234, %swap3A_235] {strides = array<i32>} : memref<80x128xf32, #tpu.memory_space<vmem>>, vector<16xf32>,
      tpu.vector_store %arg14[%swap3A_234, %swap3A_235], %mul3A_233 {strides = array<i32>} : memref<80x128xf32, #tpu.memory_space<vmem>>, vector<16xf32>,
      %get3A_237 = arith.index_cast %scan3A_223 : i32 to index
      %get3A_238 = arith.constant 16 : index
      %get3A_239 = tpu.vector_load %arg14[%get3A_237, %get3A_238] {strides = array<i32>} : memref<80x128xf32, #tpu.memory_space<vmem>>, vector<16xf32>,
      %slice3A_240 = vector.extract_strided_slice %get3A_226 {offsets = [1], sizes = [1], strides = [1]} : vector<16xf32> to vector<1xf32>
      %squeeze3A_241 = vector.extract %slice3A_240[0] : f32 from vector<1xf32>
      %mul3A_242 = vector.broadcast %squeeze3A_241 : f32 to vector<16xf32>
      %mul3A_243 = arith.mulf %get3A_239, %mul3A_242 : vector<16xf32>
      %swap3A_244 = arith.index_cast %scan3A_223 : i32 to index
      %swap3A_245 = arith.constant 16 : index
      %swap3A_246 = tpu.vector_load %arg14[%swap3A_244, %swap3A_245] {strides = array<i32>} : memref<80x128xf32, #tpu.memory_space<vmem>>, vector<16xf32>,
      tpu.vector_store %arg14[%swap3A_244, %swap3A_245], %mul3A_243 {strides = array<i32>} : memref<80x128xf32, #tpu.memory_space<vmem>>, vector<16xf32>,
      %get3A_247 = arith.index_cast %scan3A_223 : i32 to index
      %get3A_248 = arith.constant 32 : index
      %get3A_249 = tpu.vector_load %arg14[%get3A_247, %get3A_248] {strides = array<i32>} : memref<80x128xf32, #tpu.memory_space<vmem>>, vector<16xf32>,
      %slice3A_250 = vector.extract_strided_slice %get3A_226 {offsets = [2], sizes = [1], strides = [1]} : vector<16xf32> to vector<1xf32>
      %squeeze3A_251 = vector.extract %slice3A_250[0] : f32 from vector<1xf32>
      %mul3A_252 = vector.broadcast %squeeze3A_251 : f32 to vector<16xf32>
      %mul3A_253 = arith.mulf %get3A_249, %mul3A_252 : vector<16xf32>
      %swap3A_254 = arith.index_cast %scan3A_223 : i32 to index
      %swap3A_255 = arith.constant 32 : index
      %swap3A_256 = tpu.vector_load %arg14[%swap3A_254, %swap3A_255] {strides = array<i32>} : memref<80x128xf32, #tpu.memory_space<vmem>>, vector<16xf32>,
      tpu.vector_store %arg14[%swap3A_254, %swap3A_255], %mul3A_253 {strides = array<i32>} : memref<80x128xf32, #tpu.memory_space<vmem>>, vector<16xf32>,
      %get3A_257 = arith.index_cast %scan3A_223 : i32 to index
      %get3A_258 = arith.constant 48 : index
      %get3A_259 = tpu.vector_load %arg14[%get3A_257, %get3A_258] {strides = array<i32>} : memref<80x128xf32, #tpu.memory_space<vmem>>, vector<16xf32>,
      %slice3A_260 = vector.extract_strided_slice %get3A_226 {offsets = [3], sizes = [1], strides = [1]} : vector<16xf32> to vector<1xf32>
      %squeeze3A_261 = vector.extract %slice3A_260[0] : f32 from vector<1xf32>
      %mul3A_262 = vector.broadcast %squeeze3A_261 : f32 to vector<16xf32>
      %mul3A_263 = arith.mulf %get3A_259, %mul3A_262 : vector<16xf32>
      %swap3A_264 = arith.index_cast %scan3A_223 : i32 to index
      %swap3A_265 = arith.constant 48 : index
      %swap3A_266 = tpu.vector_load %arg14[%swap3A_264, %swap3A_265] {strides = array<i32>} : memref<80x128xf32, #tpu.memory_space<vmem>>, vector<16xf32>,
      tpu.vector_store %arg14[%swap3A_264, %swap3A_265], %mul3A_263 {strides = array<i32>} : memref<80x128xf32, #tpu.memory_space<vmem>>, vector<16xf32>,
      %get3A_267 = arith.index_cast %scan3A_223 : i32 to index
      %get3A_268 = arith.constant 64 : index
      %get3A_269 = tpu.vector_load %arg14[%get3A_267, %get3A_268] {strides = array<i32>} : memref<80x128xf32, #tpu.memory_space<vmem>>, vector<16xf32>,
      %slice3A_270 = vector.extract_strided_slice %get3A_226 {offsets = [4], sizes = [1], strides = [1]} : vector<16xf32> to vector<1xf32>
      %squeeze3A_271 = vector.extract %slice3A_270[0] : f32 from vector<1xf32>
      %mul3A_272 = vector.broadcast %squeeze3A_271 : f32 to vector<16xf32>
      %mul3A_273 = arith.mulf %get3A_269, %mul3A_272 : vector<16xf32>
      %swap3A_274 = arith.index_cast %scan3A_223 : i32 to index
      %swap3A_275 = arith.constant 64 : index
      %swap3A_276 = tpu.vector_load %arg14[%swap3A_274, %swap3A_275] {strides = array<i32>} : memref<80x128xf32, #tpu.memory_space<vmem>>, vector<16xf32>,
      tpu.vector_store %arg14[%swap3A_274, %swap3A_275], %mul3A_273 {strides = array<i32>} : memref<80x128xf32, #tpu.memory_space<vmem>>, vector<16xf32>,
      %get3A_277 = arith.index_cast %scan3A_223 : i32 to index
      %get3A_278 = arith.constant 80 : index
      %get3A_279 = tpu.vector_load %arg14[%get3A_277, %get3A_278] {strides = array<i32>} : memref<80x128xf32, #tpu.memory_space<vmem>>, vector<16xf32>,
      %slice3A_280 = vector.extract_strided_slice %get3A_226 {offsets = [5], sizes = [1], strides = [1]} : vector<16xf32> to vector<1xf32>
      %squeeze3A_281 = vector.extract %slice3A_280[0] : f32 from vector<1xf32>
      %mul3A_282 = vector.broadcast %squeeze3A_281 : f32 to vector<16xf32>
      %mul3A_283 = arith.mulf %get3A_279, %mul3A_282 : vector<16xf32>
      %swap3A_284 = arith.index_cast %scan3A_223 : i32 to index
      %swap3A_285 = arith.constant 80 : index
      %swap3A_286 = tpu.vector_load %arg14[%swap3A_284, %swap3A_285] {strides = array<i32>} : memref<80x128xf32, #tpu.memory_space<vmem>>, vector<16xf32>,
      tpu.vector_store %arg14[%swap3A_284, %swap3A_285], %mul3A_283 {strides = array<i32>} : memref<80x128xf32, #tpu.memory_space<vmem>>, vector<16xf32>,
      %get3A_287 = arith.index_cast %scan3A_223 : i32 to index
      %get3A_288 = arith.constant 96 : index
      %get3A_289 = tpu.vector_load %arg14[%get3A_287, %get3A_288] {strides = array<i32>} : memref<80x128xf32, #tpu.memory_space<vmem>>, vector<16xf32>,
      %slice3A_290 = vector.extract_strided_slice %get3A_226 {offsets = [6], sizes = [1], strides = [1]} : vector<16xf32> to vector<1xf32>
      %squeeze3A_291 = vector.extract %slice3A_290[0] : f32 from vector<1xf32>
      %mul3A_292 = vector.broadcast %squeeze3A_291 : f32 to vector<16xf32>
      %mul3A_293 = arith.mulf %get3A_289, %mul3A_292 : vector<16xf32>
      %swap3A_294 = arith.index_cast %scan3A_223 : i32 to index
      %swap3A_295 = arith.constant 96 : index
      %swap3A_296 = tpu.vector_load %arg14[%swap3A_294, %swap3A_295] {strides = array<i32>} : memref<80x128xf32, #tpu.memory_space<vmem>>, vector<16xf32>,
      tpu.vector_store %arg14[%swap3A_294, %swap3A_295], %mul3A_293 {strides = array<i32>} : memref<80x128xf32, #tpu.memory_space<vmem>>, vector<16xf32>,
      %get3A_297 = arith.index_cast %scan3A_223 : i32 to index
      %get3A_298 = arith.constant 112 : index
      %get3A_299 = tpu.vector_load %arg14[%get3A_297, %get3A_298] {strides = array<i32>} : memref<80x128xf32, #tpu.memory_space<vmem>>, vector<16xf32>,
      %slice3A_300 = vector.extract_strided_slice %get3A_226 {offsets = [7], sizes = [1], strides = [1]} : vector<16xf32> to vector<1xf32>
      %squeeze3A_301 = vector.extract %slice3A_300[0] : f32 from vector<1xf32>
      %mul3A_302 = vector.broadcast %squeeze3A_301 : f32 to vector<16xf32>
      %mul3A_303 = arith.mulf %get3A_299, %mul3A_302 : vector<16xf32>
      %swap3A_304 = arith.index_cast %scan3A_223 : i32 to index
      %swap3A_305 = arith.constant 112 : index
      %swap3A_306 = tpu.vector_load %arg14[%swap3A_304, %swap3A_305] {strides = array<i32>} : memref<80x128xf32, #tpu.memory_space<vmem>>, vector<16xf32>,
      tpu.vector_store %arg14[%swap3A_304, %swap3A_305], %mul3A_303 {strides = array<i32>} : memref<80x128xf32, #tpu.memory_space<vmem>>, vector<16xf32>,
    }
    %scan3A_114 = arith.constant 80 : i32
    %dma_start3A_115 = arith.constant 0 : i32
    %dma_start3A_116 = arith.constant 0 : i32
    %dma_start3A_117 = tpu.memref_slice %arg7[%dma_start3A_115, %dma_start3A_116] : memref<10000x128xf32, #tpu.memory_space<vmem_shared>> -> memref<10000x128xf32, #tpu.memory_space<vmem_shared>>
    tpu.enqueue_indirect_dma source(%arg14 : memref<80x128xf32, #tpu.memory_space<vmem>>) target(%dma_start3A_117 : memref<10000x128xf32, #tpu.memory_space<vmem_shared>>) offsets(%arg13 : memref<80xi32, #tpu.memory_space<vmem>>) semaphore(%arg21 : memref<!tpu.dma_semaphore, #tpu.memory_space<semaphore_mem>>) {add = true}
    %dma_start3A_118 = arith.constant 0 : i32
    %dma_start3A_119 = arith.constant 0 : i32
    %dma_start3A_120 = tpu.memref_slice %arg8[%dma_start3A_118, %dma_start3A_119] : memref<10000x16xf32, #tpu.memory_space<vmem_shared>> -> memref<10000x16xf32, #tpu.memory_space<vmem_shared>>
    tpu.enqueue_indirect_dma source(%arg16 : memref<80x16xf32, #tpu.memory_space<vmem>>) target(%dma_start3A_120 : memref<10000x16xf32, #tpu.memory_space<vmem_shared>>) offsets(%arg13 : memref<80xi32, #tpu.memory_space<vmem>>) semaphore(%arg22 : memref<!tpu.dma_semaphore, #tpu.memory_space<semaphore_mem>>) {add = true}
    %dma_wait3A_121 = arith.constant 0 : i32
    %dma_wait3A_122 = arith.constant 0 : i32
    %dma_wait3A_123 = tpu.memref_slice %arg7[%dma_wait3A_121, %dma_wait3A_122] : memref<10000x128xf32, #tpu.memory_space<vmem_shared>> -> memref<10000x128xf32, #tpu.memory_space<vmem_shared>>
    tpu.wait_indirect_dma semaphore(%arg35 : memref<!tpu.dma_semaphore, #tpu.memory_space<semaphore_mem>>) src(%arg28 : memref<80x128xf32, #tpu.memory_space<vmem>>) dst(%dma_wait3A_123 : memref<10000x128xf32, #tpu.memory_space<vmem_shared>>)
    %dma_wait3A_124 = arith.constant 0 : i32
    %dma_wait3A_125 = arith.constant 0 : i32
    %dma_wait3A_126 = tpu.memref_slice %arg8[%dma_wait3A_124, %dma_wait3A_125] : memref<10000x16xf32, #tpu.memory_space<vmem_shared>> -> memref<10000x16xf32, #tpu.memory_space<vmem_shared>>
    tpu.wait_indirect_dma semaphore(%arg36 : memref<!tpu.dma_semaphore, #tpu.memory_space<semaphore_mem>>) src(%arg30 : memref<80x16xf32, #tpu.memory_space<vmem>>) dst(%dma_wait3A_126 : memref<10000x16xf32, #tpu.memory_space<vmem_shared>>)
    %dma_wait3A_127 = arith.constant 0 : i32
    %dma_wait3A_128 = arith.constant 0 : i32
    %dma_wait3A_129 = tpu.memref_slice %arg7[%dma_wait3A_127, %dma_wait3A_128] : memref<10000x128xf32, #tpu.memory_space<vmem_shared>> -> memref<10000x128xf32, #tpu.memory_space<vmem_shared>>
    tpu.wait_indirect_dma semaphore(%arg49 : memref<!tpu.dma_semaphore, #tpu.memory_space<semaphore_mem>>) src(%arg42 : memref<80x128xf32, #tpu.memory_space<vmem>>) dst(%dma_wait3A_129 : memref<10000x128xf32, #tpu.memory_space<vmem_shared>>)
    %dma_wait3A_130 = arith.constant 0 : i32
    %dma_wait3A_131 = arith.constant 0 : i32
    %dma_wait3A_132 = tpu.memref_slice %arg8[%dma_wait3A_130, %dma_wait3A_131] : memref<10000x16xf32, #tpu.memory_space<vmem_shared>> -> memref<10000x16xf32, #tpu.memory_space<vmem_shared>>
    tpu.wait_indirect_dma semaphore(%arg50 : memref<!tpu.dma_semaphore, #tpu.memory_space<semaphore_mem>>) src(%arg44 : memref<80x16xf32, #tpu.memory_space<vmem>>) dst(%dma_wait3A_132 : memref<10000x16xf32, #tpu.memory_space<vmem_shared>>)
    %dma_wait3A_133 = arith.constant 0 : i32
    %dma_wait3A_134 = arith.constant 0 : i32
    %dma_wait3A_135 = tpu.memref_slice %arg7[%dma_wait3A_133, %dma_wait3A_134] : memref<10000x128xf32, #tpu.memory_space<vmem_shared>> -> memref<10000x128xf32, #tpu.memory_space<vmem_shared>>
    tpu.wait_indirect_dma semaphore(%arg21 : memref<!tpu.dma_semaphore, #tpu.memory_space<semaphore_mem>>) src(%arg14 : memref<80x128xf32, #tpu.memory_space<vmem>>) dst(%dma_wait3A_135 : memref<10000x128xf32, #tpu.memory_space<vmem_shared>>)
    %dma_wait3A_136 = arith.constant 0 : i32
    %dma_wait3A_137 = arith.constant 0 : i32
    %dma_wait3A_138 = tpu.memref_slice %arg8[%dma_wait3A_136, %dma_wait3A_137] : memref<10000x16xf32, #tpu.memory_space<vmem_shared>> -> memref<10000x16xf32, #tpu.memory_space<vmem_shared>>
    tpu.wait_indirect_dma semaphore(%arg22 : memref<!tpu.dma_semaphore, #tpu.memory_space<semaphore_mem>>) src(%arg16 : memref<80x16xf32, #tpu.memory_space<vmem>>) dst(%dma_wait3A_138 : memref<10000x16xf32, #tpu.memory_space<vmem_shared>>)
    %barrier3A_139 = arith.constant 0 : index
    tpu.barrier barrier_id(%barrier3A_139)
    %add3A_140 = arith.addi %mul3A_0, %mul3A_2 : i32
    "tpu.region"() ({
      %run_scoped3A = tpu.sem_alloc : memref<!tpu.dma_semaphore, #tpu.memory_space<semaphore_mem>>
      %dma_start3A_142 = arith.constant 0 : i32
      %dma_start3A_143 = tpu.memref_slice %arg5[%add3A_140, %dma_start3A_142] : memref<20000x128xf32, #tpu.memory_space<hbm>> -> memref<625x128xf32, #tpu.memory_space<hbm>>
      %dma_start3A_144 = arith.constant 0 : i32
      %dma_start3A_145 = tpu.memref_slice %arg7[%mul3A_2, %dma_start3A_144] : memref<10000x128xf32, #tpu.memory_space<vmem_shared>> -> memref<625x128xf32, #tpu.memory_space<vmem_shared>>
      tpu.enqueue_dma source(%dma_start3A_145 : memref<625x128xf32, #tpu.memory_space<vmem_shared>>) target(%dma_start3A_143 : memref<625x128xf32, #tpu.memory_space<hbm>>) target_semaphore(%run_scoped3A : memref<!tpu.dma_semaphore, #tpu.memory_space<semaphore_mem>>)
      %dma_wait3A_146 = arith.constant 0 : i32
      %dma_wait3A_147 = tpu.memref_slice %arg5[%add3A_140, %dma_wait3A_146] : memref<20000x128xf32, #tpu.memory_space<hbm>> -> memref<625x128xf32, #tpu.memory_space<hbm>>
      %dma_wait3A_148 = arith.constant 0 : i32
      %dma_wait3A_149 = tpu.memref_slice %arg7[%mul3A_2, %dma_wait3A_148] : memref<10000x128xf32, #tpu.memory_space<vmem_shared>> -> memref<625x128xf32, #tpu.memory_space<vmem_shared>>
      tpu.wait_dma2 semaphore(%run_scoped3A : memref<!tpu.dma_semaphore, #tpu.memory_space<semaphore_mem>>) src(%dma_wait3A_149 : memref<625x128xf32, #tpu.memory_space<vmem_shared>>) dst(%dma_wait3A_147 : memref<625x128xf32, #tpu.memory_space<hbm>>)
      tpu.yield
    }) : () -> ()
    %add3A_141 = arith.addi %mul3A_0, %mul3A_2 : i32
    "tpu.region"() ({
      %run_scoped3A = tpu.sem_alloc : memref<!tpu.dma_semaphore, #tpu.memory_space<semaphore_mem>>
      %dma_start3A_142 = arith.constant 0 : i32
      %dma_start3A_143 = tpu.memref_slice %arg6[%add3A_141, %dma_start3A_142] : memref<20000x16xf32, #tpu.memory_space<hbm>> -> memref<625x16xf32, #tpu.memory_space<hbm>>
      %dma_start3A_144 = arith.constant 0 : i32
      %dma_start3A_145 = tpu.memref_slice %arg8[%mul3A_2, %dma_start3A_144] : memref<10000x16xf32, #tpu.memory_space<vmem_shared>> -> memref<625x16xf32, #tpu.memory_space<vmem_shared>>
      tpu.enqueue_dma source(%dma_start3A_145 : memref<625x16xf32, #tpu.memory_space<vmem_shared>>) target(%dma_start3A_143 : memref<625x16xf32, #tpu.memory_space<hbm>>) target_semaphore(%run_scoped3A : memref<!tpu.dma_semaphore, #tpu.memory_space<semaphore_mem>>)
      %dma_wait3A_146 = arith.constant 0 : i32
      %dma_wait3A_147 = tpu.memref_slice %arg6[%add3A_141, %dma_wait3A_146] : memref<20000x16xf32, #tpu.memory_space<hbm>> -> memref<625x16xf32, #tpu.memory_space<hbm>>
      %dma_wait3A_148 = arith.constant 0 : i32
      %dma_wait3A_149 = tpu.memref_slice %arg8[%mul3A_2, %dma_wait3A_148] : memref<10000x16xf32, #tpu.memory_space<vmem_shared>> -> memref<625x16xf32, #tpu.memory_space<vmem_shared>>
      tpu.wait_dma2 semaphore(%run_scoped3A : memref<!tpu.dma_semaphore, #tpu.memory_space<semaphore_mem>>) src(%dma_wait3A_149 : memref<625x16xf32, #tpu.memory_space<vmem_shared>>) dst(%dma_wait3A_147 : memref<625x16xf32, #tpu.memory_space<hbm>>)
      tpu.yield
    }) : () -> ()
    return
  }
}

module attributes {stable_mosaic.version = 14 : i64} {
  func.func @_k1_body(%arg0: i32, %arg1: i32, %arg2: memref<1000x128xf32, #tpu.memory_space<vmem>>, %arg3: memref<64x128xf32, #tpu.memory_space<vmem>>, %arg4: memref<64x128xf32, #tpu.memory_space<vmem>>, %arg5: memref<2x128xf32, #tpu.memory_space<vmem>>, %arg6: memref<1x128xf32, #tpu.memory_space<vmem>>, %arg7: memref<1x128xf32, #tpu.memory_space<vmem>>, %arg8: memref<1x128xf32, #tpu.memory_space<vmem>>, %arg9: memref<1x128xf32, #tpu.memory_space<vmem>>, %arg10: memref<128x128xf32, #tpu.memory_space<vmem>>, %arg11: memref<1x128xf32, #tpu.memory_space<vmem>>, %arg12: memref<1000x128xf32, #tpu.memory_space<vmem>>, %arg13: memref<1000x16xf32, #tpu.memory_space<vmem>>, %arg14: memref<2x128xf32, #tpu.memory_space<vmem>>, %arg15: memref<2x128xf32, #tpu.memory_space<vmem>>) attributes {dimension_semantics = [#tpu.dimension_semantics<arbitrary>, #tpu.dimension_semantics<arbitrary>], iteration_bounds = array<i64: 2, 10>, scalar_prefetch = 0 : i64, scratch_operands = 1 : i64, tpu.core_type = #tpu.core_type<tc>, window_params = [{transform_indices = @transform_0, window_bounds = array<i64: 1000, 128>}, {pipeline_mode = #tpu.pipeline_mode<synchronous>, transform_indices = @transform_1, window_bounds = array<i64: 64, 128>}, {pipeline_mode = #tpu.pipeline_mode<synchronous>, transform_indices = @transform_2, window_bounds = array<i64: 64, 128>}, {pipeline_mode = #tpu.pipeline_mode<synchronous>, transform_indices = @transform_3, window_bounds = array<i64: 2, 128>}, {pipeline_mode = #tpu.pipeline_mode<synchronous>, transform_indices = @transform_4, window_bounds = array<i64: 1, 128>}, {pipeline_mode = #tpu.pipeline_mode<synchronous>, transform_indices = @transform_5, window_bounds = array<i64: 1, 128>}, {pipeline_mode = #tpu.pipeline_mode<synchronous>, transform_indices = @transform_6, window_bounds = array<i64: 1, 128>}, {pipeline_mode = #tpu.pipeline_mode<synchronous>, transform_indices = @transform_7, window_bounds = array<i64: 1, 128>}, {pipeline_mode = #tpu.pipeline_mode<synchronous>, transform_indices = @transform_8, window_bounds = array<i64: 128, 128>}, {pipeline_mode = #tpu.pipeline_mode<synchronous>, transform_indices = @transform_9, window_bounds = array<i64: 1, 128>}, {transform_indices = @transform_10, window_bounds = array<i64: 1000, 128>}, {transform_indices = @transform_11, window_bounds = array<i64: 1000, 16>}, {pipeline_mode = #tpu.pipeline_mode<synchronous>, transform_indices = @transform_12, window_bounds = array<i64: 2, 128>}]} {
    %get3A = arith.constant 0 : index
    %get3A_0 = arith.constant 0 : index
    %get3A_1 = vector.load %arg2[%get3A, %get3A_0] : memref<1000x128xf32, #tpu.memory_space<vmem>>, vector<1000x128xf32>
    %eq3A = arith.constant 0 : i32
    %eq3A_2 = arith.cmpi eq, %arg0, %eq3A : i32
    %slice3A = vector.extract_strided_slice %get3A_1 {offsets = [0, 0], sizes = [1000, 64], strides = [1, 1]} : vector<1000x128xf32> to vector<1000x64xf32>
    %slice3A_3 = vector.extract_strided_slice %get3A_1 {offsets = [0, 64], sizes = [1000, 64], strides = [1, 1]} : vector<1000x128xf32> to vector<1000x64xf32>
    %select_n3A = arith.select %eq3A_2, %slice3A, %slice3A_3 : vector<1000x64xf32>
    %eq3A_4 = arith.constant 0 : i32
    %eq3A_5 = arith.cmpi eq, %arg0, %eq3A_4 : i32
    %get3A_6 = arith.constant 0 : index
    %get3A_7 = arith.constant 0 : index
    %get3A_8 = vector.load %arg3[%get3A_6, %get3A_7] : memref<64x128xf32, #tpu.memory_space<vmem>>, vector<64x128xf32>
    %get3A_9 = arith.constant 0 : index
    %get3A_10 = arith.constant 0 : index
    %get3A_11 = vector.load %arg4[%get3A_9, %get3A_10] : memref<64x128xf32, #tpu.memory_space<vmem>>, vector<64x128xf32>
    %select_n3A_12 = arith.select %eq3A_5, %get3A_8, %get3A_11 : vector<64x128xf32>
    %eq3A_13 = arith.constant 0 : i32
    %eq3A_14 = arith.cmpi eq, %arg0, %eq3A_13 : i32
    %get3A_15 = arith.constant 0 : index
    %get3A_16 = arith.constant 0 : index
    %get3A_17 = vector.load %arg5[%get3A_15, %get3A_16] : memref<2x128xf32, #tpu.memory_space<vmem>>, vector<1x128xf32>
    %get3A_18 = arith.constant 1 : index
    %get3A_19 = arith.constant 0 : index
    %get3A_20 = vector.load %arg5[%get3A_18, %get3A_19] : memref<2x128xf32, #tpu.memory_space<vmem>>, vector<1x128xf32>
    %select_n3A_21 = arith.select %eq3A_14, %get3A_17, %get3A_20 : vector<1x128xf32>
    %dot_general3A = arith.constant dense<0.000000e+00> : vector<1000x128xf32>
    %dot_general3A_22 = tpu.matmul %select_n3A, %select_n3A_12, %dot_general3A {dimension_numbers = #tpu.dot_dimension_numbers<[1], [0], [0], [1], [0, 0, 1, 1], [], []>, transpose_lhs_hint = false} : vector<1000x64xf32>, vector<64x128xf32>, vector<1000x128xf32> -> vector<1000x128xf32>
    %add3A = vector.broadcast %select_n3A_21 : vector<1x128xf32> to vector<1000x128xf32>
    %add3A_23 = arith.addf %dot_general3A_22, %add3A : vector<1000x128xf32>
    %eq3A_24 = arith.constant 0 : i32
    %eq3A_25 = arith.cmpi eq, %arg0, %eq3A_24 : i32
    %get3A_26 = arith.constant 0 : index
    %get3A_27 = arith.constant 0 : index
    %get3A_28 = vector.load %arg6[%get3A_26, %get3A_27] : memref<1x128xf32, #tpu.memory_space<vmem>>, vector<1x128xf32>
    %get3A_29 = arith.constant 0 : index
    %get3A_30 = arith.constant 0 : index
    %get3A_31 = vector.load %arg8[%get3A_29, %get3A_30] : memref<1x128xf32, #tpu.memory_space<vmem>>, vector<1x128xf32>
    %select_n3A_32 = arith.select %eq3A_25, %get3A_28, %get3A_31 : vector<1x128xf32>
    %eq3A_33 = arith.constant 0 : i32
    %eq3A_34 = arith.cmpi eq, %arg0, %eq3A_33 : i32
    %get3A_35 = arith.constant 0 : index
    %get3A_36 = arith.constant 0 : index
    %get3A_37 = vector.load %arg7[%get3A_35, %get3A_36] : memref<1x128xf32, #tpu.memory_space<vmem>>, vector<1x128xf32>
    %get3A_38 = arith.constant 0 : index
    %get3A_39 = arith.constant 0 : index
    %get3A_40 = vector.load %arg9[%get3A_38, %get3A_39] : memref<1x128xf32, #tpu.memory_space<vmem>>, vector<1x128xf32>
    %select_n3A_41 = arith.select %eq3A_34, %get3A_37, %get3A_40 : vector<1x128xf32>
    %iota3A = tpu.iota {dimensions = array<i32: 0>} : vector<128x16xi32>
    %iota3A_42 = tpu.iota {dimensions = array<i32: 1>} : vector<128x16xi32>
    %jit3A = arith.constant 16 : i32
    %div3A = vector.broadcast %jit3A : i32 to vector<128x16xi32>
    %div3A_43 = arith.divsi %iota3A, %div3A : vector<128x16xi32>
    %sign3A = arith.constant 0 : i32
    %sign3A_44 = vector.broadcast %sign3A : i32 to vector<128x16xi32>
    %sign3A_45 = arith.cmpi sgt, %iota3A, %sign3A_44 : vector<128x16xi32>
    %sign3A_46 = arith.extui %sign3A_45 : vector<128x16xi1> to vector<128x16xi32>
    %sign3A_47 = arith.constant 0 : i32
    %sign3A_48 = vector.broadcast %sign3A_47 : i32 to vector<128x16xi32>
    %sign3A_49 = arith.cmpi slt, %iota3A, %sign3A_48 : vector<128x16xi32>
    %sign3A_50 = arith.extui %sign3A_49 : vector<128x16xi1> to vector<128x16xi32>
    %sign3A_51 = arith.subi %sign3A_46, %sign3A_50 : vector<128x16xi32>
    %sign3A_52 = arith.constant 0 : i32
    %sign3A_53 = arith.cmpi sgt, %jit3A, %sign3A_52 : i32
    %sign3A_54 = arith.extui %sign3A_53 : i1 to i32
    %sign3A_55 = arith.constant 0 : i32
    %sign3A_56 = arith.cmpi slt, %jit3A, %sign3A_55 : i32
    %sign3A_57 = arith.extui %sign3A_56 : i1 to i32
    %sign3A_58 = arith.subi %sign3A_54, %sign3A_57 : i32
    %ne3A = vector.broadcast %sign3A_58 : i32 to vector<128x16xi32>
    %ne3A_59 = arith.cmpi ne, %sign3A_51, %ne3A : vector<128x16xi32>
    %rem3A = vector.broadcast %jit3A : i32 to vector<128x16xi32>
    %rem3A_60 = arith.remsi %iota3A, %rem3A : vector<128x16xi32>
    %ne3A_61 = arith.constant 0 : i32
    %ne3A_62 = vector.broadcast %ne3A_61 : i32 to vector<128x16xi32>
    %ne3A_63 = arith.cmpi ne, %rem3A_60, %ne3A_62 : vector<128x16xi32>
    %and3A = arith.andi %ne3A_59, %ne3A_63 : vector<128x16xi1>
    %sub3A = arith.constant 1 : i32
    %sub3A_64 = vector.broadcast %sub3A : i32 to vector<128x16xi32>
    %sub3A_65 = arith.subi %div3A_43, %sub3A_64 : vector<128x16xi32>
    %select_n3A_66 = arith.select %and3A, %sub3A_65, %div3A_43 : vector<128x16xi1>, vector<128x16xi32>
    %add3A_67 = arith.constant 0 : i32
    %add3A_68 = vector.broadcast %add3A_67 : i32 to vector<128x16xi32>
    %add3A_69 = arith.addi %select_n3A_66, %add3A_68 : vector<128x16xi32>
    %eq3A_70 = arith.cmpi eq, %iota3A_42, %add3A_69 : vector<128x16xi32>
    %jit3A_71 = arith.constant 1.000000e+00 : f32
    %jit3A_72 = arith.constant 0.000000e+00 : f32
    %broadcast_in_dim3A = vector.broadcast %jit3A_71 : f32 to vector<128x16xf32>
    %broadcast_in_dim3A_73 = vector.broadcast %jit3A_72 : f32 to vector<128x16xf32>
    %select_n3A_74 = arith.select %eq3A_70, %broadcast_in_dim3A, %broadcast_in_dim3A_73 : vector<128x16xi1>, vector<128x16xf32>
    %iota3A_75 = tpu.iota {dimensions = array<i32: 0>} : vector<128x16xi32>
    %iota3A_76 = tpu.iota {dimensions = array<i32: 1>} : vector<128x16xi32>
    %jit3A_77 = arith.constant 16 : i32
    %div3A_78 = vector.broadcast %jit3A_77 : i32 to vector<128x16xi32>
    %div3A_79 = arith.divsi %iota3A_75, %div3A_78 : vector<128x16xi32>
    %sign3A_80 = arith.constant 0 : i32
    %sign3A_81 = vector.broadcast %sign3A_80 : i32 to vector<128x16xi32>
    %sign3A_82 = arith.cmpi sgt, %iota3A_75, %sign3A_81 : vector<128x16xi32>
    %sign3A_83 = arith.extui %sign3A_82 : vector<128x16xi1> to vector<128x16xi32>
    %sign3A_84 = arith.constant 0 : i32
    %sign3A_85 = vector.broadcast %sign3A_84 : i32 to vector<128x16xi32>
    %sign3A_86 = arith.cmpi slt, %iota3A_75, %sign3A_85 : vector<128x16xi32>
    %sign3A_87 = arith.extui %sign3A_86 : vector<128x16xi1> to vector<128x16xi32>
    %sign3A_88 = arith.subi %sign3A_83, %sign3A_87 : vector<128x16xi32>
    %sign3A_89 = arith.constant 0 : i32
    %sign3A_90 = arith.cmpi sgt, %jit3A_77, %sign3A_89 : i32
    %sign3A_91 = arith.extui %sign3A_90 : i1 to i32
    %sign3A_92 = arith.constant 0 : i32
    %sign3A_93 = arith.cmpi slt, %jit3A_77, %sign3A_92 : i32
    %sign3A_94 = arith.extui %sign3A_93 : i1 to i32
    %sign3A_95 = arith.subi %sign3A_91, %sign3A_94 : i32
    %ne3A_96 = vector.broadcast %sign3A_95 : i32 to vector<128x16xi32>
    %ne3A_97 = arith.cmpi ne, %sign3A_88, %ne3A_96 : vector<128x16xi32>
    %rem3A_98 = vector.broadcast %jit3A_77 : i32 to vector<128x16xi32>
    %rem3A_99 = arith.remsi %iota3A_75, %rem3A_98 : vector<128x16xi32>
    %ne3A_100 = arith.constant 0 : i32
    %ne3A_101 = vector.broadcast %ne3A_100 : i32 to vector<128x16xi32>
    %ne3A_102 = arith.cmpi ne, %rem3A_99, %ne3A_101 : vector<128x16xi32>
    %and3A_103 = arith.andi %ne3A_97, %ne3A_102 : vector<128x16xi1>
    %sub3A_104 = arith.constant 1 : i32
    %sub3A_105 = vector.broadcast %sub3A_104 : i32 to vector<128x16xi32>
    %sub3A_106 = arith.subi %div3A_79, %sub3A_105 : vector<128x16xi32>
    %select_n3A_107 = arith.select %and3A_103, %sub3A_106, %div3A_79 : vector<128x16xi1>, vector<128x16xi32>
    %add3A_108 = arith.constant 8 : i32
    %add3A_109 = vector.broadcast %add3A_108 : i32 to vector<128x16xi32>
    %add3A_110 = arith.addi %select_n3A_107, %add3A_109 : vector<128x16xi32>
    %eq3A_111 = arith.cmpi eq, %iota3A_76, %add3A_110 : vector<128x16xi32>
    %jit3A_112 = arith.constant 1.000000e+00 : f32
    %jit3A_113 = arith.constant 0.000000e+00 : f32
    %broadcast_in_dim3A_114 = vector.broadcast %jit3A_112 : f32 to vector<128x16xf32>
    %broadcast_in_dim3A_115 = vector.broadcast %jit3A_113 : f32 to vector<128x16xf32>
    %select_n3A_116 = arith.select %eq3A_111, %broadcast_in_dim3A_114, %broadcast_in_dim3A_115 : vector<128x16xi1>, vector<128x16xf32>
    %mul3A = vector.broadcast %select_n3A_32 : vector<1x128xf32> to vector<1000x128xf32>
    %mul3A_117 = arith.mulf %add3A_23, %mul3A : vector<1000x128xf32>
    %dot_general3A_118 = arith.constant dense<0.000000e+00> : vector<1000x16xf32>
    %dot_general3A_119 = tpu.matmul %mul3A_117, %select_n3A_74, %dot_general3A_118 {dimension_numbers = #tpu.dot_dimension_numbers<[1], [0], [0], [1], [0, 0, 1, 1], [], []>, transpose_lhs_hint = false} : vector<1000x128xf32>, vector<128x16xf32>, vector<1000x16xf32> -> vector<1000x16xf32>
    %mul3A_120 = vector.broadcast %select_n3A_41 : vector<1x128xf32> to vector<1000x128xf32>
    %mul3A_121 = arith.mulf %add3A_23, %mul3A_120 : vector<1000x128xf32>
    %dot_general3A_122 = arith.constant dense<0.000000e+00> : vector<1000x16xf32>
    %dot_general3A_123 = tpu.matmul %mul3A_121, %select_n3A_116, %dot_general3A_122 {dimension_numbers = #tpu.dot_dimension_numbers<[1], [0], [0], [1], [0, 0, 1, 1], [], []>, transpose_lhs_hint = false} : vector<1000x128xf32>, vector<128x16xf32>, vector<1000x16xf32> -> vector<1000x16xf32>
    %add3A_124 = arith.addf %dot_general3A_119, %dot_general3A_123 : vector<1000x16xf32>
    %swap3A = arith.constant 0 : index
    %swap3A_125 = arith.constant 0 : index
    %swap3A_126 = vector.load %arg12[%swap3A, %swap3A_125] : memref<1000x128xf32, #tpu.memory_space<vmem>>, vector<1000x128xf32>
    tpu.vector_store %arg12[%swap3A, %swap3A_125], %add3A_23 {strides = array<i32>} : memref<1000x128xf32, #tpu.memory_space<vmem>>, vector<1000x128xf32>,
    %swap3A_127 = arith.constant 0 : index
    %swap3A_128 = arith.constant 0 : index
    %swap3A_129 = vector.load %arg13[%swap3A_127, %swap3A_128] : memref<1000x16xf32, #tpu.memory_space<vmem>>, vector<1000x16xf32>
    tpu.vector_store %arg13[%swap3A_127, %swap3A_128], %add3A_124 {strides = array<i32>} : memref<1000x16xf32, #tpu.memory_space<vmem>>, vector<1000x16xf32>,
    %max3A = arith.constant 0.000000e+00 : f32
    %max3A_130 = vector.broadcast %max3A : f32 to vector<1000x128xf32>
    %max3A_131 = arith.maximumf %add3A_23, %max3A_130 : vector<1000x128xf32>
    %get3A_132 = arith.constant 0 : index
    %get3A_133 = arith.constant 0 : index
    %get3A_134 = vector.load %arg10[%get3A_132, %get3A_133] : memref<128x128xf32, #tpu.memory_space<vmem>>, vector<128x128xf32>
    %dot_general3A_135 = arith.constant dense<0.000000e+00> : vector<1000x128xf32>
    %dot_general3A_136 = tpu.matmul %max3A_131, %get3A_134, %dot_general3A_135 {dimension_numbers = #tpu.dot_dimension_numbers<[1], [0], [0], [1], [0, 0, 1, 1], [], []>, transpose_lhs_hint = false} : vector<1000x128xf32>, vector<128x128xf32>, vector<1000x128xf32> -> vector<1000x128xf32>
    %get3A_137 = arith.constant 0 : index
    %get3A_138 = arith.constant 0 : index
    %get3A_139 = vector.load %arg11[%get3A_137, %get3A_138] : memref<1x128xf32, #tpu.memory_space<vmem>>, vector<1x128xf32>
    %add3A_140 = vector.broadcast %get3A_139 : vector<1x128xf32> to vector<1000x128xf32>
    %add3A_141 = arith.addf %dot_general3A_136, %add3A_140 : vector<1000x128xf32>
    %tanh3A = math.tanh %add3A_141 : vector<1000x128xf32>
    %reduce_sum3A = arith.constant dense<0.000000e+00> : vector<128xf32>
    %reduce_sum3A_142 = vector.multi_reduction <add>, %tanh3A, %reduce_sum3A [0] : vector<1000x128xf32> to vector<128xf32>
    %broadcast_in_dim3A_143 = vector.shape_cast %reduce_sum3A_142 : vector<128xf32> to vector<1x128xf32>
    %eq3A_144 = arith.constant 0 : i32
    %eq3A_145 = arith.cmpi eq, %arg0, %eq3A_144 : i32
    %eq3A_146 = arith.constant 0 : i32
    %eq3A_147 = arith.cmpi eq, %arg1, %eq3A_146 : i32
    %and3A_148 = arith.andi %eq3A_145, %eq3A_147 : i1
    %convert_element_type3A = arith.extui %and3A_148 : i1 to i32
    %cond3A = arith.constant 0 : i32
    %cond3A_149 = arith.cmpi ne, %convert_element_type3A, %cond3A : i32
    scf.if %cond3A_149 {
      %broadcast_in_dim3A_168 = arith.constant 0.000000e+00 : f32
      %broadcast_in_dim3A_169 = vector.broadcast %broadcast_in_dim3A_168 : f32 to vector<2x128xf32>
      %swap3A_170 = arith.constant 0 : index
      %swap3A_171 = arith.constant 0 : index
      %swap3A_172 = vector.load %arg15[%swap3A_170, %swap3A_171] : memref<2x128xf32, #tpu.memory_space<vmem>>, vector<2x128xf32>
      tpu.vector_store %arg15[%swap3A_170, %swap3A_171], %broadcast_in_dim3A_169 {strides = array<i32>} : memref<2x128xf32, #tpu.memory_space<vmem>>, vector<2x128xf32>,
    } else {
    }
    %eq3A_150 = arith.constant 0 : i32
    %eq3A_151 = arith.cmpi eq, %arg0, %eq3A_150 : i32
    %convert_element_type3A_152 = arith.extui %eq3A_151 : i1 to i32
    %cond3A_153 = arith.constant 0 : i32
    %cond3A_154 = arith.cmpi ne, %convert_element_type3A_152, %cond3A_153 : i32
    scf.if %cond3A_154 {
      %get3A_168 = arith.constant 1 : index
      %get3A_169 = arith.constant 0 : index
      %get3A_170 = vector.load %arg15[%get3A_168, %get3A_169] : memref<2x128xf32, #tpu.memory_space<vmem>>, vector<1x128xf32>
      %add3A_171 = arith.addf %get3A_170, %broadcast_in_dim3A_143 : vector<1x128xf32>
      %swap3A_172 = arith.constant 1 : index
      %swap3A_173 = arith.constant 0 : index
      %swap3A_174 = vector.load %arg15[%swap3A_172, %swap3A_173] : memref<2x128xf32, #tpu.memory_space<vmem>>, vector<1x128xf32>
      tpu.vector_store %arg15[%swap3A_172, %swap3A_173], %add3A_171 {strides = array<i32>} : memref<2x128xf32, #tpu.memory_space<vmem>>, vector<1x128xf32>,
    } else {
    }
    %eq3A_155 = arith.constant 1 : i32
    %eq3A_156 = arith.cmpi eq, %arg0, %eq3A_155 : i32
    %convert_element_type3A_157 = arith.extui %eq3A_156 : i1 to i32
    %cond3A_158 = arith.constant 0 : i32
    %cond3A_159 = arith.cmpi ne, %convert_element_type3A_157, %cond3A_158 : i32
    scf.if %cond3A_159 {
      %get3A_168 = arith.constant 0 : index
      %get3A_169 = arith.constant 0 : index
      %get3A_170 = vector.load %arg15[%get3A_168, %get3A_169] : memref<2x128xf32, #tpu.memory_space<vmem>>, vector<1x128xf32>
      %add3A_171 = arith.addf %get3A_170, %broadcast_in_dim3A_143 : vector<1x128xf32>
      %swap3A_172 = arith.constant 0 : index
      %swap3A_173 = arith.constant 0 : index
      %swap3A_174 = vector.load %arg15[%swap3A_172, %swap3A_173] : memref<2x128xf32, #tpu.memory_space<vmem>>, vector<1x128xf32>
      tpu.vector_store %arg15[%swap3A_172, %swap3A_173], %add3A_171 {strides = array<i32>} : memref<2x128xf32, #tpu.memory_space<vmem>>, vector<1x128xf32>,
    } else {
    }
    %eq3A_160 = arith.constant 1 : i32
    %eq3A_161 = arith.cmpi eq, %arg0, %eq3A_160 : i32
    %eq3A_162 = arith.constant 9 : i32
    %eq3A_163 = arith.cmpi eq, %arg1, %eq3A_162 : i32
    %and3A_164 = arith.andi %eq3A_161, %eq3A_163 : i1
    %convert_element_type3A_165 = arith.extui %and3A_164 : i1 to i32
    %cond3A_166 = arith.constant 0 : i32
    %cond3A_167 = arith.cmpi ne, %convert_element_type3A_165, %cond3A_166 : i32
    scf.if %cond3A_167 {
      %get3A_168 = arith.constant 0 : index
      %get3A_169 = arith.constant 0 : index
      %get3A_170 = vector.load %arg15[%get3A_168, %get3A_169] : memref<2x128xf32, #tpu.memory_space<vmem>>, vector<2x128xf32>
      %swap3A_171 = arith.constant 0 : index
      %swap3A_172 = arith.constant 0 : index
      %swap3A_173 = vector.load %arg14[%swap3A_171, %swap3A_172] : memref<2x128xf32, #tpu.memory_space<vmem>>, vector<2x128xf32>
      tpu.vector_store %arg14[%swap3A_171, %swap3A_172], %get3A_170 {strides = array<i32>} : memref<2x128xf32, #tpu.memory_space<vmem>>, vector<2x128xf32>,
    } else {
    }
    return
  }
  func.func @transform_0(%arg0: i32, %arg1: i32) -> (i32, i32) {
    %c0_i32 = arith.constant 0 : i32
    %c0_i32_0 = arith.constant 0 : i32
    return %arg1, %c0_i32 : i32, i32
  }
  func.func @transform_1(%arg0: i32, %arg1: i32) -> (i32, i32) {
    %c0_i32 = arith.constant 0 : i32
    %c0_i32_0 = arith.constant 0 : i32
    %c0_i32_1 = arith.constant 0 : i32
    return %c0_i32, %c0_i32_0 : i32, i32
  }
  func.func @transform_2(%arg0: i32, %arg1: i32) -> (i32, i32) {
    %c0_i32 = arith.constant 0 : i32
    %c0_i32_0 = arith.constant 0 : i32
    %c0_i32_1 = arith.constant 0 : i32
    return %c0_i32, %c0_i32_0 : i32, i32
  }
  func.func @transform_3(%arg0: i32, %arg1: i32) -> (i32, i32) {
    %c0_i32 = arith.constant 0 : i32
    %c0_i32_0 = arith.constant 0 : i32
    %c0_i32_1 = arith.constant 0 : i32
    return %c0_i32, %c0_i32_0 : i32, i32
  }
  func.func @transform_4(%arg0: i32, %arg1: i32) -> (i32, i32) {
    %c0_i32 = arith.constant 0 : i32
    %c0_i32_0 = arith.constant 0 : i32
    %c0_i32_1 = arith.constant 0 : i32
    return %c0_i32, %c0_i32_0 : i32, i32
  }
  func.func @transform_5(%arg0: i32, %arg1: i32) -> (i32, i32) {
    %c0_i32 = arith.constant 0 : i32
    %c0_i32_0 = arith.constant 0 : i32
    %c0_i32_1 = arith.constant 0 : i32
    return %c0_i32, %c0_i32_0 : i32, i32
  }
  func.func @transform_6(%arg0: i32, %arg1: i32) -> (i32, i32) {
    %c0_i32 = arith.constant 0 : i32
    %c0_i32_0 = arith.constant 0 : i32
    %c0_i32_1 = arith.constant 0 : i32
    return %c0_i32, %c0_i32_0 : i32, i32
  }
  func.func @transform_7(%arg0: i32, %arg1: i32) -> (i32, i32) {
    %c0_i32 = arith.constant 0 : i32
    %c0_i32_0 = arith.constant 0 : i32
    %c0_i32_1 = arith.constant 0 : i32
    return %c0_i32, %c0_i32_0 : i32, i32
  }
  func.func @transform_8(%arg0: i32, %arg1: i32) -> (i32, i32) {
    %c0_i32 = arith.constant 0 : i32
    %c0_i32_0 = arith.constant 0 : i32
    %c0_i32_1 = arith.constant 0 : i32
    return %c0_i32, %c0_i32_0 : i32, i32
  }
  func.func @transform_9(%arg0: i32, %arg1: i32) -> (i32, i32) {
    %c0_i32 = arith.constant 0 : i32
    %c0_i32_0 = arith.constant 0 : i32
    %c0_i32_1 = arith.constant 0 : i32
    return %c0_i32, %c0_i32_0 : i32, i32
  }
  func.func @transform_10(%arg0: i32, %arg1: i32) -> (i32, i32) {
    %mul3A = arith.constant 10 : i32
    %mul3A_0 = arith.muli %arg0, %mul3A : i32
    %add3A = arith.addi %mul3A_0, %arg1 : i32
    %c0_i32 = arith.constant 0 : i32
    %c0_i32_1 = arith.constant 0 : i32
    return %add3A, %c0_i32 : i32, i32
  }
  func.func @transform_11(%arg0: i32, %arg1: i32) -> (i32, i32) {
    %mul3A = arith.constant 10 : i32
    %mul3A_0 = arith.muli %arg0, %mul3A : i32
    %add3A = arith.addi %mul3A_0, %arg1 : i32
    %c0_i32 = arith.constant 0 : i32
    %c0_i32_1 = arith.constant 0 : i32
    return %add3A, %c0_i32 : i32, i32
  }
  func.func @transform_12(%arg0: i32, %arg1: i32) -> (i32, i32) {
    %c0_i32 = arith.constant 0 : i32
    %c0_i32_0 = arith.constant 0 : i32
    %c0_i32_1 = arith.constant 0 : i32
    return %c0_i32, %c0_i32_0 : i32, i32
  }
}

module attributes {stable_mosaic.version = 14 : i64} {
  func.func @_k2_body(%arg0: i32, %arg1: i32, %arg2: memref<1000x128xf32, #tpu.memory_space<vmem>>, %arg3: memref<1000x128xf32, #tpu.memory_space<vmem>>, %arg4: memref<1000x16xf32, #tpu.memory_space<vmem>>, %arg5: memref<1000x16xf32, #tpu.memory_space<vmem>>, %arg6: memref<1000x128xf32, #tpu.memory_space<vmem>>, %arg7: memref<1000x128xf32, #tpu.memory_space<vmem>>, %arg8: memref<2x128xf32, #tpu.memory_space<vmem>>, %arg9: memref<128x128xf32, #tpu.memory_space<vmem>>, %arg10: memref<1x128xf32, #tpu.memory_space<vmem>>, %arg11: memref<1x128xf32, #tpu.memory_space<vmem>>, %arg12: memref<128x128xf32, #tpu.memory_space<vmem>>, %arg13: memref<1x128xf32, #tpu.memory_space<vmem>>, %arg14: memref<256x64xf32, #tpu.memory_space<vmem>>, %arg15: memref<1x64xf32, #tpu.memory_space<vmem>>, %arg16: memref<1000x64xf32, #tpu.memory_space<vmem>>, %arg17: memref<2x128xf32, #tpu.memory_space<vmem>>) attributes {dimension_semantics = [#tpu.dimension_semantics<arbitrary>, #tpu.dimension_semantics<arbitrary>], iteration_bounds = array<i64: 2, 10>, scalar_prefetch = 0 : i64, scratch_operands = 1 : i64, tpu.core_type = #tpu.core_type<tc>, window_params = [{transform_indices = @transform_0, window_bounds = array<i64: 1000, 128>}, {transform_indices = @transform_1, window_bounds = array<i64: 1000, 128>}, {transform_indices = @transform_2, window_bounds = array<i64: 1000, 16>}, {transform_indices = @transform_3, window_bounds = array<i64: 1000, 16>}, {transform_indices = @transform_4, window_bounds = array<i64: 1000, 128>}, {transform_indices = @transform_5, window_bounds = array<i64: 1000, 128>}, {pipeline_mode = #tpu.pipeline_mode<synchronous>, transform_indices = @transform_6, window_bounds = array<i64: 2, 128>}, {pipeline_mode = #tpu.pipeline_mode<synchronous>, transform_indices = @transform_7, window_bounds = array<i64: 128, 128>}, {pipeline_mode = #tpu.pipeline_mode<synchronous>, transform_indices = @transform_8, window_bounds = array<i64: 1, 128>}, {pipeline_mode = #tpu.pipeline_mode<synchronous>, transform_indices = @transform_9, window_bounds = array<i64: 1, 128>}, {pipeline_mode = #tpu.pipeline_mode<synchronous>, transform_indices = @transform_10, window_bounds = array<i64: 128, 128>}, {pipeline_mode = #tpu.pipeline_mode<synchronous>, transform_indices = @transform_11, window_bounds = array<i64: 1, 128>}, {pipeline_mode = #tpu.pipeline_mode<synchronous>, transform_indices = @transform_12, window_bounds = array<i64: 256, 64>}, {pipeline_mode = #tpu.pipeline_mode<synchronous>, transform_indices = @transform_13, window_bounds = array<i64: 1, 64>}, {transform_indices = @transform_14, window_bounds = array<i64: 1000, 64>}]} {
    %iota3A = tpu.iota {dimensions = array<i32: 0>} : vector<16x128xi32>
    %iota3A_0 = tpu.iota {dimensions = array<i32: 1>} : vector<16x128xi32>
    %jit3A = arith.constant 16 : i32
    %div3A = vector.broadcast %jit3A : i32 to vector<16x128xi32>
    %div3A_1 = arith.divsi %iota3A_0, %div3A : vector<16x128xi32>
    %sign3A = arith.constant 0 : i32
    %sign3A_2 = vector.broadcast %sign3A : i32 to vector<16x128xi32>
    %sign3A_3 = arith.cmpi sgt, %iota3A_0, %sign3A_2 : vector<16x128xi32>
    %sign3A_4 = arith.extui %sign3A_3 : vector<16x128xi1> to vector<16x128xi32>
    %sign3A_5 = arith.constant 0 : i32
    %sign3A_6 = vector.broadcast %sign3A_5 : i32 to vector<16x128xi32>
    %sign3A_7 = arith.cmpi slt, %iota3A_0, %sign3A_6 : vector<16x128xi32>
    %sign3A_8 = arith.extui %sign3A_7 : vector<16x128xi1> to vector<16x128xi32>
    %sign3A_9 = arith.subi %sign3A_4, %sign3A_8 : vector<16x128xi32>
    %sign3A_10 = arith.constant 0 : i32
    %sign3A_11 = arith.cmpi sgt, %jit3A, %sign3A_10 : i32
    %sign3A_12 = arith.extui %sign3A_11 : i1 to i32
    %sign3A_13 = arith.constant 0 : i32
    %sign3A_14 = arith.cmpi slt, %jit3A, %sign3A_13 : i32
    %sign3A_15 = arith.extui %sign3A_14 : i1 to i32
    %sign3A_16 = arith.subi %sign3A_12, %sign3A_15 : i32
    %ne3A = vector.broadcast %sign3A_16 : i32 to vector<16x128xi32>
    %ne3A_17 = arith.cmpi ne, %sign3A_9, %ne3A : vector<16x128xi32>
    %rem3A = vector.broadcast %jit3A : i32 to vector<16x128xi32>
    %rem3A_18 = arith.remsi %iota3A_0, %rem3A : vector<16x128xi32>
    %ne3A_19 = arith.constant 0 : i32
    %ne3A_20 = vector.broadcast %ne3A_19 : i32 to vector<16x128xi32>
    %ne3A_21 = arith.cmpi ne, %rem3A_18, %ne3A_20 : vector<16x128xi32>
    %and3A = arith.andi %ne3A_17, %ne3A_21 : vector<16x128xi1>
    %sub3A = arith.constant 1 : i32
    %sub3A_22 = vector.broadcast %sub3A : i32 to vector<16x128xi32>
    %sub3A_23 = arith.subi %div3A_1, %sub3A_22 : vector<16x128xi32>
    %select_n3A = arith.select %and3A, %sub3A_23, %div3A_1 : vector<16x128xi1>, vector<16x128xi32>
    %sub3A_24 = arith.constant 0 : i32
    %sub3A_25 = vector.broadcast %sub3A_24 : i32 to vector<16x128xi32>
    %sub3A_26 = arith.subi %iota3A, %sub3A_25 : vector<16x128xi32>
    %eq3A = arith.cmpi eq, %select_n3A, %sub3A_26 : vector<16x128xi32>
    %jit3A_27 = arith.constant 1.000000e+00 : f32
    %jit3A_28 = arith.constant 0.000000e+00 : f32
    %broadcast_in_dim3A = vector.broadcast %jit3A_27 : f32 to vector<16x128xf32>
    %broadcast_in_dim3A_29 = vector.broadcast %jit3A_28 : f32 to vector<16x128xf32>
    %select_n3A_30 = arith.select %eq3A, %broadcast_in_dim3A, %broadcast_in_dim3A_29 : vector<16x128xi1>, vector<16x128xf32>
    %get3A = arith.constant 0 : index
    %get3A_31 = arith.constant 0 : index
    %get3A_32 = vector.load %arg4[%get3A, %get3A_31] : memref<1000x16xf32, #tpu.memory_space<vmem>>, vector<1000x16xf32>
    %dot_general3A = arith.constant dense<0.000000e+00> : vector<1000x128xf32>
    %dot_general3A_33 = tpu.matmul %get3A_32, %select_n3A_30, %dot_general3A {dimension_numbers = #tpu.dot_dimension_numbers<[1], [0], [0], [1], [0, 0, 1, 1], [], []>, transpose_lhs_hint = false} : vector<1000x16xf32>, vector<16x128xf32>, vector<1000x128xf32> -> vector<1000x128xf32>
    %get3A_34 = arith.constant 0 : index
    %get3A_35 = arith.constant 0 : index
    %get3A_36 = vector.load %arg2[%get3A_34, %get3A_35] : memref<1000x128xf32, #tpu.memory_space<vmem>>, vector<1000x128xf32>
    %add3A = arith.constant 1.000000e-16 : f32
    %add3A_37 = vector.broadcast %add3A : f32 to vector<1000x128xf32>
    %add3A_38 = arith.addf %dot_general3A_33, %add3A_37 : vector<1000x128xf32>
    %div3A_39 = arith.divf %get3A_36, %add3A_38 : vector<1000x128xf32>
    %max3A = arith.constant 0.000000e+00 : f32
    %max3A_40 = vector.broadcast %max3A : f32 to vector<1000x128xf32>
    %max3A_41 = arith.maximumf %div3A_39, %max3A_40 : vector<1000x128xf32>
    %get3A_42 = arith.constant 0 : index
    %get3A_43 = arith.constant 0 : index
    %get3A_44 = vector.load %arg5[%get3A_42, %get3A_43] : memref<1000x16xf32, #tpu.memory_space<vmem>>, vector<1000x16xf32>
    %dot_general3A_45 = arith.constant dense<0.000000e+00> : vector<1000x128xf32>
    %dot_general3A_46 = tpu.matmul %get3A_44, %select_n3A_30, %dot_general3A_45 {dimension_numbers = #tpu.dot_dimension_numbers<[1], [0], [0], [1], [0, 0, 1, 1], [], []>, transpose_lhs_hint = false} : vector<1000x16xf32>, vector<16x128xf32>, vector<1000x128xf32> -> vector<1000x128xf32>
    %get3A_47 = arith.constant 0 : index
    %get3A_48 = arith.constant 0 : index
    %get3A_49 = vector.load %arg3[%get3A_47, %get3A_48] : memref<1000x128xf32, #tpu.memory_space<vmem>>, vector<1000x128xf32>
    %add3A_50 = arith.constant 1.000000e-16 : f32
    %add3A_51 = vector.broadcast %add3A_50 : f32 to vector<1000x128xf32>
    %add3A_52 = arith.addf %dot_general3A_46, %add3A_51 : vector<1000x128xf32>
    %div3A_53 = arith.divf %get3A_49, %add3A_52 : vector<1000x128xf32>
    %max3A_54 = arith.constant 0.000000e+00 : f32
    %max3A_55 = vector.broadcast %max3A_54 : f32 to vector<1000x128xf32>
    %max3A_56 = arith.maximumf %div3A_53, %max3A_55 : vector<1000x128xf32>
    %get3A_57 = arith.constant 0 : index
    %get3A_58 = arith.constant 0 : index
    %get3A_59 = vector.load %arg9[%get3A_57, %get3A_58] : memref<128x128xf32, #tpu.memory_space<vmem>>, vector<128x128xf32>
    %get3A_60 = arith.constant 0 : index
    %get3A_61 = arith.constant 0 : index
    %get3A_62 = vector.load %arg10[%get3A_60, %get3A_61] : memref<1x128xf32, #tpu.memory_space<vmem>>, vector<1x128xf32>
    %eq3A_63 = arith.constant 0 : i32
    %eq3A_64 = arith.cmpi eq, %arg0, %eq3A_63 : i32
    %convert_element_type3A = arith.extui %eq3A_64 : i1 to i32
    %cond3A = arith.constant 0 : i32
    %cond3A_65 = arith.cmpi ne, %convert_element_type3A, %cond3A : i32
    scf.if %cond3A_65 {
      %eq3A_71 = arith.constant 0 : i32
      %eq3A_72 = arith.cmpi eq, %arg1, %eq3A_71 : i32
      %convert_element_type3A_73 = arith.extui %eq3A_72 : i1 to i32
      %cond3A_74 = arith.constant 0 : i32
      %cond3A_75 = arith.cmpi ne, %convert_element_type3A_73, %cond3A_74 : i32
      scf.if %cond3A_75 {
        %broadcast_in_dim3A_103 = arith.constant 0.000000e+00 : f32
        %broadcast_in_dim3A_104 = vector.broadcast %broadcast_in_dim3A_103 : f32 to vector<2x128xf32>
        %swap3A_105 = arith.constant 0 : index
        %swap3A_106 = arith.constant 0 : index
        %swap3A_107 = vector.load %arg17[%swap3A_105, %swap3A_106] : memref<2x128xf32, #tpu.memory_space<vmem>>, vector<2x128xf32>
        tpu.vector_store %arg17[%swap3A_105, %swap3A_106], %broadcast_in_dim3A_104 {strides = array<i32>} : memref<2x128xf32, #tpu.memory_space<vmem>>, vector<2x128xf32>,
      } else {
      }
      %dot_general3A_76 = arith.constant dense<0.000000e+00> : vector<1000x128xf32>
      %dot_general3A_77 = tpu.matmul %max3A_41, %get3A_59, %dot_general3A_76 {dimension_numbers = #tpu.dot_dimension_numbers<[1], [0], [0], [1], [0, 0, 1, 1], [], []>, transpose_lhs_hint = false} : vector<1000x128xf32>, vector<128x128xf32>, vector<1000x128xf32> -> vector<1000x128xf32>
      %add3A_78 = vector.broadcast %get3A_62 : vector<1x128xf32> to vector<1000x128xf32>
      %add3A_79 = arith.addf %dot_general3A_77, %add3A_78 : vector<1000x128xf32>
      %tanh3A = math.tanh %add3A_79 : vector<1000x128xf32>
      %reduce_sum3A = arith.constant dense<0.000000e+00> : vector<128xf32>
      %reduce_sum3A_80 = vector.multi_reduction <add>, %tanh3A, %reduce_sum3A [0] : vector<1000x128xf32> to vector<128xf32>
      %broadcast_in_dim3A_81 = vector.shape_cast %reduce_sum3A_80 : vector<128xf32> to vector<1x128xf32>
      %dot_general3A_82 = arith.constant dense<0.000000e+00> : vector<1000x128xf32>
      %dot_general3A_83 = tpu.matmul %max3A_56, %get3A_59, %dot_general3A_82 {dimension_numbers = #tpu.dot_dimension_numbers<[1], [0], [0], [1], [0, 0, 1, 1], [], []>, transpose_lhs_hint = false} : vector<1000x128xf32>, vector<128x128xf32>, vector<1000x128xf32> -> vector<1000x128xf32>
      %add3A_84 = vector.broadcast %get3A_62 : vector<1x128xf32> to vector<1000x128xf32>
      %add3A_85 = arith.addf %dot_general3A_83, %add3A_84 : vector<1000x128xf32>
      %tanh3A_86 = math.tanh %add3A_85 : vector<1000x128xf32>
      %reduce_sum3A_87 = arith.constant dense<0.000000e+00> : vector<128xf32>
      %reduce_sum3A_88 = vector.multi_reduction <add>, %tanh3A_86, %reduce_sum3A_87 [0] : vector<1000x128xf32> to vector<128xf32>
      %broadcast_in_dim3A_89 = vector.shape_cast %reduce_sum3A_88 : vector<128xf32> to vector<1x128xf32>
      %get3A_90 = arith.constant 0 : index
      %get3A_91 = arith.constant 0 : index
      %get3A_92 = vector.load %arg17[%get3A_90, %get3A_91] : memref<2x128xf32, #tpu.memory_space<vmem>>, vector<1x128xf32>
      %add3A_93 = arith.addf %get3A_92, %broadcast_in_dim3A_81 : vector<1x128xf32>
      %swap3A = arith.constant 0 : index
      %swap3A_94 = arith.constant 0 : index
      %swap3A_95 = vector.load %arg17[%swap3A, %swap3A_94] : memref<2x128xf32, #tpu.memory_space<vmem>>, vector<1x128xf32>
      tpu.vector_store %arg17[%swap3A, %swap3A_94], %add3A_93 {strides = array<i32>} : memref<2x128xf32, #tpu.memory_space<vmem>>, vector<1x128xf32>,
      %get3A_96 = arith.constant 1 : index
      %get3A_97 = arith.constant 0 : index
      %get3A_98 = vector.load %arg17[%get3A_96, %get3A_97] : memref<2x128xf32, #tpu.memory_space<vmem>>, vector<1x128xf32>
      %add3A_99 = arith.addf %get3A_98, %broadcast_in_dim3A_89 : vector<1x128xf32>
      %swap3A_100 = arith.constant 1 : index
      %swap3A_101 = arith.constant 0 : index
      %swap3A_102 = vector.load %arg17[%swap3A_100, %swap3A_101] : memref<2x128xf32, #tpu.memory_space<vmem>>, vector<1x128xf32>
      tpu.vector_store %arg17[%swap3A_100, %swap3A_101], %add3A_99 {strides = array<i32>} : memref<2x128xf32, #tpu.memory_space<vmem>>, vector<1x128xf32>,
    } else {
    }
    %eq3A_66 = arith.constant 1 : i32
    %eq3A_67 = arith.cmpi eq, %arg0, %eq3A_66 : i32
    %convert_element_type3A_68 = arith.extui %eq3A_67 : i1 to i32
    %cond3A_69 = arith.constant 0 : i32
    %cond3A_70 = arith.cmpi ne, %convert_element_type3A_68, %cond3A_69 : i32
    scf.if %cond3A_70 {
      %get3A_71 = arith.constant 0 : index
      %get3A_72 = arith.constant 0 : index
      %get3A_73 = vector.load %arg6[%get3A_71, %get3A_72] : memref<1000x128xf32, #tpu.memory_space<vmem>>, vector<1000x128xf32>
      %max3A_74 = arith.constant 0.000000e+00 : f32
      %max3A_75 = vector.broadcast %max3A_74 : f32 to vector<1000x128xf32>
      %max3A_76 = arith.maximumf %get3A_73, %max3A_75 : vector<1000x128xf32>
      %get3A_77 = arith.constant 0 : index
      %get3A_78 = arith.constant 0 : index
      %get3A_79 = vector.load %arg7[%get3A_77, %get3A_78] : memref<1000x128xf32, #tpu.memory_space<vmem>>, vector<1000x128xf32>
      %max3A_80 = arith.constant 0.000000e+00 : f32
      %max3A_81 = vector.broadcast %max3A_80 : f32 to vector<1000x128xf32>
      %max3A_82 = arith.maximumf %get3A_79, %max3A_81 : vector<1000x128xf32>
      %get3A_83 = arith.constant 0 : index
      %get3A_84 = arith.constant 0 : index
      %get3A_85 = vector.load %arg11[%get3A_83, %get3A_84] : memref<1x128xf32, #tpu.memory_space<vmem>>, vector<1x128xf32>
      %mul3A = arith.constant 9.99999974E-5 : f32
      %mul3A_86 = vector.broadcast %mul3A : f32 to vector<1x128xf32>
      %mul3A_87 = arith.mulf %get3A_85, %mul3A_86 : vector<1x128xf32>
      %get3A_88 = arith.constant 0 : index
      %get3A_89 = arith.constant 0 : index
      %get3A_90 = vector.load %arg17[%get3A_88, %get3A_89] : memref<2x128xf32, #tpu.memory_space<vmem>>, vector<1x128xf32>
      %mul3A_91 = arith.mulf %mul3A_87, %get3A_90 : vector<1x128xf32>
      %reduce_sum3A = vector.shape_cast %mul3A_91 : vector<1x128xf32> to vector<1x1x128xf32>
      %reduce_sum3A_92 = arith.constant dense<0.000000e+00> : vector<1xf32>
      %reduce_sum3A_93 = vector.multi_reduction <add>, %reduce_sum3A, %reduce_sum3A_92 [1, 2] : vector<1x1x128xf32> to vector<1xf32>
      %reduce_sum3A_94 = vector.shape_cast %reduce_sum3A_93 : vector<1xf32> to vector<1x1x1xf32>
      %reduce_sum3A_95 = vector.extract %reduce_sum3A_94[0, 0, 0] : f32 from vector<1x1x1xf32>
      %get3A_96 = arith.constant 1 : index
      %get3A_97 = arith.constant 0 : index
      %get3A_98 = vector.load %arg17[%get3A_96, %get3A_97] : memref<2x128xf32, #tpu.memory_space<vmem>>, vector<1x128xf32>
      %mul3A_99 = arith.mulf %mul3A_87, %get3A_98 : vector<1x128xf32>
      %reduce_sum3A_100 = vector.shape_cast %mul3A_99 : vector<1x128xf32> to vector<1x1x128xf32>
      %reduce_sum3A_101 = arith.constant dense<0.000000e+00> : vector<1xf32>
      %reduce_sum3A_102 = vector.multi_reduction <add>, %reduce_sum3A_100, %reduce_sum3A_101 [1, 2] : vector<1x1x128xf32> to vector<1xf32>
      %reduce_sum3A_103 = vector.shape_cast %reduce_sum3A_102 : vector<1xf32> to vector<1x1x1xf32>
      %reduce_sum3A_104 = vector.extract %reduce_sum3A_103[0, 0, 0] : f32 from vector<1x1x1xf32>
      %get3A_105 = arith.constant 0 : index
      %get3A_106 = arith.constant 0 : index
      %get3A_107 = vector.load %arg8[%get3A_105, %get3A_106] : memref<2x128xf32, #tpu.memory_space<vmem>>, vector<1x128xf32>
      %mul3A_108 = arith.mulf %mul3A_87, %get3A_107 : vector<1x128xf32>
      %reduce_sum3A_109 = vector.shape_cast %mul3A_108 : vector<1x128xf32> to vector<1x1x128xf32>
      %reduce_sum3A_110 = arith.constant dense<0.000000e+00> : vector<1xf32>
      %reduce_sum3A_111 = vector.multi_reduction <add>, %reduce_sum3A_109, %reduce_sum3A_110 [1, 2] : vector<1x1x128xf32> to vector<1xf32>
      %reduce_sum3A_112 = vector.shape_cast %reduce_sum3A_111 : vector<1xf32> to vector<1x1x1xf32>
      %reduce_sum3A_113 = vector.extract %reduce_sum3A_112[0, 0, 0] : f32 from vector<1x1x1xf32>
      %get3A_114 = arith.constant 1 : index
      %get3A_115 = arith.constant 0 : index
      %get3A_116 = vector.load %arg8[%get3A_114, %get3A_115] : memref<2x128xf32, #tpu.memory_space<vmem>>, vector<1x128xf32>
      %mul3A_117 = arith.mulf %mul3A_87, %get3A_116 : vector<1x128xf32>
      %reduce_sum3A_118 = vector.shape_cast %mul3A_117 : vector<1x128xf32> to vector<1x1x128xf32>
      %reduce_sum3A_119 = arith.constant dense<0.000000e+00> : vector<1xf32>
      %reduce_sum3A_120 = vector.multi_reduction <add>, %reduce_sum3A_118, %reduce_sum3A_119 [1, 2] : vector<1x1x128xf32> to vector<1xf32>
      %reduce_sum3A_121 = vector.shape_cast %reduce_sum3A_120 : vector<1xf32> to vector<1x1x1xf32>
      %reduce_sum3A_122 = vector.extract %reduce_sum3A_121[0, 0, 0] : f32 from vector<1x1x1xf32>
      %exp3A = math.exp %reduce_sum3A_95 : f32
      %exp3A_123 = math.exp %reduce_sum3A_113 : f32
      %exp3A_124 = math.exp %reduce_sum3A_104 : f32
      %exp3A_125 = math.exp %reduce_sum3A_122 : f32
      %add3A_126 = arith.addf %exp3A, %exp3A_123 : f32
      %div3A_127 = arith.divf %exp3A, %add3A_126 : f32
      %sub3A_128 = arith.constant 1.000000e+00 : f32
      %sub3A_129 = arith.subf %sub3A_128, %div3A_127 : f32
      %add3A_130 = arith.addf %exp3A_124, %exp3A_125 : f32
      %div3A_131 = arith.divf %exp3A_124, %add3A_130 : f32
      %sub3A_132 = arith.constant 1.000000e+00 : f32
      %sub3A_133 = arith.subf %sub3A_132, %div3A_131 : f32
      %get3A_134 = arith.constant 0 : index
      %get3A_135 = arith.constant 0 : index
      %get3A_136 = vector.load %arg12[%get3A_134, %get3A_135] : memref<128x128xf32, #tpu.memory_space<vmem>>, vector<128x128xf32>
      %get3A_137 = arith.constant 0 : index
      %get3A_138 = arith.constant 0 : index
      %get3A_139 = vector.load %arg13[%get3A_137, %get3A_138] : memref<1x128xf32, #tpu.memory_space<vmem>>, vector<1x128xf32>
      %mul3A_140 = vector.broadcast %div3A_127 : f32 to vector<1000x128xf32>
      %mul3A_141 = arith.mulf %mul3A_140, %max3A_41 : vector<1000x128xf32>
      %mul3A_142 = vector.broadcast %sub3A_129 : f32 to vector<1000x128xf32>
      %mul3A_143 = arith.mulf %mul3A_142, %max3A_82 : vector<1000x128xf32>
      %add3A_144 = arith.addf %mul3A_141, %mul3A_143 : vector<1000x128xf32>
      %mul3A_145 = vector.broadcast %div3A_131 : f32 to vector<1000x128xf32>
      %mul3A_146 = arith.mulf %mul3A_145, %max3A_56 : vector<1000x128xf32>
      %mul3A_147 = vector.broadcast %sub3A_133 : f32 to vector<1000x128xf32>
      %mul3A_148 = arith.mulf %mul3A_147, %max3A_76 : vector<1000x128xf32>
      %add3A_149 = arith.addf %mul3A_146, %mul3A_148 : vector<1000x128xf32>
      %dot_general3A_150 = arith.constant dense<0.000000e+00> : vector<1000x128xf32>
      %dot_general3A_151 = tpu.matmul %add3A_144, %get3A_136, %dot_general3A_150 {dimension_numbers = #tpu.dot_dimension_numbers<[1], [0], [0], [1], [0, 0, 1, 1], [], []>, transpose_lhs_hint = false} : vector<1000x128xf32>, vector<128x128xf32>, vector<1000x128xf32> -> vector<1000x128xf32>
      %add3A_152 = vector.broadcast %get3A_139 : vector<1x128xf32> to vector<1000x128xf32>
      %add3A_153 = arith.addf %dot_general3A_151, %add3A_152 : vector<1000x128xf32>
      %dot_general3A_154 = arith.constant dense<0.000000e+00> : vector<1000x128xf32>
      %dot_general3A_155 = tpu.matmul %add3A_149, %get3A_136, %dot_general3A_154 {dimension_numbers = #tpu.dot_dimension_numbers<[1], [0], [0], [1], [0, 0, 1, 1], [], []>, transpose_lhs_hint = false} : vector<1000x128xf32>, vector<128x128xf32>, vector<1000x128xf32> -> vector<1000x128xf32>
      %add3A_156 = vector.broadcast %get3A_139 : vector<1x128xf32> to vector<1000x128xf32>
      %add3A_157 = arith.addf %dot_general3A_155, %add3A_156 : vector<1000x128xf32>
      %concatenate3A = tpu.concatenate %add3A_153, %add3A_157 in 1 : vector<1000x128xf32>, vector<1000x128xf32> -> vector<1000x256xf32>
      %get3A_158 = arith.constant 0 : index
      %get3A_159 = arith.constant 0 : index
      %get3A_160 = vector.load %arg14[%get3A_158, %get3A_159] : memref<256x64xf32, #tpu.memory_space<vmem>>, vector<256x64xf32>
      %dot_general3A_161 = arith.constant dense<0.000000e+00> : vector<1000x64xf32>
      %dot_general3A_162 = tpu.matmul %concatenate3A, %get3A_160, %dot_general3A_161 {dimension_numbers = #tpu.dot_dimension_numbers<[1], [0], [0], [1], [0, 0, 1, 1], [], []>, transpose_lhs_hint = false} : vector<1000x256xf32>, vector<256x64xf32>, vector<1000x64xf32> -> vector<1000x64xf32>
      %get3A_163 = arith.constant 0 : index
      %get3A_164 = arith.constant 0 : index
      %get3A_165 = vector.load %arg15[%get3A_163, %get3A_164] : memref<1x64xf32, #tpu.memory_space<vmem>>, vector<1x64xf32>
      %add3A_166 = vector.broadcast %get3A_165 : vector<1x64xf32> to vector<1000x64xf32>
      %add3A_167 = arith.addf %dot_general3A_162, %add3A_166 : vector<1000x64xf32>
      %swap3A = arith.constant 0 : index
      %swap3A_168 = arith.constant 0 : index
      %swap3A_169 = vector.load %arg16[%swap3A, %swap3A_168] : memref<1000x64xf32, #tpu.memory_space<vmem>>, vector<1000x64xf32>
      tpu.vector_store %arg16[%swap3A, %swap3A_168], %add3A_167 {strides = array<i32>} : memref<1000x64xf32, #tpu.memory_space<vmem>>, vector<1000x64xf32>,
    } else {
    }
    return
  }
  func.func @transform_0(%arg0: i32, %arg1: i32) -> (i32, i32) {
    %c0_i32 = arith.constant 0 : i32
    %c0_i32_0 = arith.constant 0 : i32
    return %arg1, %c0_i32 : i32, i32
  }
  func.func @transform_1(%arg0: i32, %arg1: i32) -> (i32, i32) {
    %add3A = arith.constant 10 : i32
    %add3A_0 = arith.addi %add3A, %arg1 : i32
    %c0_i32 = arith.constant 0 : i32
    %c0_i32_1 = arith.constant 0 : i32
    return %add3A_0, %c0_i32 : i32, i32
  }
  func.func @transform_2(%arg0: i32, %arg1: i32) -> (i32, i32) {
    %c0_i32 = arith.constant 0 : i32
    %c0_i32_0 = arith.constant 0 : i32
    return %arg1, %c0_i32 : i32, i32
  }
  func.func @transform_3(%arg0: i32, %arg1: i32) -> (i32, i32) {
    %add3A = arith.constant 10 : i32
    %add3A_0 = arith.addi %add3A, %arg1 : i32
    %c0_i32 = arith.constant 0 : i32
    %c0_i32_1 = arith.constant 0 : i32
    return %add3A_0, %c0_i32 : i32, i32
  }
  func.func @transform_4(%arg0: i32, %arg1: i32) -> (i32, i32) {
    %c0_i32 = arith.constant 0 : i32
    %c0_i32_0 = arith.constant 0 : i32
    return %arg1, %c0_i32 : i32, i32
  }
  func.func @transform_5(%arg0: i32, %arg1: i32) -> (i32, i32) {
    %add3A = arith.constant 10 : i32
    %add3A_0 = arith.addi %add3A, %arg1 : i32
    %c0_i32 = arith.constant 0 : i32
    %c0_i32_1 = arith.constant 0 : i32
    return %add3A_0, %c0_i32 : i32, i32
  }
  func.func @transform_6(%arg0: i32, %arg1: i32) -> (i32, i32) {
    %c0_i32 = arith.constant 0 : i32
    %c0_i32_0 = arith.constant 0 : i32
    %c0_i32_1 = arith.constant 0 : i32
    return %c0_i32, %c0_i32_0 : i32, i32
  }
  func.func @transform_7(%arg0: i32, %arg1: i32) -> (i32, i32) {
    %c0_i32 = arith.constant 0 : i32
    %c0_i32_0 = arith.constant 0 : i32
    %c0_i32_1 = arith.constant 0 : i32
    return %c0_i32, %c0_i32_0 : i32, i32
  }
  func.func @transform_8(%arg0: i32, %arg1: i32) -> (i32, i32) {
    %c0_i32 = arith.constant 0 : i32
    %c0_i32_0 = arith.constant 0 : i32
    %c0_i32_1 = arith.constant 0 : i32
    return %c0_i32, %c0_i32_0 : i32, i32
  }
  func.func @transform_9(%arg0: i32, %arg1: i32) -> (i32, i32) {
    %c0_i32 = arith.constant 0 : i32
    %c0_i32_0 = arith.constant 0 : i32
    %c0_i32_1 = arith.constant 0 : i32
    return %c0_i32, %c0_i32_0 : i32, i32
  }
  func.func @transform_10(%arg0: i32, %arg1: i32) -> (i32, i32) {
    %c0_i32 = arith.constant 0 : i32
    %c0_i32_0 = arith.constant 0 : i32
    %c0_i32_1 = arith.constant 0 : i32
    return %c0_i32, %c0_i32_0 : i32, i32
  }
  func.func @transform_11(%arg0: i32, %arg1: i32) -> (i32, i32) {
    %c0_i32 = arith.constant 0 : i32
    %c0_i32_0 = arith.constant 0 : i32
    %c0_i32_1 = arith.constant 0 : i32
    return %c0_i32, %c0_i32_0 : i32, i32
  }
  func.func @transform_12(%arg0: i32, %arg1: i32) -> (i32, i32) {
    %c0_i32 = arith.constant 0 : i32
    %c0_i32_0 = arith.constant 0 : i32
    %c0_i32_1 = arith.constant 0 : i32
    return %c0_i32, %c0_i32_0 : i32, i32
  }
  func.func @transform_13(%arg0: i32, %arg1: i32) -> (i32, i32) {
    %c0_i32 = arith.constant 0 : i32
    %c0_i32_0 = arith.constant 0 : i32
    %c0_i32_1 = arith.constant 0 : i32
    return %c0_i32, %c0_i32_0 : i32, i32
  }
  func.func @transform_14(%arg0: i32, %arg1: i32) -> (i32, i32) {
    %c0_i32 = arith.constant 0 : i32
    %c0_i32_0 = arith.constant 0 : i32
    return %arg1, %c0_i32 : i32, i32
  }
}

</mosaic_0001>

<sc_bundles>
// kernel: kernel.5.cloned.1.call-start
scs
__scs_entry_jumppad:
0x0: {  	(pc) =	sbr.rel $0x88, $3  }
0x1: {  	(tag) =	ssettag $0x0;
	lr =	simm.s32 $0x1  }
0x2: {  	[smem:$0x3F90] =	sst lr;
	_ =	strace $0xD0000000  }
0x3: {  	_ = 	snop  }
0x4: {  	_ = 	snop  }
0x5: {  	_ = 	snop  }
0x6: {  	_ = 	snop  }
0x7: {  	_ = 	snop  }
__scs_overlays_trampoline_lowered:
0x8: {  	[smem:$0x3F9F] =	sst s0  }
0x9: {  	[smem:$0x3FA0] =	sst s1  }
0xa: {  	[smem:$0x3FA1] =	sst s2  }
0xb: {  	[smem:$0x3FA2] =	sst s3  }
0xc: {  	[smem:$0x3FA3] =	sst s4  }
0xd: {  	[smem:$0x3FA4] =	sst s5  }
0xe: {  	[smem:$0x3FA5] =	sst s6  }
0xf: {  	[smem:$0x3FA6] =	sst s7  }
0x10: {  	[smem:$0x3FA7] =	sst s8  }
0x11: {  	[smem:$0x3FA8] =	sst s9;
	s0 =	simm.s32 @!p0 $0x0  }
0x12: {  	s1 =	sld [smem:$0x3F8E];
	s0 =	simm.s32 @p0 $0x1  }
0x13: {  	[smem:$0x3FA9] =	sst s0;
	s0 =	simm.s32 @!p1 $0x0  }
0x14: {  	s2 =	sld [smem:$0x3F8D];
	s0 =	simm.s32 @p1 $0x1  }
0x15: {  	[smem:$0x3FAA] =	sst s0;
	s0 =	simm.s32 @!p2 $0x0  }
0x16: {  	s3 =	sld [smem:$0x3FDB];
	s0 =	simm.s32 @p2 $0x1  }
0x17: {  	s4 =	simm.s32 $0x1BF5;
	[smem:$0x3FAC] =	sst s0  }
0x18: {  	s0 =	sld [smem:$0x3F8F];
	_ =	swait.ge [sflag:s4], $0x0  }
0x19: {  	s7 =	sld [smem:$0x3F90]  }
0x1a: {  	s8 =	sadd.s32 $0xFFFFE003, lr  }
0x1b: {  	s9 =	sadd.s32 $0xFFFFFEF7, lr;
	s5 =	simm.s32 $0xFFFFFFFF;
	p2 =	slt.u32 s8, $0xFFFFF086  }
0x1c: {  	p1 =	slt.u32 s9, $0xF7A;
	s5 =	simm.s32 @!p2 $0x0  }
0x1d: {  	s5 =	simm.s32 @p1 $0x1;
	p0 =	seq.s32 s7, s2  }
0x1e: {  	s7 =	smul.u32 @!p0 $0xF7A, s2;
	p2 =	seq.s32 @!p0 s5, $0x0  }
0x1f: {  	s9 =	smul.u32 $0xF7A, s1;
	s8 =	simm.s32 @!p0 $0x1BF5;
	p2 =	por !p2, p0  }
0x20: {  	[sflag:s8] =	ssyncset.s32 @!p0 $0xFFFFF086;
	s6 =	sadd.s32 @!p0 s3, s7;
	s7 =	simm.s32 @!p0 $0x108  }
0x21: {  	s3 =	sadd.s32 s3, s9;
	s6 =	sadd.s32 @!p0 $0x88, s6;
	s7 =	simm.s32 @p2 $0x1082  }
0x22: {  	[simem:s7], [sflag:s8] =	dma.local @!p0 [hbm:s6], $0xF7A  }
0x23: {  	s9 =	sor.u32 $0xD0000000, s2;
	s6 =	simm.s32 $0x108;
	_ =	swait.ge @!p0 [sflag:s8], $0x0  }
0x24: {  	s3 =	sadd.s32 $0x88, s3;
	s6 =	simm.s32 @!p1 $0x1082;
	[sflag:s4] =	ssyncset.s32 $0xFFFFF086  }
0x25: {  	[simem:s6], [sflag:s4] =	dma.local [hbm:s3], $0xF7A  }
0x26: {  	[smem:$0x3F90] =	sst s1;
	(tag) =	ssettag s2;
	_ =	strace s9  }
0x27: {  	s1 =	sld [smem:$0x3FA0]  }
0x28: {  	s2 =	sld [smem:$0x3FA1]  }
0x29: {  	s4 =	sld [smem:$0x3FA3]  }
0x2a: {  	p0 =	seq.s32 s5, $0x0;
	s5 =	sld [smem:$0x3FA4]  }
0x2b: {  	s6 =	sld [smem:$0x3FA5]  }
0x2c: {  	s7 =	sld [smem:$0x3FA6]  }
0x2d: {  	s3 =	simm.s32 $0x108;
	s8 =	sld [smem:$0x3FA7]  }
0x2e: {  	s3 =	simm.s32 @!p0 $0x1082;
	s9 =	sld [smem:$0x3FA8]  }
0x2f: {  	lr =	sadd.s32 s0, s3;
	s0 =	sld [smem:$0x3F9F]  }
0x30: {  	s3 =	sld [smem:$0x3FA2]  }
0x31: {  	[smem:$0x3FAB] =	sst s10  }
0x32: {  	s10 =	sld [smem:$0x3FA9];
	_ =	sdelay $0x3  }
0x33: {  	p0 =	seq.s32 s10, $0x1;
	s10 =	sld [smem:$0x3FAB];
	_ =	sdelay $0x3  }
0x34: {  	[smem:$0x3FAB] =	sst s10  }
0x35: {  	s10 =	sld [smem:$0x3FAA];
	_ =	sdelay $0x3  }
0x36: {  	p1 =	seq.s32 s10, $0x1;
	s10 =	sld [smem:$0x3FAB];
	_ =	sdelay $0x3  }
0x37: {  	[smem:$0x3FAB] =	sst s10  }
0x38: {  	s10 =	sld [smem:$0x3FAC]  }
0x39: {  	_ = 	snop;
	(pc) =	sbr.ind lr, $3  }
0x3a: {  	_ = 	snop  }
0x3b: {  	_ = 	snop  }
0x3c: {  	p2 =	seq.s32 s10, $0x1;
	s10 =	sld [smem:$0x3FAB]  }
0x3d: {  	_ =	shalt  }
0x3e: {  	_ =	shalt  }
0x3f: {  	_ =	shalt  }
0x40: {  	_ =	shalt  }
0x41: {  	_ =	shalt  }
0x42: {  	_ =	shalt  }
0x43: {  	_ =	shalt  }
0x44: {  	_ =	shalt  }
0x45: {  	_ =	shalt  }
0x46: {  	_ =	shalt  }
0x47: {  	_ =	shalt  }
0x48: {  	_ =	shalt  }
0x49: {  	_ =	shalt  }
0x4a: {  	_ =	shalt  }
0x4b: {  	_ =	shalt  }
0x4c: {  	_ =	shalt  }
0x4d: {  	_ =	shalt  }
0x4e: {  	_ =	shalt  }
0x4f: {  	_ =	shalt  }
0x50: {  	_ =	shalt  }
0x51: {  	_ =	shalt  }
0x52: {  	_ =	shalt  }
0x53: {  	_ =	shalt  }
0x54: {  	_ =	shalt  }
0x55: {  	_ =	shalt  }
0x56: {  	_ =	shalt  }
0x57: {  	_ =	shalt  }
0x58: {  	_ =	shalt  }
0x59: {  	_ =	shalt  }
0x5a: {  	_ =	shalt  }
0x5b: {  	_ =	shalt  }
0x5c: {  	_ =	shalt  }
0x5d: {  	_ =	shalt  }
0x5e: {  	_ =	shalt  }
0x5f: {  	_ =	shalt  }
0x60: {  	_ =	shalt  }
0x61: {  	_ =	shalt  }
0x62: {  	_ =	shalt  }
0x63: {  	_ =	shalt  }
0x64: {  	_ =	shalt  }
0x65: {  	_ =	shalt  }
0x66: {  	_ =	shalt  }
0x67: {  	_ =	shalt  }
0x68: {  	_ =	shalt  }
0x69: {  	_ =	shalt  }
0x6a: {  	_ =	shalt  }
0x6b: {  	_ =	shalt  }
0x6c: {  	_ =	shalt  }
0x6d: {  	_ =	shalt  }
0x6e: {  	_ =	shalt  }
0x6f: {  	_ =	shalt  }
0x70: {  	_ =	shalt  }
0x71: {  	_ =	shalt  }
0x72: {  	_ =	shalt  }
0x73: {  	_ =	shalt  }
0x74: {  	_ =	shalt  }
0x75: {  	_ =	shalt  }
0x76: {  	_ =	shalt  }
0x77: {  	_ =	shalt  }
0x78: {  	_ =	shalt  }
0x79: {  	_ =	shalt  }
0x7a: {  	_ =	shalt  }
0x7b: {  	_ =	shalt  }
0x7c: {  	_ =	shalt  }
0x7d: {  	_ =	shalt  }
0x7e: {  	_ =	shalt  }
0x7f: {  	_ =	shalt  }
0x80: {  	_ =	shalt  }
0x81: {  	_ =	shalt  }
0x82: {  	_ =	shalt  }
0x83: {  	_ =	shalt  }
0x84: {  	_ =	shalt  }
0x85: {  	_ =	shalt  }
0x86: {  	_ =	shalt  }
0x87: {  	_ =	shalt  }
.Lfunc_end0:
.L_simem_size_0:
called_computation_lowered:
.L_overlay_start_0:
0x88: {  	s2 =	sld [smem:$0x3FD9]  }
0x89: {  	s3 =	sld [smem:$0x3FFE];
	_ =	sdelay $0x1  }
0x8a: {  	s1 =	srdreg.scid  }
0x8b: {  	s0 =	sand.u32 $0x1, s1  }
0x8c: {  	s17 =	sshll.u32 s0, $0xA;
	s2 =	sadd.s32 s3, s2  }
0x8d: {  	s2 =	sadd.s32 s2, s17  }
0x8e: {  	[smem:$0x3FB7] =	sst s2  }
0x8f: {  	_ = 	snop  }
0x90: {  	s2 =	sld [smem:$0x3FD0];
	(tm) =	ssettm $0x1  }
0x91: {  	s18 =	sld [smem:$0x3FFB];
	_ =	sdelay $0x3  }
0x92: {  	_ =	strace s18  }
0x93: {  	s3 =	sld [smem:$0x3FFC];
	_ =	sdelay $0x3  }
0x94: {  	_ =	strace s3  }
0x95: {  	s3 =	sld [smem:$0x3FFD];
	_ =	sdelay $0x3  }
0x96: {  	_ =	strace s3  }
0x97: {  	_ =	strace $0x8FFFFFFF  }
0x98: {  	s19 =	sld [smem:$0x3FDB];
	_ =	sdelay $0x1  }
0x99: {  	s4 =	simm.s32 $_scs_section_size  }
0x9a: {  	s5 =	simm.s32 $_size__tile_overlayer_lowered;
	s6 =	simm.s32 $_tile_overlayer_lowered  }
0x9b: {  	s22 =	simm.s32 $0x1BFF;
	s21 =	sshll.u32 s6, $0x1;
	s3 =	sadd.s32 s4, s19  }
0x9c: {  	s7 =	simm.s32 $0x0;
	s20 =	sshll.u32 s5, $0x1;
	s5 =	sadd.s32 s21, s3  }
0x9d: {  	[timem:s7], [sflag:s22] =	dma.local [hbm:s5], s20  }
0x9e: {  	_ =	swait.ge [sflag:s22], s20  }
0x9f: {  	s4 =	ssub.s32 $0x0, s20;
	[sflag:s22] =	ssyncset.done $0x0  }
0xa0: {  	[sflag:s22] =	ssyncadd.s32 s4;
	_ =	sdelay $0x1  }
0xa1: {  	s23 =	simm.s32 $0x1B8B  }
0xa2: {  	_ =	swait.ge [sflag:s23], $0x1  }
0xa3: {  	[sflag:s23] =	ssyncset.done $0x0  }
0xa4: {  	s25 =	simm.s32 $0x1B8E;
	s24 =	sld [smem:$0x3FFE];
	[sflag:s23] =	ssyncadd.s32 $0xFFFFFFFF  }
0xa5: {  	s26 =	simm.s32 $execute0_lowered;
	[smem:$0x3FD2] =	sst s25  }
0xa6: {  	s5 =	sshll.u32 s26, $0x1;
	_ =	strace $0x80000046;
	[dreg:$0x1] =	wrdreg $0xFFFFFFFF  }
0xa7: {  	s28 =	simm.s32 $_size_execute0_lowered;
	s3 =	sadd.s32 s3, s5;
	[dreg:$0x0] =	wrdreg $0x0  }
0xa8: {  	s5 =	sshll.u32 s28, $0x1;
	[dreg:$0x2] =	wrdreg s3  }
0xa9: {  	[dreg:$0x3] =	wrdreg s5  }
0xaa: {  	[dreg:$0x4] =	wrdreg $0xC0  }
0xab: {  	_ =	task [dreg:s7], $0x5FFFF  }
0xac: {  	[dreg:$0x1] =	wrdreg $0xFFFFFFFF  }
0xad: {  	[dreg:$0x0] =	wrdreg $0x60  }
0xae: {  	[dreg:$0x2] =	wrdreg s2  }
0xaf: {  	[dreg:$0x3] =	wrdreg s24  }
0xb0: {  	[dreg:$0x4] =	wrdreg $0x0  }
0xb1: {  	[dreg:$0x5] =	wrdreg $0x138800  }
0xb2: {  	[dreg:$0x6] =	wrdreg $0x9  }
0xb3: {  	_ =	task.clear_ibuf [dreg:s7], $0x7FFFF;
	_ =	strace $0x90000046  }
0xb4: {  	s29 =	simm.s32 $0x9;
	_ =	strace $0x80000048  }
0xb5: {  	_ =	swait.ge [sflag:s29], $0x1  }
0xb6: {  	[sflag:s29] =	ssyncadd.s32 $0xFFFFFFFF  }
0xb7: {  	_ =	strace $0x90000048  }
0xb8: {  	_ =	sfence  }
0xb9: {  	s30 =	sld [smem:$0x0];
	_ =	sdelay $0x2  }
0xba: {  	s31 =	sshll.u32 s1, $0xD;
	s1 =	sshrl.u32 s1, $0x2  }
0xbb: {  	s3 =	sand.u32 $0x4000, s31;
	s1 =	sadd.s32 s1, s30  }
0xbc: {  	s0 =	sor.u32 s3, s0;
	s1 =	sshll.u32 s1, $0x11  }
0xbd: {  	s0 =	sor.u32 s1, s0  }
0xbe: {  	s0 =	sadd.s32 $0x8F2B, s0  }
0xbf: {  	[sflag:s0] =	ssyncadd.remote.s32 $0x1  }
0xc0: {  	_ =	sfence.sel $0xFFFF  }
0xc1: {  	[dreg:$0x0] =	wrdreg $0xFFFFFFFF;
	(pc) =	sbr.abs _section_cstart, $3  }
0xc2: {  	[dreg:$0x1] =	wrdreg $0xFFFFFFFF  }
0xc3: {  	_ =	task.clear_ibuf [dreg:s7], $0x2FFFF;
	_ =	strace $0x9FFFFFFF  }
0xc4: {  	(tm) =	ssettm $0x7FFFFFFF  }
0xc5: {  	_ =	shalt  }
tec
execute0_lowered:
.L_overlay_start_1:
0x0: {  	(tag) =	ssettag $0x1  }
0x1: {  	s12 =	rddreg [dreg:$0x0]  }
0x2: {  	s1 =	rddreg [dreg:$0x1]  }
0x3: {  	s14 =	rddreg [dreg:$0x2];
	s0 =	srdreg.scid  }
0x4: {  	s15 =	rddreg [dreg:$0x3];
	s13 =	stileid.u32  }
0x5: {  	s5 =	simm.s32 $0x0;
	s4 =	simm.s32 $0x0;
	s3 =	smul.u32 $0x271, s13  }
0x6: {  	s2 =	sand.u32 $0x1, s0;
	[dreg:$0x5] =	wrdreg s4;
	s10 =	smul.u32 $0x4E20, s13  }
0x7: {  	[smem:$0x7FF] =	sst s5;
	s6 =	sadd.s32 $0x50600, s1;
	s11 =	smul.u32 $0x4E200, s13  }
0x8: {  	s7 =	sadd.s32 $0x9E800, s1;
	s0 =	smul.u32 $0x2710, s2;
	s2 =	ssub.s32 $0x2, s2  }
0x9: {  	s24 =	smul.u32 $0x9C40, s13;
	_ =	strace $0x80000047;
	s19 =	sshrl.u32 s2, $0x1  }
0xa: {  	s8 =	sadd.s32 $0x230, s3;
	s21 =	sadd.s32 $0xA0, s10;
	s22 =	sshrl.u32 s10, $0x3  }
0xb: {  	s25 =	sadd.s32 $0xF0, s10;
	s26 =	sadd.s32 $0x140, s10;
	s10 =	sshrl.u32 s11, $0x2  }
0xc: {  	s17 =	sadd.s32 s3, s0;
	s2 =	ssub.s32 s2, s19;
	[dreg:$0x7] =	wrdreg s21  }
0xd: {  	s20 =	sshll.u32 s8, $0x7;
	s8 =	sshll.u32 s8, $0x4;
	[dreg:$0xa] =	wrdreg s25  }
0xe: {  	s16 =	sadd.s32 s12, s22;
	[dreg:$0xb] =	wrdreg s26;
	s13 =	sadd.s32 s10, s14  }
0xf: {  	s22 =	sadd.s32 $0x140, s3;
	s18 =	sshll.u32 s17, $0x4;
	s4 =	sshll.u32 s17, $0x1  }
0x10: {  	s9 =	sadd.s32 s8, s15;
	s8 =	sshrl.u32 s21, $0x3;
	[dreg:$0x8] =	wrdreg s16  }
0x11: {  	s11 =	smax.u32 s2, $0x1;
	s2 =	sadd.s32 $0xA0, s3;
	[dreg:$0xd] =	wrdreg s13  }
0x12: {  	s5 =	sadd.s32 s18, s1;
	s1 =	sadd.s32 s4, s1;
	s4 =	sadd.s32 s20, s14  }
0x13: {  	s23 =	sadd.s32 s12, s8;
	[dreg:$0xf] =	wrdreg s11;
	s17 =	sshll.u32 s2, $0x7  }
0x14: {  	s2 =	sshll.u32 s2, $0x4;
	s8 =	simm.s32 $0x18E20;
	[dreg:$0x6] =	wrdreg s4  }
0x15: {  	s11 =	simm.s32 $0x7;
	[dreg:$0x9] =	wrdreg s23;
	s5 =	sadd.s32 $0xA8600, s5  }
0x16: {  	s4 =	sshrl.u32 s24, $0x2;
	s1 =	sadd.s32 $0x2400, s1;
	s20 =	sadd.s32 s17, s14  }
0x17: {  	s23 =	sadd.s32 $0x190, s3;
	s24 =	sshll.u32 s22, $0x7;
	[dreg:$0xc] =	wrdreg s5  }
0x18: {  	s28 =	sadd.s32 s2, s15;
	[dreg:$0xe] =	wrdreg s1;
	s18 =	sadd.s32 s4, s15  }
0x19: {  	s1 =	sadd.s32 $0x50, s3;
	s4 =	sadd.s32 $0xF0, s3;
	[dreg:$0x11] =	wrdreg s20  }
0x1a: {  	s3 =	sadd.s32 $0x1E0, s3;
	s25 =	sshll.u32 s23, $0x7;
	s10 =	sadd.s32 s24, s14  }
0x1b: {  	s20 =	sshll.u32 s22, $0x4;
	s22 =	sadd.s32 $0x9C40, s16;
	s24 =	sadd.s32 $0x9C4A, s16  }
0x1c: {  	s12 =	sshll.u32 s1, $0x7;
	s19 =	sshll.u32 s4, $0x7;
	s26 =	sshll.u32 s3, $0x7  }
0x1d: {  	[dreg:$0x13] =	wrdreg s10;
	s17 =	sadd.s32 s25, s14;
	s1 =	sshll.u32 s1, $0x4  }
0x1e: {  	s4 =	sshll.u32 s4, $0x4;
	s3 =	sshll.u32 s3, $0x4;
	[dreg:$0x16] =	wrdreg s22  }
0x1f: {  	s30 =	sadd.s32 s20, s15;
	[dreg:$0x18] =	wrdreg s24;
	s25 =	sadd.s32 $0x9C54, s16  }
0x20: {  	s22 =	simm.s32 $0x50;
	s20 =	simm.s32 $0x1C1B0;
	s10 =	simm.s32 $0xD  }
0x21: {  	s24 =	simm.s32 $0x5;
	s5 =	sadd.s32 s12, s14;
	[dreg:$0x14] =	wrdreg s17  }
0x22: {  	s21 =	sadd.s32 s19, s14;
	s19 =	sadd.s32 s26, s14;
	[dreg:$0x19] =	wrdreg s25  }
0x23: {  	s26 =	sadd.s32 s1, s15;
	s29 =	sadd.s32 s4, s15;
	[dreg:$0x10] =	wrdreg s5  }
0x24: {  	s1 =	sadd.s32 s3, s15;
	s4 =	simm.s32 $0x13;
	[dreg:$0x12] =	wrdreg s21  }
0x25: {  	s25 =	simm.s32 $0x18920;
	s17 =	simm.s32 $0x6;
	[dreg:$0x15] =	wrdreg s19  }
0x26: {  	s21 =	sshll.u32 s23, $0x4;
	s23 =	sadd.s32 $0xA, s16;
	s19 =	simm.s32 $0x1BCB0  }
0x27: {  	v2 =	vlaneseq.u32;
	v1 =	vimm.f32 $0.0e+00;
	s16 =	simm.s32 $0x1F040;
	s5 =	simm.s32 $0x1F540;
	s31 =	sadd.s32 s21, s15  }
0x28: {  	v3 =	vimm.s32 $0x0;
	v2 =	vmul.u32 $0x10, v2;
	v0 =	vmov s0;
	[dreg:$0x17] =	wrdreg s23;
	s21 =	simm.s32 $0x1;
	s15 =	simm.s32 $0x4  }
.LBB2_1:
0x29: {  	s0 =	simm.s32 $0x0;
	s2 =	simm.s32 $0x200  }
.LBB2_2:
0x2a: {  	p0 =	sne.s32 s2, $0x9E00;
	[tilespmem:s0+$0x16190] =	vst v1  }
0x2b: {  	[tilespmem:s0+$0x16120] =	vst v1  }
0x2c: {  	[tilespmem:s0+$0x16130] =	vst v1  }
.Ltmp0:
0x2d: {  	[tilespmem:s0+$0x16140] =	vst v1;
	(pc) =	sbr.rel @p0 .LBB2_2-.Ltmp0, $4  }
0x2e: {  	[tilespmem:s0+$0x16150] =	vst v1  }
0x2f: {  	[tilespmem:s0+$0x16160] =	vst v1  }
0x30: {  	[tilespmem:s0+$0x16170] =	vst v1  }
0x31: {  	[tilespmem:s0+$0x16180] =	vst v1;
	s0 =	sshra.s32 s2, $0x2;
	s2 =	sadd.s32 $0x200, s2  }
0x32: {  	[tilespmem:s0+$0x16190] =	vst v1  }
0x33: {  	[tilespmem:s0+$0x16120] =	vst v1  }
0x34: {  	[tilespmem:s0+$0x16130] =	vst v1  }
0x35: {  	[tilespmem:s0+$0x16140] =	vst v1  }
0x36: {  	[tilespmem:s0+$0x16150] =	vst v1  }
0x37: {  	[tilespmem:s0+$0x16160] =	vst v1  }
0x38: {  	[tilespmem:s0+$0x16170] =	vst v1  }
0x39: {  	[tilespmem:s0+$0x16180] =	vst v1;
	s0 =	simm.s32 $0x16120  }
0x3a: {  	[spmem:s13] =	stream.linear.scatter [tilespmem:s0], [sflag:$0x13], $0x2800, $0x38;
	[tilespmem:$0x1FA40] =	vst v63  }
0x3b: {  	_ =	swait.ge [sflag:s4], $0x2800  }
0x3c: {  	[sflag:s4] =	ssyncset.done $0x0  }
0x3d: {  	s2 =	rddreg [dreg:$0x10];
	[sflag:s4] =	ssyncadd.s32 $0xFFFFD800  }
0x3e: {  	[spmem:s2] =	stream.linear.scatter [tilespmem:s0], [sflag:$0x13], $0x2800, $0x38;
	[tilespmem:$0x1FA40] =	vst v63  }
0x3f: {  	_ =	swait.ge [sflag:s4], $0x2800  }
0x40: {  	[sflag:s4] =	ssyncset.done $0x0  }
0x41: {  	s14 =	rddreg [dreg:$0x11];
	[sflag:s4] =	ssyncadd.s32 $0xFFFFD800  }
0x42: {  	[spmem:s14] =	stream.linear.scatter [tilespmem:s0], [sflag:$0x13], $0x2800, $0x38;
	[tilespmem:$0x1FA40] =	vst v63  }
0x43: {  	_ =	swait.ge [sflag:s4], $0x2800  }
0x44: {  	[sflag:s4] =	ssyncset.done $0x0  }
0x45: {  	s23 =	rddreg [dreg:$0x12];
	[sflag:s4] =	ssyncadd.s32 $0xFFFFD800  }
0x46: {  	[spmem:s23] =	stream.linear.scatter [tilespmem:s0], [sflag:$0x13], $0x2800, $0x38;
	[tilespmem:$0x1FA40] =	vst v63  }
0x47: {  	_ =	swait.ge [sflag:s4], $0x2800  }
0x48: {  	[sflag:s4] =	ssyncset.done $0x0  }
0x49: {  	s3 =	rddreg [dreg:$0x13];
	[sflag:s4] =	ssyncadd.s32 $0xFFFFD800  }
0x4a: {  	[spmem:s3] =	stream.linear.scatter [tilespmem:s0], [sflag:$0x13], $0x2800, $0x38;
	[tilespmem:$0x1FA40] =	vst v63  }
0x4b: {  	_ =	swait.ge [sflag:s4], $0x2800  }
0x4c: {  	[sflag:s4] =	ssyncset.done $0x0  }
0x4d: {  	s12 =	rddreg [dreg:$0x14];
	[sflag:s4] =	ssyncadd.s32 $0xFFFFD800  }
0x4e: {  	[spmem:s12] =	stream.linear.scatter [tilespmem:s0], [sflag:$0x13], $0x2800, $0x38;
	[tilespmem:$0x1FA40] =	vst v63  }
0x4f: {  	_ =	swait.ge [sflag:s4], $0x2800  }
0x50: {  	[sflag:s4] =	ssyncset.done $0x0  }
0x51: {  	s13 =	rddreg [dreg:$0x15];
	[sflag:s4] =	ssyncadd.s32 $0xFFFFD800  }
0x52: {  	[spmem:s13] =	stream.linear.scatter [tilespmem:s0], [sflag:$0x13], $0x2800, $0x38;
	[tilespmem:$0x1FA40] =	vst v63  }
0x53: {  	_ =	swait.ge [sflag:s4], $0x2800  }
0x54: {  	[sflag:s4] =	ssyncset.done $0x0  }
0x55: {  	s14 =	rddreg [dreg:$0x6];
	[sflag:s4] =	ssyncadd.s32 $0xFFFFD800  }
0x56: {  	[spmem:s14] =	stream.linear.scatter [tilespmem:s0], [sflag:$0x13], $0x2080, $0x38;
	[tilespmem:$0x1FA40] =	vst v63  }
0x57: {  	_ =	swait.ge [sflag:s4], $0x2080  }
0x58: {  	[sflag:s4] =	ssyncset.done $0x0  }
0x59: {  	s2 =	simm.s32 $0x40;
	s23 =	sadd.s32 $0x0, s18;
	[sflag:s4] =	ssyncadd.s32 $0xFFFFDF80  }
0x5a: {  	[spmem:s23] =	stream.linear.scatter [tilespmem:s0], [sflag:$0x13], $0x10, $0x38;
	[tilespmem:$0x1FA40] =	vst v63  }
.LBB2_4:
0x5b: {  	p0 =	sne.s32 s2, $0x13C0  }
.Ltmp1:
0x5c: {  	_ = 	snop;
	(pc) =	sbr.rel @p0 .LBB2_4-.Ltmp1, $4  }
0x5d: {  	_ = 	snop  }
0x5e: {  	s3 =	sshra.s32 s2, $0x2;
	s2 =	sadd.s32 $0x40, s2  }
0x5f: {  	s0 =	sadd.s32 $0x80, s0;
	s3 =	sadd.s32 s3, s18  }
0x60: {  	[spmem:s3] =	stream.linear.scatter [tilespmem:s0], [sflag:$0x13], $0x10, $0x38;
	[tilespmem:$0x1FA40] =	vst v63  }
0x61: {  	_ =	swait.ge [sflag:s4], $0x500  }
0x62: {  	[sflag:s4] =	ssyncset.done $0x0  }
0x63: {  	s0 =	simm.s32 $0x16120;
	s2 =	sadd.s32 $0x0, s26;
	[sflag:s4] =	ssyncadd.s32 $0xFFFFFB00  }
0x64: {  	[spmem:s2] =	stream.linear.scatter [tilespmem:s0], [sflag:$0x13], $0x10, $0x38;
	[tilespmem:$0x1FA40] =	vst v63  }
0x65: {  	s2 =	simm.s32 $0x40  }
.LBB2_6:
0x66: {  	p0 =	sne.s32 s2, $0x13C0  }
.Ltmp2:
0x67: {  	_ = 	snop;
	(pc) =	sbr.rel @p0 .LBB2_6-.Ltmp2, $4  }
0x68: {  	_ = 	snop  }
0x69: {  	s3 =	sshra.s32 s2, $0x2;
	s2 =	sadd.s32 $0x40, s2  }
0x6a: {  	s0 =	sadd.s32 $0x80, s0;
	s3 =	sadd.s32 s3, s26  }
0x6b: {  	[spmem:s3] =	stream.linear.scatter [tilespmem:s0], [sflag:$0x13], $0x10, $0x38;
	[tilespmem:$0x1FA40] =	vst v63  }
0x6c: {  	_ =	swait.ge [sflag:s4], $0x500  }
0x6d: {  	[sflag:s4] =	ssyncset.done $0x0  }
0x6e: {  	s0 =	simm.s32 $0x16120;
	s2 =	sadd.s32 $0x0, s28;
	[sflag:s4] =	ssyncadd.s32 $0xFFFFFB00  }
0x6f: {  	[spmem:s2] =	stream.linear.scatter [tilespmem:s0], [sflag:$0x13], $0x10, $0x38;
	[tilespmem:$0x1FA40] =	vst v63  }
0x70: {  	s2 =	simm.s32 $0x40  }
.LBB2_8:
0x71: {  	p0 =	sne.s32 s2, $0x13C0  }
.Ltmp3:
0x72: {  	_ = 	snop;
	(pc) =	sbr.rel @p0 .LBB2_8-.Ltmp3, $4  }
0x73: {  	_ = 	snop  }
0x74: {  	s3 =	sshra.s32 s2, $0x2;
	s2 =	sadd.s32 $0x40, s2  }
0x75: {  	s0 =	sadd.s32 $0x80, s0;
	s3 =	sadd.s32 s3, s28  }
0x76: {  	[spmem:s3] =	stream.linear.scatter [tilespmem:s0], [sflag:$0x13], $0x10, $0x38;
	[tilespmem:$0x1FA40] =	vst v63  }
0x77: {  	_ =	swait.ge [sflag:s4], $0x500  }
0x78: {  	[sflag:s4] =	ssyncset.done $0x0  }
0x79: {  	s0 =	simm.s32 $0x16120;
	s2 =	sadd.s32 $0x0, s29;
	[sflag:s4] =	ssyncadd.s32 $0xFFFFFB00  }
0x7a: {  	[spmem:s2] =	stream.linear.scatter [tilespmem:s0], [sflag:$0x13], $0x10, $0x38;
	[tilespmem:$0x1FA40] =	vst v63  }
0x7b: {  	s2 =	simm.s32 $0x40  }
.LBB2_10:
0x7c: {  	p0 =	sne.s32 s2, $0x13C0  }
.Ltmp4:
0x7d: {  	_ = 	snop;
	(pc) =	sbr.rel @p0 .LBB2_10-.Ltmp4, $4  }
0x7e: {  	_ = 	snop  }
0x7f: {  	s3 =	sshra.s32 s2, $0x2;
	s2 =	sadd.s32 $0x40, s2  }
0x80: {  	s0 =	sadd.s32 $0x80, s0;
	s3 =	sadd.s32 s3, s29  }
0x81: {  	[spmem:s3] =	stream.linear.scatter [tilespmem:s0], [sflag:$0x13], $0x10, $0x38;
	[tilespmem:$0x1FA40] =	vst v63  }
0x82: {  	_ =	swait.ge [sflag:s4], $0x500  }
0x83: {  	[sflag:s4] =	ssyncset.done $0x0  }
0x84: {  	s0 =	simm.s32 $0x16120;
	s2 =	sadd.s32 $0x0, s30;
	[sflag:s4] =	ssyncadd.s32 $0xFFFFFB00  }
0x85: {  	[spmem:s2] =	stream.linear.scatter [tilespmem:s0], [sflag:$0x13], $0x10, $0x38;
	[tilespmem:$0x1FA40] =	vst v63  }
0x86: {  	s2 =	simm.s32 $0x40  }
.LBB2_12:
0x87: {  	p0 =	sne.s32 s2, $0x13C0  }
.Ltmp5:
0x88: {  	_ = 	snop;
	(pc) =	sbr.rel @p0 .LBB2_12-.Ltmp5, $4  }
0x89: {  	_ = 	snop  }
0x8a: {  	s3 =	sshra.s32 s2, $0x2;
	s2 =	sadd.s32 $0x40, s2  }
0x8b: {  	s0 =	sadd.s32 $0x80, s0;
	s3 =	sadd.s32 s3, s30  }
0x8c: {  	[spmem:s3] =	stream.linear.scatter [tilespmem:s0], [sflag:$0x13], $0x10, $0x38;
	[tilespmem:$0x1FA40] =	vst v63  }
0x8d: {  	_ =	swait.ge [sflag:s4], $0x500  }
0x8e: {  	[sflag:s4] =	ssyncset.done $0x0  }
0x8f: {  	s0 =	simm.s32 $0x16120;
	s2 =	sadd.s32 $0x0, s31;
	[sflag:s4] =	ssyncadd.s32 $0xFFFFFB00  }
0x90: {  	[spmem:s2] =	stream.linear.scatter [tilespmem:s0], [sflag:$0x13], $0x10, $0x38;
	[tilespmem:$0x1FA40] =	vst v63  }
0x91: {  	s2 =	simm.s32 $0x40  }
.LBB2_14:
0x92: {  	p0 =	sne.s32 s2, $0x13C0  }
.Ltmp6:
0x93: {  	_ = 	snop;
	(pc) =	sbr.rel @p0 .LBB2_14-.Ltmp6, $4  }
0x94: {  	_ = 	snop  }
0x95: {  	s3 =	sshra.s32 s2, $0x2;
	s2 =	sadd.s32 $0x40, s2  }
0x96: {  	s0 =	sadd.s32 $0x80, s0;
	s3 =	sadd.s32 s3, s31  }
0x97: {  	[spmem:s3] =	stream.linear.scatter [tilespmem:s0], [sflag:$0x13], $0x10, $0x38;
	[tilespmem:$0x1FA40] =	vst v63  }
0x98: {  	_ =	swait.ge [sflag:s4], $0x500  }
0x99: {  	[sflag:s4] =	ssyncset.done $0x0  }
0x9a: {  	s0 =	simm.s32 $0x16120;
	s2 =	sadd.s32 $0x0, s1;
	[sflag:s4] =	ssyncadd.s32 $0xFFFFFB00  }
0x9b: {  	[spmem:s2] =	stream.linear.scatter [tilespmem:s0], [sflag:$0x13], $0x10, $0x38;
	[tilespmem:$0x1FA40] =	vst v63  }
0x9c: {  	s2 =	simm.s32 $0x40  }
.LBB2_16:
0x9d: {  	p0 =	sne.s32 s2, $0x13C0  }
.Ltmp7:
0x9e: {  	_ = 	snop;
	(pc) =	sbr.rel @p0 .LBB2_16-.Ltmp7, $4  }
0x9f: {  	_ = 	snop  }
0xa0: {  	s3 =	sshra.s32 s2, $0x2;
	s2 =	sadd.s32 $0x40, s2  }
0xa1: {  	s0 =	sadd.s32 $0x80, s0;
	s3 =	sadd.s32 s3, s1  }
0xa2: {  	[spmem:s3] =	stream.linear.scatter [tilespmem:s0], [sflag:$0x13], $0x10, $0x38;
	[tilespmem:$0x1FA40] =	vst v63  }
0xa3: {  	_ =	swait.ge [sflag:s4], $0x500  }
0xa4: {  	[sflag:s4] =	ssyncset.done $0x0  }
0xa5: {  	s0 =	simm.s32 $0x16120;
	s2 =	sadd.s32 $0x0, s9;
	[sflag:s4] =	ssyncadd.s32 $0xFFFFFB00  }
0xa6: {  	[spmem:s2] =	stream.linear.scatter [tilespmem:s0], [sflag:$0x13], $0x10, $0x38;
	[tilespmem:$0x1FA40] =	vst v63  }
0xa7: {  	s2 =	simm.s32 $0x40  }
.LBB2_18:
0xa8: {  	p0 =	sne.s32 s2, $0x1000  }
.Ltmp8:
0xa9: {  	_ = 	snop;
	(pc) =	sbr.rel @p0 .LBB2_18-.Ltmp8, $4  }
0xaa: {  	_ = 	snop  }
0xab: {  	s3 =	sshra.s32 s2, $0x2;
	s2 =	sadd.s32 $0x40, s2  }
0xac: {  	s0 =	sadd.s32 $0x80, s0;
	s3 =	sadd.s32 s3, s9  }
0xad: {  	[spmem:s3] =	stream.linear.scatter [tilespmem:s0], [sflag:$0x13], $0x10, $0x38;
	[tilespmem:$0x1FA40] =	vst v63  }
0xae: {  	_ =	swait.ge [sflag:s4], $0x410  }
0xaf: {  	[sflag:s4] =	ssyncset.done $0x0  }
0xb0: {  	[sflag:s4] =	ssyncadd.s32 $0xFFFFFBF0  }
0xb1: {  	[bflag:$0x0] =	sbarrier.arrive $0xFFFF  }
0xb2: {  	s13 =	simm.s32 $0x0;
	s2 =	simm.s32 $0x15F90;
	s0 =	rddreg [dreg:$0x8]  }
0xb3: {  	[tilespmem:s2], [sflag:$0x1] =	stream.linear.gather [hbm4b:s0+s13], $0x50, $0x38;
	[tilespmem:$0x1FA40] =	vst v63  }
0xb4: {  	s23 =	simm.s32 $0x15FE0;
	s14 =	rddreg [dreg:$0x16]  }
0xb5: {  	[tilespmem:s23], [sflag:$0x1] =	stream.linear.gather [hbm4b:s14+s13], $0x50, $0x38;
	[tilespmem:$0x1FA40] =	vst v63  }
0xb6: {  	_ =	swait.ge [sflag:s21], $0x50  }
0xb7: {  	[sflag:s21] =	ssyncset.done $0x0  }
0xb8: {  	[sflag:s21] =	ssyncadd.s32 $0xFFFFFFB0  }
0xb9: {  	_ =	swait.ge [sflag:s21], $0x50  }
0xba: {  	[sflag:s21] =	ssyncset.done $0x0  }
0xbb: {  	[sflag:s21] =	ssyncadd.s32 $0xFFFFFFB0  }
0xbc: {  	v4 =	vld [tilespmem:$0x15F90]  }
0xbd: {  	v5 =	vld [tilespmem:$0x15FE0]  }
0xbe: {  	v7 =	vld [tilespmem:$0x15FF0];
	_ =	sdelay $0x1  }
0xbf: {  	v6 =	vld [tilespmem:$0x15FA0]  }
0xc0: {  	v63 =	vld [tilespmem:$0x16020]  }
0xc1: {  	[tilespmem:$0x160D0] =	vst v5  }
0xc2: {  	v8 =	vld [tilespmem:$0x15FB0];
	v4 =	vadd.s32 v0, v4;
	[tilespmem:$0x160E0] =	vst v7  }
0xc3: {  	[tilespmem:$0x16030] =	vst v4;
	v4 =	vadd.s32 v0, v5  }
0xc4: {  	[tilespmem:$0x16080] =	vst v4;
	v4 =	vld [tilespmem:$0x16000]  }
0xc5: {  	v59 =	vld [tilespmem:$0x15FC0];
	[tilespmem:$0x16110] =	vst v63;
	v5 =	vadd.s32 v0, v6  }
0xc6: {  	[tilespmem:$0x16040] =	vst v5;
	v5 =	vadd.s32 v0, v7  }
0xc7: {  	v60 =	vadd.s32 v0, v8;
	[tilespmem:$0x16090] =	vst v5;
	v5 =	vld [tilespmem:$0x16010]  }
0xc8: {  	v62 =	vld [tilespmem:$0x15FD0];
	[tilespmem:$0x16050] =	vst v60  }
0xc9: {  	v61 =	vadd.s32 v0, v4;
	[tilespmem:$0x160F0] =	vst v4  }
0xca: {  	v4 =	vadd.s32 v0, v59;
	[tilespmem:$0x160A0] =	vst v61  }
0xcb: {  	[tilespmem:$0x16060] =	vst v4  }
0xcc: {  	v4 =	vadd.s32 v0, v5;
	[tilespmem:$0x16100] =	vst v5  }
0xcd: {  	[tilespmem:$0x160B0] =	vst v4;
	v4 =	vadd.s32 v0, v62  }
0xce: {  	[tilespmem:$0x16070] =	vst v4;
	v4 =	vadd.s32 v0, v63  }
0xcf: {  	s3 =	simm.s32 $0x16030;
	s4 =	simm.s32 $0x16120;
	[tilespmem:$0x160C0] =	vst v4  }
0xd0: {  	[tilespmem:s4], [sflag:$0x2] =	stream.indirect.gather [hbm4b:s6+s22], $0x80, s3, s22, $0xb8;
	[tilespmem:$0x1FA40] =	vst v63  }
0xd1: {  	_ = 	snop  }
0xd2: {  	[tilespmem:s25], [sflag:$0x3] =	stream.indirect.gather [hbm4b:s7+s22], $0x10, s3, s22, $0xb8;
	[tilespmem:$0x1FA40] =	vst v63  }
0xd3: {  	s12 =	simm.s32 $0x16080  }
0xd4: {  	[tilespmem:s8], [sflag:$0x4] =	stream.indirect.gather [hbm4b:s7+s22], $0x10, s12, s22, $0xb8;
	[tilespmem:$0x1FA40] =	vst v63  }
0xd5: {  	s23 =	simm.s32 $0x19320;
	s14 =	rddreg [dreg:$0x17]  }
0xd6: {  	[tilespmem:s23], [sflag:$0x7] =	stream.linear.gather [hbm4b:s14+s13], $0x50, $0x38;
	[tilespmem:$0x1FA40] =	vst v63  }
0xd7: {  	s2 =	rddreg [dreg:$0x18];
	s3 =	simm.s32 $0x19370  }
0xd8: {  	[tilespmem:s3], [sflag:$0x7] =	stream.linear.gather [hbm4b:s2+s13], $0x50, $0x38;
	[tilespmem:$0x1FA40] =	vst v63  }
0xd9: {  	s4 =	rddreg [dreg:$0x9];
	s12 =	simm.s32 $0x1C6B0  }
0xda: {  	[tilespmem:s12], [sflag:$0xD] =	stream.linear.gather [hbm4b:s4+s13], $0x50, $0x38;
	[tilespmem:$0x1FA40] =	vst v63  }
0xdb: {  	s14 =	rddreg [dreg:$0x19];
	s23 =	simm.s32 $0x1C700  }
0xdc: {  	[tilespmem:s23], [sflag:$0xD] =	stream.linear.gather [hbm4b:s14+s13], $0x50, $0x38;
	[tilespmem:$0x1FA40] =	vst v63  }
0xdd: {  	s14 =	simm.s32 $0x0  }
.LBB2_20:
0xde: {  	_ =	swait.ge [sflag:s11], $0x50  }
0xdf: {  	[sflag:s11] =	ssyncset.done $0x0  }
0xe0: {  	[sflag:s11] =	ssyncadd.s32 $0xFFFFFFB0  }
0xe1: {  	_ =	swait.ge [sflag:s11], $0x50  }
0xe2: {  	p0 =	seq.s32 s14, $0x0;
	[sflag:s11] =	ssyncset.done $0x0  }
0xe3: {  	s0 =	simm.s32 @!p0 $0xB;
	[sflag:s11] =	ssyncadd.s32 $0xFFFFFFB0  }
0xe4: {  	_ =	swait.ge @!p0 [sflag:s0], $0x2800  }
0xe5: {  	[sflag:s0] =	ssyncset.done @!p0 $0x0  }
0xe6: {  	[sflag:s0] =	ssyncadd.s32 @!p0 $0xFFFFD800;
	s0 =	simm.s32 @!p0 $0xC  }
0xe7: {  	_ =	swait.ge @!p0 [sflag:s0], $0x500  }
0xe8: {  	[sflag:s0] =	ssyncset.done @!p0 $0x0  }
0xe9: {  	[sflag:s0] =	ssyncadd.s32 @!p0 $0xFFFFFB00  }
0xea: {  	v4 =	vld [tilespmem:$0x19320]  }
0xeb: {  	v5 =	vld [tilespmem:$0x19370];
	_ =	sdelay $0x1  }
0xec: {  	v6 =	vld [tilespmem:$0x19330]  }
0xed: {  	v7 =	vld [tilespmem:$0x19380];
	_ =	sdelay $0x1  }
0xee: {  	v8 =	vld [tilespmem:$0x19340];
	v4 =	vadd.s32 v0, v4;
	[tilespmem:$0x19460] =	vst v5  }
0xef: {  	[tilespmem:$0x193C0] =	vst v4;
	v4 =	vadd.s32 v0, v5  }
0xf0: {  	[tilespmem:$0x19410] =	vst v4;
	v4 =	vld [tilespmem:$0x19390]  }
0xf1: {  	[tilespmem:$0x19470] =	vst v7;
	v5 =	vadd.s32 v0, v6;
	v6 =	vld [tilespmem:$0x19350]  }
0xf2: {  	[tilespmem:$0x193D0] =	vst v5;
	v5 =	vadd.s32 v0, v7  }
0xf3: {  	v7 =	vadd.s32 v0, v8;
	[tilespmem:$0x19420] =	vst v5;
	v5 =	vld [tilespmem:$0x193A0]  }
0xf4: {  	v8 =	vld [tilespmem:$0x19360];
	[tilespmem:$0x193E0] =	vst v7  }
0xf5: {  	v7 =	vadd.s32 v0, v4;
	[tilespmem:$0x19480] =	vst v4  }
0xf6: {  	v4 =	vadd.s32 v0, v6;
	[tilespmem:$0x19430] =	vst v7;
	v7 =	vld [tilespmem:$0x193B0]  }
0xf7: {  	[tilespmem:$0x193F0] =	vst v4  }
0xf8: {  	v4 =	vadd.s32 v0, v5;
	[tilespmem:$0x19490] =	vst v5  }
0xf9: {  	[tilespmem:$0x19440] =	vst v4;
	v4 =	vadd.s32 v0, v8  }
0xfa: {  	[tilespmem:$0x19400] =	vst v4  }
0xfb: {  	v4 =	vadd.s32 v0, v7;
	[tilespmem:$0x194A0] =	vst v7  }
0xfc: {  	s23 =	simm.s32 $0x193C0;
	s2 =	simm.s32 $0x194B0;
	[tilespmem:$0x19450] =	vst v4  }
0xfd: {  	[tilespmem:s2], [sflag:$0x8] =	stream.indirect.gather [hbm4b:s6+s22], $0x80, s23, s22, $0xb8;
	[tilespmem:$0x1FA40] =	vst v63  }
0xfe: {  	_ = 	snop  }
0xff: {  	[tilespmem:s19], [sflag:$0x9] =	stream.indirect.gather [hbm4b:s7+s22], $0x10, s23, s22, $0xb8;
	[tilespmem:$0x1FA40] =	vst v63  }
0x100: {  	s3 =	rddreg [dreg:$0x7];
	s2 =	simm.s32 $0x19410;
	s23 =	smul.u32 $0xF0, s14  }
0x101: {  	[tilespmem:s20], [sflag:$0xA] =	stream.indirect.gather [hbm4b:s7+s22], $0x10, s2, s22, $0xb8;
	[tilespmem:$0x1FA40] =	vst v63  }
0x102: {  	s0 =	sadd.s32 s23, s3  }
0x103: {  	s4 =	rddreg [dreg:$0x0];
	s0 =	sshrl.u32 s0, $0x3  }
0x104: {  	s12 =	simm.s32 $0x1C6B0;
	s0 =	sadd.s32 s4, s0  }
0x105: {  	[tilespmem:s12], [sflag:$0xD] =	stream.linear.gather [hbm4b:s0+s13], $0x50, $0x38;
	[tilespmem:$0x1FA40] =	vst v63  }
0x106: {  	s3 =	simm.s32 $0x1C700;
	s4 =	simm.s32 $0x2;
	s0 =	sadd.s32 $0x9C40, s0  }
0x107: {  	[tilespmem:s3], [sflag:$0xD] =	stream.linear.gather [hbm4b:s0+s13], $0x50, $0x38;
	[tilespmem:$0x1FA40] =	vst v63  }
0x108: {  	_ =	swait.ge [sflag:s4], $0x2800  }
0x109: {  	[sflag:s4] =	ssyncset.done $0x0  }
0x10a: {  	v4 =	vmov s13;
	s12 =	simm.s32 $0x3;
	[sflag:s4] =	ssyncadd.s32 $0xFFFFD800  }
0x10b: {  	v4 =	vshll.u32 v4, $0x4;
	_ =	swait.ge [sflag:s12], $0x500  }
0x10c: {  	v8 =	vor.u32 v2, v4;
	[sflag:s12] =	ssyncset.done $0x0  }
0x10d: {  	v6 =	vor.u32 $0xA, v8;
	[sflag:s12] =	ssyncadd.s32 $0xFFFFFB00  }
0x10e: {  	v7 =	vor.u32 $0x8, v8;
	_ =	swait.ge [sflag:s15], $0x500  }
0x10f: {  	v5 =	vor.u32 $0x1, v8;
	[sflag:s15] =	ssyncset.done $0x0  }
0x110: {  	v4 =	vor.u32 $0x2, v8;
	[sflag:s15] =	ssyncadd.s32 $0xFFFFFB00  }
0x111: {  	v9 =	vor.u32 $0x9, v8;
	v10 =	vld.idx.msk [tilespmem:v8+s25+$0x0], $0xffff  }
0x112: {  	v11 =	vld.idx.msk [tilespmem:v6+s8+$0x0], $0xffff  }
0x113: {  	v12 =	vor.u32 $0xB, v8;
	v13 =	vld.idx.msk [tilespmem:v7+s8+$0x0], $0xffff  }
0x114: {  	v6 =	vor.u32 $0x3, v8;
	v14 =	vld.idx.msk [tilespmem:v5+s25+$0x0], $0xffff  }
0x115: {  	v16 =	vor.u32 $0xC, v8;
	v15 =	vld.idx.msk [tilespmem:v4+s25+$0x0], $0xffff  }
0x116: {  	v17 =	vld.idx.msk [tilespmem:v9+s8+$0x0], $0xffff;
	v7 =	vor.u32 $0x4, v8;
	_ =	sdelay $0x1  }
0x117: {  	v12 =	vld.idx.msk [tilespmem:v12+s8+$0x0], $0xffff;
	v10 =	vadd.f32 v13, v10  }
0x118: {  	v13 =	vld.idx.msk [tilespmem:v6+s25+$0x0], $0xffff  }
0x119: {  	v16 =	vld.idx.msk [tilespmem:v16+s8+$0x0], $0xffff;
	v11 =	vadd.f32 v11, v15;
	v15 =	vmul.f32 $2.000000030e-01, v10  }
0x11a: {  	v18 =	vld.idx.msk [tilespmem:v7+s25+$0x0], $0xffff;
	v14 =	vadd.f32 v17, v14;
	v17 =	vor.u32 $0xD, v8  }
0x11b: {  	v9 =	vor.u32 $0x5, v8;
	v10 =	vmax.f32 v10, v15;
	v15 =	vmul.f32 $2.000000030e-01, v11  }
0x11c: {  	v19 =	vmul.f32 $1.442695020e+00, v10;
	v10 =	vmul.f32 $2.000000030e-01, v14  }
0x11d: {  	v20 =	vor.u32 $0xF, v8;
	v12 =	vadd.f32 v12, v13;
	v13 =	vor.u32 $0xE, v8  }
0x11e: {  	v11 =	vmax.f32 v11, v15;
	v15 =	vtrunc.f32 v19;
	v10 =	vmax.f32 v14, v10  }
0x11f: {  	v16 =	vadd.f32 v16, v18;
	v17 =	vld.idx.msk [tilespmem:v17+s8+$0x0], $0xffff;
	v21 =	vmul.f32 $2.000000030e-01, v12;
	v18 =	vmul.f32 $1.442695020e+00, v10  }
0x120: {  	v14 =	vld.idx.msk [tilespmem:v9+s25+$0x0], $0xffff;
	v22 =	vcvt.f32.s32 v15;
	vm0 =	vlt.f32 v19, v15;
	v15 =	vmul.f32 $1.442695020e+00, v11  }
0x121: {  	v11 =	vmax.f32 v12, v21;
	v12 =	vsel vm0, $0xFFFFFFFF, v3;
	v21 =	vmul.f32 $2.000000030e-01, v16  }
0x122: {  	v10 =	vtrunc.f32 v18;
	v25 =	vtrunc.f32 v15;
	v12 =	vadd.s32 v22, v12  }
0x123: {  	v27 =	vmul.f32 $1.442695020e+00, v11;
	v11 =	vor.u32 $0x7, v8;
	v23 =	vcvt.f32.s32 v10  }
0x124: {  	vm0 =	vlt.f32 v18, v10;
	v10 =	vor.u32 $0x6, v8;
	v16 =	vmax.f32 v16, v21  }
0x125: {  	v24 =	vsel vm0, $0xFFFFFFFF, v3;
	vm0 =	vlt.f32 v15, v25;
	v14 =	vadd.f32 v17, v14  }
0x126: {  	v16 =	vmul.f32 $1.442695020e+00, v16;
	v21 =	vadd.s32 v23, v24;
	v23 =	vcvt.f32.s32 v25  }
0x127: {  	v26 =	vcvt.s32.f32 v12;
	v17 =	vsel vm0, $0xFFFFFFFF, v3;
	v24 =	vcvt.s32.f32 v21  }
0x128: {  	v22 =	vtrunc.f32 v16;
	v25 =	vmul.f32 $2.000000030e-01, v14;
	v23 =	vadd.s32 v23, v17  }
0x129: {  	v28 =	vcvt.f32.s32 v22;
	vm0 =	vlt.f32 v16, v22;
	v17 =	vsub.f32 v19, v26  }
0x12a: {  	v26 =	vshll.u32 v12, $0x17;
	v22 =	vld.idx.msk [tilespmem:v10+s25+$0x0], $0xffff;
	v14 =	vmax.f32 v14, v25;
	v19 =	vsel vm0, $0xFFFFFFFF, v3  }
0x12b: {  	v29 =	vcvt.s32.f32 v23;
	v25 =	vld.idx.msk [tilespmem:v13+s8+$0x0], $0xffff;
	v28 =	vadd.s32 v28, v19;
	v30 =	vmul.f32 $1.442695020e+00, v14  }
0x12c: {  	v20 =	vld.idx.msk [tilespmem:v20+s8+$0x0], $0xffff;
	v12 =	vshll.u32 v23, $0x17;
	v19 =	vtrunc.f32 v27;
	v14 =	vcvt.s32.f32 v28  }
0x12d: {  	v33 =	vld.idx.msk [tilespmem:v11+s25+$0x0], $0xffff;
	v23 =	vmul.f32 $1.894379380e-03, v17;
	v13 =	vsub.f32 v15, v29;
	vm0 =	vlt.f32 v27, v19  }
0x12e: {  	v15 =	vtrunc.f32 v30;
	v29 =	vsel vm0, $0xFFFFFFFF, v3;
	v32 =	vsub.f32 v16, v14  }
0x12f: {  	v23 =	vadd.f32 $8.940582160e-03, v23;
	v14 =	vshll.u32 v21, $0x17;
	vm0 =	vlt.f32 v30, v15  }
0x130: {  	v16 =	vsub.f32 v18, v24;
	v21 =	vadd.f32 v25, v22;
	v25 =	vmul.f32 $1.894379380e-03, v32  }
0x131: {  	v18 =	vcvt.f32.s32 v19;
	v19 =	vadd.s32 $0x3F800000, v26;
	v22 =	vmul.f32 $1.894379380e-03, v13  }
0x132: {  	v20 =	vadd.f32 v20, v33;
	v34 =	vmul.f32 $1.894379380e-03, v16;
	v24 =	vadd.f32 $8.940582160e-03, v25  }
0x133: {  	v22 =	vadd.f32 $8.940582160e-03, v22;
	v26 =	vmul.f32 $2.000000030e-01, v21;
	v25 =	vmul.f32 v23, v17  }
0x134: {  	v31 =	vsel vm0, $0xFFFFFFFF, v3;
	v23 =	vcvt.f32.s32 v15;
	v24 =	vmul.f32 v24, v32  }
0x135: {  	v15 =	vadd.s32 v18, v29;
	v29 =	vadd.f32 $8.940582160e-03, v34;
	v18 =	vmul.f32 v22, v13  }
0x136: {  	v35 =	vcvt.s32.f32 v15;
	v21 =	vmax.f32 v21, v26;
	v22 =	vadd.f32 $5.587655680e-02, v24  }
0x137: {  	v31 =	vadd.s32 v23, v31;
	v23 =	vmul.f32 $1.442695020e+00, v21;
	v21 =	vadd.f32 $5.587655680e-02, v25  }
0x138: {  	v25 =	vmul.f32 $2.000000030e-01, v20;
	v24 =	vadd.f32 $5.587655680e-02, v18;
	v18 =	vmul.f32 v22, v32  }
0x139: {  	v12 =	vadd.s32 $0x3F800000, v12;
	v26 =	vmul.f32 v29, v16;
	v22 =	vcvt.s32.f32 v31  }
0x13a: {  	v29 =	vmul.f32 v21, v17;
	v20 =	vmax.f32 v20, v25;
	v18 =	vadd.f32 $2.401316910e-01, v18  }
0x13b: {  	v25 =	vmul.f32 $1.442695020e+00, v20;
	v20 =	vadd.f32 $5.587655680e-02, v26;
	v21 =	vsub.f32 v30, v22  }
0x13c: {  	v14 =	vadd.s32 $0x3F800000, v14;
	v62 =	vtrunc.f32 v23;
	v22 =	vmul.f32 v18, v32  }
0x13d: {  	vm0 =	vlt.f32 v23, v62;
	v26 =	vmul.f32 v20, v16;
	v63 =	vmul.f32 $1.894379380e-03, v21  }
0x13e: {  	v20 =	vsub.f32 v27, v35;
	v30 =	vtrunc.f32 v25;
	v36 =	vadd.f32 $6.931567780e-01, v22  }
0x13f: {  	vm1 =	vlt.f32 v25, v30;
	v22 =	vshll.u32 v31, $0x17;
	v31 =	vadd.f32 $8.940582160e-03, v63  }
0x140: {  	s0 =	simm.s32 $0x10;
	v18 =	vshll.u32 v28, $0x17;
	v28 =	vcvt.f32.s32 v62;
	v27 =	vmul.f32 v36, v32  }
.LBB2_21:
0x141: {  	p1 =	sne.s32 s0, $0x40;
	v29 =	vadd.f32 $2.401316910e-01, v29;
	v31 =	vmul.f32 v31, v21;
	v32 =	vsel vm1, $0xFFFFFFFF, v3;
	s2 =	smov.u32 s0;
	s0 =	sadd.s32 $0x10, s0  }
0x142: {  	v30 =	vcvt.f32.s32 v30;
	v33 =	vmul.f32 $1.894379380e-03, v20;
	v27 =	vadd.f32 $9.999997610e-01, v27  }
0x143: {  	v34 =	vsel vm0, $0xFFFFFFFF, v3;
	v29 =	vmul.f32 v29, v17;
	v31 =	vadd.f32 $5.587655680e-02, v31  }
0x144: {  	v24 =	vmul.f32 v24, v13;
	v30 =	vadd.s32 v30, v32;
	v33 =	vadd.f32 $8.940582160e-03, v33  }
0x145: {  	v28 =	vadd.s32 v28, v34;
	v29 =	vadd.f32 $6.931567780e-01, v29;
	v31 =	vmul.f32 v31, v21  }
0x146: {  	v24 =	vadd.f32 $2.401316910e-01, v24;
	v32 =	vmul.f32 v33, v20;
	v33 =	vcvt.s32.f32 v28  }
0x147: {  	v17 =	vmul.f32 v29, v17;
	v29 =	vadd.f32 $2.401316910e-01, v31;
	v31 =	vcvt.s32.f32 v30  }
0x148: {  	v24 =	vmul.f32 v24, v13;
	v32 =	vadd.f32 $5.587655680e-02, v32;
	v23 =	vsub.f32 v23, v33  }
0x149: {  	v17 =	vadd.f32 $9.999997610e-01, v17;
	v29 =	vmul.f32 v29, v21;
	v25 =	vsub.f32 v25, v31  }
0x14a: {  	v26 =	vadd.f32 $2.401316910e-01, v26;
	v31 =	vmul.f32 v32, v20;
	v32 =	vmul.f32 $1.894379380e-03, v23  }
0x14b: {  	v17 =	vmul.f32 v19, v17;
	v19 =	vadd.f32 $6.931567780e-01, v29;
	v29 =	vmul.f32 $1.894379380e-03, v25  }
0x14c: {  	v26 =	vmul.f32 v26, v16;
	v31 =	vadd.f32 $2.401316910e-01, v31;
	v32 =	vadd.f32 $8.940582160e-03, v32  }
0x14d: {  	v19 =	vmul.f32 v19, v21;
	v21 =	vadd.s32 $0x3F800000, v22;
	v22 =	vadd.f32 $8.940582160e-03, v29;
	[tilespmem:v8+s8+$0x0] =	vst.idx.msk $0xffff, v17  }
0x14e: {  	v8 =	vadd.f32 $6.931567780e-01, v26;
	v17 =	vmul.f32 v31, v20;
	v26 =	vmul.f32 v32, v23  }
0x14f: {  	v24 =	vadd.f32 $6.931567780e-01, v24;
	v19 =	vadd.f32 $9.999997610e-01, v19;
	v22 =	vmul.f32 v22, v25  }
0x150: {  	v8 =	vmul.f32 v8, v16;
	v16 =	vadd.f32 $6.931567780e-01, v17;
	v17 =	vadd.f32 $5.587655680e-02, v26  }
0x151: {  	v13 =	vmul.f32 v24, v13;
	v19 =	vmul.f32 v21, v19;
	v21 =	vadd.f32 $5.587655680e-02, v22  }
0x152: {  	v8 =	vadd.f32 $9.999997610e-01, v8;
	v16 =	vmul.f32 v16, v20;
	v17 =	vmul.f32 v17, v23  }
0x153: {  	v15 =	vshll.u32 v15, $0x17;
	v13 =	vadd.f32 $9.999997610e-01, v13;
	v20 =	vmul.f32 v21, v25  }
0x154: {  	v8 =	vmul.f32 v14, v8;
	v14 =	vadd.f32 $9.999997610e-01, v16;
	v16 =	vadd.f32 $2.401316910e-01, v17  }
0x155: {  	v12 =	vmul.f32 v12, v13;
	v13 =	vadd.s32 $0x3F800000, v15;
	v15 =	vadd.f32 $2.401316910e-01, v20  }
0x156: {  	v13 =	vmul.f32 v13, v14;
	v14 =	vadd.s32 $0x3F800000, v18;
	v16 =	vmul.f32 v16, v23;
	[tilespmem:v5+s8+$0x0] =	vst.idx.msk $0xffff, v8  }
0x157: {  	v5 =	vmul.f32 v14, v27;
	v8 =	vmul.f32 v15, v25;
	[tilespmem:v4+s8+$0x0] =	vst.idx.msk $0xffff, v12  }
0x158: {  	v4 =	vadd.f32 $6.931567780e-01, v16;
	[tilespmem:v6+s8+$0x0] =	vst.idx.msk $0xffff, v13  }
0x159: {  	v6 =	vadd.f32 $6.931567780e-01, v8;
	[tilespmem:v7+s8+$0x0] =	vst.idx.msk $0xffff, v5  }
0x15a: {  	v5 =	vshll.u32 v28, $0x17;
	v4 =	vmul.f32 v4, v23;
	[tilespmem:v9+s8+$0x0] =	vst.idx.msk $0xffff, v19  }
0x15b: {  	v7 =	vmov s2;
	v8 =	vshll.u32 v30, $0x17;
	v6 =	vmul.f32 v6, v25  }
0x15c: {  	v7 =	vshll.u32 v7, $0x4;
	v9 =	vadd.s32 $0x3F800000, v8;
	v4 =	vadd.f32 $9.999997610e-01, v4  }
0x15d: {  	v8 =	vor.u32 v2, v7;
	v7 =	vadd.s32 $0x3F800000, v5;
	v6 =	vadd.f32 $9.999997610e-01, v6  }
0x15e: {  	v12 =	vor.u32 $0x8, v8;
	v13 =	vor.u32 $0x9, v8;
	v14 =	vor.u32 $0xA, v8  }
0x15f: {  	v5 =	vor.u32 $0x1, v8;
	v15 =	vor.u32 $0xB, v8;
	v7 =	vmul.f32 v7, v4  }
0x160: {  	v16 =	vor.u32 $0xD, v8;
	v4 =	vor.u32 $0x2, v8;
	v6 =	vmul.f32 v9, v6  }
0x161: {  	v18 =	vor.u32 $0xF, v8;
	[tilespmem:v10+s8+$0x0] =	vst.idx.msk $0xffff, v7  }
0x162: {  	[tilespmem:v11+s8+$0x0] =	vst.idx.msk $0xffff, v6  }
0x163: {  	v9 =	vld.idx.msk [tilespmem:v8+s25+$0x0], $0xffff  }
0x164: {  	v10 =	vld.idx.msk [tilespmem:v14+s8+$0x0], $0xffff  }
0x165: {  	v6 =	vor.u32 $0x3, v8;
	v11 =	vld.idx.msk [tilespmem:v12+s8+$0x0], $0xffff  }
0x166: {  	v12 =	vld.idx.msk [tilespmem:v5+s25+$0x0], $0xffff  }
0x167: {  	v17 =	vor.u32 $0xC, v8;
	v14 =	vld.idx.msk [tilespmem:v4+s25+$0x0], $0xffff  }
0x168: {  	v7 =	vor.u32 $0x4, v8;
	v13 =	vld.idx.msk [tilespmem:v13+s8+$0x0], $0xffff  }
0x169: {  	v15 =	vld.idx.msk [tilespmem:v15+s8+$0x0], $0xffff  }
0x16a: {  	v19 =	vld.idx.msk [tilespmem:v6+s25+$0x0], $0xffff  }
0x16b: {  	v11 =	vadd.f32 v11, v9  }
0x16c: {  	v17 =	vld.idx.msk [tilespmem:v17+s8+$0x0], $0xffff  }
0x16d: {  	v9 =	vor.u32 $0x5, v8;
	v10 =	vadd.f32 v10, v14;
	v20 =	vmul.f32 $2.000000030e-01, v11;
	v14 =	vld.idx.msk [tilespmem:v7+s25+$0x0], $0xffff  }
0x16e: {  	v12 =	vadd.f32 v13, v12  }
0x16f: {  	v11 =	vmax.f32 v11, v20;
	v13 =	vmul.f32 $2.000000030e-01, v10  }
0x170: {  	v15 =	vadd.f32 v15, v19;
	v19 =	vmul.f32 $1.442695020e+00, v11;
	v11 =	vmul.f32 $2.000000030e-01, v12  }
0x171: {  	v20 =	vor.u32 $0xE, v8;
	v10 =	vmax.f32 v10, v13  }
0x172: {  	v21 =	vtrunc.f32 v19;
	v11 =	vmax.f32 v12, v11;
	v12 =	vmul.f32 $2.000000030e-01, v15;
	v13 =	vld.idx.msk [tilespmem:v9+s25+$0x0], $0xffff  }
0x173: {  	v14 =	vadd.f32 v17, v14;
	v17 =	vcvt.f32.s32 v21;
	v22 =	vmul.f32 $1.442695020e+00, v11;
	v16 =	vld.idx.msk [tilespmem:v16+s8+$0x0], $0xffff  }
0x174: {  	vm0 =	vlt.f32 v19, v21;
	v21 =	vmul.f32 $1.442695020e+00, v10;
	v11 =	vmax.f32 v15, v12  }
0x175: {  	v12 =	vsel vm0, $0xFFFFFFFF, v3;
	v15 =	vtrunc.f32 v22;
	v23 =	vmul.f32 $2.000000030e-01, v14  }
0x176: {  	v10 =	vor.u32 $0x6, v8;
	v24 =	vcvt.f32.s32 v15;
	vm0 =	vlt.f32 v22, v15  }
0x177: {  	v25 =	vtrunc.f32 v21;
	v15 =	vsel vm0, $0xFFFFFFFF, v3;
	v14 =	vmax.f32 v14, v23  }
0x178: {  	v23 =	vcvt.f32.s32 v25;
	vm0 =	vlt.f32 v21, v25;
	v15 =	vadd.s32 v24, v15  }
0x179: {  	v14 =	vmul.f32 $1.442695020e+00, v14;
	v13 =	vadd.f32 v16, v13;
	v16 =	vcvt.s32.f32 v15  }
0x17a: {  	v12 =	vadd.s32 v17, v12;
	v27 =	vmul.f32 $1.442695020e+00, v11;
	v17 =	vsel vm0, $0xFFFFFFFF, v3  }
0x17b: {  	v11 =	vor.u32 $0x7, v8;
	v24 =	vtrunc.f32 v14;
	v25 =	vmul.f32 $2.000000030e-01, v13  }
0x17c: {  	v26 =	vcvt.s32.f32 v12;
	v23 =	vadd.s32 v23, v17;
	v28 =	vcvt.f32.s32 v24  }
0x17d: {  	v30 =	vcvt.s32.f32 v23;
	vm0 =	vlt.f32 v14, v24;
	v24 =	vmax.f32 v13, v25;
	v29 =	vld.idx.msk [tilespmem:v10+s25+$0x0], $0xffff  }
0x17e: {  	v17 =	vsub.f32 v19, v26;
	v19 =	vshll.u32 v12, $0x17;
	v12 =	vsel vm0, $0xFFFFFFFF, v3;
	v20 =	vld.idx.msk [tilespmem:v20+s8+$0x0], $0xffff  }
0x17f: {  	v13 =	vsub.f32 v21, v30;
	v25 =	vadd.s32 v28, v12;
	v21 =	vmul.f32 $1.442695020e+00, v24  }
0x180: {  	v12 =	vshll.u32 v23, $0x17;
	v23 =	vtrunc.f32 v27;
	v24 =	vcvt.s32.f32 v25  }
0x181: {  	v12 =	vadd.s32 $0x3F800000, v12;
	vm0 =	vlt.f32 v27, v23;
	v26 =	vtrunc.f32 v21  }
0x182: {  	v28 =	vmul.f32 $1.894379380e-03, v17;
	v30 =	vsel vm0, $0xFFFFFFFF, v3;
	v32 =	vsub.f32 v14, v24  }
0x183: {  	v14 =	vshll.u32 v15, $0x17;
	vm0 =	vlt.f32 v21, v26  }
0x184: {  	v15 =	vmul.f32 $1.894379380e-03, v13;
	v24 =	vmul.f32 $1.894379380e-03, v32;
	v20 =	vadd.f32 v20, v29;
	v18 =	vld.idx.msk [tilespmem:v18+s8+$0x0], $0xffff  }
0x185: {  	v28 =	vadd.f32 $8.940582160e-03, v28;
	v14 =	vadd.s32 $0x3F800000, v14;
	v31 =	vsel vm0, $0xFFFFFFFF, v3;
	v29 =	vld.idx.msk [tilespmem:v11+s25+$0x0], $0xffff  }
0x186: {  	v16 =	vsub.f32 v22, v16;
	v22 =	vcvt.f32.s32 v23;
	v23 =	vadd.f32 $8.940582160e-03, v24  }
0x187: {  	v28 =	vmul.f32 v28, v17;
	v26 =	vcvt.f32.s32 v26;
	v24 =	vadd.f32 $8.940582160e-03, v15  }
0x188: {  	v19 =	vadd.s32 $0x3F800000, v19;
	v23 =	vmul.f32 v23, v32;
	v33 =	vmul.f32 $2.000000030e-01, v20  }
0x189: {  	v34 =	vmul.f32 $1.894379380e-03, v16;
	v15 =	vadd.s32 v22, v30;
	v22 =	vadd.s32 v26, v31  }
0x18a: {  	v35 =	vcvt.s32.f32 v15;
	v24 =	vmul.f32 v24, v13;
	v23 =	vadd.f32 $5.587655680e-02, v23  }
0x18b: {  	v26 =	vadd.f32 $8.940582160e-03, v34;
	v20 =	vmax.f32 v20, v33;
	v18 =	vadd.f32 v18, v29  }
0x18c: {  	v24 =	vadd.f32 $5.587655680e-02, v24;
	v29 =	vmul.f32 v23, v32;
	v23 =	vmul.f32 $1.442695020e+00, v20  }
0x18d: {  	v20 =	vadd.f32 $5.587655680e-02, v28;
	v28 =	vcvt.s32.f32 v22;
	v30 =	vmul.f32 $2.000000030e-01, v18  }
0x18e: {  	v26 =	vmul.f32 v26, v16;
	v31 =	vadd.f32 $2.401316910e-01, v29;
	v33 =	vtrunc.f32 v23  }
0x18f: {  	v29 =	vmul.f32 v20, v17;
	v21 =	vsub.f32 v21, v28;
	v20 =	vmax.f32 v18, v30  }
.Ltmp9:
0x190: {  	v30 =	vmul.f32 v31, v32;
	v18 =	vshll.u32 v25, $0x17;
	v25 =	vmul.f32 $1.442695020e+00, v20;
	(pc) =	sbr.rel @p1 .LBB2_21-.Ltmp9, $4  }
0x191: {  	v28 =	vcvt.f32.s32 v33;
	v31 =	vmul.f32 $1.894379380e-03, v21;
	v20 =	vadd.f32 $5.587655680e-02, v26  }
0x192: {  	v22 =	vshll.u32 v22, $0x17;
	v34 =	vadd.f32 $6.931567780e-01, v30;
	v30 =	vtrunc.f32 v25  }
0x193: {  	vm0 =	vlt.f32 v23, v33;
	v31 =	vadd.f32 $8.940582160e-03, v31;
	v26 =	vmul.f32 v20, v16  }
0x194: {  	v20 =	vsub.f32 v27, v35;
	v27 =	vmul.f32 v34, v32;
	vm1 =	vlt.f32 v25, v30  }
0x195: {  	v30 =	vcvt.f32.s32 v30;
	v32 =	vsel vm0, $0xFFFFFFFF, v3  }
0x196: {  	v31 =	vmul.f32 v31, v21;
	v33 =	vsel vm1, $0xFFFFFFFF, v3;
	v28 =	vadd.s32 v28, v32  }
0x197: {  	v29 =	vadd.f32 $2.401316910e-01, v29;
	v30 =	vadd.s32 v30, v33;
	v32 =	vcvt.s32.f32 v28  }
0x198: {  	v26 =	vadd.f32 $2.401316910e-01, v26;
	v48 =	vmul.f32 $1.894379380e-03, v20;
	v34 =	vcvt.s32.f32 v30  }
0x199: {  	v24 =	vmul.f32 v24, v13;
	v31 =	vadd.f32 $5.587655680e-02, v31;
	v23 =	vsub.f32 v23, v32  }
0x19a: {  	v29 =	vmul.f32 v29, v17;
	v49 =	vadd.f32 $8.940582160e-03, v48;
	v25 =	vsub.f32 v25, v34  }
0x19b: {  	v22 =	vadd.s32 $0x3F800000, v22;
	v31 =	vmul.f32 v31, v21;
	v50 =	vmul.f32 $1.894379380e-03, v23  }
0x19c: {  	v29 =	vadd.f32 $6.931567780e-01, v29;
	v32 =	vmul.f32 v49, v20;
	v34 =	vmul.f32 $1.894379380e-03, v25  }
0x19d: {  	v53 =	vmul.f32 v26, v16;
	v31 =	vadd.f32 $2.401316910e-01, v31;
	v51 =	vadd.f32 $8.940582160e-03, v50  }
0x19e: {  	v17 =	vmul.f32 v29, v17;
	v32 =	vadd.f32 $5.587655680e-02, v32;
	v52 =	vadd.f32 $8.940582160e-03, v34  }
0x19f: {  	v24 =	vadd.f32 $2.401316910e-01, v24;
	v31 =	vmul.f32 v31, v21;
	v29 =	vmul.f32 v51, v23  }
0x1a0: {  	v17 =	vadd.f32 $9.999997610e-01, v17;
	v32 =	vmul.f32 v32, v20;
	v33 =	vmul.f32 v52, v25  }
0x1a1: {  	v24 =	vmul.f32 v24, v13;
	v31 =	vadd.f32 $6.931567780e-01, v31;
	v54 =	vadd.f32 $5.587655680e-02, v29  }
0x1a2: {  	v17 =	vmul.f32 v19, v17;
	v55 =	vadd.f32 $2.401316910e-01, v32;
	v57 =	vadd.f32 $5.587655680e-02, v33  }
0x1a3: {  	v24 =	vadd.f32 $6.931567780e-01, v24;
	v56 =	vmul.f32 v31, v21;
	v26 =	vmul.f32 v54, v23  }
0x1a4: {  	v19 =	vadd.f32 $6.931567780e-01, v53;
	v29 =	vmul.f32 v55, v20;
	v31 =	vmul.f32 v57, v25  }
0x1a5: {  	v15 =	vshll.u32 v15, $0x17;
	v13 =	vmul.f32 v24, v13;
	v58 =	vadd.f32 $2.401316910e-01, v26  }
0x1a6: {  	v16 =	vmul.f32 v19, v16;
	v59 =	vadd.f32 $6.931567780e-01, v29;
	v60 =	vadd.f32 $2.401316910e-01, v31  }
0x1a7: {  	v27 =	vadd.f32 $9.999997610e-01, v27;
	v13 =	vadd.f32 $9.999997610e-01, v13;
	v19 =	vmul.f32 v58, v23  }
0x1a8: {  	v16 =	vadd.f32 $9.999997610e-01, v16;
	v61 =	vmul.f32 v59, v20;
	v62 =	vmul.f32 v60, v25  }
0x1a9: {  	[tilespmem:v8+s8+$0x0] =	vst.idx.msk $0xffff, v17;
	v8 =	vmul.f32 v12, v13;
	v21 =	vadd.f32 $9.999997610e-01, v56;
	v19 =	vadd.f32 $6.931567780e-01, v19  }
0x1aa: {  	v14 =	vmul.f32 v14, v16;
	v16 =	vadd.f32 $9.999997610e-01, v61;
	v63 =	vadd.f32 $6.931567780e-01, v62  }
0x1ab: {  	v12 =	vadd.s32 $0x3F800000, v15;
	v21 =	vmul.f32 v22, v21;
	v13 =	vmul.f32 v19, v23  }
0x1ac: {  	v15 =	vadd.s32 $0x3F800000, v18;
	[tilespmem:v5+s8+$0x0] =	vst.idx.msk $0xffff, v14;
	v12 =	vmul.f32 v12, v16;
	v5 =	vmul.f32 v63, v25  }
0x1ad: {  	v14 =	vmul.f32 v15, v27;
	[tilespmem:v4+s8+$0x0] =	vst.idx.msk $0xffff, v8;
	v4 =	vshll.u32 v28, $0x17;
	v8 =	vadd.f32 $9.999997610e-01, v13  }
0x1ae: {  	v4 =	vadd.s32 $0x3F800000, v4;
	[tilespmem:v6+s8+$0x0] =	vst.idx.msk $0xffff, v12;
	v6 =	vshll.u32 v30, $0x17;
	v5 =	vadd.f32 $9.999997610e-01, v5  }
0x1af: {  	[tilespmem:v7+s8+$0x0] =	vst.idx.msk $0xffff, v14;
	v6 =	vadd.s32 $0x3F800000, v6;
	v4 =	vmul.f32 v4, v8  }
0x1b0: {  	[tilespmem:v9+s8+$0x0] =	vst.idx.msk $0xffff, v21;
	v5 =	vmul.f32 v6, v5  }
0x1b1: {  	[tilespmem:v10+s8+$0x0] =	vst.idx.msk $0xffff, v4  }
0x1b2: {  	s3 =	simm.s32 $0x18E30;
	[tilespmem:v11+s8+$0x0] =	vst.idx.msk $0xffff, v5  }
0x1b3: {  	v5 =	vld [tilespmem:s3+$0xFFFFFFF0]  }
0x1b4: {  	s0 =	simm.s32 $0x161A0  }
0x1b5: {  	v7 =	vld [tilespmem:s0+$0xFFFFFFC0]  }
0x1b6: {  	v8 =	vld [tilespmem:s0+$0xFFFFFF90]  }
0x1b7: {  	v11 =	vld [tilespmem:s0+$0xFFFFFFB0]  }
0x1b8: {  	v4 =	vld [tilespmem:s0+$0xFFFFFFE0];
	v9 =	vbroadcast v5, $0x4  }
0x1b9: {  	v10 =	vld [tilespmem:s0+$0xFFFFFFA0];
	v6 =	vbroadcast v5, $0x0  }
0x1ba: {  	v13 =	vbroadcast v5, $0x1;
	v14 =	vmul.f32 v7, v9;
	v7 =	vld [tilespmem:s0+$0xFFFFFF80]  }
0x1bb: {  	v12 =	vbroadcast v5, $0x2;
	v16 =	vbroadcast v5, $0x3;
	v9 =	vld [tilespmem:s0+$0xFFFFFFF0]  }
0x1bc: {  	v15 =	vmul.f32 v8, v13;
	v8 =	vbroadcast v5, $0x5  }
0x1bd: {  	s2 =	simm.s32 $0x0;
	s12 =	simm.s32 $0x161A0;
	s4 =	simm.s32 $0x18E30;
	v13 =	vmul.f32 v11, v16;
	v11 =	vld [tilespmem:s0+$0xFFFFFFD0];
	[tilespmem:s0+$0xFFFFFFC0] =	vst v14;
	v14 =	vbroadcast v5, $0x6  }
.LBB2_23:
0x1be: {  	s2 =	sadd.s32 $0x2, s2;
	[tilespmem:s0+$0xFFFFFF90] =	vst v15;
	v10 =	vmul.f32 v10, v12;
	v5 =	vbroadcast v5, $0x7;
	s3 =	sadd.s32 $0x20, s3;
	s12 =	sadd.s32 $0x100, s12  }
0x1bf: {  	p1 =	slt.u32 s2, $0x4E;
	v6 =	vmul.f32 v6, v7;
	[tilespmem:s0+$0xFFFFFFB0] =	vst v13;
	v4 =	vmul.f32 v4, v14  }
0x1c0: {  	[tilespmem:s0+$0xFFFFFFA0] =	vst v10;
	v5 =	vmul.f32 v9, v5  }
0x1c1: {  	[tilespmem:s0+$0xFFFFFFE0] =	vst v4  }
0x1c2: {  	v4 =	vmul.f32 v11, v8;
	[tilespmem:s0+$0xFFFFFFF0] =	vst v5  }
0x1c3: {  	[tilespmem:s0+$0xFFFFFF80] =	vst v6  }
0x1c4: {  	[tilespmem:s0+$0xFFFFFFD0] =	vst v4;
	v4 =	vld [tilespmem:s0+$0x10]  }
0x1c5: {  	v5 =	vld [tilespmem:s4+$0x0];
	s4 =	smov.u32 s3  }
0x1c6: {  	v6 =	vld [tilespmem:s0+$0x70]  }
0x1c7: {  	v7 =	vld [tilespmem:s0+$0x0]  }
0x1c8: {  	v8 =	vld [tilespmem:s0+$0x20]  }
0x1c9: {  	v9 =	vld [tilespmem:s0+$0x40]  }
0x1ca: {  	v10 =	vbroadcast v5, $0x0;
	v11 =	vld [tilespmem:s0+$0x30];
	v12 =	vbroadcast v5, $0x7  }
0x1cb: {  	v13 =	vbroadcast v5, $0x2;
	v15 =	vbroadcast v5, $0x6;
	v14 =	vld [tilespmem:s0+$0x60]  }
0x1cc: {  	v7 =	vmul.f32 v10, v7;
	v10 =	vbroadcast v5, $0x4;
	v16 =	vld [tilespmem:s0+$0x50]  }
0x1cd: {  	v8 =	vmul.f32 v8, v13;
	v13 =	vbroadcast v5, $0x3  }
0x1ce: {  	[tilespmem:s0+$0x0] =	vst v7;
	v7 =	vbroadcast v5, $0x1;
	v9 =	vmul.f32 v9, v10  }
0x1cf: {  	v5 =	vbroadcast v5, $0x5;
	[tilespmem:s0+$0x20] =	vst v8;
	v8 =	vmul.f32 v11, v13  }
0x1d0: {  	v6 =	vmul.f32 v6, v12;
	[tilespmem:s0+$0x40] =	vst v9;
	v9 =	vmul.f32 v14, v15  }
0x1d1: {  	v4 =	vmul.f32 v4, v7;
	[tilespmem:s0+$0x30] =	vst v8;
	v5 =	vmul.f32 v16, v5  }
0x1d2: {  	[tilespmem:s0+$0x70] =	vst v6  }
0x1d3: {  	[tilespmem:s0+$0x10] =	vst v4  }
0x1d4: {  	[tilespmem:s0+$0x60] =	vst v9  }
0x1d5: {  	[tilespmem:s0+$0x50] =	vst v5;
	s0 =	smov.u32 s12  }
0x1d6: {  	v5 =	vld [tilespmem:s3+$0xFFFFFFF0]  }
0x1d7: {  	v4 =	vld [tilespmem:s12+$0xFFFFFFE0]  }
0x1d8: {  	v8 =	vld [tilespmem:s12+$0xFFFFFFC0]  }
0x1d9: {  	v11 =	vld [tilespmem:s12+$0xFFFFFF90]  }
0x1da: {  	v13 =	vld [tilespmem:s12+$0xFFFFFFB0]  }
.Ltmp10:
0x1db: {  	v6 =	vbroadcast v5, $0x0;
	v10 =	vld [tilespmem:s12+$0xFFFFFFA0];
	v9 =	vbroadcast v5, $0x4;
	(pc) =	sbr.rel @p1 .LBB2_23-.Ltmp10, $4  }
0x1dc: {  	v14 =	vbroadcast v5, $0x1;
	v12 =	vbroadcast v5, $0x2;
	v7 =	vld [tilespmem:s12+$0xFFFFFF80]  }
0x1dd: {  	v16 =	vbroadcast v5, $0x3;
	v17 =	vmul.f32 v8, v9;
	v9 =	vld [tilespmem:s12+$0xFFFFFFF0]  }
0x1de: {  	v8 =	vbroadcast v5, $0x5;
	v15 =	vmul.f32 v11, v14  }
0x1df: {  	v14 =	vbroadcast v5, $0x6;
	v13 =	vmul.f32 v13, v16;
	[tilespmem:s12+$0xFFFFFFC0] =	vst v17;
	v11 =	vld [tilespmem:s12+$0xFFFFFFD0]  }
0x1e0: {  	[tilespmem:s0+$0xFFFFFF90] =	vst v15;
	v10 =	vmul.f32 v10, v12  }
0x1e1: {  	v5 =	vbroadcast v5, $0x7;
	[tilespmem:s0+$0xFFFFFFB0] =	vst v13;
	v4 =	vmul.f32 v4, v14  }
0x1e2: {  	v6 =	vmul.f32 v6, v7;
	[tilespmem:s0+$0xFFFFFFA0] =	vst v10  }
0x1e3: {  	v5 =	vmul.f32 v9, v5;
	[tilespmem:s0+$0xFFFFFFE0] =	vst v4  }
0x1e4: {  	[tilespmem:s0+$0xFFFFFF80] =	vst v6;
	v4 =	vmul.f32 v11, v8  }
0x1e5: {  	[tilespmem:s0+$0xFFFFFFF0] =	vst v5  }
0x1e6: {  	[tilespmem:s0+$0xFFFFFFD0] =	vst v4  }
0x1e7: {  	v4 =	vld [tilespmem:s4+$0x0];
	_ =	sdelay $0x1  }
0x1e8: {  	v5 =	vld [tilespmem:s0+$0x0]  }
0x1e9: {  	v6 =	vld [tilespmem:s0+$0x20]  }
0x1ea: {  	v7 =	vld [tilespmem:s0+$0x40]  }
0x1eb: {  	v9 =	vld [tilespmem:s0+$0x30];
	v8 =	vbroadcast v4, $0x0  }
0x1ec: {  	v10 =	vld [tilespmem:s0+$0x70];
	v11 =	vbroadcast v4, $0x2  }
0x1ed: {  	v12 =	vld [tilespmem:s0+$0x10];
	v5 =	vmul.f32 v8, v5;
	v8 =	vbroadcast v4, $0x4  }
0x1ee: {  	v13 =	vld [tilespmem:s0+$0x60];
	v6 =	vmul.f32 v6, v11;
	v11 =	vbroadcast v4, $0x3  }
0x1ef: {  	v15 =	vld [tilespmem:s0+$0x50];
	v14 =	vbroadcast v4, $0x7;
	[tilespmem:s0+$0x0] =	vst v5;
	v5 =	vmul.f32 v7, v8  }
0x1f0: {  	v7 =	vbroadcast v4, $0x1;
	[tilespmem:s0+$0x20] =	vst v6;
	v6 =	vmul.f32 v9, v11  }
0x1f1: {  	v8 =	vbroadcast v4, $0x6;
	[tilespmem:s0+$0x40] =	vst v5;
	v5 =	vmul.f32 v10, v14  }
0x1f2: {  	v4 =	vbroadcast v4, $0x5;
	v7 =	vmul.f32 v12, v7;
	[tilespmem:s0+$0x30] =	vst v6  }
0x1f3: {  	v6 =	vmul.f32 v13, v8;
	[tilespmem:s0+$0x70] =	vst v5  }
0x1f4: {  	v4 =	vmul.f32 v15, v4;
	[tilespmem:s0+$0x10] =	vst v7  }
0x1f5: {  	[tilespmem:s0+$0x60] =	vst v6  }
0x1f6: {  	s12 =	rddreg [dreg:$0x2];
	s2 =	simm.s32 $0x16120;
	s3 =	simm.s32 $0x160D0;
	[tilespmem:s0+$0x50] =	vst v4  }
0x1f7: {  	[spmem:s12] =	stream.indirect.scatter.add.f32 [tilespmem:s2], [sflag:$0x5], $0x80, s3, s22, $0xb8;
	[tilespmem:$0x1FA40] =	vst v63  }
0x1f8: {  	s2 =	rddreg [dreg:$0x3]  }
0x1f9: {  	[spmem:s2] =	stream.indirect.scatter.add.f32 [tilespmem:s8], [sflag:$0x6], $0x10, s3, s22, $0xb8;
	[tilespmem:$0x1FA40] =	vst v63  }
0x1fa: {  	_ =	swait.ge [sflag:s10], $0x50  }
0x1fb: {  	[sflag:s10] =	ssyncset.done $0x0  }
0x1fc: {  	[sflag:s10] =	ssyncadd.s32 $0xFFFFFFB0  }
0x1fd: {  	_ =	swait.ge [sflag:s10], $0x50  }
0x1fe: {  	[sflag:s10] =	ssyncset.done $0x0  }
0x1ff: {  	s0 =	simm.s32 @!p0 $0x11;
	[sflag:s10] =	ssyncadd.s32 $0xFFFFFFB0  }
0x200: {  	_ =	swait.ge @!p0 [sflag:s0], $0x2800  }
0x201: {  	[sflag:s0] =	ssyncset.done @!p0 $0x0  }
0x202: {  	[sflag:s0] =	ssyncadd.s32 @!p0 $0xFFFFD800;
	s0 =	simm.s32 @!p0 $0x12  }
0x203: {  	_ =	swait.ge @!p0 [sflag:s0], $0x500  }
0x204: {  	[sflag:s0] =	ssyncset.done @!p0 $0x0  }
0x205: {  	[sflag:s0] =	ssyncadd.s32 @!p0 $0xFFFFFB00  }
0x206: {  	v4 =	vld [tilespmem:$0x1C6B0]  }
0x207: {  	v5 =	vld [tilespmem:$0x1C700];
	_ =	sdelay $0x1  }
0x208: {  	v6 =	vld [tilespmem:$0x1C6C0]  }
0x209: {  	v7 =	vld [tilespmem:$0x1C710];
	_ =	sdelay $0x1  }
0x20a: {  	v8 =	vld [tilespmem:$0x1C6D0];
	v4 =	vadd.s32 v0, v4;
	[tilespmem:$0x1C7F0] =	vst v5  }
0x20b: {  	[tilespmem:$0x1C750] =	vst v4;
	v4 =	vadd.s32 v0, v5  }
0x20c: {  	[tilespmem:$0x1C7A0] =	vst v4;
	v4 =	vld [tilespmem:$0x1C720]  }
0x20d: {  	[tilespmem:$0x1C800] =	vst v7;
	v5 =	vadd.s32 v0, v6;
	v6 =	vld [tilespmem:$0x1C6E0]  }
0x20e: {  	[tilespmem:$0x1C760] =	vst v5;
	v5 =	vadd.s32 v0, v7  }
0x20f: {  	v7 =	vadd.s32 v0, v8;
	[tilespmem:$0x1C7B0] =	vst v5;
	v5 =	vld [tilespmem:$0x1C730]  }
0x210: {  	v8 =	vld [tilespmem:$0x1C6F0];
	[tilespmem:$0x1C770] =	vst v7  }
0x211: {  	v7 =	vadd.s32 v0, v4;
	[tilespmem:$0x1C810] =	vst v4  }
0x212: {  	v4 =	vadd.s32 v0, v6;
	[tilespmem:$0x1C7C0] =	vst v7;
	v7 =	vld [tilespmem:$0x1C740]  }
0x213: {  	[tilespmem:$0x1C780] =	vst v4  }
0x214: {  	v4 =	vadd.s32 v0, v5;
	[tilespmem:$0x1C820] =	vst v5  }
0x215: {  	[tilespmem:$0x1C7D0] =	vst v4;
	v4 =	vadd.s32 v0, v8  }
0x216: {  	[tilespmem:$0x1C790] =	vst v4  }
0x217: {  	v4 =	vadd.s32 v0, v7;
	[tilespmem:$0x1C830] =	vst v7  }
0x218: {  	s4 =	simm.s32 $0x1C840;
	s3 =	simm.s32 $0x1C750;
	s2 =	rddreg [dreg:$0xa];
	[tilespmem:$0x1C7E0] =	vst v4  }
0x219: {  	[tilespmem:s4], [sflag:$0xE] =	stream.indirect.gather [hbm4b:s6+s22], $0x80, s3, s22, $0xb8;
	[tilespmem:$0x1FA40] =	vst v63  }
0x21a: {  	s0 =	sadd.s32 s23, s2  }
0x21b: {  	[tilespmem:s16], [sflag:$0xF] =	stream.indirect.gather [hbm4b:s7+s22], $0x10, s3, s22, $0xb8;
	[tilespmem:$0x1FA40] =	vst v63  }
0x21c: {  	s12 =	simm.s32 $0x1C7A0;
	s0 =	sshrl.u32 s0, $0x3;
	s3 =	rddreg [dreg:$0x0]  }
0x21d: {  	[tilespmem:s5], [sflag:$0x10] =	stream.indirect.gather [hbm4b:s7+s22], $0x10, s12, s22, $0xb8;
	[tilespmem:$0x1FA40] =	vst v63  }
0x21e: {  	s2 =	simm.s32 $0x0;
	s4 =	simm.s32 $0x15F90;
	s0 =	sadd.s32 s3, s0  }
0x21f: {  	[tilespmem:s4], [sflag:$0x1] =	stream.linear.gather [hbm4b:s0+s2], $0x50, $0x38;
	[tilespmem:$0x1FA40] =	vst v63  }
0x220: {  	s3 =	simm.s32 $0x8;
	s12 =	simm.s32 $0x15FE0;
	s0 =	sadd.s32 $0x9C40, s0  }
0x221: {  	[tilespmem:s12], [sflag:$0x1] =	stream.linear.gather [hbm4b:s0+s2], $0x50, $0x38;
	[tilespmem:$0x1FA40] =	vst v63  }
0x222: {  	_ =	swait.ge [sflag:s3], $0x2800  }
0x223: {  	[sflag:s3] =	ssyncset.done $0x0  }
0x224: {  	v4 =	vmov s2;
	s4 =	simm.s32 $0x9;
	[sflag:s3] =	ssyncadd.s32 $0xFFFFD800  }
0x225: {  	v4 =	vshll.u32 v4, $0x4;
	_ =	swait.ge [sflag:s4], $0x500  }
0x226: {  	v8 =	vor.u32 v2, v4;
	[sflag:s4] =	ssyncset.done $0x0  }
0x227: {  	v6 =	vor.u32 $0xA, v8;
	s12 =	simm.s32 $0xA;
	[sflag:s4] =	ssyncadd.s32 $0xFFFFFB00  }
0x228: {  	v7 =	vor.u32 $0x8, v8;
	_ =	swait.ge [sflag:s12], $0x500  }
0x229: {  	v5 =	vor.u32 $0x1, v8;
	[sflag:s12] =	ssyncset.done $0x0  }
0x22a: {  	v4 =	vor.u32 $0x2, v8;
	[sflag:s12] =	ssyncadd.s32 $0xFFFFFB00  }
0x22b: {  	v9 =	vor.u32 $0x9, v8;
	v10 =	vld.idx.msk [tilespmem:v8+s19+$0x0], $0xffff  }
0x22c: {  	v11 =	vld.idx.msk [tilespmem:v6+s20+$0x0], $0xffff  }
0x22d: {  	v12 =	vor.u32 $0xB, v8;
	v13 =	vld.idx.msk [tilespmem:v7+s20+$0x0], $0xffff  }
0x22e: {  	v6 =	vor.u32 $0x3, v8;
	v14 =	vld.idx.msk [tilespmem:v5+s19+$0x0], $0xffff  }
0x22f: {  	v16 =	vor.u32 $0xC, v8;
	v15 =	vld.idx.msk [tilespmem:v4+s19+$0x0], $0xffff  }
0x230: {  	v17 =	vld.idx.msk [tilespmem:v9+s20+$0x0], $0xffff;
	v7 =	vor.u32 $0x4, v8;
	_ =	sdelay $0x1  }
0x231: {  	v12 =	vld.idx.msk [tilespmem:v12+s20+$0x0], $0xffff;
	v10 =	vadd.f32 v13, v10  }
0x232: {  	v13 =	vld.idx.msk [tilespmem:v6+s19+$0x0], $0xffff  }
0x233: {  	v16 =	vld.idx.msk [tilespmem:v16+s20+$0x0], $0xffff;
	v11 =	vadd.f32 v11, v15;
	v15 =	vmul.f32 $2.000000030e-01, v10  }
0x234: {  	v18 =	vld.idx.msk [tilespmem:v7+s19+$0x0], $0xffff;
	v14 =	vadd.f32 v17, v14;
	v17 =	vor.u32 $0xD, v8  }
0x235: {  	v9 =	vor.u32 $0x5, v8;
	v10 =	vmax.f32 v10, v15;
	v15 =	vmul.f32 $2.000000030e-01, v11  }
0x236: {  	v19 =	vmul.f32 $1.442695020e+00, v10;
	v10 =	vmul.f32 $2.000000030e-01, v14  }
0x237: {  	v20 =	vor.u32 $0xF, v8;
	v12 =	vadd.f32 v12, v13;
	v13 =	vor.u32 $0xE, v8  }
0x238: {  	v11 =	vmax.f32 v11, v15;
	v15 =	vtrunc.f32 v19;
	v10 =	vmax.f32 v14, v10  }
0x239: {  	v16 =	vadd.f32 v16, v18;
	v17 =	vld.idx.msk [tilespmem:v17+s20+$0x0], $0xffff;
	v21 =	vmul.f32 $2.000000030e-01, v12;
	v18 =	vmul.f32 $1.442695020e+00, v10  }
0x23a: {  	v14 =	vld.idx.msk [tilespmem:v9+s19+$0x0], $0xffff;
	v22 =	vcvt.f32.s32 v15;
	vm0 =	vlt.f32 v19, v15;
	v15 =	vmul.f32 $1.442695020e+00, v11  }
0x23b: {  	v11 =	vmax.f32 v12, v21;
	v12 =	vsel vm0, $0xFFFFFFFF, v3;
	v21 =	vmul.f32 $2.000000030e-01, v16  }
0x23c: {  	v10 =	vtrunc.f32 v18;
	v25 =	vtrunc.f32 v15;
	v12 =	vadd.s32 v22, v12  }
0x23d: {  	v27 =	vmul.f32 $1.442695020e+00, v11;
	v11 =	vor.u32 $0x7, v8;
	v23 =	vcvt.f32.s32 v10  }
0x23e: {  	vm0 =	vlt.f32 v18, v10;
	v10 =	vor.u32 $0x6, v8;
	v16 =	vmax.f32 v16, v21  }
0x23f: {  	v24 =	vsel vm0, $0xFFFFFFFF, v3;
	vm0 =	vlt.f32 v15, v25;
	v14 =	vadd.f32 v17, v14  }
0x240: {  	v16 =	vmul.f32 $1.442695020e+00, v16;
	v21 =	vadd.s32 v23, v24;
	v23 =	vcvt.f32.s32 v25  }
0x241: {  	v26 =	vcvt.s32.f32 v12;
	v17 =	vsel vm0, $0xFFFFFFFF, v3;
	v24 =	vcvt.s32.f32 v21  }
0x242: {  	v22 =	vtrunc.f32 v16;
	v25 =	vmul.f32 $2.000000030e-01, v14;
	v23 =	vadd.s32 v23, v17  }
0x243: {  	v28 =	vcvt.f32.s32 v22;
	vm0 =	vlt.f32 v16, v22;
	v17 =	vsub.f32 v19, v26  }
0x244: {  	v26 =	vshll.u32 v12, $0x17;
	v22 =	vld.idx.msk [tilespmem:v10+s19+$0x0], $0xffff;
	v14 =	vmax.f32 v14, v25;
	v19 =	vsel vm0, $0xFFFFFFFF, v3  }
0x245: {  	v29 =	vcvt.s32.f32 v23;
	v25 =	vld.idx.msk [tilespmem:v13+s20+$0x0], $0xffff;
	v28 =	vadd.s32 v28, v19;
	v30 =	vmul.f32 $1.442695020e+00, v14  }
0x246: {  	v20 =	vld.idx.msk [tilespmem:v20+s20+$0x0], $0xffff;
	v12 =	vshll.u32 v23, $0x17;
	v19 =	vtrunc.f32 v27;
	v14 =	vcvt.s32.f32 v28  }
0x247: {  	v33 =	vld.idx.msk [tilespmem:v11+s19+$0x0], $0xffff;
	v23 =	vmul.f32 $1.894379380e-03, v17;
	v13 =	vsub.f32 v15, v29;
	vm0 =	vlt.f32 v27, v19  }
0x248: {  	v15 =	vtrunc.f32 v30;
	v29 =	vsel vm0, $0xFFFFFFFF, v3;
	v32 =	vsub.f32 v16, v14  }
0x249: {  	v23 =	vadd.f32 $8.940582160e-03, v23;
	v14 =	vshll.u32 v21, $0x17;
	vm0 =	vlt.f32 v30, v15  }
0x24a: {  	v16 =	vsub.f32 v18, v24;
	v21 =	vadd.f32 v25, v22;
	v25 =	vmul.f32 $1.894379380e-03, v32  }
0x24b: {  	v18 =	vcvt.f32.s32 v19;
	v19 =	vadd.s32 $0x3F800000, v26;
	v22 =	vmul.f32 $1.894379380e-03, v13  }
0x24c: {  	v20 =	vadd.f32 v20, v33;
	v34 =	vmul.f32 $1.894379380e-03, v16;
	v24 =	vadd.f32 $8.940582160e-03, v25  }
0x24d: {  	v22 =	vadd.f32 $8.940582160e-03, v22;
	v26 =	vmul.f32 $2.000000030e-01, v21;
	v25 =	vmul.f32 v23, v17  }
0x24e: {  	v31 =	vsel vm0, $0xFFFFFFFF, v3;
	v23 =	vcvt.f32.s32 v15;
	v24 =	vmul.f32 v24, v32  }
0x24f: {  	v15 =	vadd.s32 v18, v29;
	v29 =	vadd.f32 $8.940582160e-03, v34;
	v18 =	vmul.f32 v22, v13  }
0x250: {  	v35 =	vcvt.s32.f32 v15;
	v21 =	vmax.f32 v21, v26;
	v22 =	vadd.f32 $5.587655680e-02, v24  }
0x251: {  	v31 =	vadd.s32 v23, v31;
	v23 =	vmul.f32 $1.442695020e+00, v21;
	v21 =	vadd.f32 $5.587655680e-02, v25  }
0x252: {  	v25 =	vmul.f32 $2.000000030e-01, v20;
	v24 =	vadd.f32 $5.587655680e-02, v18;
	v18 =	vmul.f32 v22, v32  }
0x253: {  	v12 =	vadd.s32 $0x3F800000, v12;
	v26 =	vmul.f32 v29, v16;
	v22 =	vcvt.s32.f32 v31  }
0x254: {  	v29 =	vmul.f32 v21, v17;
	v20 =	vmax.f32 v20, v25;
	v18 =	vadd.f32 $2.401316910e-01, v18  }
0x255: {  	v25 =	vmul.f32 $1.442695020e+00, v20;
	v20 =	vadd.f32 $5.587655680e-02, v26;
	v21 =	vsub.f32 v30, v22  }
0x256: {  	v14 =	vadd.s32 $0x3F800000, v14;
	v62 =	vtrunc.f32 v23;
	v22 =	vmul.f32 v18, v32  }
0x257: {  	vm0 =	vlt.f32 v23, v62;
	v26 =	vmul.f32 v20, v16;
	v63 =	vmul.f32 $1.894379380e-03, v21  }
0x258: {  	v20 =	vsub.f32 v27, v35;
	v30 =	vtrunc.f32 v25;
	v36 =	vadd.f32 $6.931567780e-01, v22  }
0x259: {  	vm1 =	vlt.f32 v25, v30;
	v22 =	vshll.u32 v31, $0x17;
	v31 =	vadd.f32 $8.940582160e-03, v63  }
0x25a: {  	s0 =	simm.s32 $0x10;
	v18 =	vshll.u32 v28, $0x17;
	v28 =	vcvt.f32.s32 v62;
	v27 =	vmul.f32 v36, v32  }
.LBB2_25:
0x25b: {  	p0 =	sne.s32 s0, $0x40;
	v29 =	vadd.f32 $2.401316910e-01, v29;
	v31 =	vmul.f32 v31, v21;
	v32 =	vsel vm1, $0xFFFFFFFF, v3;
	s2 =	smov.u32 s0;
	s0 =	sadd.s32 $0x10, s0  }
0x25c: {  	v30 =	vcvt.f32.s32 v30;
	v33 =	vmul.f32 $1.894379380e-03, v20;
	v27 =	vadd.f32 $9.999997610e-01, v27  }
0x25d: {  	v34 =	vsel vm0, $0xFFFFFFFF, v3;
	v29 =	vmul.f32 v29, v17;
	v31 =	vadd.f32 $5.587655680e-02, v31  }
0x25e: {  	v24 =	vmul.f32 v24, v13;
	v30 =	vadd.s32 v30, v32;
	v33 =	vadd.f32 $8.940582160e-03, v33  }
0x25f: {  	v28 =	vadd.s32 v28, v34;
	v29 =	vadd.f32 $6.931567780e-01, v29;
	v31 =	vmul.f32 v31, v21  }
0x260: {  	v24 =	vadd.f32 $2.401316910e-01, v24;
	v32 =	vmul.f32 v33, v20;
	v33 =	vcvt.s32.f32 v28  }
0x261: {  	v17 =	vmul.f32 v29, v17;
	v29 =	vadd.f32 $2.401316910e-01, v31;
	v31 =	vcvt.s32.f32 v30  }
0x262: {  	v24 =	vmul.f32 v24, v13;
	v32 =	vadd.f32 $5.587655680e-02, v32;
	v23 =	vsub.f32 v23, v33  }
0x263: {  	v17 =	vadd.f32 $9.999997610e-01, v17;
	v29 =	vmul.f32 v29, v21;
	v25 =	vsub.f32 v25, v31  }
0x264: {  	v26 =	vadd.f32 $2.401316910e-01, v26;
	v31 =	vmul.f32 v32, v20;
	v32 =	vmul.f32 $1.894379380e-03, v23  }
0x265: {  	v17 =	vmul.f32 v19, v17;
	v19 =	vadd.f32 $6.931567780e-01, v29;
	v29 =	vmul.f32 $1.894379380e-03, v25  }
0x266: {  	v26 =	vmul.f32 v26, v16;
	v31 =	vadd.f32 $2.401316910e-01, v31;
	v32 =	vadd.f32 $8.940582160e-03, v32  }
0x267: {  	v19 =	vmul.f32 v19, v21;
	v21 =	vadd.s32 $0x3F800000, v22;
	v22 =	vadd.f32 $8.940582160e-03, v29;
	[tilespmem:v8+s20+$0x0] =	vst.idx.msk $0xffff, v17  }
0x268: {  	v8 =	vadd.f32 $6.931567780e-01, v26;
	v17 =	vmul.f32 v31, v20;
	v26 =	vmul.f32 v32, v23  }
0x269: {  	v24 =	vadd.f32 $6.931567780e-01, v24;
	v19 =	vadd.f32 $9.999997610e-01, v19;
	v22 =	vmul.f32 v22, v25  }
0x26a: {  	v8 =	vmul.f32 v8, v16;
	v16 =	vadd.f32 $6.931567780e-01, v17;
	v17 =	vadd.f32 $5.587655680e-02, v26  }
0x26b: {  	v13 =	vmul.f32 v24, v13;
	v19 =	vmul.f32 v21, v19;
	v21 =	vadd.f32 $5.587655680e-02, v22  }
0x26c: {  	v8 =	vadd.f32 $9.999997610e-01, v8;
	v16 =	vmul.f32 v16, v20;
	v17 =	vmul.f32 v17, v23  }
0x26d: {  	v15 =	vshll.u32 v15, $0x17;
	v13 =	vadd.f32 $9.999997610e-01, v13;
	v20 =	vmul.f32 v21, v25  }
0x26e: {  	v8 =	vmul.f32 v14, v8;
	v14 =	vadd.f32 $9.999997610e-01, v16;
	v16 =	vadd.f32 $2.401316910e-01, v17  }
0x26f: {  	v12 =	vmul.f32 v12, v13;
	v13 =	vadd.s32 $0x3F800000, v15;
	v15 =	vadd.f32 $2.401316910e-01, v20  }
0x270: {  	v13 =	vmul.f32 v13, v14;
	v14 =	vadd.s32 $0x3F800000, v18;
	v16 =	vmul.f32 v16, v23;
	[tilespmem:v5+s20+$0x0] =	vst.idx.msk $0xffff, v8  }
0x271: {  	v5 =	vmul.f32 v14, v27;
	v8 =	vmul.f32 v15, v25;
	[tilespmem:v4+s20+$0x0] =	vst.idx.msk $0xffff, v12  }
0x272: {  	v4 =	vadd.f32 $6.931567780e-01, v16;
	[tilespmem:v6+s20+$0x0] =	vst.idx.msk $0xffff, v13  }
0x273: {  	v6 =	vadd.f32 $6.931567780e-01, v8;
	[tilespmem:v7+s20+$0x0] =	vst.idx.msk $0xffff, v5  }
0x274: {  	v5 =	vshll.u32 v28, $0x17;
	v4 =	vmul.f32 v4, v23;
	[tilespmem:v9+s20+$0x0] =	vst.idx.msk $0xffff, v19  }
0x275: {  	v7 =	vmov s2;
	v8 =	vshll.u32 v30, $0x17;
	v6 =	vmul.f32 v6, v25  }
0x276: {  	v7 =	vshll.u32 v7, $0x4;
	v9 =	vadd.s32 $0x3F800000, v8;
	v4 =	vadd.f32 $9.999997610e-01, v4  }
0x277: {  	v8 =	vor.u32 v2, v7;
	v7 =	vadd.s32 $0x3F800000, v5;
	v6 =	vadd.f32 $9.999997610e-01, v6  }
0x278: {  	v12 =	vor.u32 $0x8, v8;
	v13 =	vor.u32 $0x9, v8;
	v14 =	vor.u32 $0xA, v8  }
0x279: {  	v5 =	vor.u32 $0x1, v8;
	v15 =	vor.u32 $0xB, v8;
	v7 =	vmul.f32 v7, v4  }
0x27a: {  	v16 =	vor.u32 $0xD, v8;
	v4 =	vor.u32 $0x2, v8;
	v6 =	vmul.f32 v9, v6  }
0x27b: {  	v18 =	vor.u32 $0xF, v8;
	[tilespmem:v10+s20+$0x0] =	vst.idx.msk $0xffff, v7  }
0x27c: {  	[tilespmem:v11+s20+$0x0] =	vst.idx.msk $0xffff, v6  }
0x27d: {  	v9 =	vld.idx.msk [tilespmem:v8+s19+$0x0], $0xffff  }
0x27e: {  	v10 =	vld.idx.msk [tilespmem:v14+s20+$0x0], $0xffff  }
0x27f: {  	v6 =	vor.u32 $0x3, v8;
	v11 =	vld.idx.msk [tilespmem:v12+s20+$0x0], $0xffff  }
0x280: {  	v12 =	vld.idx.msk [tilespmem:v5+s19+$0x0], $0xffff  }
0x281: {  	v17 =	vor.u32 $0xC, v8;
	v14 =	vld.idx.msk [tilespmem:v4+s19+$0x0], $0xffff  }
0x282: {  	v7 =	vor.u32 $0x4, v8;
	v13 =	vld.idx.msk [tilespmem:v13+s20+$0x0], $0xffff  }
0x283: {  	v15 =	vld.idx.msk [tilespmem:v15+s20+$0x0], $0xffff  }
0x284: {  	v19 =	vld.idx.msk [tilespmem:v6+s19+$0x0], $0xffff  }
0x285: {  	v11 =	vadd.f32 v11, v9  }
0x286: {  	v17 =	vld.idx.msk [tilespmem:v17+s20+$0x0], $0xffff  }
0x287: {  	v9 =	vor.u32 $0x5, v8;
	v10 =	vadd.f32 v10, v14;
	v20 =	vmul.f32 $2.000000030e-01, v11;
	v14 =	vld.idx.msk [tilespmem:v7+s19+$0x0], $0xffff  }
0x288: {  	v12 =	vadd.f32 v13, v12  }
0x289: {  	v11 =	vmax.f32 v11, v20;
	v13 =	vmul.f32 $2.000000030e-01, v10  }
0x28a: {  	v15 =	vadd.f32 v15, v19;
	v19 =	vmul.f32 $1.442695020e+00, v11;
	v11 =	vmul.f32 $2.000000030e-01, v12  }
0x28b: {  	v20 =	vor.u32 $0xE, v8;
	v10 =	vmax.f32 v10, v13  }
0x28c: {  	v21 =	vtrunc.f32 v19;
	v11 =	vmax.f32 v12, v11;
	v12 =	vmul.f32 $2.000000030e-01, v15;
	v13 =	vld.idx.msk [tilespmem:v9+s19+$0x0], $0xffff  }
0x28d: {  	v14 =	vadd.f32 v17, v14;
	v17 =	vcvt.f32.s32 v21;
	v22 =	vmul.f32 $1.442695020e+00, v11;
	v16 =	vld.idx.msk [tilespmem:v16+s20+$0x0], $0xffff  }
0x28e: {  	vm0 =	vlt.f32 v19, v21;
	v21 =	vmul.f32 $1.442695020e+00, v10;
	v11 =	vmax.f32 v15, v12  }
0x28f: {  	v12 =	vsel vm0, $0xFFFFFFFF, v3;
	v15 =	vtrunc.f32 v22;
	v23 =	vmul.f32 $2.000000030e-01, v14  }
0x290: {  	v10 =	vor.u32 $0x6, v8;
	v24 =	vcvt.f32.s32 v15;
	vm0 =	vlt.f32 v22, v15  }
0x291: {  	v25 =	vtrunc.f32 v21;
	v15 =	vsel vm0, $0xFFFFFFFF, v3;
	v14 =	vmax.f32 v14, v23  }
0x292: {  	v23 =	vcvt.f32.s32 v25;
	vm0 =	vlt.f32 v21, v25;
	v15 =	vadd.s32 v24, v15  }
0x293: {  	v14 =	vmul.f32 $1.442695020e+00, v14;
	v13 =	vadd.f32 v16, v13;
	v16 =	vcvt.s32.f32 v15  }
0x294: {  	v12 =	vadd.s32 v17, v12;
	v27 =	vmul.f32 $1.442695020e+00, v11;
	v17 =	vsel vm0, $0xFFFFFFFF, v3  }
0x295: {  	v11 =	vor.u32 $0x7, v8;
	v24 =	vtrunc.f32 v14;
	v25 =	vmul.f32 $2.000000030e-01, v13  }
0x296: {  	v26 =	vcvt.s32.f32 v12;
	v23 =	vadd.s32 v23, v17;
	v28 =	vcvt.f32.s32 v24  }
0x297: {  	v30 =	vcvt.s32.f32 v23;
	vm0 =	vlt.f32 v14, v24;
	v24 =	vmax.f32 v13, v25;
	v29 =	vld.idx.msk [tilespmem:v10+s19+$0x0], $0xffff  }
0x298: {  	v17 =	vsub.f32 v19, v26;
	v19 =	vshll.u32 v12, $0x17;
	v12 =	vsel vm0, $0xFFFFFFFF, v3;
	v20 =	vld.idx.msk [tilespmem:v20+s20+$0x0], $0xffff  }
0x299: {  	v13 =	vsub.f32 v21, v30;
	v25 =	vadd.s32 v28, v12;
	v21 =	vmul.f32 $1.442695020e+00, v24  }
0x29a: {  	v12 =	vshll.u32 v23, $0x17;
	v23 =	vtrunc.f32 v27;
	v24 =	vcvt.s32.f32 v25  }
0x29b: {  	v12 =	vadd.s32 $0x3F800000, v12;
	vm0 =	vlt.f32 v27, v23;
	v26 =	vtrunc.f32 v21  }
0x29c: {  	v28 =	vmul.f32 $1.894379380e-03, v17;
	v30 =	vsel vm0, $0xFFFFFFFF, v3;
	v32 =	vsub.f32 v14, v24  }
0x29d: {  	v14 =	vshll.u32 v15, $0x17;
	vm0 =	vlt.f32 v21, v26  }
0x29e: {  	v15 =	vmul.f32 $1.894379380e-03, v13;
	v24 =	vmul.f32 $1.894379380e-03, v32;
	v20 =	vadd.f32 v20, v29;
	v18 =	vld.idx.msk [tilespmem:v18+s20+$0x0], $0xffff  }
0x29f: {  	v28 =	vadd.f32 $8.940582160e-03, v28;
	v14 =	vadd.s32 $0x3F800000, v14;
	v31 =	vsel vm0, $0xFFFFFFFF, v3;
	v29 =	vld.idx.msk [tilespmem:v11+s19+$0x0], $0xffff  }
0x2a0: {  	v16 =	vsub.f32 v22, v16;
	v22 =	vcvt.f32.s32 v23;
	v23 =	vadd.f32 $8.940582160e-03, v24  }
0x2a1: {  	v28 =	vmul.f32 v28, v17;
	v26 =	vcvt.f32.s32 v26;
	v24 =	vadd.f32 $8.940582160e-03, v15  }
0x2a2: {  	v19 =	vadd.s32 $0x3F800000, v19;
	v23 =	vmul.f32 v23, v32;
	v33 =	vmul.f32 $2.000000030e-01, v20  }
0x2a3: {  	v34 =	vmul.f32 $1.894379380e-03, v16;
	v15 =	vadd.s32 v22, v30;
	v22 =	vadd.s32 v26, v31  }
0x2a4: {  	v35 =	vcvt.s32.f32 v15;
	v24 =	vmul.f32 v24, v13;
	v23 =	vadd.f32 $5.587655680e-02, v23  }
0x2a5: {  	v26 =	vadd.f32 $8.940582160e-03, v34;
	v20 =	vmax.f32 v20, v33;
	v18 =	vadd.f32 v18, v29  }
0x2a6: {  	v24 =	vadd.f32 $5.587655680e-02, v24;
	v29 =	vmul.f32 v23, v32;
	v23 =	vmul.f32 $1.442695020e+00, v20  }
0x2a7: {  	v20 =	vadd.f32 $5.587655680e-02, v28;
	v28 =	vcvt.s32.f32 v22;
	v30 =	vmul.f32 $2.000000030e-01, v18  }
0x2a8: {  	v26 =	vmul.f32 v26, v16;
	v31 =	vadd.f32 $2.401316910e-01, v29;
	v33 =	vtrunc.f32 v23  }
0x2a9: {  	v29 =	vmul.f32 v20, v17;
	v21 =	vsub.f32 v21, v28;
	v20 =	vmax.f32 v18, v30  }
.Ltmp11:
0x2aa: {  	v30 =	vmul.f32 v31, v32;
	v18 =	vshll.u32 v25, $0x17;
	v25 =	vmul.f32 $1.442695020e+00, v20;
	(pc) =	sbr.rel @p0 .LBB2_25-.Ltmp11, $4  }
0x2ab: {  	v28 =	vcvt.f32.s32 v33;
	v31 =	vmul.f32 $1.894379380e-03, v21;
	v20 =	vadd.f32 $5.587655680e-02, v26  }
0x2ac: {  	v22 =	vshll.u32 v22, $0x17;
	v34 =	vadd.f32 $6.931567780e-01, v30;
	v30 =	vtrunc.f32 v25  }
0x2ad: {  	vm0 =	vlt.f32 v23, v33;
	v31 =	vadd.f32 $8.940582160e-03, v31;
	v26 =	vmul.f32 v20, v16  }
0x2ae: {  	v20 =	vsub.f32 v27, v35;
	v27 =	vmul.f32 v34, v32;
	vm1 =	vlt.f32 v25, v30  }
0x2af: {  	v30 =	vcvt.f32.s32 v30;
	v32 =	vsel vm0, $0xFFFFFFFF, v3  }
0x2b0: {  	v31 =	vmul.f32 v31, v21;
	v33 =	vsel vm1, $0xFFFFFFFF, v3;
	v28 =	vadd.s32 v28, v32  }
0x2b1: {  	v29 =	vadd.f32 $2.401316910e-01, v29;
	v30 =	vadd.s32 v30, v33;
	v32 =	vcvt.s32.f32 v28  }
0x2b2: {  	v26 =	vadd.f32 $2.401316910e-01, v26;
	v48 =	vmul.f32 $1.894379380e-03, v20;
	v34 =	vcvt.s32.f32 v30  }
0x2b3: {  	v24 =	vmul.f32 v24, v13;
	v31 =	vadd.f32 $5.587655680e-02, v31;
	v23 =	vsub.f32 v23, v32  }
0x2b4: {  	v29 =	vmul.f32 v29, v17;
	v49 =	vadd.f32 $8.940582160e-03, v48;
	v25 =	vsub.f32 v25, v34  }
0x2b5: {  	v22 =	vadd.s32 $0x3F800000, v22;
	v31 =	vmul.f32 v31, v21;
	v50 =	vmul.f32 $1.894379380e-03, v23  }
0x2b6: {  	v29 =	vadd.f32 $6.931567780e-01, v29;
	v32 =	vmul.f32 v49, v20;
	v34 =	vmul.f32 $1.894379380e-03, v25  }
0x2b7: {  	v53 =	vmul.f32 v26, v16;
	v31 =	vadd.f32 $2.401316910e-01, v31;
	v51 =	vadd.f32 $8.940582160e-03, v50  }
0x2b8: {  	v17 =	vmul.f32 v29, v17;
	v32 =	vadd.f32 $5.587655680e-02, v32;
	v52 =	vadd.f32 $8.940582160e-03, v34  }
0x2b9: {  	v24 =	vadd.f32 $2.401316910e-01, v24;
	v31 =	vmul.f32 v31, v21;
	v29 =	vmul.f32 v51, v23  }
0x2ba: {  	v17 =	vadd.f32 $9.999997610e-01, v17;
	v32 =	vmul.f32 v32, v20;
	v33 =	vmul.f32 v52, v25  }
0x2bb: {  	v24 =	vmul.f32 v24, v13;
	v31 =	vadd.f32 $6.931567780e-01, v31;
	v54 =	vadd.f32 $5.587655680e-02, v29  }
0x2bc: {  	v17 =	vmul.f32 v19, v17;
	v55 =	vadd.f32 $2.401316910e-01, v32;
	v57 =	vadd.f32 $5.587655680e-02, v33  }
0x2bd: {  	v24 =	vadd.f32 $6.931567780e-01, v24;
	v56 =	vmul.f32 v31, v21;
	v26 =	vmul.f32 v54, v23  }
0x2be: {  	v19 =	vadd.f32 $6.931567780e-01, v53;
	v29 =	vmul.f32 v55, v20;
	v31 =	vmul.f32 v57, v25  }
0x2bf: {  	v15 =	vshll.u32 v15, $0x17;
	v13 =	vmul.f32 v24, v13;
	v58 =	vadd.f32 $2.401316910e-01, v26  }
0x2c0: {  	v16 =	vmul.f32 v19, v16;
	v59 =	vadd.f32 $6.931567780e-01, v29;
	v60 =	vadd.f32 $2.401316910e-01, v31  }
0x2c1: {  	v27 =	vadd.f32 $9.999997610e-01, v27;
	v13 =	vadd.f32 $9.999997610e-01, v13;
	v19 =	vmul.f32 v58, v23  }
0x2c2: {  	v16 =	vadd.f32 $9.999997610e-01, v16;
	v61 =	vmul.f32 v59, v20;
	v62 =	vmul.f32 v60, v25  }
0x2c3: {  	[tilespmem:v8+s20+$0x0] =	vst.idx.msk $0xffff, v17;
	v8 =	vmul.f32 v12, v13;
	v21 =	vadd.f32 $9.999997610e-01, v56;
	v19 =	vadd.f32 $6.931567780e-01, v19  }
0x2c4: {  	v14 =	vmul.f32 v14, v16;
	v16 =	vadd.f32 $9.999997610e-01, v61;
	v63 =	vadd.f32 $6.931567780e-01, v62  }
0x2c5: {  	v12 =	vadd.s32 $0x3F800000, v15;
	v21 =	vmul.f32 v22, v21;
	v13 =	vmul.f32 v19, v23  }
0x2c6: {  	v15 =	vadd.s32 $0x3F800000, v18;
	[tilespmem:v5+s20+$0x0] =	vst.idx.msk $0xffff, v14;
	v12 =	vmul.f32 v12, v16;
	v5 =	vmul.f32 v63, v25  }
0x2c7: {  	v14 =	vmul.f32 v15, v27;
	[tilespmem:v4+s20+$0x0] =	vst.idx.msk $0xffff, v8;
	v4 =	vshll.u32 v28, $0x17;
	v8 =	vadd.f32 $9.999997610e-01, v13  }
0x2c8: {  	v4 =	vadd.s32 $0x3F800000, v4;
	[tilespmem:v6+s20+$0x0] =	vst.idx.msk $0xffff, v12;
	v6 =	vshll.u32 v30, $0x17;
	v5 =	vadd.f32 $9.999997610e-01, v5  }
0x2c9: {  	[tilespmem:v7+s20+$0x0] =	vst.idx.msk $0xffff, v14;
	v6 =	vadd.s32 $0x3F800000, v6;
	v4 =	vmul.f32 v4, v8  }
0x2ca: {  	[tilespmem:v9+s20+$0x0] =	vst.idx.msk $0xffff, v21;
	v5 =	vmul.f32 v6, v5  }
0x2cb: {  	[tilespmem:v10+s20+$0x0] =	vst.idx.msk $0xffff, v4  }
0x2cc: {  	s3 =	simm.s32 $0x1C1C0;
	[tilespmem:v11+s20+$0x0] =	vst.idx.msk $0xffff, v5  }
0x2cd: {  	v5 =	vld [tilespmem:s3+$0xFFFFFFF0]  }
0x2ce: {  	s0 =	simm.s32 $0x19530  }
0x2cf: {  	v7 =	vld [tilespmem:s0+$0xFFFFFFC0]  }
0x2d0: {  	v8 =	vld [tilespmem:s0+$0xFFFFFF90]  }
0x2d1: {  	v11 =	vld [tilespmem:s0+$0xFFFFFFB0]  }
0x2d2: {  	v4 =	vld [tilespmem:s0+$0xFFFFFFE0];
	v9 =	vbroadcast v5, $0x4  }
0x2d3: {  	v10 =	vld [tilespmem:s0+$0xFFFFFFA0];
	v6 =	vbroadcast v5, $0x0  }
0x2d4: {  	v13 =	vbroadcast v5, $0x1;
	v14 =	vmul.f32 v7, v9;
	v7 =	vld [tilespmem:s0+$0xFFFFFF80]  }
0x2d5: {  	v12 =	vbroadcast v5, $0x2;
	v16 =	vbroadcast v5, $0x3;
	v9 =	vld [tilespmem:s0+$0xFFFFFFF0]  }
0x2d6: {  	v15 =	vmul.f32 v8, v13;
	v8 =	vbroadcast v5, $0x5  }
0x2d7: {  	s2 =	simm.s32 $0x0;
	s12 =	simm.s32 $0x19530;
	s4 =	simm.s32 $0x1C1C0;
	v13 =	vmul.f32 v11, v16;
	v11 =	vld [tilespmem:s0+$0xFFFFFFD0];
	[tilespmem:s0+$0xFFFFFFC0] =	vst v14;
	v14 =	vbroadcast v5, $0x6  }
.LBB2_27:
0x2d8: {  	s2 =	sadd.s32 $0x2, s2;
	[tilespmem:s0+$0xFFFFFF90] =	vst v15;
	v10 =	vmul.f32 v10, v12;
	v5 =	vbroadcast v5, $0x7;
	s3 =	sadd.s32 $0x20, s3;
	s12 =	sadd.s32 $0x100, s12  }
0x2d9: {  	p0 =	slt.u32 s2, $0x4E;
	v6 =	vmul.f32 v6, v7;
	[tilespmem:s0+$0xFFFFFFB0] =	vst v13;
	v4 =	vmul.f32 v4, v14  }
0x2da: {  	[tilespmem:s0+$0xFFFFFFA0] =	vst v10;
	v5 =	vmul.f32 v9, v5  }
0x2db: {  	[tilespmem:s0+$0xFFFFFFE0] =	vst v4  }
0x2dc: {  	v4 =	vmul.f32 v11, v8;
	[tilespmem:s0+$0xFFFFFFF0] =	vst v5  }
0x2dd: {  	[tilespmem:s0+$0xFFFFFF80] =	vst v6  }
0x2de: {  	[tilespmem:s0+$0xFFFFFFD0] =	vst v4;
	v4 =	vld [tilespmem:s0+$0x10]  }
0x2df: {  	v5 =	vld [tilespmem:s4+$0x0];
	s4 =	smov.u32 s3  }
0x2e0: {  	v6 =	vld [tilespmem:s0+$0x70]  }
0x2e1: {  	v7 =	vld [tilespmem:s0+$0x0]  }
0x2e2: {  	v8 =	vld [tilespmem:s0+$0x20]  }
0x2e3: {  	v9 =	vld [tilespmem:s0+$0x40]  }
0x2e4: {  	v10 =	vbroadcast v5, $0x0;
	v11 =	vld [tilespmem:s0+$0x30];
	v12 =	vbroadcast v5, $0x7  }
0x2e5: {  	v13 =	vbroadcast v5, $0x2;
	v15 =	vbroadcast v5, $0x6;
	v14 =	vld [tilespmem:s0+$0x60]  }
0x2e6: {  	v7 =	vmul.f32 v10, v7;
	v10 =	vbroadcast v5, $0x4;
	v16 =	vld [tilespmem:s0+$0x50]  }
0x2e7: {  	v8 =	vmul.f32 v8, v13;
	v13 =	vbroadcast v5, $0x3  }
0x2e8: {  	[tilespmem:s0+$0x0] =	vst v7;
	v7 =	vbroadcast v5, $0x1;
	v9 =	vmul.f32 v9, v10  }
0x2e9: {  	v5 =	vbroadcast v5, $0x5;
	[tilespmem:s0+$0x20] =	vst v8;
	v8 =	vmul.f32 v11, v13  }
0x2ea: {  	v6 =	vmul.f32 v6, v12;
	[tilespmem:s0+$0x40] =	vst v9;
	v9 =	vmul.f32 v14, v15  }
0x2eb: {  	v4 =	vmul.f32 v4, v7;
	[tilespmem:s0+$0x30] =	vst v8;
	v5 =	vmul.f32 v16, v5  }
0x2ec: {  	[tilespmem:s0+$0x70] =	vst v6  }
0x2ed: {  	[tilespmem:s0+$0x10] =	vst v4  }
0x2ee: {  	[tilespmem:s0+$0x60] =	vst v9  }
0x2ef: {  	[tilespmem:s0+$0x50] =	vst v5;
	s0 =	smov.u32 s12  }
0x2f0: {  	v5 =	vld [tilespmem:s3+$0xFFFFFFF0]  }
0x2f1: {  	v4 =	vld [tilespmem:s12+$0xFFFFFFE0]  }
0x2f2: {  	v8 =	vld [tilespmem:s12+$0xFFFFFFC0]  }
0x2f3: {  	v11 =	vld [tilespmem:s12+$0xFFFFFF90]  }
0x2f4: {  	v13 =	vld [tilespmem:s12+$0xFFFFFFB0]  }
.Ltmp12:
0x2f5: {  	v6 =	vbroadcast v5, $0x0;
	v10 =	vld [tilespmem:s12+$0xFFFFFFA0];
	v9 =	vbroadcast v5, $0x4;
	(pc) =	sbr.rel @p0 .LBB2_27-.Ltmp12, $4  }
0x2f6: {  	v14 =	vbroadcast v5, $0x1;
	v12 =	vbroadcast v5, $0x2;
	v7 =	vld [tilespmem:s12+$0xFFFFFF80]  }
0x2f7: {  	v16 =	vbroadcast v5, $0x3;
	v17 =	vmul.f32 v8, v9;
	v9 =	vld [tilespmem:s12+$0xFFFFFFF0]  }
0x2f8: {  	v8 =	vbroadcast v5, $0x5;
	v15 =	vmul.f32 v11, v14  }
0x2f9: {  	v14 =	vbroadcast v5, $0x6;
	v13 =	vmul.f32 v13, v16;
	[tilespmem:s12+$0xFFFFFFC0] =	vst v17;
	v11 =	vld [tilespmem:s12+$0xFFFFFFD0]  }
0x2fa: {  	[tilespmem:s0+$0xFFFFFF90] =	vst v15;
	v10 =	vmul.f32 v10, v12  }
0x2fb: {  	v5 =	vbroadcast v5, $0x7;
	[tilespmem:s0+$0xFFFFFFB0] =	vst v13;
	v4 =	vmul.f32 v4, v14  }
0x2fc: {  	v6 =	vmul.f32 v6, v7;
	[tilespmem:s0+$0xFFFFFFA0] =	vst v10  }
0x2fd: {  	v5 =	vmul.f32 v9, v5;
	[tilespmem:s0+$0xFFFFFFE0] =	vst v4  }
0x2fe: {  	[tilespmem:s0+$0xFFFFFF80] =	vst v6;
	v4 =	vmul.f32 v11, v8  }
0x2ff: {  	[tilespmem:s0+$0xFFFFFFF0] =	vst v5  }
0x300: {  	[tilespmem:s0+$0xFFFFFFD0] =	vst v4  }
0x301: {  	v4 =	vld [tilespmem:s4+$0x0];
	_ =	sdelay $0x1  }
0x302: {  	v5 =	vld [tilespmem:s0+$0x0]  }
0x303: {  	v6 =	vld [tilespmem:s0+$0x20]  }
0x304: {  	v7 =	vld [tilespmem:s0+$0x40]  }
0x305: {  	v9 =	vld [tilespmem:s0+$0x30];
	v8 =	vbroadcast v4, $0x0  }
0x306: {  	v10 =	vld [tilespmem:s0+$0x70];
	v11 =	vbroadcast v4, $0x2  }
0x307: {  	v12 =	vld [tilespmem:s0+$0x10];
	v5 =	vmul.f32 v8, v5;
	v8 =	vbroadcast v4, $0x4  }
0x308: {  	v13 =	vld [tilespmem:s0+$0x60];
	v6 =	vmul.f32 v6, v11;
	v11 =	vbroadcast v4, $0x3  }
0x309: {  	v15 =	vld [tilespmem:s0+$0x50];
	v14 =	vbroadcast v4, $0x7;
	[tilespmem:s0+$0x0] =	vst v5;
	v5 =	vmul.f32 v7, v8  }
0x30a: {  	v7 =	vbroadcast v4, $0x1;
	[tilespmem:s0+$0x20] =	vst v6;
	v6 =	vmul.f32 v9, v11  }
0x30b: {  	v8 =	vbroadcast v4, $0x6;
	[tilespmem:s0+$0x40] =	vst v5;
	v5 =	vmul.f32 v10, v14  }
0x30c: {  	v4 =	vbroadcast v4, $0x5;
	v7 =	vmul.f32 v12, v7;
	[tilespmem:s0+$0x30] =	vst v6  }
0x30d: {  	v6 =	vmul.f32 v13, v8;
	[tilespmem:s0+$0x70] =	vst v5  }
0x30e: {  	v4 =	vmul.f32 v15, v4;
	[tilespmem:s0+$0x10] =	vst v7  }
0x30f: {  	[tilespmem:s0+$0x60] =	vst v6  }
0x310: {  	s12 =	rddreg [dreg:$0x2];
	s2 =	simm.s32 $0x194B0;
	s3 =	simm.s32 $0x19460;
	[tilespmem:s0+$0x50] =	vst v4  }
0x311: {  	[spmem:s12] =	stream.indirect.scatter.add.f32 [tilespmem:s2], [sflag:$0xB], $0x80, s3, s22, $0xb8;
	[tilespmem:$0x1FA40] =	vst v63  }
0x312: {  	s2 =	rddreg [dreg:$0x3]  }
0x313: {  	[spmem:s2] =	stream.indirect.scatter.add.f32 [tilespmem:s20], [sflag:$0xC], $0x10, s3, s22, $0xb8;
	[tilespmem:$0x1FA40] =	vst v63  }
0x314: {  	_ =	swait.ge [sflag:s21], $0x50  }
0x315: {  	[sflag:s21] =	ssyncset.done $0x0  }
0x316: {  	[sflag:s21] =	ssyncadd.s32 $0xFFFFFFB0  }
0x317: {  	_ =	swait.ge [sflag:s21], $0x50  }
0x318: {  	[sflag:s21] =	ssyncset.done $0x0  }
0x319: {  	[sflag:s21] =	ssyncadd.s32 $0xFFFFFFB0  }
0x31a: {  	_ =	swait.ge [sflag:s24], $0x2800  }
0x31b: {  	[sflag:s24] =	ssyncset.done $0x0  }
0x31c: {  	[sflag:s24] =	ssyncadd.s32 $0xFFFFD800  }
0x31d: {  	_ =	swait.ge [sflag:s17], $0x500  }
0x31e: {  	[sflag:s17] =	ssyncset.done $0x0  }
0x31f: {  	[sflag:s17] =	ssyncadd.s32 $0xFFFFFB00  }
0x320: {  	v4 =	vld [tilespmem:$0x15F90]  }
0x321: {  	v5 =	vld [tilespmem:$0x15FE0];
	_ =	sdelay $0x1  }
0x322: {  	v6 =	vld [tilespmem:$0x15FA0]  }
0x323: {  	v7 =	vld [tilespmem:$0x15FF0];
	_ =	sdelay $0x1  }
0x324: {  	v8 =	vld [tilespmem:$0x15FB0];
	v4 =	vadd.s32 v0, v4;
	[tilespmem:$0x160D0] =	vst v5  }
0x325: {  	[tilespmem:$0x16030] =	vst v4;
	v4 =	vadd.s32 v0, v5  }
0x326: {  	[tilespmem:$0x16080] =	vst v4;
	v4 =	vld [tilespmem:$0x16000]  }
0x327: {  	[tilespmem:$0x160E0] =	vst v7;
	v5 =	vadd.s32 v0, v6;
	v6 =	vld [tilespmem:$0x15FC0]  }
0x328: {  	[tilespmem:$0x16040] =	vst v5;
	v5 =	vadd.s32 v0, v7  }
0x329: {  	v7 =	vadd.s32 v0, v8;
	[tilespmem:$0x16090] =	vst v5;
	v5 =	vld [tilespmem:$0x16010]  }
0x32a: {  	v8 =	vld [tilespmem:$0x15FD0];
	[tilespmem:$0x16050] =	vst v7  }
0x32b: {  	v7 =	vadd.s32 v0, v4;
	[tilespmem:$0x160F0] =	vst v4  }
0x32c: {  	v4 =	vadd.s32 v0, v6;
	[tilespmem:$0x160A0] =	vst v7;
	v7 =	vld [tilespmem:$0x16020]  }
0x32d: {  	[tilespmem:$0x16060] =	vst v4  }
0x32e: {  	v4 =	vadd.s32 v0, v5;
	[tilespmem:$0x16100] =	vst v5  }
0x32f: {  	[tilespmem:$0x160B0] =	vst v4;
	v4 =	vadd.s32 v0, v8  }
0x330: {  	[tilespmem:$0x16070] =	vst v4  }
0x331: {  	v4 =	vadd.s32 v0, v7;
	[tilespmem:$0x16110] =	vst v7  }
0x332: {  	s4 =	simm.s32 $0x16030;
	s12 =	simm.s32 $0x16120;
	[tilespmem:$0x160C0] =	vst v4  }
0x333: {  	[tilespmem:s12], [sflag:$0x2] =	stream.indirect.gather [hbm4b:s6+s22], $0x80, s4, s22, $0xb8;
	[tilespmem:$0x1FA40] =	vst v63  }
0x334: {  	p0 =	seq.s32 s14, $0x52;
	s0 =	rddreg [dreg:$0xb]  }
0x335: {  	[tilespmem:s25], [sflag:$0x3] =	stream.indirect.gather [hbm4b:s7+s22], $0x10, s4, s22, $0xb8;
	[tilespmem:$0x1FA40] =	vst v63  }
0x336: {  	s2 =	simm.s32 $0x16080;
	s0 =	sadd.s32 @!p0 s23, s0  }
0x337: {  	[tilespmem:s8], [sflag:$0x4] =	stream.indirect.gather [hbm4b:s7+s22], $0x10, s2, s22, $0xb8;
	[tilespmem:$0x1FA40] =	vst v63  }
0x338: {  	s0 =	sshrl.u32 @!p0 s0, $0x3;
	s2 =	rddreg [dreg:$0x0]  }
0x339: {  	s3 =	simm.s32 @!p0 $0x19320;
	s0 =	sadd.s32 @!p0 s2, s0;
	s2 =	simm.s32 @!p0 $0x0  }
0x33a: {  	[tilespmem:s3], [sflag:$0x7] =	stream.linear.gather @!p0 [hbm4b:s0+s2], $0x50, $0x38;
	[tilespmem:$0x1FA40] =	vst v63  }
0x33b: {  	s0 =	sadd.s32 @!p0 $0x9C40, s0;
	s3 =	simm.s32 @!p0 $0x19370  }
0x33c: {  	[tilespmem:s3], [sflag:$0x7] =	stream.linear.gather @!p0 [hbm4b:s0+s2], $0x50, $0x38;
	[tilespmem:$0x1FA40] =	vst v63  }
0x33d: {  	s3 =	simm.s32 $0xE  }
0x33e: {  	_ =	swait.ge [sflag:s3], $0x2800  }
0x33f: {  	s4 =	simm.s32 $0x0;
	[sflag:s3] =	ssyncset.done $0x0  }
0x340: {  	s12 =	simm.s32 $0xF;
	v4 =	vmov s4;
	[sflag:s3] =	ssyncadd.s32 $0xFFFFD800  }
0x341: {  	v4 =	vshll.u32 v4, $0x4;
	_ =	swait.ge [sflag:s12], $0x500  }
0x342: {  	v8 =	vor.u32 v2, v4;
	[sflag:s12] =	ssyncset.done $0x0  }
0x343: {  	s23 =	simm.s32 $0x10;
	v6 =	vor.u32 $0xA, v8;
	[sflag:s12] =	ssyncadd.s32 $0xFFFFFB00  }
0x344: {  	v7 =	vor.u32 $0x8, v8;
	_ =	swait.ge [sflag:s23], $0x500  }
0x345: {  	v5 =	vor.u32 $0x1, v8;
	[sflag:s23] =	ssyncset.done $0x0  }
0x346: {  	v4 =	vor.u32 $0x2, v8;
	[sflag:s23] =	ssyncadd.s32 $0xFFFFFB00  }
0x347: {  	v9 =	vor.u32 $0x9, v8;
	v10 =	vld.idx.msk [tilespmem:v8+s16+$0x0], $0xffff  }
0x348: {  	v11 =	vld.idx.msk [tilespmem:v6+s5+$0x0], $0xffff  }
0x349: {  	v12 =	vor.u32 $0xB, v8;
	v13 =	vld.idx.msk [tilespmem:v7+s5+$0x0], $0xffff  }
0x34a: {  	v6 =	vor.u32 $0x3, v8;
	v14 =	vld.idx.msk [tilespmem:v5+s16+$0x0], $0xffff  }
0x34b: {  	v16 =	vor.u32 $0xC, v8;
	v15 =	vld.idx.msk [tilespmem:v4+s16+$0x0], $0xffff  }
0x34c: {  	v17 =	vld.idx.msk [tilespmem:v9+s5+$0x0], $0xffff;
	v7 =	vor.u32 $0x4, v8;
	_ =	sdelay $0x1  }
0x34d: {  	v12 =	vld.idx.msk [tilespmem:v12+s5+$0x0], $0xffff;
	v10 =	vadd.f32 v13, v10  }
0x34e: {  	v13 =	vld.idx.msk [tilespmem:v6+s16+$0x0], $0xffff  }
0x34f: {  	v16 =	vld.idx.msk [tilespmem:v16+s5+$0x0], $0xffff;
	v11 =	vadd.f32 v11, v15;
	v15 =	vmul.f32 $2.000000030e-01, v10  }
0x350: {  	v18 =	vld.idx.msk [tilespmem:v7+s16+$0x0], $0xffff;
	v14 =	vadd.f32 v17, v14;
	v17 =	vor.u32 $0xD, v8  }
0x351: {  	v9 =	vor.u32 $0x5, v8;
	v10 =	vmax.f32 v10, v15;
	v15 =	vmul.f32 $2.000000030e-01, v11  }
0x352: {  	v19 =	vmul.f32 $1.442695020e+00, v10;
	v10 =	vmul.f32 $2.000000030e-01, v14  }
0x353: {  	v20 =	vor.u32 $0xF, v8;
	v12 =	vadd.f32 v12, v13;
	v13 =	vor.u32 $0xE, v8  }
0x354: {  	v11 =	vmax.f32 v11, v15;
	v15 =	vtrunc.f32 v19;
	v10 =	vmax.f32 v14, v10  }
0x355: {  	v16 =	vadd.f32 v16, v18;
	v17 =	vld.idx.msk [tilespmem:v17+s5+$0x0], $0xffff;
	v21 =	vmul.f32 $2.000000030e-01, v12;
	v18 =	vmul.f32 $1.442695020e+00, v10  }
0x356: {  	v14 =	vld.idx.msk [tilespmem:v9+s16+$0x0], $0xffff;
	v22 =	vcvt.f32.s32 v15;
	vm0 =	vlt.f32 v19, v15;
	v15 =	vmul.f32 $1.442695020e+00, v11  }
0x357: {  	v11 =	vmax.f32 v12, v21;
	v12 =	vsel vm0, $0xFFFFFFFF, v3;
	v21 =	vmul.f32 $2.000000030e-01, v16  }
0x358: {  	v10 =	vtrunc.f32 v18;
	v25 =	vtrunc.f32 v15;
	v12 =	vadd.s32 v22, v12  }
0x359: {  	v27 =	vmul.f32 $1.442695020e+00, v11;
	v11 =	vor.u32 $0x7, v8;
	v23 =	vcvt.f32.s32 v10  }
0x35a: {  	vm0 =	vlt.f32 v18, v10;
	v10 =	vor.u32 $0x6, v8;
	v16 =	vmax.f32 v16, v21  }
0x35b: {  	v24 =	vsel vm0, $0xFFFFFFFF, v3;
	vm0 =	vlt.f32 v15, v25;
	v14 =	vadd.f32 v17, v14  }
0x35c: {  	v16 =	vmul.f32 $1.442695020e+00, v16;
	v21 =	vadd.s32 v23, v24;
	v23 =	vcvt.f32.s32 v25  }
0x35d: {  	v26 =	vcvt.s32.f32 v12;
	v17 =	vsel vm0, $0xFFFFFFFF, v3;
	v24 =	vcvt.s32.f32 v21  }
0x35e: {  	v22 =	vtrunc.f32 v16;
	v25 =	vmul.f32 $2.000000030e-01, v14;
	v23 =	vadd.s32 v23, v17  }
0x35f: {  	v28 =	vcvt.f32.s32 v22;
	vm0 =	vlt.f32 v16, v22;
	v17 =	vsub.f32 v19, v26  }
0x360: {  	v26 =	vshll.u32 v12, $0x17;
	v22 =	vld.idx.msk [tilespmem:v10+s16+$0x0], $0xffff;
	v14 =	vmax.f32 v14, v25;
	v19 =	vsel vm0, $0xFFFFFFFF, v3  }
0x361: {  	v29 =	vcvt.s32.f32 v23;
	v25 =	vld.idx.msk [tilespmem:v13+s5+$0x0], $0xffff;
	v28 =	vadd.s32 v28, v19;
	v30 =	vmul.f32 $1.442695020e+00, v14  }
0x362: {  	v20 =	vld.idx.msk [tilespmem:v20+s5+$0x0], $0xffff;
	v12 =	vshll.u32 v23, $0x17;
	v19 =	vtrunc.f32 v27;
	v14 =	vcvt.s32.f32 v28  }
0x363: {  	v33 =	vld.idx.msk [tilespmem:v11+s16+$0x0], $0xffff;
	v23 =	vmul.f32 $1.894379380e-03, v17;
	v13 =	vsub.f32 v15, v29;
	vm0 =	vlt.f32 v27, v19  }
0x364: {  	v15 =	vtrunc.f32 v30;
	v29 =	vsel vm0, $0xFFFFFFFF, v3;
	v32 =	vsub.f32 v16, v14  }
0x365: {  	v23 =	vadd.f32 $8.940582160e-03, v23;
	v14 =	vshll.u32 v21, $0x17;
	vm0 =	vlt.f32 v30, v15  }
0x366: {  	v16 =	vsub.f32 v18, v24;
	v21 =	vadd.f32 v25, v22;
	v25 =	vmul.f32 $1.894379380e-03, v32  }
0x367: {  	v18 =	vcvt.f32.s32 v19;
	v19 =	vadd.s32 $0x3F800000, v26;
	v22 =	vmul.f32 $1.894379380e-03, v13  }
0x368: {  	v20 =	vadd.f32 v20, v33;
	v34 =	vmul.f32 $1.894379380e-03, v16;
	v24 =	vadd.f32 $8.940582160e-03, v25  }
0x369: {  	v22 =	vadd.f32 $8.940582160e-03, v22;
	v26 =	vmul.f32 $2.000000030e-01, v21;
	v25 =	vmul.f32 v23, v17  }
0x36a: {  	v31 =	vsel vm0, $0xFFFFFFFF, v3;
	v23 =	vcvt.f32.s32 v15;
	v24 =	vmul.f32 v24, v32  }
0x36b: {  	v15 =	vadd.s32 v18, v29;
	v29 =	vadd.f32 $8.940582160e-03, v34;
	v18 =	vmul.f32 v22, v13  }
0x36c: {  	v35 =	vcvt.s32.f32 v15;
	v21 =	vmax.f32 v21, v26;
	v22 =	vadd.f32 $5.587655680e-02, v24  }
0x36d: {  	v31 =	vadd.s32 v23, v31;
	v23 =	vmul.f32 $1.442695020e+00, v21;
	v21 =	vadd.f32 $5.587655680e-02, v25  }
0x36e: {  	v25 =	vmul.f32 $2.000000030e-01, v20;
	v24 =	vadd.f32 $5.587655680e-02, v18;
	v18 =	vmul.f32 v22, v32  }
0x36f: {  	v12 =	vadd.s32 $0x3F800000, v12;
	v26 =	vmul.f32 v29, v16;
	v22 =	vcvt.s32.f32 v31  }
0x370: {  	v29 =	vmul.f32 v21, v17;
	v20 =	vmax.f32 v20, v25;
	v18 =	vadd.f32 $2.401316910e-01, v18  }
0x371: {  	v25 =	vmul.f32 $1.442695020e+00, v20;
	v20 =	vadd.f32 $5.587655680e-02, v26;
	v21 =	vsub.f32 v30, v22  }
0x372: {  	v14 =	vadd.s32 $0x3F800000, v14;
	v62 =	vtrunc.f32 v23;
	v22 =	vmul.f32 v18, v32  }
0x373: {  	vm0 =	vlt.f32 v23, v62;
	v26 =	vmul.f32 v20, v16;
	v63 =	vmul.f32 $1.894379380e-03, v21  }
0x374: {  	v20 =	vsub.f32 v27, v35;
	v30 =	vtrunc.f32 v25;
	v36 =	vadd.f32 $6.931567780e-01, v22  }
0x375: {  	vm1 =	vlt.f32 v25, v30;
	v22 =	vshll.u32 v31, $0x17;
	v31 =	vadd.f32 $8.940582160e-03, v63  }
0x376: {  	s0 =	simm.s32 $0x10;
	v18 =	vshll.u32 v28, $0x17;
	v28 =	vcvt.f32.s32 v62;
	v27 =	vmul.f32 v36, v32  }
.LBB2_29:
0x377: {  	p0 =	sne.s32 s0, $0x40;
	v29 =	vadd.f32 $2.401316910e-01, v29;
	v31 =	vmul.f32 v31, v21;
	v32 =	vsel vm1, $0xFFFFFFFF, v3;
	s2 =	smov.u32 s0;
	s0 =	sadd.s32 $0x10, s0  }
0x378: {  	v30 =	vcvt.f32.s32 v30;
	v33 =	vmul.f32 $1.894379380e-03, v20;
	v27 =	vadd.f32 $9.999997610e-01, v27  }
0x379: {  	v34 =	vsel vm0, $0xFFFFFFFF, v3;
	v29 =	vmul.f32 v29, v17;
	v31 =	vadd.f32 $5.587655680e-02, v31  }
0x37a: {  	v24 =	vmul.f32 v24, v13;
	v30 =	vadd.s32 v30, v32;
	v33 =	vadd.f32 $8.940582160e-03, v33  }
0x37b: {  	v28 =	vadd.s32 v28, v34;
	v29 =	vadd.f32 $6.931567780e-01, v29;
	v31 =	vmul.f32 v31, v21  }
0x37c: {  	v24 =	vadd.f32 $2.401316910e-01, v24;
	v32 =	vmul.f32 v33, v20;
	v33 =	vcvt.s32.f32 v28  }
0x37d: {  	v17 =	vmul.f32 v29, v17;
	v29 =	vadd.f32 $2.401316910e-01, v31;
	v31 =	vcvt.s32.f32 v30  }
0x37e: {  	v24 =	vmul.f32 v24, v13;
	v32 =	vadd.f32 $5.587655680e-02, v32;
	v23 =	vsub.f32 v23, v33  }
0x37f: {  	v17 =	vadd.f32 $9.999997610e-01, v17;
	v29 =	vmul.f32 v29, v21;
	v25 =	vsub.f32 v25, v31  }
0x380: {  	v26 =	vadd.f32 $2.401316910e-01, v26;
	v31 =	vmul.f32 v32, v20;
	v32 =	vmul.f32 $1.894379380e-03, v23  }
0x381: {  	v17 =	vmul.f32 v19, v17;
	v19 =	vadd.f32 $6.931567780e-01, v29;
	v29 =	vmul.f32 $1.894379380e-03, v25  }
0x382: {  	v26 =	vmul.f32 v26, v16;
	v31 =	vadd.f32 $2.401316910e-01, v31;
	v32 =	vadd.f32 $8.940582160e-03, v32  }
0x383: {  	v19 =	vmul.f32 v19, v21;
	v21 =	vadd.s32 $0x3F800000, v22;
	v22 =	vadd.f32 $8.940582160e-03, v29;
	[tilespmem:v8+s5+$0x0] =	vst.idx.msk $0xffff, v17  }
0x384: {  	v8 =	vadd.f32 $6.931567780e-01, v26;
	v17 =	vmul.f32 v31, v20;
	v26 =	vmul.f32 v32, v23  }
0x385: {  	v24 =	vadd.f32 $6.931567780e-01, v24;
	v19 =	vadd.f32 $9.999997610e-01, v19;
	v22 =	vmul.f32 v22, v25  }
0x386: {  	v8 =	vmul.f32 v8, v16;
	v16 =	vadd.f32 $6.931567780e-01, v17;
	v17 =	vadd.f32 $5.587655680e-02, v26  }
0x387: {  	v13 =	vmul.f32 v24, v13;
	v19 =	vmul.f32 v21, v19;
	v21 =	vadd.f32 $5.587655680e-02, v22  }
0x388: {  	v8 =	vadd.f32 $9.999997610e-01, v8;
	v16 =	vmul.f32 v16, v20;
	v17 =	vmul.f32 v17, v23  }
0x389: {  	v15 =	vshll.u32 v15, $0x17;
	v13 =	vadd.f32 $9.999997610e-01, v13;
	v20 =	vmul.f32 v21, v25  }
0x38a: {  	v8 =	vmul.f32 v14, v8;
	v14 =	vadd.f32 $9.999997610e-01, v16;
	v16 =	vadd.f32 $2.401316910e-01, v17  }
0x38b: {  	v12 =	vmul.f32 v12, v13;
	v13 =	vadd.s32 $0x3F800000, v15;
	v15 =	vadd.f32 $2.401316910e-01, v20  }
0x38c: {  	v13 =	vmul.f32 v13, v14;
	v14 =	vadd.s32 $0x3F800000, v18;
	v16 =	vmul.f32 v16, v23;
	[tilespmem:v5+s5+$0x0] =	vst.idx.msk $0xffff, v8  }
0x38d: {  	v5 =	vmul.f32 v14, v27;
	v8 =	vmul.f32 v15, v25;
	[tilespmem:v4+s5+$0x0] =	vst.idx.msk $0xffff, v12  }
0x38e: {  	v4 =	vadd.f32 $6.931567780e-01, v16;
	[tilespmem:v6+s5+$0x0] =	vst.idx.msk $0xffff, v13  }
0x38f: {  	v6 =	vadd.f32 $6.931567780e-01, v8;
	[tilespmem:v7+s5+$0x0] =	vst.idx.msk $0xffff, v5  }
0x390: {  	v5 =	vshll.u32 v28, $0x17;
	v4 =	vmul.f32 v4, v23;
	[tilespmem:v9+s5+$0x0] =	vst.idx.msk $0xffff, v19  }
0x391: {  	v7 =	vmov s2;
	v8 =	vshll.u32 v30, $0x17;
	v6 =	vmul.f32 v6, v25  }
0x392: {  	v7 =	vshll.u32 v7, $0x4;
	v9 =	vadd.s32 $0x3F800000, v8;
	v4 =	vadd.f32 $9.999997610e-01, v4  }
0x393: {  	v8 =	vor.u32 v2, v7;
	v7 =	vadd.s32 $0x3F800000, v5;
	v6 =	vadd.f32 $9.999997610e-01, v6  }
0x394: {  	v12 =	vor.u32 $0x8, v8;
	v13 =	vor.u32 $0x9, v8;
	v14 =	vor.u32 $0xA, v8  }
0x395: {  	v5 =	vor.u32 $0x1, v8;
	v15 =	vor.u32 $0xB, v8;
	v7 =	vmul.f32 v7, v4  }
0x396: {  	v16 =	vor.u32 $0xD, v8;
	v4 =	vor.u32 $0x2, v8;
	v6 =	vmul.f32 v9, v6  }
0x397: {  	v18 =	vor.u32 $0xF, v8;
	[tilespmem:v10+s5+$0x0] =	vst.idx.msk $0xffff, v7  }
0x398: {  	[tilespmem:v11+s5+$0x0] =	vst.idx.msk $0xffff, v6  }
0x399: {  	v9 =	vld.idx.msk [tilespmem:v8+s16+$0x0], $0xffff  }
0x39a: {  	v10 =	vld.idx.msk [tilespmem:v14+s5+$0x0], $0xffff  }
0x39b: {  	v6 =	vor.u32 $0x3, v8;
	v11 =	vld.idx.msk [tilespmem:v12+s5+$0x0], $0xffff  }
0x39c: {  	v12 =	vld.idx.msk [tilespmem:v5+s16+$0x0], $0xffff  }
0x39d: {  	v17 =	vor.u32 $0xC, v8;
	v14 =	vld.idx.msk [tilespmem:v4+s16+$0x0], $0xffff  }
0x39e: {  	v7 =	vor.u32 $0x4, v8;
	v13 =	vld.idx.msk [tilespmem:v13+s5+$0x0], $0xffff  }
0x39f: {  	v15 =	vld.idx.msk [tilespmem:v15+s5+$0x0], $0xffff  }
0x3a0: {  	v19 =	vld.idx.msk [tilespmem:v6+s16+$0x0], $0xffff  }
0x3a1: {  	v11 =	vadd.f32 v11, v9  }
0x3a2: {  	v17 =	vld.idx.msk [tilespmem:v17+s5+$0x0], $0xffff  }
0x3a3: {  	v9 =	vor.u32 $0x5, v8;
	v10 =	vadd.f32 v10, v14;
	v20 =	vmul.f32 $2.000000030e-01, v11;
	v14 =	vld.idx.msk [tilespmem:v7+s16+$0x0], $0xffff  }
0x3a4: {  	v12 =	vadd.f32 v13, v12  }
0x3a5: {  	v11 =	vmax.f32 v11, v20;
	v13 =	vmul.f32 $2.000000030e-01, v10  }
0x3a6: {  	v15 =	vadd.f32 v15, v19;
	v19 =	vmul.f32 $1.442695020e+00, v11;
	v11 =	vmul.f32 $2.000000030e-01, v12  }
0x3a7: {  	v20 =	vor.u32 $0xE, v8;
	v10 =	vmax.f32 v10, v13  }
0x3a8: {  	v21 =	vtrunc.f32 v19;
	v11 =	vmax.f32 v12, v11;
	v12 =	vmul.f32 $2.000000030e-01, v15;
	v13 =	vld.idx.msk [tilespmem:v9+s16+$0x0], $0xffff  }
0x3a9: {  	v14 =	vadd.f32 v17, v14;
	v17 =	vcvt.f32.s32 v21;
	v22 =	vmul.f32 $1.442695020e+00, v11;
	v16 =	vld.idx.msk [tilespmem:v16+s5+$0x0], $0xffff  }
0x3aa: {  	vm0 =	vlt.f32 v19, v21;
	v21 =	vmul.f32 $1.442695020e+00, v10;
	v11 =	vmax.f32 v15, v12  }
0x3ab: {  	v12 =	vsel vm0, $0xFFFFFFFF, v3;
	v15 =	vtrunc.f32 v22;
	v23 =	vmul.f32 $2.000000030e-01, v14  }
0x3ac: {  	v10 =	vor.u32 $0x6, v8;
	v24 =	vcvt.f32.s32 v15;
	vm0 =	vlt.f32 v22, v15  }
0x3ad: {  	v25 =	vtrunc.f32 v21;
	v15 =	vsel vm0, $0xFFFFFFFF, v3;
	v14 =	vmax.f32 v14, v23  }
0x3ae: {  	v23 =	vcvt.f32.s32 v25;
	vm0 =	vlt.f32 v21, v25;
	v15 =	vadd.s32 v24, v15  }
0x3af: {  	v14 =	vmul.f32 $1.442695020e+00, v14;
	v13 =	vadd.f32 v16, v13;
	v16 =	vcvt.s32.f32 v15  }
0x3b0: {  	v12 =	vadd.s32 v17, v12;
	v27 =	vmul.f32 $1.442695020e+00, v11;
	v17 =	vsel vm0, $0xFFFFFFFF, v3  }
0x3b1: {  	v11 =	vor.u32 $0x7, v8;
	v24 =	vtrunc.f32 v14;
	v25 =	vmul.f32 $2.000000030e-01, v13  }
0x3b2: {  	v26 =	vcvt.s32.f32 v12;
	v23 =	vadd.s32 v23, v17;
	v28 =	vcvt.f32.s32 v24  }
0x3b3: {  	v30 =	vcvt.s32.f32 v23;
	vm0 =	vlt.f32 v14, v24;
	v24 =	vmax.f32 v13, v25;
	v29 =	vld.idx.msk [tilespmem:v10+s16+$0x0], $0xffff  }
0x3b4: {  	v17 =	vsub.f32 v19, v26;
	v19 =	vshll.u32 v12, $0x17;
	v12 =	vsel vm0, $0xFFFFFFFF, v3;
	v20 =	vld.idx.msk [tilespmem:v20+s5+$0x0], $0xffff  }
0x3b5: {  	v13 =	vsub.f32 v21, v30;
	v25 =	vadd.s32 v28, v12;
	v21 =	vmul.f32 $1.442695020e+00, v24  }
0x3b6: {  	v12 =	vshll.u32 v23, $0x17;
	v23 =	vtrunc.f32 v27;
	v24 =	vcvt.s32.f32 v25  }
0x3b7: {  	v12 =	vadd.s32 $0x3F800000, v12;
	vm0 =	vlt.f32 v27, v23;
	v26 =	vtrunc.f32 v21  }
0x3b8: {  	v28 =	vmul.f32 $1.894379380e-03, v17;
	v30 =	vsel vm0, $0xFFFFFFFF, v3;
	v32 =	vsub.f32 v14, v24  }
0x3b9: {  	v14 =	vshll.u32 v15, $0x17;
	vm0 =	vlt.f32 v21, v26  }
0x3ba: {  	v15 =	vmul.f32 $1.894379380e-03, v13;
	v24 =	vmul.f32 $1.894379380e-03, v32;
	v20 =	vadd.f32 v20, v29;
	v18 =	vld.idx.msk [tilespmem:v18+s5+$0x0], $0xffff  }
0x3bb: {  	v28 =	vadd.f32 $8.940582160e-03, v28;
	v14 =	vadd.s32 $0x3F800000, v14;
	v31 =	vsel vm0, $0xFFFFFFFF, v3;
	v29 =	vld.idx.msk [tilespmem:v11+s16+$0x0], $0xffff  }
0x3bc: {  	v16 =	vsub.f32 v22, v16;
	v22 =	vcvt.f32.s32 v23;
	v23 =	vadd.f32 $8.940582160e-03, v24  }
0x3bd: {  	v28 =	vmul.f32 v28, v17;
	v26 =	vcvt.f32.s32 v26;
	v24 =	vadd.f32 $8.940582160e-03, v15  }
0x3be: {  	v19 =	vadd.s32 $0x3F800000, v19;
	v23 =	vmul.f32 v23, v32;
	v33 =	vmul.f32 $2.000000030e-01, v20  }
0x3bf: {  	v34 =	vmul.f32 $1.894379380e-03, v16;
	v15 =	vadd.s32 v22, v30;
	v22 =	vadd.s32 v26, v31  }
0x3c0: {  	v35 =	vcvt.s32.f32 v15;
	v24 =	vmul.f32 v24, v13;
	v23 =	vadd.f32 $5.587655680e-02, v23  }
0x3c1: {  	v26 =	vadd.f32 $8.940582160e-03, v34;
	v20 =	vmax.f32 v20, v33;
	v18 =	vadd.f32 v18, v29  }
0x3c2: {  	v24 =	vadd.f32 $5.587655680e-02, v24;
	v29 =	vmul.f32 v23, v32;
	v23 =	vmul.f32 $1.442695020e+00, v20  }
0x3c3: {  	v20 =	vadd.f32 $5.587655680e-02, v28;
	v28 =	vcvt.s32.f32 v22;
	v30 =	vmul.f32 $2.000000030e-01, v18  }
0x3c4: {  	v26 =	vmul.f32 v26, v16;
	v31 =	vadd.f32 $2.401316910e-01, v29;
	v33 =	vtrunc.f32 v23  }
0x3c5: {  	v29 =	vmul.f32 v20, v17;
	v21 =	vsub.f32 v21, v28;
	v20 =	vmax.f32 v18, v30  }
.Ltmp13:
0x3c6: {  	v30 =	vmul.f32 v31, v32;
	v18 =	vshll.u32 v25, $0x17;
	v25 =	vmul.f32 $1.442695020e+00, v20;
	(pc) =	sbr.rel @p0 .LBB2_29-.Ltmp13, $4  }
0x3c7: {  	v28 =	vcvt.f32.s32 v33;
	v31 =	vmul.f32 $1.894379380e-03, v21;
	v20 =	vadd.f32 $5.587655680e-02, v26  }
0x3c8: {  	v22 =	vshll.u32 v22, $0x17;
	v34 =	vadd.f32 $6.931567780e-01, v30;
	v30 =	vtrunc.f32 v25  }
0x3c9: {  	vm0 =	vlt.f32 v23, v33;
	v31 =	vadd.f32 $8.940582160e-03, v31;
	v26 =	vmul.f32 v20, v16  }
0x3ca: {  	v20 =	vsub.f32 v27, v35;
	v27 =	vmul.f32 v34, v32;
	vm1 =	vlt.f32 v25, v30  }
0x3cb: {  	v30 =	vcvt.f32.s32 v30;
	v32 =	vsel vm0, $0xFFFFFFFF, v3  }
0x3cc: {  	v31 =	vmul.f32 v31, v21;
	v33 =	vsel vm1, $0xFFFFFFFF, v3;
	v28 =	vadd.s32 v28, v32  }
0x3cd: {  	v29 =	vadd.f32 $2.401316910e-01, v29;
	v30 =	vadd.s32 v30, v33;
	v32 =	vcvt.s32.f32 v28  }
0x3ce: {  	v26 =	vadd.f32 $2.401316910e-01, v26;
	v48 =	vmul.f32 $1.894379380e-03, v20;
	v34 =	vcvt.s32.f32 v30  }
0x3cf: {  	v24 =	vmul.f32 v24, v13;
	v31 =	vadd.f32 $5.587655680e-02, v31;
	v23 =	vsub.f32 v23, v32  }
0x3d0: {  	v29 =	vmul.f32 v29, v17;
	v49 =	vadd.f32 $8.940582160e-03, v48;
	v25 =	vsub.f32 v25, v34  }
0x3d1: {  	v22 =	vadd.s32 $0x3F800000, v22;
	v31 =	vmul.f32 v31, v21;
	v50 =	vmul.f32 $1.894379380e-03, v23  }
0x3d2: {  	v29 =	vadd.f32 $6.931567780e-01, v29;
	v32 =	vmul.f32 v49, v20;
	v34 =	vmul.f32 $1.894379380e-03, v25  }
0x3d3: {  	v53 =	vmul.f32 v26, v16;
	v31 =	vadd.f32 $2.401316910e-01, v31;
	v51 =	vadd.f32 $8.940582160e-03, v50  }
0x3d4: {  	v17 =	vmul.f32 v29, v17;
	v32 =	vadd.f32 $5.587655680e-02, v32;
	v52 =	vadd.f32 $8.940582160e-03, v34  }
0x3d5: {  	v24 =	vadd.f32 $2.401316910e-01, v24;
	v31 =	vmul.f32 v31, v21;
	v29 =	vmul.f32 v51, v23  }
0x3d6: {  	v17 =	vadd.f32 $9.999997610e-01, v17;
	v32 =	vmul.f32 v32, v20;
	v33 =	vmul.f32 v52, v25  }
0x3d7: {  	v24 =	vmul.f32 v24, v13;
	v31 =	vadd.f32 $6.931567780e-01, v31;
	v54 =	vadd.f32 $5.587655680e-02, v29  }
0x3d8: {  	v17 =	vmul.f32 v19, v17;
	v55 =	vadd.f32 $2.401316910e-01, v32;
	v57 =	vadd.f32 $5.587655680e-02, v33  }
0x3d9: {  	v24 =	vadd.f32 $6.931567780e-01, v24;
	v56 =	vmul.f32 v31, v21;
	v26 =	vmul.f32 v54, v23  }
0x3da: {  	v19 =	vadd.f32 $6.931567780e-01, v53;
	v29 =	vmul.f32 v55, v20;
	v31 =	vmul.f32 v57, v25  }
0x3db: {  	v15 =	vshll.u32 v15, $0x17;
	v13 =	vmul.f32 v24, v13;
	v58 =	vadd.f32 $2.401316910e-01, v26  }
0x3dc: {  	v16 =	vmul.f32 v19, v16;
	v59 =	vadd.f32 $6.931567780e-01, v29;
	v60 =	vadd.f32 $2.401316910e-01, v31  }
0x3dd: {  	v27 =	vadd.f32 $9.999997610e-01, v27;
	v13 =	vadd.f32 $9.999997610e-01, v13;
	v19 =	vmul.f32 v58, v23  }
0x3de: {  	v16 =	vadd.f32 $9.999997610e-01, v16;
	v61 =	vmul.f32 v59, v20;
	v62 =	vmul.f32 v60, v25  }
0x3df: {  	[tilespmem:v8+s5+$0x0] =	vst.idx.msk $0xffff, v17;
	v8 =	vmul.f32 v12, v13;
	v21 =	vadd.f32 $9.999997610e-01, v56;
	v19 =	vadd.f32 $6.931567780e-01, v19  }
0x3e0: {  	v14 =	vmul.f32 v14, v16;
	v16 =	vadd.f32 $9.999997610e-01, v61;
	v63 =	vadd.f32 $6.931567780e-01, v62  }
0x3e1: {  	v12 =	vadd.s32 $0x3F800000, v15;
	v21 =	vmul.f32 v22, v21;
	v13 =	vmul.f32 v19, v23  }
0x3e2: {  	v15 =	vadd.s32 $0x3F800000, v18;
	[tilespmem:v5+s5+$0x0] =	vst.idx.msk $0xffff, v14;
	v12 =	vmul.f32 v12, v16;
	v5 =	vmul.f32 v63, v25  }
0x3e3: {  	v14 =	vmul.f32 v15, v27;
	[tilespmem:v4+s5+$0x0] =	vst.idx.msk $0xffff, v8;
	v4 =	vshll.u32 v28, $0x17;
	v8 =	vadd.f32 $9.999997610e-01, v13  }
0x3e4: {  	v4 =	vadd.s32 $0x3F800000, v4;
	[tilespmem:v6+s5+$0x0] =	vst.idx.msk $0xffff, v12;
	v6 =	vshll.u32 v30, $0x17;
	v5 =	vadd.f32 $9.999997610e-01, v5  }
0x3e5: {  	[tilespmem:v7+s5+$0x0] =	vst.idx.msk $0xffff, v14;
	v6 =	vadd.s32 $0x3F800000, v6;
	v4 =	vmul.f32 v4, v8  }
0x3e6: {  	[tilespmem:v9+s5+$0x0] =	vst.idx.msk $0xffff, v21;
	v5 =	vmul.f32 v6, v5  }
0x3e7: {  	[tilespmem:v10+s5+$0x0] =	vst.idx.msk $0xffff, v4  }
0x3e8: {  	s3 =	simm.s32 $0x1F550;
	[tilespmem:v11+s5+$0x0] =	vst.idx.msk $0xffff, v5  }
0x3e9: {  	v5 =	vld [tilespmem:s3+$0xFFFFFFF0]  }
0x3ea: {  	s0 =	simm.s32 $0x1C8C0  }
0x3eb: {  	v7 =	vld [tilespmem:s0+$0xFFFFFFC0]  }
0x3ec: {  	v8 =	vld [tilespmem:s0+$0xFFFFFF90]  }
0x3ed: {  	v11 =	vld [tilespmem:s0+$0xFFFFFFB0]  }
0x3ee: {  	v4 =	vld [tilespmem:s0+$0xFFFFFFE0];
	v9 =	vbroadcast v5, $0x4  }
0x3ef: {  	v10 =	vld [tilespmem:s0+$0xFFFFFFA0];
	v6 =	vbroadcast v5, $0x0  }
0x3f0: {  	v13 =	vbroadcast v5, $0x1;
	v14 =	vmul.f32 v7, v9;
	v7 =	vld [tilespmem:s0+$0xFFFFFF80]  }
0x3f1: {  	v12 =	vbroadcast v5, $0x2;
	v16 =	vbroadcast v5, $0x3;
	v9 =	vld [tilespmem:s0+$0xFFFFFFF0]  }
0x3f2: {  	v15 =	vmul.f32 v8, v13;
	v8 =	vbroadcast v5, $0x5  }
0x3f3: {  	s2 =	simm.s32 $0x0;
	s12 =	simm.s32 $0x1C8C0;
	s4 =	simm.s32 $0x1F550;
	v13 =	vmul.f32 v11, v16;
	v11 =	vld [tilespmem:s0+$0xFFFFFFD0];
	[tilespmem:s0+$0xFFFFFFC0] =	vst v14;
	v14 =	vbroadcast v5, $0x6  }
.LBB2_31:
0x3f4: {  	s2 =	sadd.s32 $0x2, s2;
	[tilespmem:s0+$0xFFFFFF90] =	vst v15;
	v10 =	vmul.f32 v10, v12;
	v5 =	vbroadcast v5, $0x7;
	s3 =	sadd.s32 $0x20, s3;
	s12 =	sadd.s32 $0x100, s12  }
0x3f5: {  	p0 =	slt.u32 s2, $0x4E;
	v6 =	vmul.f32 v6, v7;
	[tilespmem:s0+$0xFFFFFFB0] =	vst v13;
	v4 =	vmul.f32 v4, v14  }
0x3f6: {  	[tilespmem:s0+$0xFFFFFFA0] =	vst v10;
	v5 =	vmul.f32 v9, v5  }
0x3f7: {  	[tilespmem:s0+$0xFFFFFFE0] =	vst v4  }
0x3f8: {  	v4 =	vmul.f32 v11, v8;
	[tilespmem:s0+$0xFFFFFFF0] =	vst v5  }
0x3f9: {  	[tilespmem:s0+$0xFFFFFF80] =	vst v6  }
0x3fa: {  	[tilespmem:s0+$0xFFFFFFD0] =	vst v4;
	v4 =	vld [tilespmem:s0+$0x10]  }
0x3fb: {  	v5 =	vld [tilespmem:s4+$0x0];
	s4 =	smov.u32 s3  }
0x3fc: {  	v6 =	vld [tilespmem:s0+$0x70]  }
0x3fd: {  	v7 =	vld [tilespmem:s0+$0x0]  }
0x3fe: {  	v8 =	vld [tilespmem:s0+$0x20]  }
0x3ff: {  	v9 =	vld [tilespmem:s0+$0x40]  }
0x400: {  	v10 =	vbroadcast v5, $0x0;
	v11 =	vld [tilespmem:s0+$0x30];
	v12 =	vbroadcast v5, $0x7  }
0x401: {  	v13 =	vbroadcast v5, $0x2;
	v15 =	vbroadcast v5, $0x6;
	v14 =	vld [tilespmem:s0+$0x60]  }
0x402: {  	v7 =	vmul.f32 v10, v7;
	v10 =	vbroadcast v5, $0x4;
	v16 =	vld [tilespmem:s0+$0x50]  }
0x403: {  	v8 =	vmul.f32 v8, v13;
	v13 =	vbroadcast v5, $0x3  }
0x404: {  	[tilespmem:s0+$0x0] =	vst v7;
	v7 =	vbroadcast v5, $0x1;
	v9 =	vmul.f32 v9, v10  }
0x405: {  	v5 =	vbroadcast v5, $0x5;
	[tilespmem:s0+$0x20] =	vst v8;
	v8 =	vmul.f32 v11, v13  }
0x406: {  	v6 =	vmul.f32 v6, v12;
	[tilespmem:s0+$0x40] =	vst v9;
	v9 =	vmul.f32 v14, v15  }
0x407: {  	v4 =	vmul.f32 v4, v7;
	[tilespmem:s0+$0x30] =	vst v8;
	v5 =	vmul.f32 v16, v5  }
0x408: {  	[tilespmem:s0+$0x70] =	vst v6  }
0x409: {  	[tilespmem:s0+$0x10] =	vst v4  }
0x40a: {  	[tilespmem:s0+$0x60] =	vst v9  }
0x40b: {  	[tilespmem:s0+$0x50] =	vst v5;
	s0 =	smov.u32 s12  }
0x40c: {  	v5 =	vld [tilespmem:s3+$0xFFFFFFF0]  }
0x40d: {  	v4 =	vld [tilespmem:s12+$0xFFFFFFE0]  }
0x40e: {  	v8 =	vld [tilespmem:s12+$0xFFFFFFC0]  }
0x40f: {  	v11 =	vld [tilespmem:s12+$0xFFFFFF90]  }
0x410: {  	v13 =	vld [tilespmem:s12+$0xFFFFFFB0]  }
.Ltmp14:
0x411: {  	v6 =	vbroadcast v5, $0x0;
	v10 =	vld [tilespmem:s12+$0xFFFFFFA0];
	v9 =	vbroadcast v5, $0x4;
	(pc) =	sbr.rel @p0 .LBB2_31-.Ltmp14, $4  }
0x412: {  	v14 =	vbroadcast v5, $0x1;
	v12 =	vbroadcast v5, $0x2;
	v7 =	vld [tilespmem:s12+$0xFFFFFF80]  }
0x413: {  	v16 =	vbroadcast v5, $0x3;
	v17 =	vmul.f32 v8, v9;
	v9 =	vld [tilespmem:s12+$0xFFFFFFF0]  }
0x414: {  	v8 =	vbroadcast v5, $0x5;
	v15 =	vmul.f32 v11, v14  }
0x415: {  	v14 =	vbroadcast v5, $0x6;
	v13 =	vmul.f32 v13, v16;
	[tilespmem:s12+$0xFFFFFFC0] =	vst v17;
	v11 =	vld [tilespmem:s12+$0xFFFFFFD0]  }
0x416: {  	[tilespmem:s0+$0xFFFFFF90] =	vst v15;
	v10 =	vmul.f32 v10, v12  }
0x417: {  	v5 =	vbroadcast v5, $0x7;
	[tilespmem:s0+$0xFFFFFFB0] =	vst v13;
	v4 =	vmul.f32 v4, v14  }
0x418: {  	v6 =	vmul.f32 v6, v7;
	[tilespmem:s0+$0xFFFFFFA0] =	vst v10  }
0x419: {  	v5 =	vmul.f32 v9, v5;
	[tilespmem:s0+$0xFFFFFFE0] =	vst v4  }
0x41a: {  	[tilespmem:s0+$0xFFFFFF80] =	vst v6;
	v4 =	vmul.f32 v11, v8  }
0x41b: {  	[tilespmem:s0+$0xFFFFFFF0] =	vst v5  }
0x41c: {  	[tilespmem:s0+$0xFFFFFFD0] =	vst v4  }
0x41d: {  	v4 =	vld [tilespmem:s4+$0x0];
	_ =	sdelay $0x1  }
0x41e: {  	v5 =	vld [tilespmem:s0+$0x0]  }
0x41f: {  	v48 =	vld [tilespmem:s0+$0x20]  }
0x420: {  	v51 =	vld [tilespmem:s0+$0x30]  }
0x421: {  	v54 =	vld [tilespmem:s0+$0x10];
	v50 =	vbroadcast v4, $0x0  }
0x422: {  	v56 =	vld [tilespmem:s0+$0x60];
	v53 =	vbroadcast v4, $0x2;
	v55 =	vbroadcast v4, $0x4  }
0x423: {  	v49 =	vld [tilespmem:s0+$0x40];
	v57 =	vbroadcast v4, $0x3;
	v5 =	vmul.f32 v50, v5  }
0x424: {  	v59 =	vld [tilespmem:s0+$0x50];
	v60 =	vbroadcast v4, $0x1;
	v6 =	vmul.f32 v48, v53  }
0x425: {  	v52 =	vld [tilespmem:s0+$0x70];
	v62 =	vbroadcast v4, $0x6;
	v61 =	vmul.f32 v51, v57;
	[tilespmem:s0+$0x0] =	vst v5  }
0x426: {  	v58 =	vbroadcast v4, $0x7;
	v7 =	vmul.f32 v54, v60;
	[tilespmem:s0+$0x20] =	vst v6  }
0x427: {  	v4 =	vbroadcast v4, $0x5;
	v63 =	vmul.f32 v56, v62;
	[tilespmem:s0+$0x30] =	vst v61  }
0x428: {  	v5 =	vmul.f32 v49, v55;
	[tilespmem:s0+$0x10] =	vst v7  }
0x429: {  	s14 =	sadd.s32 $0x1, s14;
	v4 =	vmul.f32 v59, v4;
	[tilespmem:s0+$0x60] =	vst v63  }
0x42a: {  	p0 =	sne.s32 s14, $0x53;
	[tilespmem:s0+$0x40] =	vst v5;
	v5 =	vmul.f32 v52, v58  }
.Ltmp15:
0x42b: {  	[tilespmem:s0+$0x50] =	vst v4;
	(pc) =	sbr.rel @p0 .LBB2_20-.Ltmp15, $4  }
0x42c: {  	s12 =	rddreg [dreg:$0x2];
	s2 =	simm.s32 $0x1C840;
	s3 =	simm.s32 $0x1C7F0;
	[tilespmem:s0+$0x70] =	vst v5  }
0x42d: {  	[spmem:s12] =	stream.indirect.scatter.add.f32 [tilespmem:s2], [sflag:$0x11], $0x80, s3, s22, $0xb8;
	[tilespmem:$0x1FA40] =	vst v63  }
0x42e: {  	s23 =	rddreg [dreg:$0x3]  }
0x42f: {  	[spmem:s23] =	stream.indirect.scatter.add.f32 [tilespmem:s5], [sflag:$0x12], $0x10, s3, s22, $0xb8;
	[tilespmem:$0x1FA40] =	vst v63  }
0x430: {  	s2 =	simm.s32 $0x2  }
0x431: {  	_ =	swait.ge [sflag:s2], $0x2800  }
0x432: {  	s0 =	simm.s32 $0x0;
	[sflag:s2] =	ssyncset.done $0x0  }
0x433: {  	s23 =	simm.s32 $0x3;
	v4 =	vmov s0;
	[sflag:s2] =	ssyncadd.s32 $0xFFFFD800  }
0x434: {  	v4 =	vshll.u32 v4, $0x4;
	_ =	swait.ge [sflag:s23], $0x500  }
0x435: {  	v8 =	vor.u32 v2, v4;
	[sflag:s23] =	ssyncset.done $0x0  }
0x436: {  	v6 =	vor.u32 $0xA, v8;
	[sflag:s23] =	ssyncadd.s32 $0xFFFFFB00  }
0x437: {  	v7 =	vor.u32 $0x8, v8;
	_ =	swait.ge [sflag:s15], $0x500  }
0x438: {  	v5 =	vor.u32 $0x1, v8;
	[sflag:s15] =	ssyncset.done $0x0  }
0x439: {  	v4 =	vor.u32 $0x2, v8;
	[sflag:s15] =	ssyncadd.s32 $0xFFFFFB00  }
0x43a: {  	v9 =	vor.u32 $0x9, v8;
	v10 =	vld.idx.msk [tilespmem:v8+s25+$0x0], $0xffff  }
0x43b: {  	v11 =	vld.idx.msk [tilespmem:v6+s8+$0x0], $0xffff  }
0x43c: {  	v12 =	vor.u32 $0xB, v8;
	v13 =	vld.idx.msk [tilespmem:v7+s8+$0x0], $0xffff  }
0x43d: {  	v6 =	vor.u32 $0x3, v8;
	v14 =	vld.idx.msk [tilespmem:v5+s25+$0x0], $0xffff  }
0x43e: {  	v16 =	vor.u32 $0xC, v8;
	v15 =	vld.idx.msk [tilespmem:v4+s25+$0x0], $0xffff  }
0x43f: {  	v17 =	vld.idx.msk [tilespmem:v9+s8+$0x0], $0xffff;
	v7 =	vor.u32 $0x4, v8;
	_ =	sdelay $0x1  }
0x440: {  	v12 =	vld.idx.msk [tilespmem:v12+s8+$0x0], $0xffff;
	v10 =	vadd.f32 v13, v10  }
0x441: {  	v13 =	vld.idx.msk [tilespmem:v6+s25+$0x0], $0xffff  }
0x442: {  	v16 =	vld.idx.msk [tilespmem:v16+s8+$0x0], $0xffff;
	v11 =	vadd.f32 v11, v15;
	v15 =	vmul.f32 $2.000000030e-01, v10  }
0x443: {  	v18 =	vld.idx.msk [tilespmem:v7+s25+$0x0], $0xffff;
	v14 =	vadd.f32 v17, v14;
	v17 =	vor.u32 $0xD, v8  }
0x444: {  	v9 =	vor.u32 $0x5, v8;
	v10 =	vmax.f32 v10, v15;
	v15 =	vmul.f32 $2.000000030e-01, v11  }
0x445: {  	v19 =	vmul.f32 $1.442695020e+00, v10;
	v10 =	vmul.f32 $2.000000030e-01, v14  }
0x446: {  	v20 =	vor.u32 $0xF, v8;
	v12 =	vadd.f32 v12, v13;
	v13 =	vor.u32 $0xE, v8  }
0x447: {  	v11 =	vmax.f32 v11, v15;
	v15 =	vtrunc.f32 v19;
	v10 =	vmax.f32 v14, v10  }
0x448: {  	v16 =	vadd.f32 v16, v18;
	v17 =	vld.idx.msk [tilespmem:v17+s8+$0x0], $0xffff;
	v21 =	vmul.f32 $2.000000030e-01, v12;
	v18 =	vmul.f32 $1.442695020e+00, v10  }
0x449: {  	v14 =	vld.idx.msk [tilespmem:v9+s25+$0x0], $0xffff;
	v22 =	vcvt.f32.s32 v15;
	vm0 =	vlt.f32 v19, v15;
	v15 =	vmul.f32 $1.442695020e+00, v11  }
0x44a: {  	v11 =	vmax.f32 v12, v21;
	v12 =	vsel vm0, $0xFFFFFFFF, v3;
	v21 =	vmul.f32 $2.000000030e-01, v16  }
0x44b: {  	v10 =	vtrunc.f32 v18;
	v25 =	vtrunc.f32 v15;
	v12 =	vadd.s32 v22, v12  }
0x44c: {  	v27 =	vmul.f32 $1.442695020e+00, v11;
	v11 =	vor.u32 $0x7, v8;
	v23 =	vcvt.f32.s32 v10  }
0x44d: {  	vm0 =	vlt.f32 v18, v10;
	v10 =	vor.u32 $0x6, v8;
	v16 =	vmax.f32 v16, v21  }
0x44e: {  	v24 =	vsel vm0, $0xFFFFFFFF, v3;
	vm0 =	vlt.f32 v15, v25;
	v14 =	vadd.f32 v17, v14  }
0x44f: {  	v16 =	vmul.f32 $1.442695020e+00, v16;
	v21 =	vadd.s32 v23, v24;
	v23 =	vcvt.f32.s32 v25  }
0x450: {  	v26 =	vcvt.s32.f32 v12;
	v17 =	vsel vm0, $0xFFFFFFFF, v3;
	v24 =	vcvt.s32.f32 v21  }
0x451: {  	v22 =	vtrunc.f32 v16;
	v25 =	vmul.f32 $2.000000030e-01, v14;
	v23 =	vadd.s32 v23, v17  }
0x452: {  	v28 =	vcvt.f32.s32 v22;
	vm0 =	vlt.f32 v16, v22;
	v17 =	vsub.f32 v19, v26  }
0x453: {  	v26 =	vshll.u32 v12, $0x17;
	v22 =	vld.idx.msk [tilespmem:v10+s25+$0x0], $0xffff;
	v14 =	vmax.f32 v14, v25;
	v19 =	vsel vm0, $0xFFFFFFFF, v3  }
0x454: {  	v29 =	vcvt.s32.f32 v23;
	v25 =	vld.idx.msk [tilespmem:v13+s8+$0x0], $0xffff;
	v28 =	vadd.s32 v28, v19;
	v30 =	vmul.f32 $1.442695020e+00, v14  }
0x455: {  	v20 =	vld.idx.msk [tilespmem:v20+s8+$0x0], $0xffff;
	v12 =	vshll.u32 v23, $0x17;
	v19 =	vtrunc.f32 v27;
	v14 =	vcvt.s32.f32 v28  }
0x456: {  	v33 =	vld.idx.msk [tilespmem:v11+s25+$0x0], $0xffff;
	v23 =	vmul.f32 $1.894379380e-03, v17;
	v13 =	vsub.f32 v15, v29;
	vm0 =	vlt.f32 v27, v19  }
0x457: {  	v15 =	vtrunc.f32 v30;
	v29 =	vsel vm0, $0xFFFFFFFF, v3;
	v32 =	vsub.f32 v16, v14  }
0x458: {  	v23 =	vadd.f32 $8.940582160e-03, v23;
	v14 =	vshll.u32 v21, $0x17;
	vm0 =	vlt.f32 v30, v15  }
0x459: {  	v16 =	vsub.f32 v18, v24;
	v21 =	vadd.f32 v25, v22;
	v25 =	vmul.f32 $1.894379380e-03, v32  }
0x45a: {  	v18 =	vcvt.f32.s32 v19;
	v19 =	vadd.s32 $0x3F800000, v26;
	v22 =	vmul.f32 $1.894379380e-03, v13  }
0x45b: {  	v20 =	vadd.f32 v20, v33;
	v34 =	vmul.f32 $1.894379380e-03, v16;
	v24 =	vadd.f32 $8.940582160e-03, v25  }
0x45c: {  	v22 =	vadd.f32 $8.940582160e-03, v22;
	v26 =	vmul.f32 $2.000000030e-01, v21;
	v25 =	vmul.f32 v23, v17  }
0x45d: {  	v31 =	vsel vm0, $0xFFFFFFFF, v3;
	v23 =	vcvt.f32.s32 v15;
	v24 =	vmul.f32 v24, v32  }
0x45e: {  	v15 =	vadd.s32 v18, v29;
	v29 =	vadd.f32 $8.940582160e-03, v34;
	v18 =	vmul.f32 v22, v13  }
0x45f: {  	v35 =	vcvt.s32.f32 v15;
	v21 =	vmax.f32 v21, v26;
	v22 =	vadd.f32 $5.587655680e-02, v24  }
0x460: {  	v31 =	vadd.s32 v23, v31;
	v23 =	vmul.f32 $1.442695020e+00, v21;
	v21 =	vadd.f32 $5.587655680e-02, v25  }
0x461: {  	v25 =	vmul.f32 $2.000000030e-01, v20;
	v24 =	vadd.f32 $5.587655680e-02, v18;
	v18 =	vmul.f32 v22, v32  }
0x462: {  	v12 =	vadd.s32 $0x3F800000, v12;
	v26 =	vmul.f32 v29, v16;
	v22 =	vcvt.s32.f32 v31  }
0x463: {  	v29 =	vmul.f32 v21, v17;
	v20 =	vmax.f32 v20, v25;
	v18 =	vadd.f32 $2.401316910e-01, v18  }
0x464: {  	v25 =	vmul.f32 $1.442695020e+00, v20;
	v20 =	vadd.f32 $5.587655680e-02, v26;
	v21 =	vsub.f32 v30, v22  }
0x465: {  	v14 =	vadd.s32 $0x3F800000, v14;
	v62 =	vtrunc.f32 v23;
	v22 =	vmul.f32 v18, v32  }
0x466: {  	vm0 =	vlt.f32 v23, v62;
	v26 =	vmul.f32 v20, v16;
	v63 =	vmul.f32 $1.894379380e-03, v21  }
0x467: {  	v20 =	vsub.f32 v27, v35;
	v30 =	vtrunc.f32 v25;
	v36 =	vadd.f32 $6.931567780e-01, v22  }
0x468: {  	vm1 =	vlt.f32 v25, v30;
	v22 =	vshll.u32 v31, $0x17;
	v31 =	vadd.f32 $8.940582160e-03, v63  }
0x469: {  	s0 =	simm.s32 $0x10;
	v18 =	vshll.u32 v28, $0x17;
	v28 =	vcvt.f32.s32 v62;
	v27 =	vmul.f32 v36, v32  }
.LBB2_34:
0x46a: {  	p0 =	sne.s32 s0, $0x40;
	v29 =	vadd.f32 $2.401316910e-01, v29;
	v31 =	vmul.f32 v31, v21;
	v32 =	vsel vm1, $0xFFFFFFFF, v3;
	s2 =	smov.u32 s0;
	s0 =	sadd.s32 $0x10, s0  }
0x46b: {  	v30 =	vcvt.f32.s32 v30;
	v33 =	vmul.f32 $1.894379380e-03, v20;
	v27 =	vadd.f32 $9.999997610e-01, v27  }
0x46c: {  	v34 =	vsel vm0, $0xFFFFFFFF, v3;
	v29 =	vmul.f32 v29, v17;
	v31 =	vadd.f32 $5.587655680e-02, v31  }
0x46d: {  	v24 =	vmul.f32 v24, v13;
	v30 =	vadd.s32 v30, v32;
	v33 =	vadd.f32 $8.940582160e-03, v33  }
0x46e: {  	v28 =	vadd.s32 v28, v34;
	v29 =	vadd.f32 $6.931567780e-01, v29;
	v31 =	vmul.f32 v31, v21  }
0x46f: {  	v24 =	vadd.f32 $2.401316910e-01, v24;
	v32 =	vmul.f32 v33, v20;
	v33 =	vcvt.s32.f32 v28  }
0x470: {  	v17 =	vmul.f32 v29, v17;
	v29 =	vadd.f32 $2.401316910e-01, v31;
	v31 =	vcvt.s32.f32 v30  }
0x471: {  	v24 =	vmul.f32 v24, v13;
	v32 =	vadd.f32 $5.587655680e-02, v32;
	v23 =	vsub.f32 v23, v33  }
0x472: {  	v17 =	vadd.f32 $9.999997610e-01, v17;
	v29 =	vmul.f32 v29, v21;
	v25 =	vsub.f32 v25, v31  }
0x473: {  	v26 =	vadd.f32 $2.401316910e-01, v26;
	v31 =	vmul.f32 v32, v20;
	v32 =	vmul.f32 $1.894379380e-03, v23  }
0x474: {  	v17 =	vmul.f32 v19, v17;
	v19 =	vadd.f32 $6.931567780e-01, v29;
	v29 =	vmul.f32 $1.894379380e-03, v25  }
0x475: {  	v26 =	vmul.f32 v26, v16;
	v31 =	vadd.f32 $2.401316910e-01, v31;
	v32 =	vadd.f32 $8.940582160e-03, v32  }
0x476: {  	v19 =	vmul.f32 v19, v21;
	v21 =	vadd.s32 $0x3F800000, v22;
	v22 =	vadd.f32 $8.940582160e-03, v29;
	[tilespmem:v8+s8+$0x0] =	vst.idx.msk $0xffff, v17  }
0x477: {  	v8 =	vadd.f32 $6.931567780e-01, v26;
	v17 =	vmul.f32 v31, v20;
	v26 =	vmul.f32 v32, v23  }
0x478: {  	v24 =	vadd.f32 $6.931567780e-01, v24;
	v19 =	vadd.f32 $9.999997610e-01, v19;
	v22 =	vmul.f32 v22, v25  }
0x479: {  	v8 =	vmul.f32 v8, v16;
	v16 =	vadd.f32 $6.931567780e-01, v17;
	v17 =	vadd.f32 $5.587655680e-02, v26  }
0x47a: {  	v13 =	vmul.f32 v24, v13;
	v19 =	vmul.f32 v21, v19;
	v21 =	vadd.f32 $5.587655680e-02, v22  }
0x47b: {  	v8 =	vadd.f32 $9.999997610e-01, v8;
	v16 =	vmul.f32 v16, v20;
	v17 =	vmul.f32 v17, v23  }
0x47c: {  	v15 =	vshll.u32 v15, $0x17;
	v13 =	vadd.f32 $9.999997610e-01, v13;
	v20 =	vmul.f32 v21, v25  }
0x47d: {  	v8 =	vmul.f32 v14, v8;
	v14 =	vadd.f32 $9.999997610e-01, v16;
	v16 =	vadd.f32 $2.401316910e-01, v17  }
0x47e: {  	v12 =	vmul.f32 v12, v13;
	v13 =	vadd.s32 $0x3F800000, v15;
	v15 =	vadd.f32 $2.401316910e-01, v20  }
0x47f: {  	v13 =	vmul.f32 v13, v14;
	v14 =	vadd.s32 $0x3F800000, v18;
	v16 =	vmul.f32 v16, v23;
	[tilespmem:v5+s8+$0x0] =	vst.idx.msk $0xffff, v8  }
0x480: {  	v5 =	vmul.f32 v14, v27;
	v8 =	vmul.f32 v15, v25;
	[tilespmem:v4+s8+$0x0] =	vst.idx.msk $0xffff, v12  }
0x481: {  	v4 =	vadd.f32 $6.931567780e-01, v16;
	[tilespmem:v6+s8+$0x0] =	vst.idx.msk $0xffff, v13  }
0x482: {  	v6 =	vadd.f32 $6.931567780e-01, v8;
	[tilespmem:v7+s8+$0x0] =	vst.idx.msk $0xffff, v5  }
0x483: {  	v5 =	vshll.u32 v28, $0x17;
	v4 =	vmul.f32 v4, v23;
	[tilespmem:v9+s8+$0x0] =	vst.idx.msk $0xffff, v19  }
0x484: {  	v7 =	vmov s2;
	v8 =	vshll.u32 v30, $0x17;
	v6 =	vmul.f32 v6, v25  }
0x485: {  	v7 =	vshll.u32 v7, $0x4;
	v9 =	vadd.s32 $0x3F800000, v8;
	v4 =	vadd.f32 $9.999997610e-01, v4  }
0x486: {  	v8 =	vor.u32 v2, v7;
	v7 =	vadd.s32 $0x3F800000, v5;
	v6 =	vadd.f32 $9.999997610e-01, v6  }
0x487: {  	v12 =	vor.u32 $0x8, v8;
	v13 =	vor.u32 $0x9, v8;
	v14 =	vor.u32 $0xA, v8  }
0x488: {  	v5 =	vor.u32 $0x1, v8;
	v15 =	vor.u32 $0xB, v8;
	v7 =	vmul.f32 v7, v4  }
0x489: {  	v16 =	vor.u32 $0xD, v8;
	v4 =	vor.u32 $0x2, v8;
	v6 =	vmul.f32 v9, v6  }
0x48a: {  	v18 =	vor.u32 $0xF, v8;
	[tilespmem:v10+s8+$0x0] =	vst.idx.msk $0xffff, v7  }
0x48b: {  	[tilespmem:v11+s8+$0x0] =	vst.idx.msk $0xffff, v6  }
0x48c: {  	v9 =	vld.idx.msk [tilespmem:v8+s25+$0x0], $0xffff  }
0x48d: {  	v10 =	vld.idx.msk [tilespmem:v14+s8+$0x0], $0xffff  }
0x48e: {  	v6 =	vor.u32 $0x3, v8;
	v11 =	vld.idx.msk [tilespmem:v12+s8+$0x0], $0xffff  }
0x48f: {  	v12 =	vld.idx.msk [tilespmem:v5+s25+$0x0], $0xffff  }
0x490: {  	v17 =	vor.u32 $0xC, v8;
	v14 =	vld.idx.msk [tilespmem:v4+s25+$0x0], $0xffff  }
0x491: {  	v7 =	vor.u32 $0x4, v8;
	v13 =	vld.idx.msk [tilespmem:v13+s8+$0x0], $0xffff  }
0x492: {  	v15 =	vld.idx.msk [tilespmem:v15+s8+$0x0], $0xffff  }
0x493: {  	v19 =	vld.idx.msk [tilespmem:v6+s25+$0x0], $0xffff  }
0x494: {  	v11 =	vadd.f32 v11, v9  }
0x495: {  	v17 =	vld.idx.msk [tilespmem:v17+s8+$0x0], $0xffff  }
0x496: {  	v9 =	vor.u32 $0x5, v8;
	v10 =	vadd.f32 v10, v14;
	v20 =	vmul.f32 $2.000000030e-01, v11;
	v14 =	vld.idx.msk [tilespmem:v7+s25+$0x0], $0xffff  }
0x497: {  	v12 =	vadd.f32 v13, v12  }
0x498: {  	v11 =	vmax.f32 v11, v20;
	v13 =	vmul.f32 $2.000000030e-01, v10  }
0x499: {  	v15 =	vadd.f32 v15, v19;
	v19 =	vmul.f32 $1.442695020e+00, v11;
	v11 =	vmul.f32 $2.000000030e-01, v12  }
0x49a: {  	v20 =	vor.u32 $0xE, v8;
	v10 =	vmax.f32 v10, v13  }
0x49b: {  	v21 =	vtrunc.f32 v19;
	v11 =	vmax.f32 v12, v11;
	v12 =	vmul.f32 $2.000000030e-01, v15;
	v13 =	vld.idx.msk [tilespmem:v9+s25+$0x0], $0xffff  }
0x49c: {  	v14 =	vadd.f32 v17, v14;
	v17 =	vcvt.f32.s32 v21;
	v22 =	vmul.f32 $1.442695020e+00, v11;
	v16 =	vld.idx.msk [tilespmem:v16+s8+$0x0], $0xffff  }
0x49d: {  	vm0 =	vlt.f32 v19, v21;
	v21 =	vmul.f32 $1.442695020e+00, v10;
	v11 =	vmax.f32 v15, v12  }
0x49e: {  	v12 =	vsel vm0, $0xFFFFFFFF, v3;
	v15 =	vtrunc.f32 v22;
	v23 =	vmul.f32 $2.000000030e-01, v14  }
0x49f: {  	v10 =	vor.u32 $0x6, v8;
	v24 =	vcvt.f32.s32 v15;
	vm0 =	vlt.f32 v22, v15  }
0x4a0: {  	v25 =	vtrunc.f32 v21;
	v15 =	vsel vm0, $0xFFFFFFFF, v3;
	v14 =	vmax.f32 v14, v23  }
0x4a1: {  	v23 =	vcvt.f32.s32 v25;
	vm0 =	vlt.f32 v21, v25;
	v15 =	vadd.s32 v24, v15  }
0x4a2: {  	v14 =	vmul.f32 $1.442695020e+00, v14;
	v13 =	vadd.f32 v16, v13;
	v16 =	vcvt.s32.f32 v15  }
0x4a3: {  	v12 =	vadd.s32 v17, v12;
	v27 =	vmul.f32 $1.442695020e+00, v11;
	v17 =	vsel vm0, $0xFFFFFFFF, v3  }
0x4a4: {  	v11 =	vor.u32 $0x7, v8;
	v24 =	vtrunc.f32 v14;
	v25 =	vmul.f32 $2.000000030e-01, v13  }
0x4a5: {  	v26 =	vcvt.s32.f32 v12;
	v23 =	vadd.s32 v23, v17;
	v28 =	vcvt.f32.s32 v24  }
0x4a6: {  	v30 =	vcvt.s32.f32 v23;
	vm0 =	vlt.f32 v14, v24;
	v24 =	vmax.f32 v13, v25;
	v29 =	vld.idx.msk [tilespmem:v10+s25+$0x0], $0xffff  }
0x4a7: {  	v17 =	vsub.f32 v19, v26;
	v19 =	vshll.u32 v12, $0x17;
	v12 =	vsel vm0, $0xFFFFFFFF, v3;
	v20 =	vld.idx.msk [tilespmem:v20+s8+$0x0], $0xffff  }
0x4a8: {  	v13 =	vsub.f32 v21, v30;
	v25 =	vadd.s32 v28, v12;
	v21 =	vmul.f32 $1.442695020e+00, v24  }
0x4a9: {  	v12 =	vshll.u32 v23, $0x17;
	v23 =	vtrunc.f32 v27;
	v24 =	vcvt.s32.f32 v25  }
0x4aa: {  	v12 =	vadd.s32 $0x3F800000, v12;
	vm0 =	vlt.f32 v27, v23;
	v26 =	vtrunc.f32 v21  }
0x4ab: {  	v28 =	vmul.f32 $1.894379380e-03, v17;
	v30 =	vsel vm0, $0xFFFFFFFF, v3;
	v32 =	vsub.f32 v14, v24  }
0x4ac: {  	v14 =	vshll.u32 v15, $0x17;
	vm0 =	vlt.f32 v21, v26  }
0x4ad: {  	v15 =	vmul.f32 $1.894379380e-03, v13;
	v24 =	vmul.f32 $1.894379380e-03, v32;
	v20 =	vadd.f32 v20, v29;
	v18 =	vld.idx.msk [tilespmem:v18+s8+$0x0], $0xffff  }
0x4ae: {  	v28 =	vadd.f32 $8.940582160e-03, v28;
	v14 =	vadd.s32 $0x3F800000, v14;
	v31 =	vsel vm0, $0xFFFFFFFF, v3;
	v29 =	vld.idx.msk [tilespmem:v11+s25+$0x0], $0xffff  }
0x4af: {  	v16 =	vsub.f32 v22, v16;
	v22 =	vcvt.f32.s32 v23;
	v23 =	vadd.f32 $8.940582160e-03, v24  }
0x4b0: {  	v28 =	vmul.f32 v28, v17;
	v26 =	vcvt.f32.s32 v26;
	v24 =	vadd.f32 $8.940582160e-03, v15  }
0x4b1: {  	v19 =	vadd.s32 $0x3F800000, v19;
	v23 =	vmul.f32 v23, v32;
	v33 =	vmul.f32 $2.000000030e-01, v20  }
0x4b2: {  	v34 =	vmul.f32 $1.894379380e-03, v16;
	v15 =	vadd.s32 v22, v30;
	v22 =	vadd.s32 v26, v31  }
0x4b3: {  	v35 =	vcvt.s32.f32 v15;
	v24 =	vmul.f32 v24, v13;
	v23 =	vadd.f32 $5.587655680e-02, v23  }
0x4b4: {  	v26 =	vadd.f32 $8.940582160e-03, v34;
	v20 =	vmax.f32 v20, v33;
	v18 =	vadd.f32 v18, v29  }
0x4b5: {  	v24 =	vadd.f32 $5.587655680e-02, v24;
	v29 =	vmul.f32 v23, v32;
	v23 =	vmul.f32 $1.442695020e+00, v20  }
0x4b6: {  	v20 =	vadd.f32 $5.587655680e-02, v28;
	v28 =	vcvt.s32.f32 v22;
	v30 =	vmul.f32 $2.000000030e-01, v18  }
0x4b7: {  	v26 =	vmul.f32 v26, v16;
	v31 =	vadd.f32 $2.401316910e-01, v29;
	v33 =	vtrunc.f32 v23  }
0x4b8: {  	v29 =	vmul.f32 v20, v17;
	v21 =	vsub.f32 v21, v28;
	v20 =	vmax.f32 v18, v30  }
.Ltmp16:
0x4b9: {  	v30 =	vmul.f32 v31, v32;
	v18 =	vshll.u32 v25, $0x17;
	v25 =	vmul.f32 $1.442695020e+00, v20;
	(pc) =	sbr.rel @p0 .LBB2_34-.Ltmp16, $4  }
0x4ba: {  	v28 =	vcvt.f32.s32 v33;
	v31 =	vmul.f32 $1.894379380e-03, v21;
	v20 =	vadd.f32 $5.587655680e-02, v26  }
0x4bb: {  	v22 =	vshll.u32 v22, $0x17;
	v34 =	vadd.f32 $6.931567780e-01, v30;
	v30 =	vtrunc.f32 v25  }
0x4bc: {  	vm0 =	vlt.f32 v23, v33;
	v31 =	vadd.f32 $8.940582160e-03, v31;
	v26 =	vmul.f32 v20, v16  }
0x4bd: {  	v20 =	vsub.f32 v27, v35;
	v27 =	vmul.f32 v34, v32;
	vm1 =	vlt.f32 v25, v30  }
0x4be: {  	v30 =	vcvt.f32.s32 v30;
	v32 =	vsel vm0, $0xFFFFFFFF, v3  }
0x4bf: {  	v31 =	vmul.f32 v31, v21;
	v33 =	vsel vm1, $0xFFFFFFFF, v3;
	v28 =	vadd.s32 v28, v32  }
0x4c0: {  	v29 =	vadd.f32 $2.401316910e-01, v29;
	v30 =	vadd.s32 v30, v33;
	v32 =	vcvt.s32.f32 v28  }
0x4c1: {  	v26 =	vadd.f32 $2.401316910e-01, v26;
	v48 =	vmul.f32 $1.894379380e-03, v20;
	v34 =	vcvt.s32.f32 v30  }
0x4c2: {  	v24 =	vmul.f32 v24, v13;
	v31 =	vadd.f32 $5.587655680e-02, v31;
	v23 =	vsub.f32 v23, v32  }
0x4c3: {  	v29 =	vmul.f32 v29, v17;
	v49 =	vadd.f32 $8.940582160e-03, v48;
	v25 =	vsub.f32 v25, v34  }
0x4c4: {  	v22 =	vadd.s32 $0x3F800000, v22;
	v31 =	vmul.f32 v31, v21;
	v50 =	vmul.f32 $1.894379380e-03, v23  }
0x4c5: {  	v29 =	vadd.f32 $6.931567780e-01, v29;
	v32 =	vmul.f32 v49, v20;
	v34 =	vmul.f32 $1.894379380e-03, v25  }
0x4c6: {  	v53 =	vmul.f32 v26, v16;
	v31 =	vadd.f32 $2.401316910e-01, v31;
	v51 =	vadd.f32 $8.940582160e-03, v50  }
0x4c7: {  	v17 =	vmul.f32 v29, v17;
	v32 =	vadd.f32 $5.587655680e-02, v32;
	v52 =	vadd.f32 $8.940582160e-03, v34  }
0x4c8: {  	v24 =	vadd.f32 $2.401316910e-01, v24;
	v31 =	vmul.f32 v31, v21;
	v29 =	vmul.f32 v51, v23  }
0x4c9: {  	v17 =	vadd.f32 $9.999997610e-01, v17;
	v32 =	vmul.f32 v32, v20;
	v33 =	vmul.f32 v52, v25  }
0x4ca: {  	v24 =	vmul.f32 v24, v13;
	v31 =	vadd.f32 $6.931567780e-01, v31;
	v54 =	vadd.f32 $5.587655680e-02, v29  }
0x4cb: {  	v17 =	vmul.f32 v19, v17;
	v55 =	vadd.f32 $2.401316910e-01, v32;
	v57 =	vadd.f32 $5.587655680e-02, v33  }
0x4cc: {  	v24 =	vadd.f32 $6.931567780e-01, v24;
	v56 =	vmul.f32 v31, v21;
	v26 =	vmul.f32 v54, v23  }
0x4cd: {  	v19 =	vadd.f32 $6.931567780e-01, v53;
	v29 =	vmul.f32 v55, v20;
	v31 =	vmul.f32 v57, v25  }
0x4ce: {  	v15 =	vshll.u32 v15, $0x17;
	v13 =	vmul.f32 v24, v13;
	v58 =	vadd.f32 $2.401316910e-01, v26  }
0x4cf: {  	v16 =	vmul.f32 v19, v16;
	v59 =	vadd.f32 $6.931567780e-01, v29;
	v60 =	vadd.f32 $2.401316910e-01, v31  }
0x4d0: {  	v27 =	vadd.f32 $9.999997610e-01, v27;
	v13 =	vadd.f32 $9.999997610e-01, v13;
	v19 =	vmul.f32 v58, v23  }
0x4d1: {  	v16 =	vadd.f32 $9.999997610e-01, v16;
	v61 =	vmul.f32 v59, v20;
	v62 =	vmul.f32 v60, v25  }
0x4d2: {  	[tilespmem:v8+s8+$0x0] =	vst.idx.msk $0xffff, v17;
	v8 =	vmul.f32 v12, v13;
	v21 =	vadd.f32 $9.999997610e-01, v56;
	v19 =	vadd.f32 $6.931567780e-01, v19  }
0x4d3: {  	v14 =	vmul.f32 v14, v16;
	v16 =	vadd.f32 $9.999997610e-01, v61;
	v63 =	vadd.f32 $6.931567780e-01, v62  }
0x4d4: {  	v12 =	vadd.s32 $0x3F800000, v15;
	v21 =	vmul.f32 v22, v21;
	v13 =	vmul.f32 v19, v23  }
0x4d5: {  	v15 =	vadd.s32 $0x3F800000, v18;
	[tilespmem:v5+s8+$0x0] =	vst.idx.msk $0xffff, v14;
	v12 =	vmul.f32 v12, v16;
	v5 =	vmul.f32 v63, v25  }
0x4d6: {  	v14 =	vmul.f32 v15, v27;
	[tilespmem:v4+s8+$0x0] =	vst.idx.msk $0xffff, v8;
	v4 =	vshll.u32 v28, $0x17;
	v8 =	vadd.f32 $9.999997610e-01, v13  }
0x4d7: {  	v4 =	vadd.s32 $0x3F800000, v4;
	[tilespmem:v6+s8+$0x0] =	vst.idx.msk $0xffff, v12;
	v6 =	vshll.u32 v30, $0x17;
	v5 =	vadd.f32 $9.999997610e-01, v5  }
0x4d8: {  	[tilespmem:v7+s8+$0x0] =	vst.idx.msk $0xffff, v14;
	v6 =	vadd.s32 $0x3F800000, v6;
	v4 =	vmul.f32 v4, v8  }
0x4d9: {  	[tilespmem:v9+s8+$0x0] =	vst.idx.msk $0xffff, v21;
	v5 =	vmul.f32 v6, v5  }
0x4da: {  	[tilespmem:v10+s8+$0x0] =	vst.idx.msk $0xffff, v4  }
0x4db: {  	s3 =	simm.s32 $0x18E30;
	[tilespmem:v11+s8+$0x0] =	vst.idx.msk $0xffff, v5  }
0x4dc: {  	v5 =	vld [tilespmem:s3+$0xFFFFFFF0]  }
0x4dd: {  	s0 =	simm.s32 $0x161A0  }
0x4de: {  	v7 =	vld [tilespmem:s0+$0xFFFFFFC0]  }
0x4df: {  	v8 =	vld [tilespmem:s0+$0xFFFFFF90]  }
0x4e0: {  	v11 =	vld [tilespmem:s0+$0xFFFFFFB0]  }
0x4e1: {  	v4 =	vld [tilespmem:s0+$0xFFFFFFE0];
	v9 =	vbroadcast v5, $0x4  }
0x4e2: {  	v10 =	vld [tilespmem:s0+$0xFFFFFFA0];
	v6 =	vbroadcast v5, $0x0  }
0x4e3: {  	v13 =	vbroadcast v5, $0x1;
	v14 =	vmul.f32 v7, v9;
	v7 =	vld [tilespmem:s0+$0xFFFFFF80]  }
0x4e4: {  	v12 =	vbroadcast v5, $0x2;
	v16 =	vbroadcast v5, $0x3;
	v9 =	vld [tilespmem:s0+$0xFFFFFFF0]  }
0x4e5: {  	s2 =	simm.s32 $0x0;
	v15 =	vmul.f32 v8, v13;
	v8 =	vbroadcast v5, $0x5  }
0x4e6: {  	s12 =	simm.s32 $0x161A0;
	s4 =	simm.s32 $0x18E30;
	s13 =	rddreg [dreg:$0xd];
	v13 =	vmul.f32 v11, v16;
	v11 =	vld [tilespmem:s0+$0xFFFFFFD0];
	[tilespmem:s0+$0xFFFFFFC0] =	vst v14;
	v14 =	vbroadcast v5, $0x6  }
.LBB2_36:
0x4e7: {  	s2 =	sadd.s32 $0x2, s2;
	[tilespmem:s0+$0xFFFFFF90] =	vst v15;
	v10 =	vmul.f32 v10, v12;
	v5 =	vbroadcast v5, $0x7;
	s3 =	sadd.s32 $0x20, s3;
	s12 =	sadd.s32 $0x100, s12  }
0x4e8: {  	p0 =	slt.u32 s2, $0x4E;
	v6 =	vmul.f32 v6, v7;
	[tilespmem:s0+$0xFFFFFFB0] =	vst v13;
	v4 =	vmul.f32 v4, v14  }
0x4e9: {  	[tilespmem:s0+$0xFFFFFFA0] =	vst v10;
	v5 =	vmul.f32 v9, v5  }
0x4ea: {  	[tilespmem:s0+$0xFFFFFFE0] =	vst v4  }
0x4eb: {  	v4 =	vmul.f32 v11, v8;
	[tilespmem:s0+$0xFFFFFFF0] =	vst v5  }
0x4ec: {  	[tilespmem:s0+$0xFFFFFF80] =	vst v6  }
0x4ed: {  	[tilespmem:s0+$0xFFFFFFD0] =	vst v4;
	v4 =	vld [tilespmem:s0+$0x10]  }
0x4ee: {  	v5 =	vld [tilespmem:s4+$0x0];
	s4 =	smov.u32 s3  }
0x4ef: {  	v6 =	vld [tilespmem:s0+$0x70]  }
0x4f0: {  	v7 =	vld [tilespmem:s0+$0x0]  }
0x4f1: {  	v8 =	vld [tilespmem:s0+$0x20]  }
0x4f2: {  	v9 =	vld [tilespmem:s0+$0x40]  }
0x4f3: {  	v10 =	vbroadcast v5, $0x0;
	v11 =	vld [tilespmem:s0+$0x30];
	v12 =	vbroadcast v5, $0x7  }
0x4f4: {  	v13 =	vbroadcast v5, $0x2;
	v15 =	vbroadcast v5, $0x6;
	v14 =	vld [tilespmem:s0+$0x60]  }
0x4f5: {  	v7 =	vmul.f32 v10, v7;
	v10 =	vbroadcast v5, $0x4;
	v16 =	vld [tilespmem:s0+$0x50]  }
0x4f6: {  	v8 =	vmul.f32 v8, v13;
	v13 =	vbroadcast v5, $0x3  }
0x4f7: {  	[tilespmem:s0+$0x0] =	vst v7;
	v7 =	vbroadcast v5, $0x1;
	v9 =	vmul.f32 v9, v10  }
0x4f8: {  	v5 =	vbroadcast v5, $0x5;
	[tilespmem:s0+$0x20] =	vst v8;
	v8 =	vmul.f32 v11, v13  }
0x4f9: {  	v6 =	vmul.f32 v6, v12;
	[tilespmem:s0+$0x40] =	vst v9;
	v9 =	vmul.f32 v14, v15  }
0x4fa: {  	v4 =	vmul.f32 v4, v7;
	[tilespmem:s0+$0x30] =	vst v8;
	v5 =	vmul.f32 v16, v5  }
0x4fb: {  	[tilespmem:s0+$0x70] =	vst v6  }
0x4fc: {  	[tilespmem:s0+$0x10] =	vst v4  }
0x4fd: {  	[tilespmem:s0+$0x60] =	vst v9  }
0x4fe: {  	[tilespmem:s0+$0x50] =	vst v5;
	s0 =	smov.u32 s12  }
0x4ff: {  	v5 =	vld [tilespmem:s3+$0xFFFFFFF0]  }
0x500: {  	v4 =	vld [tilespmem:s12+$0xFFFFFFE0]  }
0x501: {  	v8 =	vld [tilespmem:s12+$0xFFFFFFC0]  }
0x502: {  	v11 =	vld [tilespmem:s12+$0xFFFFFF90]  }
0x503: {  	v13 =	vld [tilespmem:s12+$0xFFFFFFB0]  }
.Ltmp17:
0x504: {  	v6 =	vbroadcast v5, $0x0;
	v10 =	vld [tilespmem:s12+$0xFFFFFFA0];
	v9 =	vbroadcast v5, $0x4;
	(pc) =	sbr.rel @p0 .LBB2_36-.Ltmp17, $4  }
0x505: {  	v14 =	vbroadcast v5, $0x1;
	v12 =	vbroadcast v5, $0x2;
	v7 =	vld [tilespmem:s12+$0xFFFFFF80]  }
0x506: {  	v16 =	vbroadcast v5, $0x3;
	v17 =	vmul.f32 v8, v9;
	v9 =	vld [tilespmem:s12+$0xFFFFFFF0]  }
0x507: {  	v8 =	vbroadcast v5, $0x5;
	v15 =	vmul.f32 v11, v14  }
0x508: {  	v14 =	vbroadcast v5, $0x6;
	v13 =	vmul.f32 v13, v16;
	[tilespmem:s12+$0xFFFFFFC0] =	vst v17;
	v11 =	vld [tilespmem:s12+$0xFFFFFFD0]  }
0x509: {  	[tilespmem:s0+$0xFFFFFF90] =	vst v15;
	v10 =	vmul.f32 v10, v12  }
0x50a: {  	v5 =	vbroadcast v5, $0x7;
	[tilespmem:s0+$0xFFFFFFB0] =	vst v13;
	v4 =	vmul.f32 v4, v14  }
0x50b: {  	v6 =	vmul.f32 v6, v7;
	[tilespmem:s0+$0xFFFFFFA0] =	vst v10  }
0x50c: {  	v5 =	vmul.f32 v9, v5;
	[tilespmem:s0+$0xFFFFFFE0] =	vst v4  }
0x50d: {  	[tilespmem:s0+$0xFFFFFF80] =	vst v6;
	v4 =	vmul.f32 v11, v8  }
0x50e: {  	[tilespmem:s0+$0xFFFFFFF0] =	vst v5  }
0x50f: {  	[tilespmem:s0+$0xFFFFFFD0] =	vst v4  }
0x510: {  	v4 =	vld [tilespmem:s4+$0x0];
	_ =	sdelay $0x1  }
0x511: {  	v5 =	vld [tilespmem:s0+$0x0]  }
0x512: {  	v48 =	vld [tilespmem:s0+$0x20]  }
0x513: {  	v51 =	vld [tilespmem:s0+$0x30]  }
0x514: {  	v54 =	vld [tilespmem:s0+$0x10];
	v50 =	vbroadcast v4, $0x0  }
0x515: {  	v56 =	vld [tilespmem:s0+$0x60];
	v53 =	vbroadcast v4, $0x2;
	v55 =	vbroadcast v4, $0x4  }
0x516: {  	v49 =	vld [tilespmem:s0+$0x40];
	v57 =	vbroadcast v4, $0x3;
	v5 =	vmul.f32 v50, v5  }
0x517: {  	v59 =	vld [tilespmem:s0+$0x50];
	v60 =	vbroadcast v4, $0x1;
	v6 =	vmul.f32 v48, v53  }
0x518: {  	v52 =	vld [tilespmem:s0+$0x70];
	v62 =	vbroadcast v4, $0x6;
	v61 =	vmul.f32 v51, v57;
	[tilespmem:s0+$0x0] =	vst v5  }
0x519: {  	v58 =	vbroadcast v4, $0x7;
	v7 =	vmul.f32 v54, v60;
	[tilespmem:s0+$0x20] =	vst v6  }
0x51a: {  	v4 =	vbroadcast v4, $0x5;
	v63 =	vmul.f32 v56, v62;
	[tilespmem:s0+$0x30] =	vst v61  }
0x51b: {  	v5 =	vmul.f32 v49, v55;
	[tilespmem:s0+$0x10] =	vst v7  }
0x51c: {  	v4 =	vmul.f32 v59, v4;
	[tilespmem:s0+$0x60] =	vst v63  }
0x51d: {  	[tilespmem:s0+$0x40] =	vst v5;
	v5 =	vmul.f32 v52, v58  }
0x51e: {  	[tilespmem:s0+$0x50] =	vst v4  }
0x51f: {  	s12 =	rddreg [dreg:$0x2];
	s2 =	simm.s32 $0x16120;
	s3 =	simm.s32 $0x160D0;
	[tilespmem:s0+$0x70] =	vst v5  }
0x520: {  	[spmem:s12] =	stream.indirect.scatter.add.f32 [tilespmem:s2], [sflag:$0x5], $0x80, s3, s22, $0xb8;
	[tilespmem:$0x1FA40] =	vst v63  }
0x521: {  	s14 =	rddreg [dreg:$0x3];
	s23 =	simm.s32 $0xB  }
0x522: {  	[spmem:s14] =	stream.indirect.scatter.add.f32 [tilespmem:s8], [sflag:$0x6], $0x10, s3, s22, $0xb8;
	[tilespmem:$0x1FA40] =	vst v63  }
0x523: {  	_ =	swait.ge [sflag:s23], $0x2800  }
0x524: {  	[sflag:s23] =	ssyncset.done $0x0  }
0x525: {  	s2 =	simm.s32 $0xC;
	[sflag:s23] =	ssyncadd.s32 $0xFFFFD800  }
0x526: {  	_ =	swait.ge [sflag:s2], $0x500  }
0x527: {  	[sflag:s2] =	ssyncset.done $0x0  }
0x528: {  	s3 =	simm.s32 $0x11;
	[sflag:s2] =	ssyncadd.s32 $0xFFFFFB00  }
0x529: {  	_ =	swait.ge [sflag:s3], $0x2800  }
0x52a: {  	[sflag:s3] =	ssyncset.done $0x0  }
0x52b: {  	s4 =	simm.s32 $0x12;
	[sflag:s3] =	ssyncadd.s32 $0xFFFFD800  }
0x52c: {  	_ =	swait.ge [sflag:s4], $0x500  }
0x52d: {  	[sflag:s4] =	ssyncset.done $0x0  }
0x52e: {  	[sflag:s4] =	ssyncadd.s32 $0xFFFFFB00  }
0x52f: {  	_ =	swait.ge [sflag:s24], $0x2800  }
0x530: {  	[sflag:s24] =	ssyncset.done $0x0  }
0x531: {  	[sflag:s24] =	ssyncadd.s32 $0xFFFFD800  }
0x532: {  	_ =	swait.ge [sflag:s17], $0x500  }
0x533: {  	s12 =	stileid.u32;
	[sflag:s17] =	ssyncset.done $0x0  }
0x534: {  	s0 =	sshll.u32 s12, $0x6;
	[sflag:s17] =	ssyncadd.s32 $0xFFFFFB00  }
0x535: {  	s0 =	sor.u32 $0x1C13, s0;
	[bflag:$0x0] =	sbarrier.arrive $0xFFFF  }
0x536: {  	s14 =	sshrl.u32 s13, $0x3;
	s4 =	simm.s32 $0x13;
	s23 =	rddreg [dreg:$0xc]  }
0x537: {  	[hbm:s23], [sflag:s0] =	dma.local [spmem:s14], $0x2710  }
0x538: {  	_ =	swait.ge [sflag:s4], $0x2710  }
0x539: {  	[sflag:s4] =	ssyncset.done $0x0  }
0x53a: {  	s3 =	sshrl.u32 s18, $0x3;
	s12 =	rddreg [dreg:$0xe];
	[sflag:s4] =	ssyncadd.s32 $0xFFFFD8F0  }
0x53b: {  	[hbm:s12], [sflag:s0] =	dma.local [spmem:s3], $0x4E2  }
0x53c: {  	_ =	swait.ge [sflag:s4], $0x4E2  }
0x53d: {  	s14 =	rddreg [dreg:$0x5]  }
0x53e: {  	s23 =	rddreg [dreg:$0xf];
	s0 =	sadd.s32 $0x1, s14  }
0x53f: {  	p0 =	sne.s32 s0, s23  }
.Ltmp18:
0x540: {  	_ = 	snop;
	(pc) =	sbr.rel @p0 .LBB2_1-.Ltmp18, $3  }
0x541: {  	_ =	sdelay $0x1  }
0x542: {  	[sflag:s4] =	ssyncset.done $0x0  }
0x543: {  	[sflag:s4] =	ssyncadd.s32 $0xFFFFFB1E;
	[dreg:$0x5] =	wrdreg s0  }
0x544: {  	_ =	sfence.sel $0x180000  }
0x545: {  	[bflag:$0x0] =	sbarrier.arrive $0xFFFF  }
0x546: {  	_ =	strace $0x90000047  }
0x547: {  	s0 =	stileid.u32;
	[bflag:$0x2] =	sbarrier.arrive $0xFFFF  }
0x548: {  	p0 =	sne.s32 s0, $0x0;
	s0 =	rddreg [dreg:$0x4]  }
0x549: {  	s0 =	sadd.s32 @!p0 $0x100000, s0  }
0x54a: {  	[sflag:s0] =	ssyncadd.tile.s32 @!p0 $0x1;
	_ =	shalt  }
.Lfunc_end2:
_tile_overlayer_lowered:
.L_overlay_start_2:
0x54b: {  	(tag) =	ssettag $0x2  }
0x54c: {  	s0 =	rddreg [dreg:$0x0];
	s2 =	stileid.u32  }
0x54d: {  	s1 =	rddreg [dreg:$0x1];
	p0 =	sne.s32 s2, $0x0  }
0x54e: {  	s3 =	rddreg [dreg:$0x2];
	[bflag:$0x3] =	sbarrier.arrive $0xFFFF;
	s2 =	simm.s32 @!p0 $0x1C13  }
0x54f: {  	[timem:s3], [sflag:s2] =	dma.local @!p0 [hbm:s0], s1  }
0x550: {  	s0 =	simm.s32 @!p0 $0x13  }
0x551: {  	_ =	swait.ge @!p0 [sflag:s0], s1  }
0x552: {  	s1 =	ssub.s32 @!p0 $0x0, s1;
	[sflag:s0] =	ssyncset.done @!p0 $0x0  }
0x553: {  	[sflag:s0] =	ssyncadd.s32 @!p0 s1  }
0x554: {  	[bflag:$0x3] =	sbarrier.arrive $0xFFFF  }
0x555: {  	_ =	shalt  }

</sc_bundles>
